<compile_context>
chip_gen: v7x
topology: tpu7x:2x2x1
jax: 0.10.2.dev20260603
libtpu: 0.0.44.dev20260713+nightly
codegen_flags: <defaults>
</compile_context>

<pallas_src>
import functools

import jax
import jax.numpy as jnp
from jax import lax
from jax.experimental import pallas as pl
from jax.experimental.pallas import tpu as pltpu, tpu_sc as plsc

N_NODE = 100000
IN_DIM = 128
HID = 128
N_CLASS = 41
BATCH = 1024
MAX_DEG = 32
NS1 = 25
NS2 = 10

NW = 32
NSUB = 16
B_PER_W = BATCH // NW
P_PER_W = B_PER_W * NS1
CH = 80
ND = CH // NS2
N1 = P_PER_W // CH
N2 = P_PER_W * NS2 // CH
LANES = 16
APR = 128 // MAX_DEG
NPASS = 2
ROWS_P = P_PER_W // NPASS
CHUNKS_P = N2 // NPASS


def _sc_body(ids_hbm, feat_hbm, adj_hbm, x0_hbm, x1_hbm, m2_hbm,
             ids_v, cur1_v, x0_v, aidx1_v, aidx_v, cbase_v, rbuf_v,
             cur2_v,
             stage_v, didx_v, pat_v, acc_sh, sem0, sem1,
             gsem0, gsem1, gsem2, gsem3, ssem0, ssem1, ssem2, ssem3):
    gsems = (gsem0, gsem1, gsem2, gsem3)
    ssems = (ssem0, ssem1, ssem2, ssem3)

    def switch(idx, n, f):
        for lit in range(n):
            pl.when(idx == lit)(functools.partial(f, lit))
    cid = lax.axis_index("c")
    sid = lax.axis_index("s")
    wid = sid * 2 + cid
    bbase = wid * B_PER_W
    pbase = wid * P_PER_W

    pltpu.sync_copy(ids_hbm.at[pl.ds(pl.multiple_of(bbase, 8), B_PER_W)], ids_v)

    pltpu.async_copy(feat_hbm.at[ids_v], x0_v, sem1).wait()
    pltpu.sync_copy(x0_v, x0_hbm.at[pl.ds(pl.multiple_of(bbase, 8), B_PER_W)])

    for k in range(B_PER_W // LANES):
        aidx1_v[pl.ds(k * LANES, LANES)] = \
            ids_v[pl.ds(k * LANES, LANES)] >> 2
    pltpu.async_copy(adj_hbm.at[aidx1_v], rbuf_v.at[0, pl.ds(0, B_PER_W)],
                     sem0).wait()

    def build1(k, carry):
        p = lax.iota(jnp.int32, LANES) + k * LANES
        r = (p * 5243) >> 17
        c = ((plsc.load_gather(ids_v, [r]) & (APR - 1)) * MAX_DEG
             + p - r * NS1)
        cur1_v[pl.ds(k * LANES, LANES)] = plsc.load_gather(rbuf_v, [r * 0, r, c])
        return carry
    lax.fori_loop(0, P_PER_W // LANES, build1, 0)

    def x1g(g, b):
        pltpu.async_copy(feat_hbm.at[cur1_v.at[pl.ds(g * CH, CH)]],
                         stage_v.at[b], gsems[b])

    x1g(0, 0)

    def x1_loop(g, carry):
        b = g & 1
        switch(b, 2, lambda lit: pltpu.make_async_copy(
            feat_hbm.at[cur1_v.at[pl.ds(g * CH, CH)]], stage_v.at[lit],
            gsems[lit]).wait())

        @pl.when(g + 1 < N1)
        def _():
            switch(1 - b, 2, lambda lit: x1g(g + 1, lit))

        switch(b, 2, lambda lit: pltpu.sync_copy(
            stage_v.at[lit],
            x1_hbm.at[pl.ds(pl.multiple_of(pbase + g * CH, 8), CH)]))
        return carry
    lax.fori_loop(0, N1, x1_loop, 0)

    sems01 = (sem0, sem1)

    def cidx(j, b):
        def body(k, c2):
            v = cur1_v[pl.ds(j * CH + k * LANES, LANES)]
            aidx_v[b, pl.ds(k * LANES, LANES)] = v >> 2
            cbase_v[b, pl.ds(k * LANES, LANES)] = (v & (APR - 1)) * MAX_DEG
            return c2
        lax.fori_loop(0, CH // LANES, body, 0)

    def adjg(b):
        pltpu.async_copy(adj_hbm.at[aidx_v.at[b]], rbuf_v.at[b], sems01[b])

    def burst(j):
        b = j & 1
        pltpu.make_async_copy(adj_hbm.at[aidx_v.at[b]], rbuf_v.at[b],
                              sems01[b]).wait()
        if j + 1 < N1:
            cidx(j + 1, 1 - b)
            adjg(1 - b)

        def ext(k, c2):
            q = lax.iota(jnp.int32, LANES) + k * LANES
            r = (q * 6554) >> 16
            c = plsc.load_gather(cbase_v, [r * 0 + b, r]) + q - r * NS2
            cur2_v[pl.ds(j * CH * NS2 + k * LANES, LANES)] = \
                plsc.load_gather(rbuf_v, [r * 0 + b, r, c])
            return c2
        lax.fori_loop(0, CH * NS2 // LANES, ext, 0)

    cidx(0, 0)
    adjg(0)

    for k5 in range(CH // LANES):
        k = lax.iota(jnp.int32, LANES) + k5 * LANES
        pat_v[pl.ds(k5 * LANES, LANES)] = (k * 6554) >> 16

    def gidx(g):
        return cur2_v.at[pl.ds(g * CH, CH)]

    slab4 = sid * ROWS_P

    def fill_didx(b, gl):
        for k5 in range(CH // LANES):
            didx_v[b, pl.ds(k5 * LANES, LANES)] = \
                pat_v[pl.ds(k5 * LANES, LANES)] + (slab4 + gl * ND)

    def m2g(g, b):
        pltpu.async_copy(feat_hbm.at[gidx(g)], stage_v.at[b], gsems[b])

    def m2_wait_gather(g, b_traced):
        switch(b_traced, 4, lambda lit: pltpu.make_async_copy(
            feat_hbm.at[gidx(g)], stage_v.at[lit], gsems[lit]).wait())

    def m2_scatter(b_traced):
        def go(lit):
            pltpu.async_copy(stage_v.at[lit], acc_sh.at[didx_v.at[lit]],
                             ssems[lit], add=True)
        switch(b_traced, 4, go)

    def m2_wait_scatter(b_traced):
        switch(b_traced, 4, lambda lit: pltpu.make_async_copy(
            stage_v.at[lit], acc_sh.at[didx_v.at[lit]], ssems[lit]).wait())

    BPP = N1 // NPASS

    for p in range(NPASS):
        g0 = p * CHUNKS_P

        burst(p * BPP)

        def zrow(k, carry):
            for c in range(IN_DIM // LANES):
                stage_v[0, k, pl.ds(c * LANES, LANES)] = \
                    jnp.zeros((LANES,), jnp.float32)
            return carry
        lax.fori_loop(0, CH, zrow, 0)

        def zcopy(t, carry):
            pltpu.sync_copy(stage_v.at[0], acc_sh.at[pl.ds(slab4 + t * CH, CH)])
            return carry
        lax.fori_loop(0, ROWS_P // CH, zcopy, 0)

        for b in range(3):
            fill_didx(b, b)
            m2g(g0 + b, b)

        def m2_loop(gl, carry):
            b = gl & 3
            g = g0 + gl

            m2_wait_gather(g, b)

            @pl.when(gl >= 1)
            def _():
                m2_wait_scatter((gl - 1) & 3)

            @pl.when(gl + 3 < CHUNKS_P)
            def _():
                bn = (gl + 3) & 3

                def nxt(lit):
                    fill_didx(lit, gl + 3)
                    m2g(g + 3, lit)
                switch(bn, 4, nxt)

            m2_scatter(b)

            for t in range(BPP - 1):
                pl.when(gl == t * (CH * NS2 // CH))(
                    functools.partial(burst, p * BPP + 1 + t))
            return carry
        lax.fori_loop(0, CHUNKS_P, m2_loop, 0)

        pltpu.make_async_copy(stage_v.at[1], acc_sh.at[didx_v.at[1]],
                              ssem1).wait()
        pltpu.sync_copy(
            acc_sh.at[pl.ds(slab4, ROWS_P)],
            m2_hbm.at[pl.ds(pl.multiple_of(pbase + p * ROWS_P, 8), ROWS_P)])


@functools.partial(
    pl.kernel,
    out_type=[
        jax.ShapeDtypeStruct((BATCH, IN_DIM), jnp.float32),
        jax.ShapeDtypeStruct((BATCH * NS1, IN_DIM), jnp.float32),
        jax.ShapeDtypeStruct((BATCH * NS1, IN_DIM), jnp.float32),
    ],
    mesh=plsc.VectorSubcoreMesh(core_axis_name="c", subcore_axis_name="s"),
    scratch_types=[
        pltpu.VMEM((B_PER_W,), jnp.int32),
        pltpu.VMEM((P_PER_W,), jnp.int32),
        pltpu.VMEM((B_PER_W, IN_DIM), jnp.float32),
        pltpu.VMEM((B_PER_W,), jnp.int32),
        pltpu.VMEM((2, CH), jnp.int32),
        pltpu.VMEM((2, CH), jnp.int32),
        pltpu.VMEM((2, CH, APR * MAX_DEG), jnp.int32),
        pltpu.VMEM((P_PER_W * NS2,), jnp.int32),
        pltpu.VMEM((4, CH, IN_DIM), jnp.float32),
        pltpu.VMEM((4, CH), jnp.int32),
        pltpu.VMEM((CH,), jnp.int32),
        pltpu.VMEM_SHARED((NSUB * ROWS_P, IN_DIM), jnp.float32),
        pltpu.SemaphoreType.DMA,
        pltpu.SemaphoreType.DMA,
        pltpu.SemaphoreType.DMA,
        pltpu.SemaphoreType.DMA,
        pltpu.SemaphoreType.DMA,
        pltpu.SemaphoreType.DMA,
        pltpu.SemaphoreType.DMA,
        pltpu.SemaphoreType.DMA,
        pltpu.SemaphoreType.DMA,
        pltpu.SemaphoreType.DMA,
    ],
    compiler_params=pltpu.CompilerParams(needs_layout_passes=False),
)
def _sc_gather(*refs):
    _sc_body(*refs)


BB = 128
GRID = BATCH // BB


def _tc_body(x0_ref, x1_ref, m2_ref, ws0_ref, wn0_ref, b0_ref,
             ws1_ref, wn1_ref, b1_ref, fcw_ref, fcb_ref, out_ref):
    hp = jax.lax.Precision.DEFAULT
    x1 = x1_ref[...]
    m2 = m2_ref[...] * jnp.float32(1.0 / NS2)
    h1 = jnp.maximum(
        jnp.dot(x1, ws0_ref[...], precision=hp)
        + jnp.dot(m2, wn0_ref[...], precision=hp) + b0_ref[...], 0.0)
    m1 = jnp.mean(x1.reshape(BB, NS1, IN_DIM), axis=1)
    mh1 = jnp.mean(h1.reshape(BB, NS1, HID), axis=1)
    h0 = jnp.maximum(
        jnp.dot(x0_ref[...], ws0_ref[...], precision=hp)
        + jnp.dot(m1, wn0_ref[...], precision=hp) + b0_ref[...], 0.0)
    z = jnp.maximum(
        jnp.dot(h0, ws1_ref[...], precision=hp)
        + jnp.dot(mh1, wn1_ref[...], precision=hp) + b1_ref[...], 0.0)
    out_ref[...] = jnp.dot(z, fcw_ref[...], precision=hp) + fcb_ref[...]


def _tc_dense(x0, x1, m2, ws0, wn0, b0, ws1, wn1, b1, fcw, fcb):
    full = lambda shape: pl.BlockSpec(shape, lambda i: (0, 0))
    return pl.pallas_call(
        _tc_body,
        grid=(GRID,),
        in_specs=[
            pl.BlockSpec((BB, IN_DIM), lambda i: (i, 0)),
            pl.BlockSpec((BB * NS1, IN_DIM), lambda i: (i, 0)),
            pl.BlockSpec((BB * NS1, IN_DIM), lambda i: (i, 0)),
            full((IN_DIM, HID)),
            full((IN_DIM, HID)),
            full((1, HID)),
            full((HID, HID)),
            full((HID, HID)),
            full((1, HID)),
            full((HID, N_CLASS)),
            full((1, N_CLASS)),
        ],
        out_specs=pl.BlockSpec((BB, N_CLASS), lambda i: (i, 0)),
        out_shape=jax.ShapeDtypeStruct((BATCH, N_CLASS), jnp.float32),
    )(x0, x1, m2, ws0, wn0, b0, ws1, wn1, b1, fcw, fcb)


def kernel(ids, features, adj, W_self0, W_neigh0, b0, W_self1, W_neigh1, b1,
           fc_W, fc_b):
    ids = ids.astype(jnp.int32)
    adj_r = adj.astype(jnp.int32).reshape(N_NODE // APR, APR * MAX_DEG)
    x0, x1, m2 = _sc_gather(ids, features, adj_r)
    return _tc_dense(x0, x1, m2, W_self0, W_neigh0, b0.reshape(1, HID),
                     W_self1, W_neigh1, b1.reshape(1, HID),
                     fc_W, fc_b.reshape(1, N_CLASS))

# --- scband reference (transcript-rebuilt; emitter-appended) ---
"""Pipeline reference for scband-supervised-graphsage-84997402788193 (READ-ONLY COPY).

The authoritative reference and input builder live on the scoring server;
editing this copy changes nothing except your own understanding.
"""

import jax, jax.numpy as jnp
import numpy as np

N_NODE = 100000
IN_DIM = 128
HID = 128
N_CLASS = 41
BATCH = 1024
MAX_DEG = 32
N_SAMPLES = (25, 10)


def setup_inputs(seed: int = 0) -> dict:
    key = jax.random.key(seed)
    ks = jax.random.split(key, 12)
    ids = jax.random.randint(ks[0], (BATCH,), 0, N_NODE)
    features = jax.random.normal(ks[1], (N_NODE, IN_DIM), dtype=jnp.float32)
    adj = jax.random.randint(ks[2], (N_NODE, MAX_DEG), 0, N_NODE)
    s0 = 1.0 / np.sqrt(IN_DIM)
    s1 = 1.0 / np.sqrt(HID)
    W_self0 = jax.random.uniform(ks[3], (IN_DIM, HID), minval=-s0, maxval=s0, dtype=jnp.float32)
    W_neigh0 = jax.random.uniform(ks[4], (IN_DIM, HID), minval=-s0, maxval=s0, dtype=jnp.float32)
    b0 = jnp.zeros((HID,), jnp.float32)
    W_self1 = jax.random.uniform(ks[5], (HID, HID), minval=-s1, maxval=s1, dtype=jnp.float32)
    W_neigh1 = jax.random.uniform(ks[6], (HID, HID), minval=-s1, maxval=s1, dtype=jnp.float32)
    b1 = jnp.zeros((HID,), jnp.float32)
    fc_W = jax.random.uniform(ks[7], (HID, N_CLASS), minval=-s1, maxval=s1, dtype=jnp.float32)
    fc_b = jnp.zeros((N_CLASS,), jnp.float32)
    return {"ids": ids, "features": features, "adj": adj,
            "W_self0": W_self0, "W_neigh0": W_neigh0, "b0": b0,
            "W_self1": W_self1, "W_neigh1": W_neigh1, "b1": b1,
            "fc_W": fc_W, "fc_b": fc_b}


def reference(ids, features, adj, W_self0, W_neigh0, b0, W_self1, W_neigh1, b1, fc_W, fc_b):
    # prep = identity: all_features[0] = features[ids]
    all_feats = [jnp.take(features, ids, axis=0)]
    cur = ids
    # neighbor sampler: take first n_sample entries of the fixed-degree adjacency list
    for ns in N_SAMPLES:
        neigh = jnp.take(adj, cur, axis=0)[:, :ns]
        cur = neigh.reshape(-1)
        all_feats.append(jnp.take(features, cur, axis=0))

    def agg(x_self, x_neigh, Ws, Wn, b):
        d = x_neigh.shape[-1]
        m = x_neigh.reshape(x_self.shape[0], -1, d).mean(axis=1)
        return jax.nn.relu(x_self @ Ws + m @ Wn + b)

    layer_params = [(W_self0, W_neigh0, b0), (W_self1, W_neigh1, b1)]
    feats = all_feats
    for (Ws, Wn, b) in layer_params:
        feats = [agg(feats[k], feats[k + 1], Ws, Wn, b) for k in range(len(feats) - 1)]
    assert len(feats) == 1, 'len(all_feats) != 1'
    return feats[0] @ fc_W + fc_b

if __name__ == "__main__":
    import jax
    _d = setup_inputs()
    print(jax.jit(kernel)(*tuple(_d.values())))

</pallas_src>

<mosaic_0001>
#map = affine_map<(d0, d1) -> (0)>
#map1 = affine_map<(d0, d1) -> (0, 0)>
module attributes {stable_mosaic.version = 14 : i64} {
  func.func @_sc_gather(%arg0: i32, %arg1: i32, %arg2: memref<1024xi32, #tpu.memory_space<hbm>>, %arg3: memref<100000x128xf32, #tpu.memory_space<hbm>>, %arg4: memref<25000x128xi32, #tpu.memory_space<hbm>>, %arg5: memref<1024x128xf32, #tpu.memory_space<hbm>>, %arg6: memref<25600x128xf32, #tpu.memory_space<hbm>>, %arg7: memref<25600x128xf32, #tpu.memory_space<hbm>>, %arg8: memref<32xi32, #tpu.memory_space<vmem>>, %arg9: memref<800xi32, #tpu.memory_space<vmem>>, %arg10: memref<32x128xf32, #tpu.memory_space<vmem>>, %arg11: memref<32xi32, #tpu.memory_space<vmem>>, %arg12: memref<2x80xi32, #tpu.memory_space<vmem>>, %arg13: memref<2x80xi32, #tpu.memory_space<vmem>>, %arg14: memref<2x80x128xi32, #tpu.memory_space<vmem>>, %arg15: memref<8000xi32, #tpu.memory_space<vmem>>, %arg16: memref<4x80x128xf32, #tpu.memory_space<vmem>>, %arg17: memref<4x80xi32, #tpu.memory_space<vmem>>, %arg18: memref<80xi32, #tpu.memory_space<vmem>>, %arg19: memref<6400x128xf32, #tpu.memory_space<vmem_shared>>, %arg20: memref<!tpu.dma_semaphore, #tpu.memory_space<semaphore_mem>>, %arg21: memref<!tpu.dma_semaphore, #tpu.memory_space<semaphore_mem>>, %arg22: memref<!tpu.dma_semaphore, #tpu.memory_space<semaphore_mem>>, %arg23: memref<!tpu.dma_semaphore, #tpu.memory_space<semaphore_mem>>, %arg24: memref<!tpu.dma_semaphore, #tpu.memory_space<semaphore_mem>>, %arg25: memref<!tpu.dma_semaphore, #tpu.memory_space<semaphore_mem>>, %arg26: memref<!tpu.dma_semaphore, #tpu.memory_space<semaphore_mem>>, %arg27: memref<!tpu.dma_semaphore, #tpu.memory_space<semaphore_mem>>, %arg28: memref<!tpu.dma_semaphore, #tpu.memory_space<semaphore_mem>>, %arg29: memref<!tpu.dma_semaphore, #tpu.memory_space<semaphore_mem>>) attributes {dimension_semantics = [#tpu.dimension_semantics<core_parallel>, #tpu.dimension_semantics<subcore_parallel>], iteration_bounds = array<i64: 2, 16>, scalar_prefetch = 0 : i64, scratch_operands = 22 : i64, tpu.core_type = #tpu.core_type<sc_vector_subcore>, window_params = [{transform_indices = #map}, {transform_indices = #map1}, {transform_indices = #map1}, {transform_indices = #map1}, {transform_indices = #map1}, {transform_indices = #map1}]} {
    %mul3A = arith.constant 2 : i32
    %mul3A_0 = arith.muli %arg1, %mul3A : i32
    %add3A = arith.addi %mul3A_0, %arg0 : i32
    %mul3A_1 = arith.constant 32 : i32
    %mul3A_2 = arith.muli %add3A, %mul3A_1 : i32
    %mul3A_3 = arith.constant 800 : i32
    %mul3A_4 = arith.muli %add3A, %mul3A_3 : i32
    %multiple_of3A = tpu.assume_multiple %mul3A_2, 8 : i32
    "tpu.region"() ({
      %run_scoped3A = tpu.sem_alloc : memref<!tpu.dma_semaphore, #tpu.memory_space<semaphore_mem>>
      %dma_start3A_635 = tpu.memref_slice %arg2[%multiple_of3A] : memref<1024xi32, #tpu.memory_space<hbm>> -> memref<32xi32, #tpu.memory_space<hbm>>
      %dma_start3A_636 = tpu.memref_slice %arg2[%multiple_of3A] : memref<1024xi32, #tpu.memory_space<hbm>> -> memref<32xi32, #tpu.memory_space<hbm>>
      tpu.enqueue_dma source(%dma_start3A_636 : memref<32xi32, #tpu.memory_space<hbm>>) target(%arg8 : memref<32xi32, #tpu.memory_space<vmem>>) target_semaphore(%run_scoped3A : memref<!tpu.dma_semaphore, #tpu.memory_space<semaphore_mem>>)
      %dma_wait3A_637 = tpu.memref_slice %arg2[%multiple_of3A] : memref<1024xi32, #tpu.memory_space<hbm>> -> memref<32xi32, #tpu.memory_space<hbm>>
      %dma_wait3A_638 = tpu.memref_slice %arg2[%multiple_of3A] : memref<1024xi32, #tpu.memory_space<hbm>> -> memref<32xi32, #tpu.memory_space<hbm>>
      tpu.wait_dma2 semaphore(%run_scoped3A : memref<!tpu.dma_semaphore, #tpu.memory_space<semaphore_mem>>) src(%dma_wait3A_638 : memref<32xi32, #tpu.memory_space<hbm>>) dst(%arg8 : memref<32xi32, #tpu.memory_space<vmem>>)
      tpu.yield
    }) : () -> ()
    %dma_start3A = arith.constant 0 : i32
    %dma_start3A_5 = arith.constant 0 : i32
    %dma_start3A_6 = tpu.memref_slice %arg3[%dma_start3A, %dma_start3A_5] : memref<100000x128xf32, #tpu.memory_space<hbm>> -> memref<100000x128xf32, #tpu.memory_space<hbm>>
    tpu.enqueue_indirect_dma source(%dma_start3A_6 : memref<100000x128xf32, #tpu.memory_space<hbm>>) target(%arg10 : memref<32x128xf32, #tpu.memory_space<vmem>>) offsets(%arg8 : memref<32xi32, #tpu.memory_space<vmem>>) semaphore(%arg21 : memref<!tpu.dma_semaphore, #tpu.memory_space<semaphore_mem>>)
    %dma_wait3A = arith.constant 0 : i32
    %dma_wait3A_7 = arith.constant 0 : i32
    %dma_wait3A_8 = tpu.memref_slice %arg3[%dma_wait3A, %dma_wait3A_7] : memref<100000x128xf32, #tpu.memory_space<hbm>> -> memref<100000x128xf32, #tpu.memory_space<hbm>>
    tpu.wait_indirect_dma semaphore(%arg21 : memref<!tpu.dma_semaphore, #tpu.memory_space<semaphore_mem>>) src(%dma_wait3A_8 : memref<100000x128xf32, #tpu.memory_space<hbm>>) dst(%arg10 : memref<32x128xf32, #tpu.memory_space<vmem>>)
    %multiple_of3A_9 = tpu.assume_multiple %mul3A_2, 8 : i32
    "tpu.region"() ({
      %run_scoped3A = tpu.sem_alloc : memref<!tpu.dma_semaphore, #tpu.memory_space<semaphore_mem>>
      %dma_start3A_635 = arith.constant 0 : i32
      %dma_start3A_636 = tpu.memref_slice %arg5[%multiple_of3A_9, %dma_start3A_635] : memref<1024x128xf32, #tpu.memory_space<hbm>> -> memref<32x128xf32, #tpu.memory_space<hbm>>
      %dma_start3A_637 = arith.constant 0 : i32
      %dma_start3A_638 = tpu.memref_slice %arg5[%multiple_of3A_9, %dma_start3A_637] : memref<1024x128xf32, #tpu.memory_space<hbm>> -> memref<32x128xf32, #tpu.memory_space<hbm>>
      tpu.enqueue_dma source(%arg10 : memref<32x128xf32, #tpu.memory_space<vmem>>) target(%dma_start3A_638 : memref<32x128xf32, #tpu.memory_space<hbm>>) target_semaphore(%run_scoped3A : memref<!tpu.dma_semaphore, #tpu.memory_space<semaphore_mem>>)
      %dma_wait3A_639 = arith.constant 0 : i32
      %dma_wait3A_640 = tpu.memref_slice %arg5[%multiple_of3A_9, %dma_wait3A_639] : memref<1024x128xf32, #tpu.memory_space<hbm>> -> memref<32x128xf32, #tpu.memory_space<hbm>>
      %dma_wait3A_641 = arith.constant 0 : i32
      %dma_wait3A_642 = tpu.memref_slice %arg5[%multiple_of3A_9, %dma_wait3A_641] : memref<1024x128xf32, #tpu.memory_space<hbm>> -> memref<32x128xf32, #tpu.memory_space<hbm>>
      tpu.wait_dma2 semaphore(%run_scoped3A : memref<!tpu.dma_semaphore, #tpu.memory_space<semaphore_mem>>) src(%arg10 : memref<32x128xf32, #tpu.memory_space<vmem>>) dst(%dma_wait3A_642 : memref<32x128xf32, #tpu.memory_space<hbm>>)
      tpu.yield
    }) : () -> ()
    %get3A = arith.constant 0 : index
    %get3A_10 = tpu.vector_load %arg8[%get3A] {strides = array<i32>} : memref<32xi32, #tpu.memory_space<vmem>>, vector<16xi32>,
    %shift_right_arithmetic3A = arith.constant 2 : i32
    %shift_right_arithmetic3A_11 = vector.broadcast %shift_right_arithmetic3A : i32 to vector<16xi32>
    %shift_right_arithmetic3A_12 = arith.shrsi %get3A_10, %shift_right_arithmetic3A_11 : vector<16xi32>
    %swap3A = arith.constant 0 : index
    %swap3A_13 = tpu.vector_load %arg11[%swap3A] {strides = array<i32>} : memref<32xi32, #tpu.memory_space<vmem>>, vector<16xi32>,
    tpu.vector_store %arg11[%swap3A], %shift_right_arithmetic3A_12 {strides = array<i32>} : memref<32xi32, #tpu.memory_space<vmem>>, vector<16xi32>,
    %get3A_14 = arith.constant 16 : index
    %get3A_15 = tpu.vector_load %arg8[%get3A_14] {strides = array<i32>} : memref<32xi32, #tpu.memory_space<vmem>>, vector<16xi32>,
    %shift_right_arithmetic3A_16 = arith.constant 2 : i32
    %shift_right_arithmetic3A_17 = vector.broadcast %shift_right_arithmetic3A_16 : i32 to vector<16xi32>
    %shift_right_arithmetic3A_18 = arith.shrsi %get3A_15, %shift_right_arithmetic3A_17 : vector<16xi32>
    %swap3A_19 = arith.constant 16 : index
    %swap3A_20 = tpu.vector_load %arg11[%swap3A_19] {strides = array<i32>} : memref<32xi32, #tpu.memory_space<vmem>>, vector<16xi32>,
    tpu.vector_store %arg11[%swap3A_19], %shift_right_arithmetic3A_18 {strides = array<i32>} : memref<32xi32, #tpu.memory_space<vmem>>, vector<16xi32>,
    %dma_start3A_21 = arith.constant 0 : i32
    %dma_start3A_22 = arith.constant 0 : i32
    %dma_start3A_23 = arith.constant 0 : i32
    %dma_start3A_24 = tpu.memref_slice %arg14[%dma_start3A_21, %dma_start3A_22, %dma_start3A_23] : memref<2x80x128xi32, #tpu.memory_space<vmem>> -> memref<1x32x128xi32, #tpu.memory_space<vmem>>
    %dma_start3A_25 = tpu.memref_squeeze %dma_start3A_24 : memref<1x32x128xi32, #tpu.memory_space<vmem>> -> memref<32x128xi32, #tpu.memory_space<vmem>>
    %dma_start3A_26 = arith.constant 0 : i32
    %dma_start3A_27 = arith.constant 0 : i32
    %dma_start3A_28 = tpu.memref_slice %arg4[%dma_start3A_26, %dma_start3A_27] : memref<25000x128xi32, #tpu.memory_space<hbm>> -> memref<25000x128xi32, #tpu.memory_space<hbm>>
    tpu.enqueue_indirect_dma source(%dma_start3A_28 : memref<25000x128xi32, #tpu.memory_space<hbm>>) target(%dma_start3A_25 : memref<32x128xi32, #tpu.memory_space<vmem>>) offsets(%arg11 : memref<32xi32, #tpu.memory_space<vmem>>) semaphore(%arg20 : memref<!tpu.dma_semaphore, #tpu.memory_space<semaphore_mem>>)
    %dma_wait3A_29 = arith.constant 0 : i32
    %dma_wait3A_30 = arith.constant 0 : i32
    %dma_wait3A_31 = arith.constant 0 : i32
    %dma_wait3A_32 = tpu.memref_slice %arg14[%dma_wait3A_29, %dma_wait3A_30, %dma_wait3A_31] : memref<2x80x128xi32, #tpu.memory_space<vmem>> -> memref<1x32x128xi32, #tpu.memory_space<vmem>>
    %dma_wait3A_33 = tpu.memref_squeeze %dma_wait3A_32 : memref<1x32x128xi32, #tpu.memory_space<vmem>> -> memref<32x128xi32, #tpu.memory_space<vmem>>
    %dma_wait3A_34 = arith.constant 0 : i32
    %dma_wait3A_35 = arith.constant 0 : i32
    %dma_wait3A_36 = tpu.memref_slice %arg4[%dma_wait3A_34, %dma_wait3A_35] : memref<25000x128xi32, #tpu.memory_space<hbm>> -> memref<25000x128xi32, #tpu.memory_space<hbm>>
    tpu.wait_indirect_dma semaphore(%arg20 : memref<!tpu.dma_semaphore, #tpu.memory_space<semaphore_mem>>) src(%dma_wait3A_36 : memref<25000x128xi32, #tpu.memory_space<hbm>>) dst(%dma_wait3A_33 : memref<32x128xi32, #tpu.memory_space<vmem>>)
    %scan3A = arith.constant 0 : i32
    %scan3A_37 = arith.constant 0 : i32
    %scan3A_38 = arith.constant 50 : i32
    %scan3A_39 = arith.addi %scan3A_37, %scan3A_38 : i32
    %scan3A_40 = arith.constant 1 : i32
    scf.for %scan3A_635 = %scan3A_37 to %scan3A_39 step %scan3A_40  : i32 {
      %iota3A_636 = tpu.iota {dimensions = array<i32: 0>} : vector<16xi32>
      %mul3A_637 = arith.constant 16 : i32
      %mul3A_638 = arith.muli %scan3A_635, %mul3A_637 : i32
      %add3A_639 = vector.broadcast %mul3A_638 : i32 to vector<16xi32>
      %add3A_640 = arith.addi %iota3A_636, %add3A_639 : vector<16xi32>
      %mul3A_641 = arith.constant 5243 : i32
      %mul3A_642 = vector.broadcast %mul3A_641 : i32 to vector<16xi32>
      %mul3A_643 = arith.muli %add3A_640, %mul3A_642 : vector<16xi32>
      %shift_right_arithmetic3A_644 = arith.constant 17 : i32
      %shift_right_arithmetic3A_645 = vector.broadcast %shift_right_arithmetic3A_644 : i32 to vector<16xi32>
      %shift_right_arithmetic3A_646 = arith.shrsi %mul3A_643, %shift_right_arithmetic3A_645 : vector<16xi32>
      %gather3A = tpu.vector_load_idx %arg8[%shift_right_arithmetic3A_646] : memref<32xi32, #tpu.memory_space<vmem>>[vector<16xi32>], vector<16xi32>,
      %and3A = arith.constant 3 : i32
      %and3A_647 = vector.broadcast %and3A : i32 to vector<16xi32>
      %and3A_648 = arith.andi %gather3A, %and3A_647 : vector<16xi32>
      %mul3A_649 = arith.constant 32 : i32
      %mul3A_650 = vector.broadcast %mul3A_649 : i32 to vector<16xi32>
      %mul3A_651 = arith.muli %and3A_648, %mul3A_650 : vector<16xi32>
      %add3A_652 = arith.addi %mul3A_651, %add3A_640 : vector<16xi32>
      %mul3A_653 = arith.constant 25 : i32
      %mul3A_654 = vector.broadcast %mul3A_653 : i32 to vector<16xi32>
      %mul3A_655 = arith.muli %shift_right_arithmetic3A_646, %mul3A_654 : vector<16xi32>
      %sub3A = arith.subi %add3A_652, %mul3A_655 : vector<16xi32>
      %mul3A_656 = arith.constant 0 : i32
      %mul3A_657 = vector.broadcast %mul3A_656 : i32 to vector<16xi32>
      %mul3A_658 = arith.muli %shift_right_arithmetic3A_646, %mul3A_657 : vector<16xi32>
      %gather3A_659 = tpu.vector_load_idx %arg14[%mul3A_658, %shift_right_arithmetic3A_646, %sub3A] : memref<2x80x128xi32, #tpu.memory_space<vmem>>[vector<16xi32>, vector<16xi32>, vector<16xi32>], vector<16xi32>,
      %mul3A_660 = arith.constant 16 : i32
      %mul3A_661 = arith.muli %scan3A_635, %mul3A_660 : i32
      %swap3A_662 = arith.index_cast %mul3A_661 : i32 to index
      %swap3A_663 = tpu.vector_load %arg9[%swap3A_662] {strides = array<i32>} : memref<800xi32, #tpu.memory_space<vmem>>, vector<16xi32>,
      tpu.vector_store %arg9[%swap3A_662], %gather3A_659 {strides = array<i32>} : memref<800xi32, #tpu.memory_space<vmem>>, vector<16xi32>,
    }
    %scan3A_41 = arith.constant 50 : i32
    %dma_start3A_42 = arith.constant 0 : i32
    %dma_start3A_43 = arith.constant 0 : i32
    %dma_start3A_44 = arith.constant 0 : i32
    %dma_start3A_45 = tpu.memref_slice %arg16[%dma_start3A_42, %dma_start3A_43, %dma_start3A_44] : memref<4x80x128xf32, #tpu.memory_space<vmem>> -> memref<1x80x128xf32, #tpu.memory_space<vmem>>
    %dma_start3A_46 = tpu.memref_squeeze %dma_start3A_45 : memref<1x80x128xf32, #tpu.memory_space<vmem>> -> memref<80x128xf32, #tpu.memory_space<vmem>>
    %dma_start3A_47 = arith.constant 0 : i32
    %dma_start3A_48 = tpu.memref_slice %arg9[%dma_start3A_47] : memref<800xi32, #tpu.memory_space<vmem>> -> memref<80xi32, #tpu.memory_space<vmem>>
    %dma_start3A_49 = arith.constant 0 : i32
    %dma_start3A_50 = arith.constant 0 : i32
    %dma_start3A_51 = tpu.memref_slice %arg3[%dma_start3A_49, %dma_start3A_50] : memref<100000x128xf32, #tpu.memory_space<hbm>> -> memref<100000x128xf32, #tpu.memory_space<hbm>>
    tpu.enqueue_indirect_dma source(%dma_start3A_51 : memref<100000x128xf32, #tpu.memory_space<hbm>>) target(%dma_start3A_46 : memref<80x128xf32, #tpu.memory_space<vmem>>) offsets(%dma_start3A_48 : memref<80xi32, #tpu.memory_space<vmem>>) semaphore(%arg22 : memref<!tpu.dma_semaphore, #tpu.memory_space<semaphore_mem>>)
    %scan3A_52 = arith.constant 0 : i32
    %scan3A_53 = arith.constant 0 : i32
    %scan3A_54 = arith.constant 10 : i32
    %scan3A_55 = arith.addi %scan3A_53, %scan3A_54 : i32
    %scan3A_56 = arith.constant 1 : i32
    scf.for %scan3A_635 = %scan3A_53 to %scan3A_55 step %scan3A_56  : i32 {
      %and3A = arith.constant 1 : i32
      %and3A_636 = arith.andi %scan3A_635, %and3A : i32
      %eq3A = arith.constant 0 : i32
      %eq3A_637 = arith.cmpi eq, %and3A_636, %eq3A : i32
      %convert_element_type3A = arith.extui %eq3A_637 : i1 to i32
      %cond3A = arith.constant 0 : i32
      %cond3A_638 = arith.cmpi ne, %convert_element_type3A, %cond3A : i32
      scf.if %cond3A_638 {
        %mul3A_660 = arith.constant 80 : i32
        %mul3A_661 = arith.muli %scan3A_635, %mul3A_660 : i32
        %dma_wait3A_662 = arith.constant 0 : i32
        %dma_wait3A_663 = arith.constant 0 : i32
        %dma_wait3A_664 = arith.constant 0 : i32
        %dma_wait3A_665 = tpu.memref_slice %arg16[%dma_wait3A_662, %dma_wait3A_663, %dma_wait3A_664] : memref<4x80x128xf32, #tpu.memory_space<vmem>> -> memref<1x80x128xf32, #tpu.memory_space<vmem>>
        %dma_wait3A_666 = tpu.memref_squeeze %dma_wait3A_665 : memref<1x80x128xf32, #tpu.memory_space<vmem>> -> memref<80x128xf32, #tpu.memory_space<vmem>>
        %dma_wait3A_667 = tpu.memref_slice %arg9[%mul3A_661] : memref<800xi32, #tpu.memory_space<vmem>> -> memref<80xi32, #tpu.memory_space<vmem>>
        %dma_wait3A_668 = arith.constant 0 : i32
        %dma_wait3A_669 = arith.constant 0 : i32
        %dma_wait3A_670 = tpu.memref_slice %arg3[%dma_wait3A_668, %dma_wait3A_669] : memref<100000x128xf32, #tpu.memory_space<hbm>> -> memref<100000x128xf32, #tpu.memory_space<hbm>>
        tpu.wait_indirect_dma semaphore(%arg22 : memref<!tpu.dma_semaphore, #tpu.memory_space<semaphore_mem>>) src(%dma_wait3A_670 : memref<100000x128xf32, #tpu.memory_space<hbm>>) dst(%dma_wait3A_666 : memref<80x128xf32, #tpu.memory_space<vmem>>)
      } else {
      }
      %eq3A_639 = arith.constant 1 : i32
      %eq3A_640 = arith.cmpi eq, %and3A_636, %eq3A_639 : i32
      %convert_element_type3A_641 = arith.extui %eq3A_640 : i1 to i32
      %cond3A_642 = arith.constant 0 : i32
      %cond3A_643 = arith.cmpi ne, %convert_element_type3A_641, %cond3A_642 : i32
      scf.if %cond3A_643 {
        %mul3A_660 = arith.constant 80 : i32
        %mul3A_661 = arith.muli %scan3A_635, %mul3A_660 : i32
        %dma_wait3A_662 = arith.constant 1 : i32
        %dma_wait3A_663 = arith.constant 0 : i32
        %dma_wait3A_664 = arith.constant 0 : i32
        %dma_wait3A_665 = tpu.memref_slice %arg16[%dma_wait3A_662, %dma_wait3A_663, %dma_wait3A_664] : memref<4x80x128xf32, #tpu.memory_space<vmem>> -> memref<1x80x128xf32, #tpu.memory_space<vmem>>
        %dma_wait3A_666 = tpu.memref_squeeze %dma_wait3A_665 : memref<1x80x128xf32, #tpu.memory_space<vmem>> -> memref<80x128xf32, #tpu.memory_space<vmem>>
        %dma_wait3A_667 = tpu.memref_slice %arg9[%mul3A_661] : memref<800xi32, #tpu.memory_space<vmem>> -> memref<80xi32, #tpu.memory_space<vmem>>
        %dma_wait3A_668 = arith.constant 0 : i32
        %dma_wait3A_669 = arith.constant 0 : i32
        %dma_wait3A_670 = tpu.memref_slice %arg3[%dma_wait3A_668, %dma_wait3A_669] : memref<100000x128xf32, #tpu.memory_space<hbm>> -> memref<100000x128xf32, #tpu.memory_space<hbm>>
        tpu.wait_indirect_dma semaphore(%arg23 : memref<!tpu.dma_semaphore, #tpu.memory_space<semaphore_mem>>) src(%dma_wait3A_670 : memref<100000x128xf32, #tpu.memory_space<hbm>>) dst(%dma_wait3A_666 : memref<80x128xf32, #tpu.memory_space<vmem>>)
      } else {
      }
      %add3A_644 = arith.constant 1 : i32
      %add3A_645 = arith.addi %scan3A_635, %add3A_644 : i32
      %lt3A = arith.constant 10 : i32
      %lt3A_646 = arith.cmpi slt, %add3A_645, %lt3A : i32
      %convert_element_type3A_647 = arith.extui %lt3A_646 : i1 to i32
      %cond3A_648 = arith.constant 0 : i32
      %cond3A_649 = arith.cmpi ne, %convert_element_type3A_647, %cond3A_648 : i32
      scf.if %cond3A_649 {
        %sub3A = arith.constant 1 : i32
        %sub3A_660 = arith.subi %sub3A, %and3A_636 : i32
        %eq3A_661 = arith.constant 0 : i32
        %eq3A_662 = arith.cmpi eq, %sub3A_660, %eq3A_661 : i32
        %convert_element_type3A_663 = arith.extui %eq3A_662 : i1 to i32
        %cond3A_664 = arith.constant 0 : i32
        %cond3A_665 = arith.cmpi ne, %convert_element_type3A_663, %cond3A_664 : i32
        scf.if %cond3A_665 {
          %add3A_671 = arith.constant 1 : i32
          %add3A_672 = arith.addi %scan3A_635, %add3A_671 : i32
          %mul3A_673 = arith.constant 80 : i32
          %mul3A_674 = arith.muli %add3A_672, %mul3A_673 : i32
          %dma_start3A_675 = arith.constant 0 : i32
          %dma_start3A_676 = arith.constant 0 : i32
          %dma_start3A_677 = arith.constant 0 : i32
          %dma_start3A_678 = tpu.memref_slice %arg16[%dma_start3A_675, %dma_start3A_676, %dma_start3A_677] : memref<4x80x128xf32, #tpu.memory_space<vmem>> -> memref<1x80x128xf32, #tpu.memory_space<vmem>>
          %dma_start3A_679 = tpu.memref_squeeze %dma_start3A_678 : memref<1x80x128xf32, #tpu.memory_space<vmem>> -> memref<80x128xf32, #tpu.memory_space<vmem>>
          %dma_start3A_680 = tpu.memref_slice %arg9[%mul3A_674] : memref<800xi32, #tpu.memory_space<vmem>> -> memref<80xi32, #tpu.memory_space<vmem>>
          %dma_start3A_681 = arith.constant 0 : i32
          %dma_start3A_682 = arith.constant 0 : i32
          %dma_start3A_683 = tpu.memref_slice %arg3[%dma_start3A_681, %dma_start3A_682] : memref<100000x128xf32, #tpu.memory_space<hbm>> -> memref<100000x128xf32, #tpu.memory_space<hbm>>
          tpu.enqueue_indirect_dma source(%dma_start3A_683 : memref<100000x128xf32, #tpu.memory_space<hbm>>) target(%dma_start3A_679 : memref<80x128xf32, #tpu.memory_space<vmem>>) offsets(%dma_start3A_680 : memref<80xi32, #tpu.memory_space<vmem>>) semaphore(%arg22 : memref<!tpu.dma_semaphore, #tpu.memory_space<semaphore_mem>>)
        } else {
        }
        %eq3A_666 = arith.constant 1 : i32
        %eq3A_667 = arith.cmpi eq, %sub3A_660, %eq3A_666 : i32
        %convert_element_type3A_668 = arith.extui %eq3A_667 : i1 to i32
        %cond3A_669 = arith.constant 0 : i32
        %cond3A_670 = arith.cmpi ne, %convert_element_type3A_668, %cond3A_669 : i32
        scf.if %cond3A_670 {
          %add3A_671 = arith.constant 1 : i32
          %add3A_672 = arith.addi %scan3A_635, %add3A_671 : i32
          %mul3A_673 = arith.constant 80 : i32
          %mul3A_674 = arith.muli %add3A_672, %mul3A_673 : i32
          %dma_start3A_675 = arith.constant 1 : i32
          %dma_start3A_676 = arith.constant 0 : i32
          %dma_start3A_677 = arith.constant 0 : i32
          %dma_start3A_678 = tpu.memref_slice %arg16[%dma_start3A_675, %dma_start3A_676, %dma_start3A_677] : memref<4x80x128xf32, #tpu.memory_space<vmem>> -> memref<1x80x128xf32, #tpu.memory_space<vmem>>
          %dma_start3A_679 = tpu.memref_squeeze %dma_start3A_678 : memref<1x80x128xf32, #tpu.memory_space<vmem>> -> memref<80x128xf32, #tpu.memory_space<vmem>>
          %dma_start3A_680 = tpu.memref_slice %arg9[%mul3A_674] : memref<800xi32, #tpu.memory_space<vmem>> -> memref<80xi32, #tpu.memory_space<vmem>>
          %dma_start3A_681 = arith.constant 0 : i32
          %dma_start3A_682 = arith.constant 0 : i32
          %dma_start3A_683 = tpu.memref_slice %arg3[%dma_start3A_681, %dma_start3A_682] : memref<100000x128xf32, #tpu.memory_space<hbm>> -> memref<100000x128xf32, #tpu.memory_space<hbm>>
          tpu.enqueue_indirect_dma source(%dma_start3A_683 : memref<100000x128xf32, #tpu.memory_space<hbm>>) target(%dma_start3A_679 : memref<80x128xf32, #tpu.memory_space<vmem>>) offsets(%dma_start3A_680 : memref<80xi32, #tpu.memory_space<vmem>>) semaphore(%arg23 : memref<!tpu.dma_semaphore, #tpu.memory_space<semaphore_mem>>)
        } else {
        }
      } else {
      }
      %eq3A_650 = arith.constant 0 : i32
      %eq3A_651 = arith.cmpi eq, %and3A_636, %eq3A_650 : i32
      %convert_element_type3A_652 = arith.extui %eq3A_651 : i1 to i32
      %cond3A_653 = arith.constant 0 : i32
      %cond3A_654 = arith.cmpi ne, %convert_element_type3A_652, %cond3A_653 : i32
      scf.if %cond3A_654 {
        %mul3A_660 = arith.constant 80 : i32
        %mul3A_661 = arith.muli %scan3A_635, %mul3A_660 : i32
        %add3A_662 = arith.addi %mul3A_4, %mul3A_661 : i32
        %multiple_of3A_663 = tpu.assume_multiple %add3A_662, 8 : i32
        %run_scoped3A = arith.constant 0 : i32
        "tpu.region"() ({
          %run_scoped3A_664 = tpu.sem_alloc : memref<!tpu.dma_semaphore, #tpu.memory_space<semaphore_mem>>
          %dma_start3A_665 = arith.constant 0 : i32
          %dma_start3A_666 = arith.constant 0 : i32
          %dma_start3A_667 = tpu.memref_slice %arg16[%run_scoped3A, %dma_start3A_665, %dma_start3A_666] : memref<4x80x128xf32, #tpu.memory_space<vmem>> -> memref<1x80x128xf32, #tpu.memory_space<vmem>>
          %dma_start3A_668 = tpu.memref_squeeze %dma_start3A_667 : memref<1x80x128xf32, #tpu.memory_space<vmem>> -> memref<80x128xf32, #tpu.memory_space<vmem>>
          %dma_start3A_669 = arith.constant 0 : i32
          %dma_start3A_670 = tpu.memref_slice %arg6[%multiple_of3A_663, %dma_start3A_669] : memref<25600x128xf32, #tpu.memory_space<hbm>> -> memref<80x128xf32, #tpu.memory_space<hbm>>
          %dma_start3A_671 = arith.constant 0 : i32
          %dma_start3A_672 = tpu.memref_slice %arg6[%multiple_of3A_663, %dma_start3A_671] : memref<25600x128xf32, #tpu.memory_space<hbm>> -> memref<80x128xf32, #tpu.memory_space<hbm>>
          %dma_start3A_673 = arith.constant 0 : i32
          %dma_start3A_674 = arith.constant 0 : i32
          %dma_start3A_675 = tpu.memref_slice %arg16[%run_scoped3A, %dma_start3A_673, %dma_start3A_674] : memref<4x80x128xf32, #tpu.memory_space<vmem>> -> memref<1x80x128xf32, #tpu.memory_space<vmem>>
          %dma_start3A_676 = tpu.memref_squeeze %dma_start3A_675 : memref<1x80x128xf32, #tpu.memory_space<vmem>> -> memref<80x128xf32, #tpu.memory_space<vmem>>
          tpu.enqueue_dma source(%dma_start3A_676 : memref<80x128xf32, #tpu.memory_space<vmem>>) target(%dma_start3A_672 : memref<80x128xf32, #tpu.memory_space<hbm>>) target_semaphore(%run_scoped3A_664 : memref<!tpu.dma_semaphore, #tpu.memory_space<semaphore_mem>>)
          %dma_wait3A_677 = arith.constant 0 : i32
          %dma_wait3A_678 = arith.constant 0 : i32
          %dma_wait3A_679 = tpu.memref_slice %arg16[%run_scoped3A, %dma_wait3A_677, %dma_wait3A_678] : memref<4x80x128xf32, #tpu.memory_space<vmem>> -> memref<1x80x128xf32, #tpu.memory_space<vmem>>
          %dma_wait3A_680 = tpu.memref_squeeze %dma_wait3A_679 : memref<1x80x128xf32, #tpu.memory_space<vmem>> -> memref<80x128xf32, #tpu.memory_space<vmem>>
          %dma_wait3A_681 = arith.constant 0 : i32
          %dma_wait3A_682 = tpu.memref_slice %arg6[%multiple_of3A_663, %dma_wait3A_681] : memref<25600x128xf32, #tpu.memory_space<hbm>> -> memref<80x128xf32, #tpu.memory_space<hbm>>
          %dma_wait3A_683 = arith.constant 0 : i32
          %dma_wait3A_684 = tpu.memref_slice %arg6[%multiple_of3A_663, %dma_wait3A_683] : memref<25600x128xf32, #tpu.memory_space<hbm>> -> memref<80x128xf32, #tpu.memory_space<hbm>>
          %dma_wait3A_685 = arith.constant 0 : i32
          %dma_wait3A_686 = arith.constant 0 : i32
          %dma_wait3A_687 = tpu.memref_slice %arg16[%run_scoped3A, %dma_wait3A_685, %dma_wait3A_686] : memref<4x80x128xf32, #tpu.memory_space<vmem>> -> memref<1x80x128xf32, #tpu.memory_space<vmem>>
          %dma_wait3A_688 = tpu.memref_squeeze %dma_wait3A_687 : memref<1x80x128xf32, #tpu.memory_space<vmem>> -> memref<80x128xf32, #tpu.memory_space<vmem>>
          tpu.wait_dma2 semaphore(%run_scoped3A_664 : memref<!tpu.dma_semaphore, #tpu.memory_space<semaphore_mem>>) src(%dma_wait3A_688 : memref<80x128xf32, #tpu.memory_space<vmem>>) dst(%dma_wait3A_684 : memref<80x128xf32, #tpu.memory_space<hbm>>)
          tpu.yield
        }) : () -> ()
      } else {
      }
      %eq3A_655 = arith.constant 1 : i32
      %eq3A_656 = arith.cmpi eq, %and3A_636, %eq3A_655 : i32
      %convert_element_type3A_657 = arith.extui %eq3A_656 : i1 to i32
      %cond3A_658 = arith.constant 0 : i32
      %cond3A_659 = arith.cmpi ne, %convert_element_type3A_657, %cond3A_658 : i32
      scf.if %cond3A_659 {
        %mul3A_660 = arith.constant 80 : i32
        %mul3A_661 = arith.muli %scan3A_635, %mul3A_660 : i32
        %add3A_662 = arith.addi %mul3A_4, %mul3A_661 : i32
        %multiple_of3A_663 = tpu.assume_multiple %add3A_662, 8 : i32
        %run_scoped3A = arith.constant 1 : i32
        "tpu.region"() ({
          %run_scoped3A_664 = tpu.sem_alloc : memref<!tpu.dma_semaphore, #tpu.memory_space<semaphore_mem>>
          %dma_start3A_665 = arith.constant 0 : i32
          %dma_start3A_666 = arith.constant 0 : i32
          %dma_start3A_667 = tpu.memref_slice %arg16[%run_scoped3A, %dma_start3A_665, %dma_start3A_666] : memref<4x80x128xf32, #tpu.memory_space<vmem>> -> memref<1x80x128xf32, #tpu.memory_space<vmem>>
          %dma_start3A_668 = tpu.memref_squeeze %dma_start3A_667 : memref<1x80x128xf32, #tpu.memory_space<vmem>> -> memref<80x128xf32, #tpu.memory_space<vmem>>
          %dma_start3A_669 = arith.constant 0 : i32
          %dma_start3A_670 = tpu.memref_slice %arg6[%multiple_of3A_663, %dma_start3A_669] : memref<25600x128xf32, #tpu.memory_space<hbm>> -> memref<80x128xf32, #tpu.memory_space<hbm>>
          %dma_start3A_671 = arith.constant 0 : i32
          %dma_start3A_672 = tpu.memref_slice %arg6[%multiple_of3A_663, %dma_start3A_671] : memref<25600x128xf32, #tpu.memory_space<hbm>> -> memref<80x128xf32, #tpu.memory_space<hbm>>
          %dma_start3A_673 = arith.constant 0 : i32
          %dma_start3A_674 = arith.constant 0 : i32
          %dma_start3A_675 = tpu.memref_slice %arg16[%run_scoped3A, %dma_start3A_673, %dma_start3A_674] : memref<4x80x128xf32, #tpu.memory_space<vmem>> -> memref<1x80x128xf32, #tpu.memory_space<vmem>>
          %dma_start3A_676 = tpu.memref_squeeze %dma_start3A_675 : memref<1x80x128xf32, #tpu.memory_space<vmem>> -> memref<80x128xf32, #tpu.memory_space<vmem>>
          tpu.enqueue_dma source(%dma_start3A_676 : memref<80x128xf32, #tpu.memory_space<vmem>>) target(%dma_start3A_672 : memref<80x128xf32, #tpu.memory_space<hbm>>) target_semaphore(%run_scoped3A_664 : memref<!tpu.dma_semaphore, #tpu.memory_space<semaphore_mem>>)
          %dma_wait3A_677 = arith.constant 0 : i32
          %dma_wait3A_678 = arith.constant 0 : i32
          %dma_wait3A_679 = tpu.memref_slice %arg16[%run_scoped3A, %dma_wait3A_677, %dma_wait3A_678] : memref<4x80x128xf32, #tpu.memory_space<vmem>> -> memref<1x80x128xf32, #tpu.memory_space<vmem>>
          %dma_wait3A_680 = tpu.memref_squeeze %dma_wait3A_679 : memref<1x80x128xf32, #tpu.memory_space<vmem>> -> memref<80x128xf32, #tpu.memory_space<vmem>>
          %dma_wait3A_681 = arith.constant 0 : i32
          %dma_wait3A_682 = tpu.memref_slice %arg6[%multiple_of3A_663, %dma_wait3A_681] : memref<25600x128xf32, #tpu.memory_space<hbm>> -> memref<80x128xf32, #tpu.memory_space<hbm>>
          %dma_wait3A_683 = arith.constant 0 : i32
          %dma_wait3A_684 = tpu.memref_slice %arg6[%multiple_of3A_663, %dma_wait3A_683] : memref<25600x128xf32, #tpu.memory_space<hbm>> -> memref<80x128xf32, #tpu.memory_space<hbm>>
          %dma_wait3A_685 = arith.constant 0 : i32
          %dma_wait3A_686 = arith.constant 0 : i32
          %dma_wait3A_687 = tpu.memref_slice %arg16[%run_scoped3A, %dma_wait3A_685, %dma_wait3A_686] : memref<4x80x128xf32, #tpu.memory_space<vmem>> -> memref<1x80x128xf32, #tpu.memory_space<vmem>>
          %dma_wait3A_688 = tpu.memref_squeeze %dma_wait3A_687 : memref<1x80x128xf32, #tpu.memory_space<vmem>> -> memref<80x128xf32, #tpu.memory_space<vmem>>
          tpu.wait_dma2 semaphore(%run_scoped3A_664 : memref<!tpu.dma_semaphore, #tpu.memory_space<semaphore_mem>>) src(%dma_wait3A_688 : memref<80x128xf32, #tpu.memory_space<vmem>>) dst(%dma_wait3A_684 : memref<80x128xf32, #tpu.memory_space<hbm>>)
          tpu.yield
        }) : () -> ()
      } else {
      }
    }
    %scan3A_57 = arith.constant 10 : i32
    %scan3A_58 = arith.constant 0 : i32
    %scan3A_59 = arith.constant 0 : i32
    %scan3A_60 = arith.constant 5 : i32
    %scan3A_61 = arith.addi %scan3A_59, %scan3A_60 : i32
    %scan3A_62 = arith.constant 1 : i32
    scf.for %scan3A_635 = %scan3A_59 to %scan3A_61 step %scan3A_62  : i32 {
      %mul3A_636 = arith.constant 16 : i32
      %mul3A_637 = arith.muli %scan3A_635, %mul3A_636 : i32
      %add3A_638 = arith.constant 0 : i32
      %add3A_639 = arith.addi %add3A_638, %mul3A_637 : i32
      %get3A_640 = arith.index_cast %add3A_639 : i32 to index
      %get3A_641 = tpu.vector_load %arg9[%get3A_640] {strides = array<i32>} : memref<800xi32, #tpu.memory_space<vmem>>, vector<16xi32>,
      %shift_right_arithmetic3A_642 = arith.constant 2 : i32
      %shift_right_arithmetic3A_643 = vector.broadcast %shift_right_arithmetic3A_642 : i32 to vector<16xi32>
      %shift_right_arithmetic3A_644 = arith.shrsi %get3A_641, %shift_right_arithmetic3A_643 : vector<16xi32>
      %mul3A_645 = arith.constant 16 : i32
      %mul3A_646 = arith.muli %scan3A_635, %mul3A_645 : i32
      %swap3A_647 = arith.constant 0 : i32
      %swap3A_648 = arith.index_cast %swap3A_647 : i32 to index
      %swap3A_649 = arith.index_cast %mul3A_646 : i32 to index
      %swap3A_650 = tpu.vector_load %arg12[%swap3A_648, %swap3A_649] {strides = array<i32>} : memref<2x80xi32, #tpu.memory_space<vmem>>, vector<16xi32>,
      tpu.vector_store %arg12[%swap3A_648, %swap3A_649], %shift_right_arithmetic3A_644 {strides = array<i32>} : memref<2x80xi32, #tpu.memory_space<vmem>>, vector<16xi32>,
      %and3A = arith.constant 3 : i32
      %and3A_651 = vector.broadcast %and3A : i32 to vector<16xi32>
      %and3A_652 = arith.andi %get3A_641, %and3A_651 : vector<16xi32>
      %mul3A_653 = arith.constant 32 : i32
      %mul3A_654 = vector.broadcast %mul3A_653 : i32 to vector<16xi32>
      %mul3A_655 = arith.muli %and3A_652, %mul3A_654 : vector<16xi32>
      %mul3A_656 = arith.constant 16 : i32
      %mul3A_657 = arith.muli %scan3A_635, %mul3A_656 : i32
      %swap3A_658 = arith.constant 0 : i32
      %swap3A_659 = arith.index_cast %swap3A_658 : i32 to index
      %swap3A_660 = arith.index_cast %mul3A_657 : i32 to index
      %swap3A_661 = tpu.vector_load %arg13[%swap3A_659, %swap3A_660] {strides = array<i32>} : memref<2x80xi32, #tpu.memory_space<vmem>>, vector<16xi32>,
      tpu.vector_store %arg13[%swap3A_659, %swap3A_660], %mul3A_655 {strides = array<i32>} : memref<2x80xi32, #tpu.memory_space<vmem>>, vector<16xi32>,
    }
    %scan3A_63 = arith.constant 5 : i32
    %dma_start3A_64 = arith.constant 0 : i32
    %dma_start3A_65 = arith.constant 0 : i32
    %dma_start3A_66 = arith.constant 0 : i32
    %dma_start3A_67 = arith.constant 0 : i32
    %dma_start3A_68 = tpu.memref_slice %arg14[%dma_start3A_65, %dma_start3A_66, %dma_start3A_67] : memref<2x80x128xi32, #tpu.memory_space<vmem>> -> memref<1x80x128xi32, #tpu.memory_space<vmem>>
    %dma_start3A_69 = tpu.memref_squeeze %dma_start3A_68 : memref<1x80x128xi32, #tpu.memory_space<vmem>> -> memref<80x128xi32, #tpu.memory_space<vmem>>
    %dma_start3A_70 = arith.constant 0 : i32
    %dma_start3A_71 = tpu.memref_slice %arg12[%dma_start3A_64, %dma_start3A_70] : memref<2x80xi32, #tpu.memory_space<vmem>> -> memref<1x80xi32, #tpu.memory_space<vmem>>
    %dma_start3A_72 = tpu.memref_squeeze %dma_start3A_71 : memref<1x80xi32, #tpu.memory_space<vmem>> -> memref<80xi32, #tpu.memory_space<vmem>>
    %dma_start3A_73 = arith.constant 0 : i32
    %dma_start3A_74 = arith.constant 0 : i32
    %dma_start3A_75 = tpu.memref_slice %arg4[%dma_start3A_73, %dma_start3A_74] : memref<25000x128xi32, #tpu.memory_space<hbm>> -> memref<25000x128xi32, #tpu.memory_space<hbm>>
    tpu.enqueue_indirect_dma source(%dma_start3A_75 : memref<25000x128xi32, #tpu.memory_space<hbm>>) target(%dma_start3A_69 : memref<80x128xi32, #tpu.memory_space<vmem>>) offsets(%dma_start3A_72 : memref<80xi32, #tpu.memory_space<vmem>>) semaphore(%arg20 : memref<!tpu.dma_semaphore, #tpu.memory_space<semaphore_mem>>)
    %iota3A = tpu.iota {dimensions = array<i32: 0>} : vector<16xi32>
    %add3A_76 = arith.constant 0 : i32
    %add3A_77 = vector.broadcast %add3A_76 : i32 to vector<16xi32>
    %add3A_78 = arith.addi %iota3A, %add3A_77 : vector<16xi32>
    %mul3A_79 = arith.constant 6554 : i32
    %mul3A_80 = vector.broadcast %mul3A_79 : i32 to vector<16xi32>
    %mul3A_81 = arith.muli %add3A_78, %mul3A_80 : vector<16xi32>
    %shift_right_arithmetic3A_82 = arith.constant 16 : i32
    %shift_right_arithmetic3A_83 = vector.broadcast %shift_right_arithmetic3A_82 : i32 to vector<16xi32>
    %shift_right_arithmetic3A_84 = arith.shrsi %mul3A_81, %shift_right_arithmetic3A_83 : vector<16xi32>
    %swap3A_85 = arith.constant 0 : index
    %swap3A_86 = tpu.vector_load %arg18[%swap3A_85] {strides = array<i32>} : memref<80xi32, #tpu.memory_space<vmem>>, vector<16xi32>,
    tpu.vector_store %arg18[%swap3A_85], %shift_right_arithmetic3A_84 {strides = array<i32>} : memref<80xi32, #tpu.memory_space<vmem>>, vector<16xi32>,
    %iota3A_87 = tpu.iota {dimensions = array<i32: 0>} : vector<16xi32>
    %add3A_88 = arith.constant 16 : i32
    %add3A_89 = vector.broadcast %add3A_88 : i32 to vector<16xi32>
    %add3A_90 = arith.addi %iota3A_87, %add3A_89 : vector<16xi32>
    %mul3A_91 = arith.constant 6554 : i32
    %mul3A_92 = vector.broadcast %mul3A_91 : i32 to vector<16xi32>
    %mul3A_93 = arith.muli %add3A_90, %mul3A_92 : vector<16xi32>
    %shift_right_arithmetic3A_94 = arith.constant 16 : i32
    %shift_right_arithmetic3A_95 = vector.broadcast %shift_right_arithmetic3A_94 : i32 to vector<16xi32>
    %shift_right_arithmetic3A_96 = arith.shrsi %mul3A_93, %shift_right_arithmetic3A_95 : vector<16xi32>
    %swap3A_97 = arith.constant 16 : index
    %swap3A_98 = tpu.vector_load %arg18[%swap3A_97] {strides = array<i32>} : memref<80xi32, #tpu.memory_space<vmem>>, vector<16xi32>,
    tpu.vector_store %arg18[%swap3A_97], %shift_right_arithmetic3A_96 {strides = array<i32>} : memref<80xi32, #tpu.memory_space<vmem>>, vector<16xi32>,
    %iota3A_99 = tpu.iota {dimensions = array<i32: 0>} : vector<16xi32>
    %add3A_100 = arith.constant 32 : i32
    %add3A_101 = vector.broadcast %add3A_100 : i32 to vector<16xi32>
    %add3A_102 = arith.addi %iota3A_99, %add3A_101 : vector<16xi32>
    %mul3A_103 = arith.constant 6554 : i32
    %mul3A_104 = vector.broadcast %mul3A_103 : i32 to vector<16xi32>
    %mul3A_105 = arith.muli %add3A_102, %mul3A_104 : vector<16xi32>
    %shift_right_arithmetic3A_106 = arith.constant 16 : i32
    %shift_right_arithmetic3A_107 = vector.broadcast %shift_right_arithmetic3A_106 : i32 to vector<16xi32>
    %shift_right_arithmetic3A_108 = arith.shrsi %mul3A_105, %shift_right_arithmetic3A_107 : vector<16xi32>
    %swap3A_109 = arith.constant 32 : index
    %swap3A_110 = tpu.vector_load %arg18[%swap3A_109] {strides = array<i32>} : memref<80xi32, #tpu.memory_space<vmem>>, vector<16xi32>,
    tpu.vector_store %arg18[%swap3A_109], %shift_right_arithmetic3A_108 {strides = array<i32>} : memref<80xi32, #tpu.memory_space<vmem>>, vector<16xi32>,
    %iota3A_111 = tpu.iota {dimensions = array<i32: 0>} : vector<16xi32>
    %add3A_112 = arith.constant 48 : i32
    %add3A_113 = vector.broadcast %add3A_112 : i32 to vector<16xi32>
    %add3A_114 = arith.addi %iota3A_111, %add3A_113 : vector<16xi32>
    %mul3A_115 = arith.constant 6554 : i32
    %mul3A_116 = vector.broadcast %mul3A_115 : i32 to vector<16xi32>
    %mul3A_117 = arith.muli %add3A_114, %mul3A_116 : vector<16xi32>
    %shift_right_arithmetic3A_118 = arith.constant 16 : i32
    %shift_right_arithmetic3A_119 = vector.broadcast %shift_right_arithmetic3A_118 : i32 to vector<16xi32>
    %shift_right_arithmetic3A_120 = arith.shrsi %mul3A_117, %shift_right_arithmetic3A_119 : vector<16xi32>
    %swap3A_121 = arith.constant 48 : index
    %swap3A_122 = tpu.vector_load %arg18[%swap3A_121] {strides = array<i32>} : memref<80xi32, #tpu.memory_space<vmem>>, vector<16xi32>,
    tpu.vector_store %arg18[%swap3A_121], %shift_right_arithmetic3A_120 {strides = array<i32>} : memref<80xi32, #tpu.memory_space<vmem>>, vector<16xi32>,
    %iota3A_123 = tpu.iota {dimensions = array<i32: 0>} : vector<16xi32>
    %add3A_124 = arith.constant 64 : i32
    %add3A_125 = vector.broadcast %add3A_124 : i32 to vector<16xi32>
    %add3A_126 = arith.addi %iota3A_123, %add3A_125 : vector<16xi32>
    %mul3A_127 = arith.constant 6554 : i32
    %mul3A_128 = vector.broadcast %mul3A_127 : i32 to vector<16xi32>
    %mul3A_129 = arith.muli %add3A_126, %mul3A_128 : vector<16xi32>
    %shift_right_arithmetic3A_130 = arith.constant 16 : i32
    %shift_right_arithmetic3A_131 = vector.broadcast %shift_right_arithmetic3A_130 : i32 to vector<16xi32>
    %shift_right_arithmetic3A_132 = arith.shrsi %mul3A_129, %shift_right_arithmetic3A_131 : vector<16xi32>
    %swap3A_133 = arith.constant 64 : index
    %swap3A_134 = tpu.vector_load %arg18[%swap3A_133] {strides = array<i32>} : memref<80xi32, #tpu.memory_space<vmem>>, vector<16xi32>,
    tpu.vector_store %arg18[%swap3A_133], %shift_right_arithmetic3A_132 {strides = array<i32>} : memref<80xi32, #tpu.memory_space<vmem>>, vector<16xi32>,
    %mul3A_135 = arith.constant 400 : i32
    %mul3A_136 = arith.muli %arg1, %mul3A_135 : i32
    %dma_wait3A_137 = arith.constant 0 : i32
    %dma_wait3A_138 = arith.constant 0 : i32
    %dma_wait3A_139 = arith.constant 0 : i32
    %dma_wait3A_140 = arith.constant 0 : i32
    %dma_wait3A_141 = tpu.memref_slice %arg14[%dma_wait3A_138, %dma_wait3A_139, %dma_wait3A_140] : memref<2x80x128xi32, #tpu.memory_space<vmem>> -> memref<1x80x128xi32, #tpu.memory_space<vmem>>
    %dma_wait3A_142 = tpu.memref_squeeze %dma_wait3A_141 : memref<1x80x128xi32, #tpu.memory_space<vmem>> -> memref<80x128xi32, #tpu.memory_space<vmem>>
    %dma_wait3A_143 = arith.constant 0 : i32
    %dma_wait3A_144 = tpu.memref_slice %arg12[%dma_wait3A_137, %dma_wait3A_143] : memref<2x80xi32, #tpu.memory_space<vmem>> -> memref<1x80xi32, #tpu.memory_space<vmem>>
    %dma_wait3A_145 = tpu.memref_squeeze %dma_wait3A_144 : memref<1x80xi32, #tpu.memory_space<vmem>> -> memref<80xi32, #tpu.memory_space<vmem>>
    %dma_wait3A_146 = arith.constant 0 : i32
    %dma_wait3A_147 = arith.constant 0 : i32
    %dma_wait3A_148 = tpu.memref_slice %arg4[%dma_wait3A_146, %dma_wait3A_147] : memref<25000x128xi32, #tpu.memory_space<hbm>> -> memref<25000x128xi32, #tpu.memory_space<hbm>>
    tpu.wait_indirect_dma semaphore(%arg20 : memref<!tpu.dma_semaphore, #tpu.memory_space<semaphore_mem>>) src(%dma_wait3A_148 : memref<25000x128xi32, #tpu.memory_space<hbm>>) dst(%dma_wait3A_142 : memref<80x128xi32, #tpu.memory_space<vmem>>)
    %scan3A_149 = arith.constant 0 : i32
    %scan3A_150 = arith.constant 0 : i32
    %scan3A_151 = arith.constant 5 : i32
    %scan3A_152 = arith.addi %scan3A_150, %scan3A_151 : i32
    %scan3A_153 = arith.constant 1 : i32
    scf.for %scan3A_635 = %scan3A_150 to %scan3A_152 step %scan3A_153  : i32 {
      %mul3A_636 = arith.constant 16 : i32
      %mul3A_637 = arith.muli %scan3A_635, %mul3A_636 : i32
      %add3A_638 = arith.constant 80 : i32
      %add3A_639 = arith.addi %add3A_638, %mul3A_637 : i32
      %get3A_640 = arith.index_cast %add3A_639 : i32 to index
      %get3A_641 = tpu.vector_load %arg9[%get3A_640] {strides = array<i32>} : memref<800xi32, #tpu.memory_space<vmem>>, vector<16xi32>,
      %shift_right_arithmetic3A_642 = arith.constant 2 : i32
      %shift_right_arithmetic3A_643 = vector.broadcast %shift_right_arithmetic3A_642 : i32 to vector<16xi32>
      %shift_right_arithmetic3A_644 = arith.shrsi %get3A_641, %shift_right_arithmetic3A_643 : vector<16xi32>
      %mul3A_645 = arith.constant 16 : i32
      %mul3A_646 = arith.muli %scan3A_635, %mul3A_645 : i32
      %swap3A_647 = arith.constant 1 : i32
      %swap3A_648 = arith.index_cast %swap3A_647 : i32 to index
      %swap3A_649 = arith.index_cast %mul3A_646 : i32 to index
      %swap3A_650 = tpu.vector_load %arg12[%swap3A_648, %swap3A_649] {strides = array<i32>} : memref<2x80xi32, #tpu.memory_space<vmem>>, vector<16xi32>,
      tpu.vector_store %arg12[%swap3A_648, %swap3A_649], %shift_right_arithmetic3A_644 {strides = array<i32>} : memref<2x80xi32, #tpu.memory_space<vmem>>, vector<16xi32>,
      %and3A = arith.constant 3 : i32
      %and3A_651 = vector.broadcast %and3A : i32 to vector<16xi32>
      %and3A_652 = arith.andi %get3A_641, %and3A_651 : vector<16xi32>
      %mul3A_653 = arith.constant 32 : i32
      %mul3A_654 = vector.broadcast %mul3A_653 : i32 to vector<16xi32>
      %mul3A_655 = arith.muli %and3A_652, %mul3A_654 : vector<16xi32>
      %mul3A_656 = arith.constant 16 : i32
      %mul3A_657 = arith.muli %scan3A_635, %mul3A_656 : i32
      %swap3A_658 = arith.constant 1 : i32
      %swap3A_659 = arith.index_cast %swap3A_658 : i32 to index
      %swap3A_660 = arith.index_cast %mul3A_657 : i32 to index
      %swap3A_661 = tpu.vector_load %arg13[%swap3A_659, %swap3A_660] {strides = array<i32>} : memref<2x80xi32, #tpu.memory_space<vmem>>, vector<16xi32>,
      tpu.vector_store %arg13[%swap3A_659, %swap3A_660], %mul3A_655 {strides = array<i32>} : memref<2x80xi32, #tpu.memory_space<vmem>>, vector<16xi32>,
    }
    %scan3A_154 = arith.constant 5 : i32
    %dma_start3A_155 = arith.constant 1 : i32
    %dma_start3A_156 = arith.constant 1 : i32
    %dma_start3A_157 = arith.constant 0 : i32
    %dma_start3A_158 = arith.constant 0 : i32
    %dma_start3A_159 = tpu.memref_slice %arg14[%dma_start3A_156, %dma_start3A_157, %dma_start3A_158] : memref<2x80x128xi32, #tpu.memory_space<vmem>> -> memref<1x80x128xi32, #tpu.memory_space<vmem>>
    %dma_start3A_160 = tpu.memref_squeeze %dma_start3A_159 : memref<1x80x128xi32, #tpu.memory_space<vmem>> -> memref<80x128xi32, #tpu.memory_space<vmem>>
    %dma_start3A_161 = arith.constant 0 : i32
    %dma_start3A_162 = tpu.memref_slice %arg12[%dma_start3A_155, %dma_start3A_161] : memref<2x80xi32, #tpu.memory_space<vmem>> -> memref<1x80xi32, #tpu.memory_space<vmem>>
    %dma_start3A_163 = tpu.memref_squeeze %dma_start3A_162 : memref<1x80xi32, #tpu.memory_space<vmem>> -> memref<80xi32, #tpu.memory_space<vmem>>
    %dma_start3A_164 = arith.constant 0 : i32
    %dma_start3A_165 = arith.constant 0 : i32
    %dma_start3A_166 = tpu.memref_slice %arg4[%dma_start3A_164, %dma_start3A_165] : memref<25000x128xi32, #tpu.memory_space<hbm>> -> memref<25000x128xi32, #tpu.memory_space<hbm>>
    tpu.enqueue_indirect_dma source(%dma_start3A_166 : memref<25000x128xi32, #tpu.memory_space<hbm>>) target(%dma_start3A_160 : memref<80x128xi32, #tpu.memory_space<vmem>>) offsets(%dma_start3A_163 : memref<80xi32, #tpu.memory_space<vmem>>) semaphore(%arg21 : memref<!tpu.dma_semaphore, #tpu.memory_space<semaphore_mem>>)
    %scan3A_167 = arith.constant 0 : i32
    %scan3A_168 = arith.constant 0 : i32
    %scan3A_169 = arith.constant 50 : i32
    %scan3A_170 = arith.addi %scan3A_168, %scan3A_169 : i32
    %scan3A_171 = arith.constant 1 : i32
    scf.for %scan3A_635 = %scan3A_168 to %scan3A_170 step %scan3A_171  : i32 {
      %iota3A_636 = tpu.iota {dimensions = array<i32: 0>} : vector<16xi32>
      %mul3A_637 = arith.constant 16 : i32
      %mul3A_638 = arith.muli %scan3A_635, %mul3A_637 : i32
      %add3A_639 = vector.broadcast %mul3A_638 : i32 to vector<16xi32>
      %add3A_640 = arith.addi %iota3A_636, %add3A_639 : vector<16xi32>
      %mul3A_641 = arith.constant 6554 : i32
      %mul3A_642 = vector.broadcast %mul3A_641 : i32 to vector<16xi32>
      %mul3A_643 = arith.muli %add3A_640, %mul3A_642 : vector<16xi32>
      %shift_right_arithmetic3A_644 = arith.constant 16 : i32
      %shift_right_arithmetic3A_645 = vector.broadcast %shift_right_arithmetic3A_644 : i32 to vector<16xi32>
      %shift_right_arithmetic3A_646 = arith.shrsi %mul3A_643, %shift_right_arithmetic3A_645 : vector<16xi32>
      %mul3A_647 = arith.constant 0 : i32
      %mul3A_648 = vector.broadcast %mul3A_647 : i32 to vector<16xi32>
      %mul3A_649 = arith.muli %shift_right_arithmetic3A_646, %mul3A_648 : vector<16xi32>
      %add3A_650 = arith.constant 0 : i32
      %add3A_651 = vector.broadcast %add3A_650 : i32 to vector<16xi32>
      %add3A_652 = arith.addi %mul3A_649, %add3A_651 : vector<16xi32>
      %gather3A = tpu.vector_load_idx %arg13[%add3A_652, %shift_right_arithmetic3A_646] : memref<2x80xi32, #tpu.memory_space<vmem>>[vector<16xi32>, vector<16xi32>], vector<16xi32>,
      %add3A_653 = arith.addi %gather3A, %add3A_640 : vector<16xi32>
      %mul3A_654 = arith.constant 10 : i32
      %mul3A_655 = vector.broadcast %mul3A_654 : i32 to vector<16xi32>
      %mul3A_656 = arith.muli %shift_right_arithmetic3A_646, %mul3A_655 : vector<16xi32>
      %sub3A = arith.subi %add3A_653, %mul3A_656 : vector<16xi32>
      %mul3A_657 = arith.constant 0 : i32
      %mul3A_658 = vector.broadcast %mul3A_657 : i32 to vector<16xi32>
      %mul3A_659 = arith.muli %shift_right_arithmetic3A_646, %mul3A_658 : vector<16xi32>
      %add3A_660 = arith.constant 0 : i32
      %add3A_661 = vector.broadcast %add3A_660 : i32 to vector<16xi32>
      %add3A_662 = arith.addi %mul3A_659, %add3A_661 : vector<16xi32>
      %gather3A_663 = tpu.vector_load_idx %arg14[%add3A_662, %shift_right_arithmetic3A_646, %sub3A] : memref<2x80x128xi32, #tpu.memory_space<vmem>>[vector<16xi32>, vector<16xi32>, vector<16xi32>], vector<16xi32>,
      %mul3A_664 = arith.constant 16 : i32
      %mul3A_665 = arith.muli %scan3A_635, %mul3A_664 : i32
      %add3A_666 = arith.constant 0 : i32
      %add3A_667 = arith.addi %add3A_666, %mul3A_665 : i32
      %swap3A_668 = arith.index_cast %add3A_667 : i32 to index
      %swap3A_669 = tpu.vector_load %arg15[%swap3A_668] {strides = array<i32>} : memref<8000xi32, #tpu.memory_space<vmem>>, vector<16xi32>,
      tpu.vector_store %arg15[%swap3A_668], %gather3A_663 {strides = array<i32>} : memref<8000xi32, #tpu.memory_space<vmem>>, vector<16xi32>,
    }
    %scan3A_172 = arith.constant 50 : i32
    %scan3A_173 = arith.constant 0 : i32
    %scan3A_174 = arith.constant 0 : i32
    %scan3A_175 = arith.constant 80 : i32
    %scan3A_176 = arith.addi %scan3A_174, %scan3A_175 : i32
    %scan3A_177 = arith.constant 1 : i32
    scf.for %scan3A_635 = %scan3A_174 to %scan3A_176 step %scan3A_177  : i32 {
      %broadcast_in_dim3A = arith.constant 0.000000e+00 : f32
      %broadcast_in_dim3A_636 = vector.broadcast %broadcast_in_dim3A : f32 to vector<16xf32>
      %swap3A_637 = arith.constant 0 : i32
      %swap3A_638 = arith.index_cast %swap3A_637 : i32 to index
      %swap3A_639 = arith.index_cast %scan3A_635 : i32 to index
      %swap3A_640 = arith.constant 0 : index
      %swap3A_641 = tpu.vector_load %arg16[%swap3A_638, %swap3A_639, %swap3A_640] {strides = array<i32>} : memref<4x80x128xf32, #tpu.memory_space<vmem>>, vector<16xf32>,
      tpu.vector_store %arg16[%swap3A_638, %swap3A_639, %swap3A_640], %broadcast_in_dim3A_636 {strides = array<i32>} : memref<4x80x128xf32, #tpu.memory_space<vmem>>, vector<16xf32>,
      %broadcast_in_dim3A_642 = arith.constant 0.000000e+00 : f32
      %broadcast_in_dim3A_643 = vector.broadcast %broadcast_in_dim3A_642 : f32 to vector<16xf32>
      %swap3A_644 = arith.constant 0 : i32
      %swap3A_645 = arith.index_cast %swap3A_644 : i32 to index
      %swap3A_646 = arith.index_cast %scan3A_635 : i32 to index
      %swap3A_647 = arith.constant 16 : index
      %swap3A_648 = tpu.vector_load %arg16[%swap3A_645, %swap3A_646, %swap3A_647] {strides = array<i32>} : memref<4x80x128xf32, #tpu.memory_space<vmem>>, vector<16xf32>,
      tpu.vector_store %arg16[%swap3A_645, %swap3A_646, %swap3A_647], %broadcast_in_dim3A_643 {strides = array<i32>} : memref<4x80x128xf32, #tpu.memory_space<vmem>>, vector<16xf32>,
      %broadcast_in_dim3A_649 = arith.constant 0.000000e+00 : f32
      %broadcast_in_dim3A_650 = vector.broadcast %broadcast_in_dim3A_649 : f32 to vector<16xf32>
      %swap3A_651 = arith.constant 0 : i32
      %swap3A_652 = arith.index_cast %swap3A_651 : i32 to index
      %swap3A_653 = arith.index_cast %scan3A_635 : i32 to index
      %swap3A_654 = arith.constant 32 : index
      %swap3A_655 = tpu.vector_load %arg16[%swap3A_652, %swap3A_653, %swap3A_654] {strides = array<i32>} : memref<4x80x128xf32, #tpu.memory_space<vmem>>, vector<16xf32>,
      tpu.vector_store %arg16[%swap3A_652, %swap3A_653, %swap3A_654], %broadcast_in_dim3A_650 {strides = array<i32>} : memref<4x80x128xf32, #tpu.memory_space<vmem>>, vector<16xf32>,
      %broadcast_in_dim3A_656 = arith.constant 0.000000e+00 : f32
      %broadcast_in_dim3A_657 = vector.broadcast %broadcast_in_dim3A_656 : f32 to vector<16xf32>
      %swap3A_658 = arith.constant 0 : i32
      %swap3A_659 = arith.index_cast %swap3A_658 : i32 to index
      %swap3A_660 = arith.index_cast %scan3A_635 : i32 to index
      %swap3A_661 = arith.constant 48 : index
      %swap3A_662 = tpu.vector_load %arg16[%swap3A_659, %swap3A_660, %swap3A_661] {strides = array<i32>} : memref<4x80x128xf32, #tpu.memory_space<vmem>>, vector<16xf32>,
      tpu.vector_store %arg16[%swap3A_659, %swap3A_660, %swap3A_661], %broadcast_in_dim3A_657 {strides = array<i32>} : memref<4x80x128xf32, #tpu.memory_space<vmem>>, vector<16xf32>,
      %broadcast_in_dim3A_663 = arith.constant 0.000000e+00 : f32
      %broadcast_in_dim3A_664 = vector.broadcast %broadcast_in_dim3A_663 : f32 to vector<16xf32>
      %swap3A_665 = arith.constant 0 : i32
      %swap3A_666 = arith.index_cast %swap3A_665 : i32 to index
      %swap3A_667 = arith.index_cast %scan3A_635 : i32 to index
      %swap3A_668 = arith.constant 64 : index
      %swap3A_669 = tpu.vector_load %arg16[%swap3A_666, %swap3A_667, %swap3A_668] {strides = array<i32>} : memref<4x80x128xf32, #tpu.memory_space<vmem>>, vector<16xf32>,
      tpu.vector_store %arg16[%swap3A_666, %swap3A_667, %swap3A_668], %broadcast_in_dim3A_664 {strides = array<i32>} : memref<4x80x128xf32, #tpu.memory_space<vmem>>, vector<16xf32>,
      %broadcast_in_dim3A_670 = arith.constant 0.000000e+00 : f32
      %broadcast_in_dim3A_671 = vector.broadcast %broadcast_in_dim3A_670 : f32 to vector<16xf32>
      %swap3A_672 = arith.constant 0 : i32
      %swap3A_673 = arith.index_cast %swap3A_672 : i32 to index
      %swap3A_674 = arith.index_cast %scan3A_635 : i32 to index
      %swap3A_675 = arith.constant 80 : index
      %swap3A_676 = tpu.vector_load %arg16[%swap3A_673, %swap3A_674, %swap3A_675] {strides = array<i32>} : memref<4x80x128xf32, #tpu.memory_space<vmem>>, vector<16xf32>,
      tpu.vector_store %arg16[%swap3A_673, %swap3A_674, %swap3A_675], %broadcast_in_dim3A_671 {strides = array<i32>} : memref<4x80x128xf32, #tpu.memory_space<vmem>>, vector<16xf32>,
      %broadcast_in_dim3A_677 = arith.constant 0.000000e+00 : f32
      %broadcast_in_dim3A_678 = vector.broadcast %broadcast_in_dim3A_677 : f32 to vector<16xf32>
      %swap3A_679 = arith.constant 0 : i32
      %swap3A_680 = arith.index_cast %swap3A_679 : i32 to index
      %swap3A_681 = arith.index_cast %scan3A_635 : i32 to index
      %swap3A_682 = arith.constant 96 : index
      %swap3A_683 = tpu.vector_load %arg16[%swap3A_680, %swap3A_681, %swap3A_682] {strides = array<i32>} : memref<4x80x128xf32, #tpu.memory_space<vmem>>, vector<16xf32>,
      tpu.vector_store %arg16[%swap3A_680, %swap3A_681, %swap3A_682], %broadcast_in_dim3A_678 {strides = array<i32>} : memref<4x80x128xf32, #tpu.memory_space<vmem>>, vector<16xf32>,
      %broadcast_in_dim3A_684 = arith.constant 0.000000e+00 : f32
      %broadcast_in_dim3A_685 = vector.broadcast %broadcast_in_dim3A_684 : f32 to vector<16xf32>
      %swap3A_686 = arith.constant 0 : i32
      %swap3A_687 = arith.index_cast %swap3A_686 : i32 to index
      %swap3A_688 = arith.index_cast %scan3A_635 : i32 to index
      %swap3A_689 = arith.constant 112 : index
      %swap3A_690 = tpu.vector_load %arg16[%swap3A_687, %swap3A_688, %swap3A_689] {strides = array<i32>} : memref<4x80x128xf32, #tpu.memory_space<vmem>>, vector<16xf32>,
      tpu.vector_store %arg16[%swap3A_687, %swap3A_688, %swap3A_689], %broadcast_in_dim3A_685 {strides = array<i32>} : memref<4x80x128xf32, #tpu.memory_space<vmem>>, vector<16xf32>,
    }
    %scan3A_178 = arith.constant 80 : i32
    %scan3A_179 = arith.constant 0 : i32
    %scan3A_180 = arith.constant 0 : i32
    %scan3A_181 = arith.constant 5 : i32
    %scan3A_182 = arith.addi %scan3A_180, %scan3A_181 : i32
    %scan3A_183 = arith.constant 1 : i32
    scf.for %scan3A_635 = %scan3A_180 to %scan3A_182 step %scan3A_183  : i32 {
      %mul3A_636 = arith.constant 80 : i32
      %mul3A_637 = arith.muli %scan3A_635, %mul3A_636 : i32
      %add3A_638 = arith.addi %mul3A_136, %mul3A_637 : i32
      %run_scoped3A = arith.constant 0 : i32
      "tpu.region"() ({
        %run_scoped3A_639 = tpu.sem_alloc : memref<!tpu.dma_semaphore, #tpu.memory_space<semaphore_mem>>
        %dma_start3A_640 = arith.constant 0 : i32
        %dma_start3A_641 = arith.constant 0 : i32
        %dma_start3A_642 = tpu.memref_slice %arg16[%run_scoped3A, %dma_start3A_640, %dma_start3A_641] : memref<4x80x128xf32, #tpu.memory_space<vmem>> -> memref<1x80x128xf32, #tpu.memory_space<vmem>>
        %dma_start3A_643 = tpu.memref_squeeze %dma_start3A_642 : memref<1x80x128xf32, #tpu.memory_space<vmem>> -> memref<80x128xf32, #tpu.memory_space<vmem>>
        %dma_start3A_644 = arith.constant 0 : i32
        %dma_start3A_645 = tpu.memref_slice %arg19[%add3A_638, %dma_start3A_644] : memref<6400x128xf32, #tpu.memory_space<vmem_shared>> -> memref<80x128xf32, #tpu.memory_space<vmem_shared>>
        %dma_start3A_646 = arith.constant 0 : i32
        %dma_start3A_647 = tpu.memref_slice %arg19[%add3A_638, %dma_start3A_646] : memref<6400x128xf32, #tpu.memory_space<vmem_shared>> -> memref<80x128xf32, #tpu.memory_space<vmem_shared>>
        %dma_start3A_648 = arith.constant 0 : i32
        %dma_start3A_649 = arith.constant 0 : i32
        %dma_start3A_650 = tpu.memref_slice %arg16[%run_scoped3A, %dma_start3A_648, %dma_start3A_649] : memref<4x80x128xf32, #tpu.memory_space<vmem>> -> memref<1x80x128xf32, #tpu.memory_space<vmem>>
        %dma_start3A_651 = tpu.memref_squeeze %dma_start3A_650 : memref<1x80x128xf32, #tpu.memory_space<vmem>> -> memref<80x128xf32, #tpu.memory_space<vmem>>
        tpu.enqueue_dma source(%dma_start3A_651 : memref<80x128xf32, #tpu.memory_space<vmem>>) target(%dma_start3A_647 : memref<80x128xf32, #tpu.memory_space<vmem_shared>>) target_semaphore(%run_scoped3A_639 : memref<!tpu.dma_semaphore, #tpu.memory_space<semaphore_mem>>)
        %dma_wait3A_652 = arith.constant 0 : i32
        %dma_wait3A_653 = arith.constant 0 : i32
        %dma_wait3A_654 = tpu.memref_slice %arg16[%run_scoped3A, %dma_wait3A_652, %dma_wait3A_653] : memref<4x80x128xf32, #tpu.memory_space<vmem>> -> memref<1x80x128xf32, #tpu.memory_space<vmem>>
        %dma_wait3A_655 = tpu.memref_squeeze %dma_wait3A_654 : memref<1x80x128xf32, #tpu.memory_space<vmem>> -> memref<80x128xf32, #tpu.memory_space<vmem>>
        %dma_wait3A_656 = arith.constant 0 : i32
        %dma_wait3A_657 = tpu.memref_slice %arg19[%add3A_638, %dma_wait3A_656] : memref<6400x128xf32, #tpu.memory_space<vmem_shared>> -> memref<80x128xf32, #tpu.memory_space<vmem_shared>>
        %dma_wait3A_658 = arith.constant 0 : i32
        %dma_wait3A_659 = tpu.memref_slice %arg19[%add3A_638, %dma_wait3A_658] : memref<6400x128xf32, #tpu.memory_space<vmem_shared>> -> memref<80x128xf32, #tpu.memory_space<vmem_shared>>
        %dma_wait3A_660 = arith.constant 0 : i32
        %dma_wait3A_661 = arith.constant 0 : i32
        %dma_wait3A_662 = tpu.memref_slice %arg16[%run_scoped3A, %dma_wait3A_660, %dma_wait3A_661] : memref<4x80x128xf32, #tpu.memory_space<vmem>> -> memref<1x80x128xf32, #tpu.memory_space<vmem>>
        %dma_wait3A_663 = tpu.memref_squeeze %dma_wait3A_662 : memref<1x80x128xf32, #tpu.memory_space<vmem>> -> memref<80x128xf32, #tpu.memory_space<vmem>>
        tpu.wait_dma2 semaphore(%run_scoped3A_639 : memref<!tpu.dma_semaphore, #tpu.memory_space<semaphore_mem>>) src(%dma_wait3A_663 : memref<80x128xf32, #tpu.memory_space<vmem>>) dst(%dma_wait3A_659 : memref<80x128xf32, #tpu.memory_space<vmem_shared>>)
        tpu.yield
      }) : () -> ()
    }
    %scan3A_184 = arith.constant 5 : i32
    %get3A_185 = arith.constant 0 : index
    %get3A_186 = tpu.vector_load %arg18[%get3A_185] {strides = array<i32>} : memref<80xi32, #tpu.memory_space<vmem>>, vector<16xi32>,
    %add3A_187 = arith.constant 0 : i32
    %add3A_188 = arith.addi %mul3A_136, %add3A_187 : i32
    %add3A_189 = vector.broadcast %add3A_188 : i32 to vector<16xi32>
    %add3A_190 = arith.addi %get3A_186, %add3A_189 : vector<16xi32>
    %swap3A_191 = arith.constant 0 : i32
    %swap3A_192 = arith.index_cast %swap3A_191 : i32 to index
    %swap3A_193 = arith.constant 0 : index
    %swap3A_194 = tpu.vector_load %arg17[%swap3A_192, %swap3A_193] {strides = array<i32>} : memref<4x80xi32, #tpu.memory_space<vmem>>, vector<16xi32>,
    tpu.vector_store %arg17[%swap3A_192, %swap3A_193], %add3A_190 {strides = array<i32>} : memref<4x80xi32, #tpu.memory_space<vmem>>, vector<16xi32>,
    %get3A_195 = arith.constant 16 : index
    %get3A_196 = tpu.vector_load %arg18[%get3A_195] {strides = array<i32>} : memref<80xi32, #tpu.memory_space<vmem>>, vector<16xi32>,
    %add3A_197 = arith.constant 0 : i32
    %add3A_198 = arith.addi %mul3A_136, %add3A_197 : i32
    %add3A_199 = vector.broadcast %add3A_198 : i32 to vector<16xi32>
    %add3A_200 = arith.addi %get3A_196, %add3A_199 : vector<16xi32>
    %swap3A_201 = arith.constant 0 : i32
    %swap3A_202 = arith.index_cast %swap3A_201 : i32 to index
    %swap3A_203 = arith.constant 16 : index
    %swap3A_204 = tpu.vector_load %arg17[%swap3A_202, %swap3A_203] {strides = array<i32>} : memref<4x80xi32, #tpu.memory_space<vmem>>, vector<16xi32>,
    tpu.vector_store %arg17[%swap3A_202, %swap3A_203], %add3A_200 {strides = array<i32>} : memref<4x80xi32, #tpu.memory_space<vmem>>, vector<16xi32>,
    %get3A_205 = arith.constant 32 : index
    %get3A_206 = tpu.vector_load %arg18[%get3A_205] {strides = array<i32>} : memref<80xi32, #tpu.memory_space<vmem>>, vector<16xi32>,
    %add3A_207 = arith.constant 0 : i32
    %add3A_208 = arith.addi %mul3A_136, %add3A_207 : i32
    %add3A_209 = vector.broadcast %add3A_208 : i32 to vector<16xi32>
    %add3A_210 = arith.addi %get3A_206, %add3A_209 : vector<16xi32>
    %swap3A_211 = arith.constant 0 : i32
    %swap3A_212 = arith.index_cast %swap3A_211 : i32 to index
    %swap3A_213 = arith.constant 32 : index
    %swap3A_214 = tpu.vector_load %arg17[%swap3A_212, %swap3A_213] {strides = array<i32>} : memref<4x80xi32, #tpu.memory_space<vmem>>, vector<16xi32>,
    tpu.vector_store %arg17[%swap3A_212, %swap3A_213], %add3A_210 {strides = array<i32>} : memref<4x80xi32, #tpu.memory_space<vmem>>, vector<16xi32>,
    %get3A_215 = arith.constant 48 : index
    %get3A_216 = tpu.vector_load %arg18[%get3A_215] {strides = array<i32>} : memref<80xi32, #tpu.memory_space<vmem>>, vector<16xi32>,
    %add3A_217 = arith.constant 0 : i32
    %add3A_218 = arith.addi %mul3A_136, %add3A_217 : i32
    %add3A_219 = vector.broadcast %add3A_218 : i32 to vector<16xi32>
    %add3A_220 = arith.addi %get3A_216, %add3A_219 : vector<16xi32>
    %swap3A_221 = arith.constant 0 : i32
    %swap3A_222 = arith.index_cast %swap3A_221 : i32 to index
    %swap3A_223 = arith.constant 48 : index
    %swap3A_224 = tpu.vector_load %arg17[%swap3A_222, %swap3A_223] {strides = array<i32>} : memref<4x80xi32, #tpu.memory_space<vmem>>, vector<16xi32>,
    tpu.vector_store %arg17[%swap3A_222, %swap3A_223], %add3A_220 {strides = array<i32>} : memref<4x80xi32, #tpu.memory_space<vmem>>, vector<16xi32>,
    %get3A_225 = arith.constant 64 : index
    %get3A_226 = tpu.vector_load %arg18[%get3A_225] {strides = array<i32>} : memref<80xi32, #tpu.memory_space<vmem>>, vector<16xi32>,
    %add3A_227 = arith.constant 0 : i32
    %add3A_228 = arith.addi %mul3A_136, %add3A_227 : i32
    %add3A_229 = vector.broadcast %add3A_228 : i32 to vector<16xi32>
    %add3A_230 = arith.addi %get3A_226, %add3A_229 : vector<16xi32>
    %swap3A_231 = arith.constant 0 : i32
    %swap3A_232 = arith.index_cast %swap3A_231 : i32 to index
    %swap3A_233 = arith.constant 64 : index
    %swap3A_234 = tpu.vector_load %arg17[%swap3A_232, %swap3A_233] {strides = array<i32>} : memref<4x80xi32, #tpu.memory_space<vmem>>, vector<16xi32>,
    tpu.vector_store %arg17[%swap3A_232, %swap3A_233], %add3A_230 {strides = array<i32>} : memref<4x80xi32, #tpu.memory_space<vmem>>, vector<16xi32>,
    %dma_start3A_235 = arith.constant 0 : i32
    %dma_start3A_236 = arith.constant 0 : i32
    %dma_start3A_237 = arith.constant 0 : i32
    %dma_start3A_238 = tpu.memref_slice %arg16[%dma_start3A_235, %dma_start3A_236, %dma_start3A_237] : memref<4x80x128xf32, #tpu.memory_space<vmem>> -> memref<1x80x128xf32, #tpu.memory_space<vmem>>
    %dma_start3A_239 = tpu.memref_squeeze %dma_start3A_238 : memref<1x80x128xf32, #tpu.memory_space<vmem>> -> memref<80x128xf32, #tpu.memory_space<vmem>>
    %dma_start3A_240 = arith.constant 0 : i32
    %dma_start3A_241 = tpu.memref_slice %arg15[%dma_start3A_240] : memref<8000xi32, #tpu.memory_space<vmem>> -> memref<80xi32, #tpu.memory_space<vmem>>
    %dma_start3A_242 = arith.constant 0 : i32
    %dma_start3A_243 = arith.constant 0 : i32
    %dma_start3A_244 = tpu.memref_slice %arg3[%dma_start3A_242, %dma_start3A_243] : memref<100000x128xf32, #tpu.memory_space<hbm>> -> memref<100000x128xf32, #tpu.memory_space<hbm>>
    tpu.enqueue_indirect_dma source(%dma_start3A_244 : memref<100000x128xf32, #tpu.memory_space<hbm>>) target(%dma_start3A_239 : memref<80x128xf32, #tpu.memory_space<vmem>>) offsets(%dma_start3A_241 : memref<80xi32, #tpu.memory_space<vmem>>) semaphore(%arg22 : memref<!tpu.dma_semaphore, #tpu.memory_space<semaphore_mem>>)
    %get3A_245 = arith.constant 0 : index
    %get3A_246 = tpu.vector_load %arg18[%get3A_245] {strides = array<i32>} : memref<80xi32, #tpu.memory_space<vmem>>, vector<16xi32>,
    %add3A_247 = arith.constant 8 : i32
    %add3A_248 = arith.addi %mul3A_136, %add3A_247 : i32
    %add3A_249 = vector.broadcast %add3A_248 : i32 to vector<16xi32>
    %add3A_250 = arith.addi %get3A_246, %add3A_249 : vector<16xi32>
    %swap3A_251 = arith.constant 1 : i32
    %swap3A_252 = arith.index_cast %swap3A_251 : i32 to index
    %swap3A_253 = arith.constant 0 : index
    %swap3A_254 = tpu.vector_load %arg17[%swap3A_252, %swap3A_253] {strides = array<i32>} : memref<4x80xi32, #tpu.memory_space<vmem>>, vector<16xi32>,
    tpu.vector_store %arg17[%swap3A_252, %swap3A_253], %add3A_250 {strides = array<i32>} : memref<4x80xi32, #tpu.memory_space<vmem>>, vector<16xi32>,
    %get3A_255 = arith.constant 16 : index
    %get3A_256 = tpu.vector_load %arg18[%get3A_255] {strides = array<i32>} : memref<80xi32, #tpu.memory_space<vmem>>, vector<16xi32>,
    %add3A_257 = arith.constant 8 : i32
    %add3A_258 = arith.addi %mul3A_136, %add3A_257 : i32
    %add3A_259 = vector.broadcast %add3A_258 : i32 to vector<16xi32>
    %add3A_260 = arith.addi %get3A_256, %add3A_259 : vector<16xi32>
    %swap3A_261 = arith.constant 1 : i32
    %swap3A_262 = arith.index_cast %swap3A_261 : i32 to index
    %swap3A_263 = arith.constant 16 : index
    %swap3A_264 = tpu.vector_load %arg17[%swap3A_262, %swap3A_263] {strides = array<i32>} : memref<4x80xi32, #tpu.memory_space<vmem>>, vector<16xi32>,
    tpu.vector_store %arg17[%swap3A_262, %swap3A_263], %add3A_260 {strides = array<i32>} : memref<4x80xi32, #tpu.memory_space<vmem>>, vector<16xi32>,
    %get3A_265 = arith.constant 32 : index
    %get3A_266 = tpu.vector_load %arg18[%get3A_265] {strides = array<i32>} : memref<80xi32, #tpu.memory_space<vmem>>, vector<16xi32>,
    %add3A_267 = arith.constant 8 : i32
    %add3A_268 = arith.addi %mul3A_136, %add3A_267 : i32
    %add3A_269 = vector.broadcast %add3A_268 : i32 to vector<16xi32>
    %add3A_270 = arith.addi %get3A_266, %add3A_269 : vector<16xi32>
    %swap3A_271 = arith.constant 1 : i32
    %swap3A_272 = arith.index_cast %swap3A_271 : i32 to index
    %swap3A_273 = arith.constant 32 : index
    %swap3A_274 = tpu.vector_load %arg17[%swap3A_272, %swap3A_273] {strides = array<i32>} : memref<4x80xi32, #tpu.memory_space<vmem>>, vector<16xi32>,
    tpu.vector_store %arg17[%swap3A_272, %swap3A_273], %add3A_270 {strides = array<i32>} : memref<4x80xi32, #tpu.memory_space<vmem>>, vector<16xi32>,
    %get3A_275 = arith.constant 48 : index
    %get3A_276 = tpu.vector_load %arg18[%get3A_275] {strides = array<i32>} : memref<80xi32, #tpu.memory_space<vmem>>, vector<16xi32>,
    %add3A_277 = arith.constant 8 : i32
    %add3A_278 = arith.addi %mul3A_136, %add3A_277 : i32
    %add3A_279 = vector.broadcast %add3A_278 : i32 to vector<16xi32>
    %add3A_280 = arith.addi %get3A_276, %add3A_279 : vector<16xi32>
    %swap3A_281 = arith.constant 1 : i32
    %swap3A_282 = arith.index_cast %swap3A_281 : i32 to index
    %swap3A_283 = arith.constant 48 : index
    %swap3A_284 = tpu.vector_load %arg17[%swap3A_282, %swap3A_283] {strides = array<i32>} : memref<4x80xi32, #tpu.memory_space<vmem>>, vector<16xi32>,
    tpu.vector_store %arg17[%swap3A_282, %swap3A_283], %add3A_280 {strides = array<i32>} : memref<4x80xi32, #tpu.memory_space<vmem>>, vector<16xi32>,
    %get3A_285 = arith.constant 64 : index
    %get3A_286 = tpu.vector_load %arg18[%get3A_285] {strides = array<i32>} : memref<80xi32, #tpu.memory_space<vmem>>, vector<16xi32>,
    %add3A_287 = arith.constant 8 : i32
    %add3A_288 = arith.addi %mul3A_136, %add3A_287 : i32
    %add3A_289 = vector.broadcast %add3A_288 : i32 to vector<16xi32>
    %add3A_290 = arith.addi %get3A_286, %add3A_289 : vector<16xi32>
    %swap3A_291 = arith.constant 1 : i32
    %swap3A_292 = arith.index_cast %swap3A_291 : i32 to index
    %swap3A_293 = arith.constant 64 : index
    %swap3A_294 = tpu.vector_load %arg17[%swap3A_292, %swap3A_293] {strides = array<i32>} : memref<4x80xi32, #tpu.memory_space<vmem>>, vector<16xi32>,
    tpu.vector_store %arg17[%swap3A_292, %swap3A_293], %add3A_290 {strides = array<i32>} : memref<4x80xi32, #tpu.memory_space<vmem>>, vector<16xi32>,
    %dma_start3A_295 = arith.constant 1 : i32
    %dma_start3A_296 = arith.constant 0 : i32
    %dma_start3A_297 = arith.constant 0 : i32
    %dma_start3A_298 = tpu.memref_slice %arg16[%dma_start3A_295, %dma_start3A_296, %dma_start3A_297] : memref<4x80x128xf32, #tpu.memory_space<vmem>> -> memref<1x80x128xf32, #tpu.memory_space<vmem>>
    %dma_start3A_299 = tpu.memref_squeeze %dma_start3A_298 : memref<1x80x128xf32, #tpu.memory_space<vmem>> -> memref<80x128xf32, #tpu.memory_space<vmem>>
    %dma_start3A_300 = arith.constant 80 : i32
    %dma_start3A_301 = tpu.memref_slice %arg15[%dma_start3A_300] : memref<8000xi32, #tpu.memory_space<vmem>> -> memref<80xi32, #tpu.memory_space<vmem>>
    %dma_start3A_302 = arith.constant 0 : i32
    %dma_start3A_303 = arith.constant 0 : i32
    %dma_start3A_304 = tpu.memref_slice %arg3[%dma_start3A_302, %dma_start3A_303] : memref<100000x128xf32, #tpu.memory_space<hbm>> -> memref<100000x128xf32, #tpu.memory_space<hbm>>
    tpu.enqueue_indirect_dma source(%dma_start3A_304 : memref<100000x128xf32, #tpu.memory_space<hbm>>) target(%dma_start3A_299 : memref<80x128xf32, #tpu.memory_space<vmem>>) offsets(%dma_start3A_301 : memref<80xi32, #tpu.memory_space<vmem>>) semaphore(%arg23 : memref<!tpu.dma_semaphore, #tpu.memory_space<semaphore_mem>>)
    %get3A_305 = arith.constant 0 : index
    %get3A_306 = tpu.vector_load %arg18[%get3A_305] {strides = array<i32>} : memref<80xi32, #tpu.memory_space<vmem>>, vector<16xi32>,
    %add3A_307 = arith.constant 16 : i32
    %add3A_308 = arith.addi %mul3A_136, %add3A_307 : i32
    %add3A_309 = vector.broadcast %add3A_308 : i32 to vector<16xi32>
    %add3A_310 = arith.addi %get3A_306, %add3A_309 : vector<16xi32>
    %swap3A_311 = arith.constant 2 : i32
    %swap3A_312 = arith.index_cast %swap3A_311 : i32 to index
    %swap3A_313 = arith.constant 0 : index
    %swap3A_314 = tpu.vector_load %arg17[%swap3A_312, %swap3A_313] {strides = array<i32>} : memref<4x80xi32, #tpu.memory_space<vmem>>, vector<16xi32>,
    tpu.vector_store %arg17[%swap3A_312, %swap3A_313], %add3A_310 {strides = array<i32>} : memref<4x80xi32, #tpu.memory_space<vmem>>, vector<16xi32>,
    %get3A_315 = arith.constant 16 : index
    %get3A_316 = tpu.vector_load %arg18[%get3A_315] {strides = array<i32>} : memref<80xi32, #tpu.memory_space<vmem>>, vector<16xi32>,
    %add3A_317 = arith.constant 16 : i32
    %add3A_318 = arith.addi %mul3A_136, %add3A_317 : i32
    %add3A_319 = vector.broadcast %add3A_318 : i32 to vector<16xi32>
    %add3A_320 = arith.addi %get3A_316, %add3A_319 : vector<16xi32>
    %swap3A_321 = arith.constant 2 : i32
    %swap3A_322 = arith.index_cast %swap3A_321 : i32 to index
    %swap3A_323 = arith.constant 16 : index
    %swap3A_324 = tpu.vector_load %arg17[%swap3A_322, %swap3A_323] {strides = array<i32>} : memref<4x80xi32, #tpu.memory_space<vmem>>, vector<16xi32>,
    tpu.vector_store %arg17[%swap3A_322, %swap3A_323], %add3A_320 {strides = array<i32>} : memref<4x80xi32, #tpu.memory_space<vmem>>, vector<16xi32>,
    %get3A_325 = arith.constant 32 : index
    %get3A_326 = tpu.vector_load %arg18[%get3A_325] {strides = array<i32>} : memref<80xi32, #tpu.memory_space<vmem>>, vector<16xi32>,
    %add3A_327 = arith.constant 16 : i32
    %add3A_328 = arith.addi %mul3A_136, %add3A_327 : i32
    %add3A_329 = vector.broadcast %add3A_328 : i32 to vector<16xi32>
    %add3A_330 = arith.addi %get3A_326, %add3A_329 : vector<16xi32>
    %swap3A_331 = arith.constant 2 : i32
    %swap3A_332 = arith.index_cast %swap3A_331 : i32 to index
    %swap3A_333 = arith.constant 32 : index
    %swap3A_334 = tpu.vector_load %arg17[%swap3A_332, %swap3A_333] {strides = array<i32>} : memref<4x80xi32, #tpu.memory_space<vmem>>, vector<16xi32>,
    tpu.vector_store %arg17[%swap3A_332, %swap3A_333], %add3A_330 {strides = array<i32>} : memref<4x80xi32, #tpu.memory_space<vmem>>, vector<16xi32>,
    %get3A_335 = arith.constant 48 : index
    %get3A_336 = tpu.vector_load %arg18[%get3A_335] {strides = array<i32>} : memref<80xi32, #tpu.memory_space<vmem>>, vector<16xi32>,
    %add3A_337 = arith.constant 16 : i32
    %add3A_338 = arith.addi %mul3A_136, %add3A_337 : i32
    %add3A_339 = vector.broadcast %add3A_338 : i32 to vector<16xi32>
    %add3A_340 = arith.addi %get3A_336, %add3A_339 : vector<16xi32>
    %swap3A_341 = arith.constant 2 : i32
    %swap3A_342 = arith.index_cast %swap3A_341 : i32 to index
    %swap3A_343 = arith.constant 48 : index
    %swap3A_344 = tpu.vector_load %arg17[%swap3A_342, %swap3A_343] {strides = array<i32>} : memref<4x80xi32, #tpu.memory_space<vmem>>, vector<16xi32>,
    tpu.vector_store %arg17[%swap3A_342, %swap3A_343], %add3A_340 {strides = array<i32>} : memref<4x80xi32, #tpu.memory_space<vmem>>, vector<16xi32>,
    %get3A_345 = arith.constant 64 : index
    %get3A_346 = tpu.vector_load %arg18[%get3A_345] {strides = array<i32>} : memref<80xi32, #tpu.memory_space<vmem>>, vector<16xi32>,
    %add3A_347 = arith.constant 16 : i32
    %add3A_348 = arith.addi %mul3A_136, %add3A_347 : i32
    %add3A_349 = vector.broadcast %add3A_348 : i32 to vector<16xi32>
    %add3A_350 = arith.addi %get3A_346, %add3A_349 : vector<16xi32>
    %swap3A_351 = arith.constant 2 : i32
    %swap3A_352 = arith.index_cast %swap3A_351 : i32 to index
    %swap3A_353 = arith.constant 64 : index
    %swap3A_354 = tpu.vector_load %arg17[%swap3A_352, %swap3A_353] {strides = array<i32>} : memref<4x80xi32, #tpu.memory_space<vmem>>, vector<16xi32>,
    tpu.vector_store %arg17[%swap3A_352, %swap3A_353], %add3A_350 {strides = array<i32>} : memref<4x80xi32, #tpu.memory_space<vmem>>, vector<16xi32>,
    %dma_start3A_355 = arith.constant 2 : i32
    %dma_start3A_356 = arith.constant 0 : i32
    %dma_start3A_357 = arith.constant 0 : i32
    %dma_start3A_358 = tpu.memref_slice %arg16[%dma_start3A_355, %dma_start3A_356, %dma_start3A_357] : memref<4x80x128xf32, #tpu.memory_space<vmem>> -> memref<1x80x128xf32, #tpu.memory_space<vmem>>
    %dma_start3A_359 = tpu.memref_squeeze %dma_start3A_358 : memref<1x80x128xf32, #tpu.memory_space<vmem>> -> memref<80x128xf32, #tpu.memory_space<vmem>>
    %dma_start3A_360 = arith.constant 160 : i32
    %dma_start3A_361 = tpu.memref_slice %arg15[%dma_start3A_360] : memref<8000xi32, #tpu.memory_space<vmem>> -> memref<80xi32, #tpu.memory_space<vmem>>
    %dma_start3A_362 = arith.constant 0 : i32
    %dma_start3A_363 = arith.constant 0 : i32
    %dma_start3A_364 = tpu.memref_slice %arg3[%dma_start3A_362, %dma_start3A_363] : memref<100000x128xf32, #tpu.memory_space<hbm>> -> memref<100000x128xf32, #tpu.memory_space<hbm>>
    tpu.enqueue_indirect_dma source(%dma_start3A_364 : memref<100000x128xf32, #tpu.memory_space<hbm>>) target(%dma_start3A_359 : memref<80x128xf32, #tpu.memory_space<vmem>>) offsets(%dma_start3A_361 : memref<80xi32, #tpu.memory_space<vmem>>) semaphore(%arg24 : memref<!tpu.dma_semaphore, #tpu.memory_space<semaphore_mem>>)
    %scan3A_365 = arith.constant 0 : i32
    %scan3A_366 = arith.constant 0 : i32
    %scan3A_367 = arith.constant 50 : i32
    %scan3A_368 = arith.addi %scan3A_366, %scan3A_367 : i32
    %scan3A_369 = arith.constant 1 : i32
    scf.for %scan3A_635 = %scan3A_366 to %scan3A_368 step %scan3A_369  : i32 {
      %and3A = arith.constant 3 : i32
      %and3A_636 = arith.andi %scan3A_635, %and3A : i32
      %add3A_637 = arith.constant 0 : i32
      %add3A_638 = arith.addi %add3A_637, %scan3A_635 : i32
      %eq3A = arith.constant 0 : i32
      %eq3A_639 = arith.cmpi eq, %and3A_636, %eq3A : i32
      %convert_element_type3A = arith.extui %eq3A_639 : i1 to i32
      %cond3A = arith.constant 0 : i32
      %cond3A_640 = arith.cmpi ne, %convert_element_type3A, %cond3A : i32
      scf.if %cond3A_640 {
        %mul3A_706 = arith.constant 80 : i32
        %mul3A_707 = arith.muli %add3A_638, %mul3A_706 : i32
        %dma_wait3A_708 = arith.constant 0 : i32
        %dma_wait3A_709 = arith.constant 0 : i32
        %dma_wait3A_710 = arith.constant 0 : i32
        %dma_wait3A_711 = tpu.memref_slice %arg16[%dma_wait3A_708, %dma_wait3A_709, %dma_wait3A_710] : memref<4x80x128xf32, #tpu.memory_space<vmem>> -> memref<1x80x128xf32, #tpu.memory_space<vmem>>
        %dma_wait3A_712 = tpu.memref_squeeze %dma_wait3A_711 : memref<1x80x128xf32, #tpu.memory_space<vmem>> -> memref<80x128xf32, #tpu.memory_space<vmem>>
        %dma_wait3A_713 = tpu.memref_slice %arg15[%mul3A_707] : memref<8000xi32, #tpu.memory_space<vmem>> -> memref<80xi32, #tpu.memory_space<vmem>>
        %dma_wait3A_714 = arith.constant 0 : i32
        %dma_wait3A_715 = arith.constant 0 : i32
        %dma_wait3A_716 = tpu.memref_slice %arg3[%dma_wait3A_714, %dma_wait3A_715] : memref<100000x128xf32, #tpu.memory_space<hbm>> -> memref<100000x128xf32, #tpu.memory_space<hbm>>
        tpu.wait_indirect_dma semaphore(%arg22 : memref<!tpu.dma_semaphore, #tpu.memory_space<semaphore_mem>>) src(%dma_wait3A_716 : memref<100000x128xf32, #tpu.memory_space<hbm>>) dst(%dma_wait3A_712 : memref<80x128xf32, #tpu.memory_space<vmem>>)
      } else {
      }
      %eq3A_641 = arith.constant 1 : i32
      %eq3A_642 = arith.cmpi eq, %and3A_636, %eq3A_641 : i32
      %convert_element_type3A_643 = arith.extui %eq3A_642 : i1 to i32
      %cond3A_644 = arith.constant 0 : i32
      %cond3A_645 = arith.cmpi ne, %convert_element_type3A_643, %cond3A_644 : i32
      scf.if %cond3A_645 {
        %mul3A_706 = arith.constant 80 : i32
        %mul3A_707 = arith.muli %add3A_638, %mul3A_706 : i32
        %dma_wait3A_708 = arith.constant 1 : i32
        %dma_wait3A_709 = arith.constant 0 : i32
        %dma_wait3A_710 = arith.constant 0 : i32
        %dma_wait3A_711 = tpu.memref_slice %arg16[%dma_wait3A_708, %dma_wait3A_709, %dma_wait3A_710] : memref<4x80x128xf32, #tpu.memory_space<vmem>> -> memref<1x80x128xf32, #tpu.memory_space<vmem>>
        %dma_wait3A_712 = tpu.memref_squeeze %dma_wait3A_711 : memref<1x80x128xf32, #tpu.memory_space<vmem>> -> memref<80x128xf32, #tpu.memory_space<vmem>>
        %dma_wait3A_713 = tpu.memref_slice %arg15[%mul3A_707] : memref<8000xi32, #tpu.memory_space<vmem>> -> memref<80xi32, #tpu.memory_space<vmem>>
        %dma_wait3A_714 = arith.constant 0 : i32
        %dma_wait3A_715 = arith.constant 0 : i32
        %dma_wait3A_716 = tpu.memref_slice %arg3[%dma_wait3A_714, %dma_wait3A_715] : memref<100000x128xf32, #tpu.memory_space<hbm>> -> memref<100000x128xf32, #tpu.memory_space<hbm>>
        tpu.wait_indirect_dma semaphore(%arg23 : memref<!tpu.dma_semaphore, #tpu.memory_space<semaphore_mem>>) src(%dma_wait3A_716 : memref<100000x128xf32, #tpu.memory_space<hbm>>) dst(%dma_wait3A_712 : memref<80x128xf32, #tpu.memory_space<vmem>>)
      } else {
      }
      %eq3A_646 = arith.constant 2 : i32
      %eq3A_647 = arith.cmpi eq, %and3A_636, %eq3A_646 : i32
      %convert_element_type3A_648 = arith.extui %eq3A_647 : i1 to i32
      %cond3A_649 = arith.constant 0 : i32
      %cond3A_650 = arith.cmpi ne, %convert_element_type3A_648, %cond3A_649 : i32
      scf.if %cond3A_650 {
        %mul3A_706 = arith.constant 80 : i32
        %mul3A_707 = arith.muli %add3A_638, %mul3A_706 : i32
        %dma_wait3A_708 = arith.constant 2 : i32
        %dma_wait3A_709 = arith.constant 0 : i32
        %dma_wait3A_710 = arith.constant 0 : i32
        %dma_wait3A_711 = tpu.memref_slice %arg16[%dma_wait3A_708, %dma_wait3A_709, %dma_wait3A_710] : memref<4x80x128xf32, #tpu.memory_space<vmem>> -> memref<1x80x128xf32, #tpu.memory_space<vmem>>
        %dma_wait3A_712 = tpu.memref_squeeze %dma_wait3A_711 : memref<1x80x128xf32, #tpu.memory_space<vmem>> -> memref<80x128xf32, #tpu.memory_space<vmem>>
        %dma_wait3A_713 = tpu.memref_slice %arg15[%mul3A_707] : memref<8000xi32, #tpu.memory_space<vmem>> -> memref<80xi32, #tpu.memory_space<vmem>>
        %dma_wait3A_714 = arith.constant 0 : i32
        %dma_wait3A_715 = arith.constant 0 : i32
        %dma_wait3A_716 = tpu.memref_slice %arg3[%dma_wait3A_714, %dma_wait3A_715] : memref<100000x128xf32, #tpu.memory_space<hbm>> -> memref<100000x128xf32, #tpu.memory_space<hbm>>
        tpu.wait_indirect_dma semaphore(%arg24 : memref<!tpu.dma_semaphore, #tpu.memory_space<semaphore_mem>>) src(%dma_wait3A_716 : memref<100000x128xf32, #tpu.memory_space<hbm>>) dst(%dma_wait3A_712 : memref<80x128xf32, #tpu.memory_space<vmem>>)
      } else {
      }
      %eq3A_651 = arith.constant 3 : i32
      %eq3A_652 = arith.cmpi eq, %and3A_636, %eq3A_651 : i32
      %convert_element_type3A_653 = arith.extui %eq3A_652 : i1 to i32
      %cond3A_654 = arith.constant 0 : i32
      %cond3A_655 = arith.cmpi ne, %convert_element_type3A_653, %cond3A_654 : i32
      scf.if %cond3A_655 {
        %mul3A_706 = arith.constant 80 : i32
        %mul3A_707 = arith.muli %add3A_638, %mul3A_706 : i32
        %dma_wait3A_708 = arith.constant 3 : i32
        %dma_wait3A_709 = arith.constant 0 : i32
        %dma_wait3A_710 = arith.constant 0 : i32
        %dma_wait3A_711 = tpu.memref_slice %arg16[%dma_wait3A_708, %dma_wait3A_709, %dma_wait3A_710] : memref<4x80x128xf32, #tpu.memory_space<vmem>> -> memref<1x80x128xf32, #tpu.memory_space<vmem>>
        %dma_wait3A_712 = tpu.memref_squeeze %dma_wait3A_711 : memref<1x80x128xf32, #tpu.memory_space<vmem>> -> memref<80x128xf32, #tpu.memory_space<vmem>>
        %dma_wait3A_713 = tpu.memref_slice %arg15[%mul3A_707] : memref<8000xi32, #tpu.memory_space<vmem>> -> memref<80xi32, #tpu.memory_space<vmem>>
        %dma_wait3A_714 = arith.constant 0 : i32
        %dma_wait3A_715 = arith.constant 0 : i32
        %dma_wait3A_716 = tpu.memref_slice %arg3[%dma_wait3A_714, %dma_wait3A_715] : memref<100000x128xf32, #tpu.memory_space<hbm>> -> memref<100000x128xf32, #tpu.memory_space<hbm>>
        tpu.wait_indirect_dma semaphore(%arg25 : memref<!tpu.dma_semaphore, #tpu.memory_space<semaphore_mem>>) src(%dma_wait3A_716 : memref<100000x128xf32, #tpu.memory_space<hbm>>) dst(%dma_wait3A_712 : memref<80x128xf32, #tpu.memory_space<vmem>>)
      } else {
      }
      %ge3A = arith.constant 1 : i32
      %ge3A_656 = arith.cmpi sge, %scan3A_635, %ge3A : i32
      %convert_element_type3A_657 = arith.extui %ge3A_656 : i1 to i32
      %cond3A_658 = arith.constant 0 : i32
      %cond3A_659 = arith.cmpi ne, %convert_element_type3A_657, %cond3A_658 : i32
      scf.if %cond3A_659 {
        %sub3A = arith.constant 1 : i32
        %sub3A_706 = arith.subi %scan3A_635, %sub3A : i32
        %and3A_707 = arith.constant 3 : i32
        %and3A_708 = arith.andi %sub3A_706, %and3A_707 : i32
        %eq3A_709 = arith.constant 0 : i32
        %eq3A_710 = arith.cmpi eq, %and3A_708, %eq3A_709 : i32
        %convert_element_type3A_711 = arith.extui %eq3A_710 : i1 to i32
        %cond3A_712 = arith.constant 0 : i32
        %cond3A_713 = arith.cmpi ne, %convert_element_type3A_711, %cond3A_712 : i32
        scf.if %cond3A_713 {
          %dma_wait3A_729 = arith.constant 0 : i32
          %dma_wait3A_730 = arith.constant 0 : i32
          %dma_wait3A_731 = arith.constant 0 : i32
          %dma_wait3A_732 = arith.constant 0 : i32
          %dma_wait3A_733 = tpu.memref_slice %arg16[%dma_wait3A_729, %dma_wait3A_731, %dma_wait3A_732] : memref<4x80x128xf32, #tpu.memory_space<vmem>> -> memref<1x80x128xf32, #tpu.memory_space<vmem>>
          %dma_wait3A_734 = tpu.memref_squeeze %dma_wait3A_733 : memref<1x80x128xf32, #tpu.memory_space<vmem>> -> memref<80x128xf32, #tpu.memory_space<vmem>>
          %dma_wait3A_735 = arith.constant 0 : i32
          %dma_wait3A_736 = tpu.memref_slice %arg17[%dma_wait3A_730, %dma_wait3A_735] : memref<4x80xi32, #tpu.memory_space<vmem>> -> memref<1x80xi32, #tpu.memory_space<vmem>>
          %dma_wait3A_737 = tpu.memref_squeeze %dma_wait3A_736 : memref<1x80xi32, #tpu.memory_space<vmem>> -> memref<80xi32, #tpu.memory_space<vmem>>
          %dma_wait3A_738 = arith.constant 0 : i32
          %dma_wait3A_739 = arith.constant 0 : i32
          %dma_wait3A_740 = tpu.memref_slice %arg19[%dma_wait3A_738, %dma_wait3A_739] : memref<6400x128xf32, #tpu.memory_space<vmem_shared>> -> memref<6400x128xf32, #tpu.memory_space<vmem_shared>>
          tpu.wait_indirect_dma semaphore(%arg26 : memref<!tpu.dma_semaphore, #tpu.memory_space<semaphore_mem>>) src(%dma_wait3A_734 : memref<80x128xf32, #tpu.memory_space<vmem>>) dst(%dma_wait3A_740 : memref<6400x128xf32, #tpu.memory_space<vmem_shared>>)
        } else {
        }
        %eq3A_714 = arith.constant 1 : i32
        %eq3A_715 = arith.cmpi eq, %and3A_708, %eq3A_714 : i32
        %convert_element_type3A_716 = arith.extui %eq3A_715 : i1 to i32
        %cond3A_717 = arith.constant 0 : i32
        %cond3A_718 = arith.cmpi ne, %convert_element_type3A_716, %cond3A_717 : i32
        scf.if %cond3A_718 {
          %dma_wait3A_729 = arith.constant 1 : i32
          %dma_wait3A_730 = arith.constant 1 : i32
          %dma_wait3A_731 = arith.constant 0 : i32
          %dma_wait3A_732 = arith.constant 0 : i32
          %dma_wait3A_733 = tpu.memref_slice %arg16[%dma_wait3A_729, %dma_wait3A_731, %dma_wait3A_732] : memref<4x80x128xf32, #tpu.memory_space<vmem>> -> memref<1x80x128xf32, #tpu.memory_space<vmem>>
          %dma_wait3A_734 = tpu.memref_squeeze %dma_wait3A_733 : memref<1x80x128xf32, #tpu.memory_space<vmem>> -> memref<80x128xf32, #tpu.memory_space<vmem>>
          %dma_wait3A_735 = arith.constant 0 : i32
          %dma_wait3A_736 = tpu.memref_slice %arg17[%dma_wait3A_730, %dma_wait3A_735] : memref<4x80xi32, #tpu.memory_space<vmem>> -> memref<1x80xi32, #tpu.memory_space<vmem>>
          %dma_wait3A_737 = tpu.memref_squeeze %dma_wait3A_736 : memref<1x80xi32, #tpu.memory_space<vmem>> -> memref<80xi32, #tpu.memory_space<vmem>>
          %dma_wait3A_738 = arith.constant 0 : i32
          %dma_wait3A_739 = arith.constant 0 : i32
          %dma_wait3A_740 = tpu.memref_slice %arg19[%dma_wait3A_738, %dma_wait3A_739] : memref<6400x128xf32, #tpu.memory_space<vmem_shared>> -> memref<6400x128xf32, #tpu.memory_space<vmem_shared>>
          tpu.wait_indirect_dma semaphore(%arg27 : memref<!tpu.dma_semaphore, #tpu.memory_space<semaphore_mem>>) src(%dma_wait3A_734 : memref<80x128xf32, #tpu.memory_space<vmem>>) dst(%dma_wait3A_740 : memref<6400x128xf32, #tpu.memory_space<vmem_shared>>)
        } else {
        }
        %eq3A_719 = arith.constant 2 : i32
        %eq3A_720 = arith.cmpi eq, %and3A_708, %eq3A_719 : i32
        %convert_element_type3A_721 = arith.extui %eq3A_720 : i1 to i32
        %cond3A_722 = arith.constant 0 : i32
        %cond3A_723 = arith.cmpi ne, %convert_element_type3A_721, %cond3A_722 : i32
        scf.if %cond3A_723 {
          %dma_wait3A_729 = arith.constant 2 : i32
          %dma_wait3A_730 = arith.constant 2 : i32
          %dma_wait3A_731 = arith.constant 0 : i32
          %dma_wait3A_732 = arith.constant 0 : i32
          %dma_wait3A_733 = tpu.memref_slice %arg16[%dma_wait3A_729, %dma_wait3A_731, %dma_wait3A_732] : memref<4x80x128xf32, #tpu.memory_space<vmem>> -> memref<1x80x128xf32, #tpu.memory_space<vmem>>
          %dma_wait3A_734 = tpu.memref_squeeze %dma_wait3A_733 : memref<1x80x128xf32, #tpu.memory_space<vmem>> -> memref<80x128xf32, #tpu.memory_space<vmem>>
          %dma_wait3A_735 = arith.constant 0 : i32
          %dma_wait3A_736 = tpu.memref_slice %arg17[%dma_wait3A_730, %dma_wait3A_735] : memref<4x80xi32, #tpu.memory_space<vmem>> -> memref<1x80xi32, #tpu.memory_space<vmem>>
          %dma_wait3A_737 = tpu.memref_squeeze %dma_wait3A_736 : memref<1x80xi32, #tpu.memory_space<vmem>> -> memref<80xi32, #tpu.memory_space<vmem>>
          %dma_wait3A_738 = arith.constant 0 : i32
          %dma_wait3A_739 = arith.constant 0 : i32
          %dma_wait3A_740 = tpu.memref_slice %arg19[%dma_wait3A_738, %dma_wait3A_739] : memref<6400x128xf32, #tpu.memory_space<vmem_shared>> -> memref<6400x128xf32, #tpu.memory_space<vmem_shared>>
          tpu.wait_indirect_dma semaphore(%arg28 : memref<!tpu.dma_semaphore, #tpu.memory_space<semaphore_mem>>) src(%dma_wait3A_734 : memref<80x128xf32, #tpu.memory_space<vmem>>) dst(%dma_wait3A_740 : memref<6400x128xf32, #tpu.memory_space<vmem_shared>>)
        } else {
        }
        %eq3A_724 = arith.constant 3 : i32
        %eq3A_725 = arith.cmpi eq, %and3A_708, %eq3A_724 : i32
        %convert_element_type3A_726 = arith.extui %eq3A_725 : i1 to i32
        %cond3A_727 = arith.constant 0 : i32
        %cond3A_728 = arith.cmpi ne, %convert_element_type3A_726, %cond3A_727 : i32
        scf.if %cond3A_728 {
          %dma_wait3A_729 = arith.constant 3 : i32
          %dma_wait3A_730 = arith.constant 3 : i32
          %dma_wait3A_731 = arith.constant 0 : i32
          %dma_wait3A_732 = arith.constant 0 : i32
          %dma_wait3A_733 = tpu.memref_slice %arg16[%dma_wait3A_729, %dma_wait3A_731, %dma_wait3A_732] : memref<4x80x128xf32, #tpu.memory_space<vmem>> -> memref<1x80x128xf32, #tpu.memory_space<vmem>>
          %dma_wait3A_734 = tpu.memref_squeeze %dma_wait3A_733 : memref<1x80x128xf32, #tpu.memory_space<vmem>> -> memref<80x128xf32, #tpu.memory_space<vmem>>
          %dma_wait3A_735 = arith.constant 0 : i32
          %dma_wait3A_736 = tpu.memref_slice %arg17[%dma_wait3A_730, %dma_wait3A_735] : memref<4x80xi32, #tpu.memory_space<vmem>> -> memref<1x80xi32, #tpu.memory_space<vmem>>
          %dma_wait3A_737 = tpu.memref_squeeze %dma_wait3A_736 : memref<1x80xi32, #tpu.memory_space<vmem>> -> memref<80xi32, #tpu.memory_space<vmem>>
          %dma_wait3A_738 = arith.constant 0 : i32
          %dma_wait3A_739 = arith.constant 0 : i32
          %dma_wait3A_740 = tpu.memref_slice %arg19[%dma_wait3A_738, %dma_wait3A_739] : memref<6400x128xf32, #tpu.memory_space<vmem_shared>> -> memref<6400x128xf32, #tpu.memory_space<vmem_shared>>
          tpu.wait_indirect_dma semaphore(%arg29 : memref<!tpu.dma_semaphore, #tpu.memory_space<semaphore_mem>>) src(%dma_wait3A_734 : memref<80x128xf32, #tpu.memory_space<vmem>>) dst(%dma_wait3A_740 : memref<6400x128xf32, #tpu.memory_space<vmem_shared>>)
        } else {
        }
      } else {
      }
      %add3A_660 = arith.constant 3 : i32
      %add3A_661 = arith.addi %scan3A_635, %add3A_660 : i32
      %lt3A = arith.constant 50 : i32
      %lt3A_662 = arith.cmpi slt, %add3A_661, %lt3A : i32
      %convert_element_type3A_663 = arith.extui %lt3A_662 : i1 to i32
      %cond3A_664 = arith.constant 0 : i32
      %cond3A_665 = arith.cmpi ne, %convert_element_type3A_663, %cond3A_664 : i32
      scf.if %cond3A_665 {
        %add3A_706 = arith.constant 3 : i32
        %add3A_707 = arith.addi %scan3A_635, %add3A_706 : i32
        %and3A_708 = arith.constant 3 : i32
        %and3A_709 = arith.andi %add3A_707, %and3A_708 : i32
        %eq3A_710 = arith.constant 0 : i32
        %eq3A_711 = arith.cmpi eq, %and3A_709, %eq3A_710 : i32
        %convert_element_type3A_712 = arith.extui %eq3A_711 : i1 to i32
        %cond3A_713 = arith.constant 0 : i32
        %cond3A_714 = arith.cmpi ne, %convert_element_type3A_712, %cond3A_713 : i32
        scf.if %cond3A_714 {
          %add3A_730 = arith.constant 3 : i32
          %add3A_731 = arith.addi %scan3A_635, %add3A_730 : i32
          %get3A_732 = arith.constant 0 : index
          %get3A_733 = tpu.vector_load %arg18[%get3A_732] {strides = array<i32>} : memref<80xi32, #tpu.memory_space<vmem>>, vector<16xi32>,
          %mul3A_734 = arith.constant 8 : i32
          %mul3A_735 = arith.muli %add3A_731, %mul3A_734 : i32
          %add3A_736 = arith.addi %mul3A_136, %mul3A_735 : i32
          %add3A_737 = vector.broadcast %add3A_736 : i32 to vector<16xi32>
          %add3A_738 = arith.addi %get3A_733, %add3A_737 : vector<16xi32>
          %swap3A_739 = arith.constant 0 : i32
          %swap3A_740 = arith.index_cast %swap3A_739 : i32 to index
          %swap3A_741 = arith.constant 0 : index
          %swap3A_742 = tpu.vector_load %arg17[%swap3A_740, %swap3A_741] {strides = array<i32>} : memref<4x80xi32, #tpu.memory_space<vmem>>, vector<16xi32>,
          tpu.vector_store %arg17[%swap3A_740, %swap3A_741], %add3A_738 {strides = array<i32>} : memref<4x80xi32, #tpu.memory_space<vmem>>, vector<16xi32>,
          %get3A_743 = arith.constant 16 : index
          %get3A_744 = tpu.vector_load %arg18[%get3A_743] {strides = array<i32>} : memref<80xi32, #tpu.memory_space<vmem>>, vector<16xi32>,
          %mul3A_745 = arith.constant 8 : i32
          %mul3A_746 = arith.muli %add3A_731, %mul3A_745 : i32
          %add3A_747 = arith.addi %mul3A_136, %mul3A_746 : i32
          %add3A_748 = vector.broadcast %add3A_747 : i32 to vector<16xi32>
          %add3A_749 = arith.addi %get3A_744, %add3A_748 : vector<16xi32>
          %swap3A_750 = arith.constant 0 : i32
          %swap3A_751 = arith.index_cast %swap3A_750 : i32 to index
          %swap3A_752 = arith.constant 16 : index
          %swap3A_753 = tpu.vector_load %arg17[%swap3A_751, %swap3A_752] {strides = array<i32>} : memref<4x80xi32, #tpu.memory_space<vmem>>, vector<16xi32>,
          tpu.vector_store %arg17[%swap3A_751, %swap3A_752], %add3A_749 {strides = array<i32>} : memref<4x80xi32, #tpu.memory_space<vmem>>, vector<16xi32>,
          %get3A_754 = arith.constant 32 : index
          %get3A_755 = tpu.vector_load %arg18[%get3A_754] {strides = array<i32>} : memref<80xi32, #tpu.memory_space<vmem>>, vector<16xi32>,
          %mul3A_756 = arith.constant 8 : i32
          %mul3A_757 = arith.muli %add3A_731, %mul3A_756 : i32
          %add3A_758 = arith.addi %mul3A_136, %mul3A_757 : i32
          %add3A_759 = vector.broadcast %add3A_758 : i32 to vector<16xi32>
          %add3A_760 = arith.addi %get3A_755, %add3A_759 : vector<16xi32>
          %swap3A_761 = arith.constant 0 : i32
          %swap3A_762 = arith.index_cast %swap3A_761 : i32 to index
          %swap3A_763 = arith.constant 32 : index
          %swap3A_764 = tpu.vector_load %arg17[%swap3A_762, %swap3A_763] {strides = array<i32>} : memref<4x80xi32, #tpu.memory_space<vmem>>, vector<16xi32>,
          tpu.vector_store %arg17[%swap3A_762, %swap3A_763], %add3A_760 {strides = array<i32>} : memref<4x80xi32, #tpu.memory_space<vmem>>, vector<16xi32>,
          %get3A_765 = arith.constant 48 : index
          %get3A_766 = tpu.vector_load %arg18[%get3A_765] {strides = array<i32>} : memref<80xi32, #tpu.memory_space<vmem>>, vector<16xi32>,
          %mul3A_767 = arith.constant 8 : i32
          %mul3A_768 = arith.muli %add3A_731, %mul3A_767 : i32
          %add3A_769 = arith.addi %mul3A_136, %mul3A_768 : i32
          %add3A_770 = vector.broadcast %add3A_769 : i32 to vector<16xi32>
          %add3A_771 = arith.addi %get3A_766, %add3A_770 : vector<16xi32>
          %swap3A_772 = arith.constant 0 : i32
          %swap3A_773 = arith.index_cast %swap3A_772 : i32 to index
          %swap3A_774 = arith.constant 48 : index
          %swap3A_775 = tpu.vector_load %arg17[%swap3A_773, %swap3A_774] {strides = array<i32>} : memref<4x80xi32, #tpu.memory_space<vmem>>, vector<16xi32>,
          tpu.vector_store %arg17[%swap3A_773, %swap3A_774], %add3A_771 {strides = array<i32>} : memref<4x80xi32, #tpu.memory_space<vmem>>, vector<16xi32>,
          %get3A_776 = arith.constant 64 : index
          %get3A_777 = tpu.vector_load %arg18[%get3A_776] {strides = array<i32>} : memref<80xi32, #tpu.memory_space<vmem>>, vector<16xi32>,
          %mul3A_778 = arith.constant 8 : i32
          %mul3A_779 = arith.muli %add3A_731, %mul3A_778 : i32
          %add3A_780 = arith.addi %mul3A_136, %mul3A_779 : i32
          %add3A_781 = vector.broadcast %add3A_780 : i32 to vector<16xi32>
          %add3A_782 = arith.addi %get3A_777, %add3A_781 : vector<16xi32>
          %swap3A_783 = arith.constant 0 : i32
          %swap3A_784 = arith.index_cast %swap3A_783 : i32 to index
          %swap3A_785 = arith.constant 64 : index
          %swap3A_786 = tpu.vector_load %arg17[%swap3A_784, %swap3A_785] {strides = array<i32>} : memref<4x80xi32, #tpu.memory_space<vmem>>, vector<16xi32>,
          tpu.vector_store %arg17[%swap3A_784, %swap3A_785], %add3A_782 {strides = array<i32>} : memref<4x80xi32, #tpu.memory_space<vmem>>, vector<16xi32>,
          %add3A_787 = arith.constant 3 : i32
          %add3A_788 = arith.addi %add3A_638, %add3A_787 : i32
          %mul3A_789 = arith.constant 80 : i32
          %mul3A_790 = arith.muli %add3A_788, %mul3A_789 : i32
          %dma_start3A_791 = arith.constant 0 : i32
          %dma_start3A_792 = arith.constant 0 : i32
          %dma_start3A_793 = arith.constant 0 : i32
          %dma_start3A_794 = tpu.memref_slice %arg16[%dma_start3A_791, %dma_start3A_792, %dma_start3A_793] : memref<4x80x128xf32, #tpu.memory_space<vmem>> -> memref<1x80x128xf32, #tpu.memory_space<vmem>>
          %dma_start3A_795 = tpu.memref_squeeze %dma_start3A_794 : memref<1x80x128xf32, #tpu.memory_space<vmem>> -> memref<80x128xf32, #tpu.memory_space<vmem>>
          %dma_start3A_796 = tpu.memref_slice %arg15[%mul3A_790] : memref<8000xi32, #tpu.memory_space<vmem>> -> memref<80xi32, #tpu.memory_space<vmem>>
          %dma_start3A_797 = arith.constant 0 : i32
          %dma_start3A_798 = arith.constant 0 : i32
          %dma_start3A_799 = tpu.memref_slice %arg3[%dma_start3A_797, %dma_start3A_798] : memref<100000x128xf32, #tpu.memory_space<hbm>> -> memref<100000x128xf32, #tpu.memory_space<hbm>>
          tpu.enqueue_indirect_dma source(%dma_start3A_799 : memref<100000x128xf32, #tpu.memory_space<hbm>>) target(%dma_start3A_795 : memref<80x128xf32, #tpu.memory_space<vmem>>) offsets(%dma_start3A_796 : memref<80xi32, #tpu.memory_space<vmem>>) semaphore(%arg22 : memref<!tpu.dma_semaphore, #tpu.memory_space<semaphore_mem>>)
        } else {
        }
        %eq3A_715 = arith.constant 1 : i32
        %eq3A_716 = arith.cmpi eq, %and3A_709, %eq3A_715 : i32
        %convert_element_type3A_717 = arith.extui %eq3A_716 : i1 to i32
        %cond3A_718 = arith.constant 0 : i32
        %cond3A_719 = arith.cmpi ne, %convert_element_type3A_717, %cond3A_718 : i32
        scf.if %cond3A_719 {
          %add3A_730 = arith.constant 3 : i32
          %add3A_731 = arith.addi %scan3A_635, %add3A_730 : i32
          %get3A_732 = arith.constant 0 : index
          %get3A_733 = tpu.vector_load %arg18[%get3A_732] {strides = array<i32>} : memref<80xi32, #tpu.memory_space<vmem>>, vector<16xi32>,
          %mul3A_734 = arith.constant 8 : i32
          %mul3A_735 = arith.muli %add3A_731, %mul3A_734 : i32
          %add3A_736 = arith.addi %mul3A_136, %mul3A_735 : i32
          %add3A_737 = vector.broadcast %add3A_736 : i32 to vector<16xi32>
          %add3A_738 = arith.addi %get3A_733, %add3A_737 : vector<16xi32>
          %swap3A_739 = arith.constant 1 : i32
          %swap3A_740 = arith.index_cast %swap3A_739 : i32 to index
          %swap3A_741 = arith.constant 0 : index
          %swap3A_742 = tpu.vector_load %arg17[%swap3A_740, %swap3A_741] {strides = array<i32>} : memref<4x80xi32, #tpu.memory_space<vmem>>, vector<16xi32>,
          tpu.vector_store %arg17[%swap3A_740, %swap3A_741], %add3A_738 {strides = array<i32>} : memref<4x80xi32, #tpu.memory_space<vmem>>, vector<16xi32>,
          %get3A_743 = arith.constant 16 : index
          %get3A_744 = tpu.vector_load %arg18[%get3A_743] {strides = array<i32>} : memref<80xi32, #tpu.memory_space<vmem>>, vector<16xi32>,
          %mul3A_745 = arith.constant 8 : i32
          %mul3A_746 = arith.muli %add3A_731, %mul3A_745 : i32
          %add3A_747 = arith.addi %mul3A_136, %mul3A_746 : i32
          %add3A_748 = vector.broadcast %add3A_747 : i32 to vector<16xi32>
          %add3A_749 = arith.addi %get3A_744, %add3A_748 : vector<16xi32>
          %swap3A_750 = arith.constant 1 : i32
          %swap3A_751 = arith.index_cast %swap3A_750 : i32 to index
          %swap3A_752 = arith.constant 16 : index
          %swap3A_753 = tpu.vector_load %arg17[%swap3A_751, %swap3A_752] {strides = array<i32>} : memref<4x80xi32, #tpu.memory_space<vmem>>, vector<16xi32>,
          tpu.vector_store %arg17[%swap3A_751, %swap3A_752], %add3A_749 {strides = array<i32>} : memref<4x80xi32, #tpu.memory_space<vmem>>, vector<16xi32>,
          %get3A_754 = arith.constant 32 : index
          %get3A_755 = tpu.vector_load %arg18[%get3A_754] {strides = array<i32>} : memref<80xi32, #tpu.memory_space<vmem>>, vector<16xi32>,
          %mul3A_756 = arith.constant 8 : i32
          %mul3A_757 = arith.muli %add3A_731, %mul3A_756 : i32
          %add3A_758 = arith.addi %mul3A_136, %mul3A_757 : i32
          %add3A_759 = vector.broadcast %add3A_758 : i32 to vector<16xi32>
          %add3A_760 = arith.addi %get3A_755, %add3A_759 : vector<16xi32>
          %swap3A_761 = arith.constant 1 : i32
          %swap3A_762 = arith.index_cast %swap3A_761 : i32 to index
          %swap3A_763 = arith.constant 32 : index
          %swap3A_764 = tpu.vector_load %arg17[%swap3A_762, %swap3A_763] {strides = array<i32>} : memref<4x80xi32, #tpu.memory_space<vmem>>, vector<16xi32>,
          tpu.vector_store %arg17[%swap3A_762, %swap3A_763], %add3A_760 {strides = array<i32>} : memref<4x80xi32, #tpu.memory_space<vmem>>, vector<16xi32>,
          %get3A_765 = arith.constant 48 : index
          %get3A_766 = tpu.vector_load %arg18[%get3A_765] {strides = array<i32>} : memref<80xi32, #tpu.memory_space<vmem>>, vector<16xi32>,
          %mul3A_767 = arith.constant 8 : i32
          %mul3A_768 = arith.muli %add3A_731, %mul3A_767 : i32
          %add3A_769 = arith.addi %mul3A_136, %mul3A_768 : i32
          %add3A_770 = vector.broadcast %add3A_769 : i32 to vector<16xi32>
          %add3A_771 = arith.addi %get3A_766, %add3A_770 : vector<16xi32>
          %swap3A_772 = arith.constant 1 : i32
          %swap3A_773 = arith.index_cast %swap3A_772 : i32 to index
          %swap3A_774 = arith.constant 48 : index
          %swap3A_775 = tpu.vector_load %arg17[%swap3A_773, %swap3A_774] {strides = array<i32>} : memref<4x80xi32, #tpu.memory_space<vmem>>, vector<16xi32>,
          tpu.vector_store %arg17[%swap3A_773, %swap3A_774], %add3A_771 {strides = array<i32>} : memref<4x80xi32, #tpu.memory_space<vmem>>, vector<16xi32>,
          %get3A_776 = arith.constant 64 : index
          %get3A_777 = tpu.vector_load %arg18[%get3A_776] {strides = array<i32>} : memref<80xi32, #tpu.memory_space<vmem>>, vector<16xi32>,
          %mul3A_778 = arith.constant 8 : i32
          %mul3A_779 = arith.muli %add3A_731, %mul3A_778 : i32
          %add3A_780 = arith.addi %mul3A_136, %mul3A_779 : i32
          %add3A_781 = vector.broadcast %add3A_780 : i32 to vector<16xi32>
          %add3A_782 = arith.addi %get3A_777, %add3A_781 : vector<16xi32>
          %swap3A_783 = arith.constant 1 : i32
          %swap3A_784 = arith.index_cast %swap3A_783 : i32 to index
          %swap3A_785 = arith.constant 64 : index
          %swap3A_786 = tpu.vector_load %arg17[%swap3A_784, %swap3A_785] {strides = array<i32>} : memref<4x80xi32, #tpu.memory_space<vmem>>, vector<16xi32>,
          tpu.vector_store %arg17[%swap3A_784, %swap3A_785], %add3A_782 {strides = array<i32>} : memref<4x80xi32, #tpu.memory_space<vmem>>, vector<16xi32>,
          %add3A_787 = arith.constant 3 : i32
          %add3A_788 = arith.addi %add3A_638, %add3A_787 : i32
          %mul3A_789 = arith.constant 80 : i32
          %mul3A_790 = arith.muli %add3A_788, %mul3A_789 : i32
          %dma_start3A_791 = arith.constant 1 : i32
          %dma_start3A_792 = arith.constant 0 : i32
          %dma_start3A_793 = arith.constant 0 : i32
          %dma_start3A_794 = tpu.memref_slice %arg16[%dma_start3A_791, %dma_start3A_792, %dma_start3A_793] : memref<4x80x128xf32, #tpu.memory_space<vmem>> -> memref<1x80x128xf32, #tpu.memory_space<vmem>>
          %dma_start3A_795 = tpu.memref_squeeze %dma_start3A_794 : memref<1x80x128xf32, #tpu.memory_space<vmem>> -> memref<80x128xf32, #tpu.memory_space<vmem>>
          %dma_start3A_796 = tpu.memref_slice %arg15[%mul3A_790] : memref<8000xi32, #tpu.memory_space<vmem>> -> memref<80xi32, #tpu.memory_space<vmem>>
          %dma_start3A_797 = arith.constant 0 : i32
          %dma_start3A_798 = arith.constant 0 : i32
          %dma_start3A_799 = tpu.memref_slice %arg3[%dma_start3A_797, %dma_start3A_798] : memref<100000x128xf32, #tpu.memory_space<hbm>> -> memref<100000x128xf32, #tpu.memory_space<hbm>>
          tpu.enqueue_indirect_dma source(%dma_start3A_799 : memref<100000x128xf32, #tpu.memory_space<hbm>>) target(%dma_start3A_795 : memref<80x128xf32, #tpu.memory_space<vmem>>) offsets(%dma_start3A_796 : memref<80xi32, #tpu.memory_space<vmem>>) semaphore(%arg23 : memref<!tpu.dma_semaphore, #tpu.memory_space<semaphore_mem>>)
        } else {
        }
        %eq3A_720 = arith.constant 2 : i32
        %eq3A_721 = arith.cmpi eq, %and3A_709, %eq3A_720 : i32
        %convert_element_type3A_722 = arith.extui %eq3A_721 : i1 to i32
        %cond3A_723 = arith.constant 0 : i32
        %cond3A_724 = arith.cmpi ne, %convert_element_type3A_722, %cond3A_723 : i32
        scf.if %cond3A_724 {
          %add3A_730 = arith.constant 3 : i32
          %add3A_731 = arith.addi %scan3A_635, %add3A_730 : i32
          %get3A_732 = arith.constant 0 : index
          %get3A_733 = tpu.vector_load %arg18[%get3A_732] {strides = array<i32>} : memref<80xi32, #tpu.memory_space<vmem>>, vector<16xi32>,
          %mul3A_734 = arith.constant 8 : i32
          %mul3A_735 = arith.muli %add3A_731, %mul3A_734 : i32
          %add3A_736 = arith.addi %mul3A_136, %mul3A_735 : i32
          %add3A_737 = vector.broadcast %add3A_736 : i32 to vector<16xi32>
          %add3A_738 = arith.addi %get3A_733, %add3A_737 : vector<16xi32>
          %swap3A_739 = arith.constant 2 : i32
          %swap3A_740 = arith.index_cast %swap3A_739 : i32 to index
          %swap3A_741 = arith.constant 0 : index
          %swap3A_742 = tpu.vector_load %arg17[%swap3A_740, %swap3A_741] {strides = array<i32>} : memref<4x80xi32, #tpu.memory_space<vmem>>, vector<16xi32>,
          tpu.vector_store %arg17[%swap3A_740, %swap3A_741], %add3A_738 {strides = array<i32>} : memref<4x80xi32, #tpu.memory_space<vmem>>, vector<16xi32>,
          %get3A_743 = arith.constant 16 : index
          %get3A_744 = tpu.vector_load %arg18[%get3A_743] {strides = array<i32>} : memref<80xi32, #tpu.memory_space<vmem>>, vector<16xi32>,
          %mul3A_745 = arith.constant 8 : i32
          %mul3A_746 = arith.muli %add3A_731, %mul3A_745 : i32
          %add3A_747 = arith.addi %mul3A_136, %mul3A_746 : i32
          %add3A_748 = vector.broadcast %add3A_747 : i32 to vector<16xi32>
          %add3A_749 = arith.addi %get3A_744, %add3A_748 : vector<16xi32>
          %swap3A_750 = arith.constant 2 : i32
          %swap3A_751 = arith.index_cast %swap3A_750 : i32 to index
          %swap3A_752 = arith.constant 16 : index
          %swap3A_753 = tpu.vector_load %arg17[%swap3A_751, %swap3A_752] {strides = array<i32>} : memref<4x80xi32, #tpu.memory_space<vmem>>, vector<16xi32>,
          tpu.vector_store %arg17[%swap3A_751, %swap3A_752], %add3A_749 {strides = array<i32>} : memref<4x80xi32, #tpu.memory_space<vmem>>, vector<16xi32>,
          %get3A_754 = arith.constant 32 : index
          %get3A_755 = tpu.vector_load %arg18[%get3A_754] {strides = array<i32>} : memref<80xi32, #tpu.memory_space<vmem>>, vector<16xi32>,
          %mul3A_756 = arith.constant 8 : i32
          %mul3A_757 = arith.muli %add3A_731, %mul3A_756 : i32
          %add3A_758 = arith.addi %mul3A_136, %mul3A_757 : i32
          %add3A_759 = vector.broadcast %add3A_758 : i32 to vector<16xi32>
          %add3A_760 = arith.addi %get3A_755, %add3A_759 : vector<16xi32>
          %swap3A_761 = arith.constant 2 : i32
          %swap3A_762 = arith.index_cast %swap3A_761 : i32 to index
          %swap3A_763 = arith.constant 32 : index
          %swap3A_764 = tpu.vector_load %arg17[%swap3A_762, %swap3A_763] {strides = array<i32>} : memref<4x80xi32, #tpu.memory_space<vmem>>, vector<16xi32>,
          tpu.vector_store %arg17[%swap3A_762, %swap3A_763], %add3A_760 {strides = array<i32>} : memref<4x80xi32, #tpu.memory_space<vmem>>, vector<16xi32>,
          %get3A_765 = arith.constant 48 : index
          %get3A_766 = tpu.vector_load %arg18[%get3A_765] {strides = array<i32>} : memref<80xi32, #tpu.memory_space<vmem>>, vector<16xi32>,
          %mul3A_767 = arith.constant 8 : i32
          %mul3A_768 = arith.muli %add3A_731, %mul3A_767 : i32
          %add3A_769 = arith.addi %mul3A_136, %mul3A_768 : i32
          %add3A_770 = vector.broadcast %add3A_769 : i32 to vector<16xi32>
          %add3A_771 = arith.addi %get3A_766, %add3A_770 : vector<16xi32>
          %swap3A_772 = arith.constant 2 : i32
          %swap3A_773 = arith.index_cast %swap3A_772 : i32 to index
          %swap3A_774 = arith.constant 48 : index
          %swap3A_775 = tpu.vector_load %arg17[%swap3A_773, %swap3A_774] {strides = array<i32>} : memref<4x80xi32, #tpu.memory_space<vmem>>, vector<16xi32>,
          tpu.vector_store %arg17[%swap3A_773, %swap3A_774], %add3A_771 {strides = array<i32>} : memref<4x80xi32, #tpu.memory_space<vmem>>, vector<16xi32>,
          %get3A_776 = arith.constant 64 : index
          %get3A_777 = tpu.vector_load %arg18[%get3A_776] {strides = array<i32>} : memref<80xi32, #tpu.memory_space<vmem>>, vector<16xi32>,
          %mul3A_778 = arith.constant 8 : i32
          %mul3A_779 = arith.muli %add3A_731, %mul3A_778 : i32
          %add3A_780 = arith.addi %mul3A_136, %mul3A_779 : i32
          %add3A_781 = vector.broadcast %add3A_780 : i32 to vector<16xi32>
          %add3A_782 = arith.addi %get3A_777, %add3A_781 : vector<16xi32>
          %swap3A_783 = arith.constant 2 : i32
          %swap3A_784 = arith.index_cast %swap3A_783 : i32 to index
          %swap3A_785 = arith.constant 64 : index
          %swap3A_786 = tpu.vector_load %arg17[%swap3A_784, %swap3A_785] {strides = array<i32>} : memref<4x80xi32, #tpu.memory_space<vmem>>, vector<16xi32>,
          tpu.vector_store %arg17[%swap3A_784, %swap3A_785], %add3A_782 {strides = array<i32>} : memref<4x80xi32, #tpu.memory_space<vmem>>, vector<16xi32>,
          %add3A_787 = arith.constant 3 : i32
          %add3A_788 = arith.addi %add3A_638, %add3A_787 : i32
          %mul3A_789 = arith.constant 80 : i32
          %mul3A_790 = arith.muli %add3A_788, %mul3A_789 : i32
          %dma_start3A_791 = arith.constant 2 : i32
          %dma_start3A_792 = arith.constant 0 : i32
          %dma_start3A_793 = arith.constant 0 : i32
          %dma_start3A_794 = tpu.memref_slice %arg16[%dma_start3A_791, %dma_start3A_792, %dma_start3A_793] : memref<4x80x128xf32, #tpu.memory_space<vmem>> -> memref<1x80x128xf32, #tpu.memory_space<vmem>>
          %dma_start3A_795 = tpu.memref_squeeze %dma_start3A_794 : memref<1x80x128xf32, #tpu.memory_space<vmem>> -> memref<80x128xf32, #tpu.memory_space<vmem>>
          %dma_start3A_796 = tpu.memref_slice %arg15[%mul3A_790] : memref<8000xi32, #tpu.memory_space<vmem>> -> memref<80xi32, #tpu.memory_space<vmem>>
          %dma_start3A_797 = arith.constant 0 : i32
          %dma_start3A_798 = arith.constant 0 : i32
          %dma_start3A_799 = tpu.memref_slice %arg3[%dma_start3A_797, %dma_start3A_798] : memref<100000x128xf32, #tpu.memory_space<hbm>> -> memref<100000x128xf32, #tpu.memory_space<hbm>>
          tpu.enqueue_indirect_dma source(%dma_start3A_799 : memref<100000x128xf32, #tpu.memory_space<hbm>>) target(%dma_start3A_795 : memref<80x128xf32, #tpu.memory_space<vmem>>) offsets(%dma_start3A_796 : memref<80xi32, #tpu.memory_space<vmem>>) semaphore(%arg24 : memref<!tpu.dma_semaphore, #tpu.memory_space<semaphore_mem>>)
        } else {
        }
        %eq3A_725 = arith.constant 3 : i32
        %eq3A_726 = arith.cmpi eq, %and3A_709, %eq3A_725 : i32
        %convert_element_type3A_727 = arith.extui %eq3A_726 : i1 to i32
        %cond3A_728 = arith.constant 0 : i32
        %cond3A_729 = arith.cmpi ne, %convert_element_type3A_727, %cond3A_728 : i32
        scf.if %cond3A_729 {
          %add3A_730 = arith.constant 3 : i32
          %add3A_731 = arith.addi %scan3A_635, %add3A_730 : i32
          %get3A_732 = arith.constant 0 : index
          %get3A_733 = tpu.vector_load %arg18[%get3A_732] {strides = array<i32>} : memref<80xi32, #tpu.memory_space<vmem>>, vector<16xi32>,
          %mul3A_734 = arith.constant 8 : i32
          %mul3A_735 = arith.muli %add3A_731, %mul3A_734 : i32
          %add3A_736 = arith.addi %mul3A_136, %mul3A_735 : i32
          %add3A_737 = vector.broadcast %add3A_736 : i32 to vector<16xi32>
          %add3A_738 = arith.addi %get3A_733, %add3A_737 : vector<16xi32>
          %swap3A_739 = arith.constant 3 : i32
          %swap3A_740 = arith.index_cast %swap3A_739 : i32 to index
          %swap3A_741 = arith.constant 0 : index
          %swap3A_742 = tpu.vector_load %arg17[%swap3A_740, %swap3A_741] {strides = array<i32>} : memref<4x80xi32, #tpu.memory_space<vmem>>, vector<16xi32>,
          tpu.vector_store %arg17[%swap3A_740, %swap3A_741], %add3A_738 {strides = array<i32>} : memref<4x80xi32, #tpu.memory_space<vmem>>, vector<16xi32>,
          %get3A_743 = arith.constant 16 : index
          %get3A_744 = tpu.vector_load %arg18[%get3A_743] {strides = array<i32>} : memref<80xi32, #tpu.memory_space<vmem>>, vector<16xi32>,
          %mul3A_745 = arith.constant 8 : i32
          %mul3A_746 = arith.muli %add3A_731, %mul3A_745 : i32
          %add3A_747 = arith.addi %mul3A_136, %mul3A_746 : i32
          %add3A_748 = vector.broadcast %add3A_747 : i32 to vector<16xi32>
          %add3A_749 = arith.addi %get3A_744, %add3A_748 : vector<16xi32>
          %swap3A_750 = arith.constant 3 : i32
          %swap3A_751 = arith.index_cast %swap3A_750 : i32 to index
          %swap3A_752 = arith.constant 16 : index
          %swap3A_753 = tpu.vector_load %arg17[%swap3A_751, %swap3A_752] {strides = array<i32>} : memref<4x80xi32, #tpu.memory_space<vmem>>, vector<16xi32>,
          tpu.vector_store %arg17[%swap3A_751, %swap3A_752], %add3A_749 {strides = array<i32>} : memref<4x80xi32, #tpu.memory_space<vmem>>, vector<16xi32>,
          %get3A_754 = arith.constant 32 : index
          %get3A_755 = tpu.vector_load %arg18[%get3A_754] {strides = array<i32>} : memref<80xi32, #tpu.memory_space<vmem>>, vector<16xi32>,
          %mul3A_756 = arith.constant 8 : i32
          %mul3A_757 = arith.muli %add3A_731, %mul3A_756 : i32
          %add3A_758 = arith.addi %mul3A_136, %mul3A_757 : i32
          %add3A_759 = vector.broadcast %add3A_758 : i32 to vector<16xi32>
          %add3A_760 = arith.addi %get3A_755, %add3A_759 : vector<16xi32>
          %swap3A_761 = arith.constant 3 : i32
          %swap3A_762 = arith.index_cast %swap3A_761 : i32 to index
          %swap3A_763 = arith.constant 32 : index
          %swap3A_764 = tpu.vector_load %arg17[%swap3A_762, %swap3A_763] {strides = array<i32>} : memref<4x80xi32, #tpu.memory_space<vmem>>, vector<16xi32>,
          tpu.vector_store %arg17[%swap3A_762, %swap3A_763], %add3A_760 {strides = array<i32>} : memref<4x80xi32, #tpu.memory_space<vmem>>, vector<16xi32>,
          %get3A_765 = arith.constant 48 : index
          %get3A_766 = tpu.vector_load %arg18[%get3A_765] {strides = array<i32>} : memref<80xi32, #tpu.memory_space<vmem>>, vector<16xi32>,
          %mul3A_767 = arith.constant 8 : i32
          %mul3A_768 = arith.muli %add3A_731, %mul3A_767 : i32
          %add3A_769 = arith.addi %mul3A_136, %mul3A_768 : i32
          %add3A_770 = vector.broadcast %add3A_769 : i32 to vector<16xi32>
          %add3A_771 = arith.addi %get3A_766, %add3A_770 : vector<16xi32>
          %swap3A_772 = arith.constant 3 : i32
          %swap3A_773 = arith.index_cast %swap3A_772 : i32 to index
          %swap3A_774 = arith.constant 48 : index
          %swap3A_775 = tpu.vector_load %arg17[%swap3A_773, %swap3A_774] {strides = array<i32>} : memref<4x80xi32, #tpu.memory_space<vmem>>, vector<16xi32>,
          tpu.vector_store %arg17[%swap3A_773, %swap3A_774], %add3A_771 {strides = array<i32>} : memref<4x80xi32, #tpu.memory_space<vmem>>, vector<16xi32>,
          %get3A_776 = arith.constant 64 : index
          %get3A_777 = tpu.vector_load %arg18[%get3A_776] {strides = array<i32>} : memref<80xi32, #tpu.memory_space<vmem>>, vector<16xi32>,
          %mul3A_778 = arith.constant 8 : i32
          %mul3A_779 = arith.muli %add3A_731, %mul3A_778 : i32
          %add3A_780 = arith.addi %mul3A_136, %mul3A_779 : i32
          %add3A_781 = vector.broadcast %add3A_780 : i32 to vector<16xi32>
          %add3A_782 = arith.addi %get3A_777, %add3A_781 : vector<16xi32>
          %swap3A_783 = arith.constant 3 : i32
          %swap3A_784 = arith.index_cast %swap3A_783 : i32 to index
          %swap3A_785 = arith.constant 64 : index
          %swap3A_786 = tpu.vector_load %arg17[%swap3A_784, %swap3A_785] {strides = array<i32>} : memref<4x80xi32, #tpu.memory_space<vmem>>, vector<16xi32>,
          tpu.vector_store %arg17[%swap3A_784, %swap3A_785], %add3A_782 {strides = array<i32>} : memref<4x80xi32, #tpu.memory_space<vmem>>, vector<16xi32>,
          %add3A_787 = arith.constant 3 : i32
          %add3A_788 = arith.addi %add3A_638, %add3A_787 : i32
          %mul3A_789 = arith.constant 80 : i32
          %mul3A_790 = arith.muli %add3A_788, %mul3A_789 : i32
          %dma_start3A_791 = arith.constant 3 : i32
          %dma_start3A_792 = arith.constant 0 : i32
          %dma_start3A_793 = arith.constant 0 : i32
          %dma_start3A_794 = tpu.memref_slice %arg16[%dma_start3A_791, %dma_start3A_792, %dma_start3A_793] : memref<4x80x128xf32, #tpu.memory_space<vmem>> -> memref<1x80x128xf32, #tpu.memory_space<vmem>>
          %dma_start3A_795 = tpu.memref_squeeze %dma_start3A_794 : memref<1x80x128xf32, #tpu.memory_space<vmem>> -> memref<80x128xf32, #tpu.memory_space<vmem>>
          %dma_start3A_796 = tpu.memref_slice %arg15[%mul3A_790] : memref<8000xi32, #tpu.memory_space<vmem>> -> memref<80xi32, #tpu.memory_space<vmem>>
          %dma_start3A_797 = arith.constant 0 : i32
          %dma_start3A_798 = arith.constant 0 : i32
          %dma_start3A_799 = tpu.memref_slice %arg3[%dma_start3A_797, %dma_start3A_798] : memref<100000x128xf32, #tpu.memory_space<hbm>> -> memref<100000x128xf32, #tpu.memory_space<hbm>>
          tpu.enqueue_indirect_dma source(%dma_start3A_799 : memref<100000x128xf32, #tpu.memory_space<hbm>>) target(%dma_start3A_795 : memref<80x128xf32, #tpu.memory_space<vmem>>) offsets(%dma_start3A_796 : memref<80xi32, #tpu.memory_space<vmem>>) semaphore(%arg25 : memref<!tpu.dma_semaphore, #tpu.memory_space<semaphore_mem>>)
        } else {
        }
      } else {
      }
      %eq3A_666 = arith.constant 0 : i32
      %eq3A_667 = arith.cmpi eq, %and3A_636, %eq3A_666 : i32
      %convert_element_type3A_668 = arith.extui %eq3A_667 : i1 to i32
      %cond3A_669 = arith.constant 0 : i32
      %cond3A_670 = arith.cmpi ne, %convert_element_type3A_668, %cond3A_669 : i32
      scf.if %cond3A_670 {
        %dma_start3A_706 = arith.constant 0 : i32
        %dma_start3A_707 = arith.constant 0 : i32
        %dma_start3A_708 = arith.constant 0 : i32
        %dma_start3A_709 = arith.constant 0 : i32
        %dma_start3A_710 = tpu.memref_slice %arg16[%dma_start3A_706, %dma_start3A_708, %dma_start3A_709] : memref<4x80x128xf32, #tpu.memory_space<vmem>> -> memref<1x80x128xf32, #tpu.memory_space<vmem>>
        %dma_start3A_711 = tpu.memref_squeeze %dma_start3A_710 : memref<1x80x128xf32, #tpu.memory_space<vmem>> -> memref<80x128xf32, #tpu.memory_space<vmem>>
        %dma_start3A_712 = arith.constant 0 : i32
        %dma_start3A_713 = tpu.memref_slice %arg17[%dma_start3A_707, %dma_start3A_712] : memref<4x80xi32, #tpu.memory_space<vmem>> -> memref<1x80xi32, #tpu.memory_space<vmem>>
        %dma_start3A_714 = tpu.memref_squeeze %dma_start3A_713 : memref<1x80xi32, #tpu.memory_space<vmem>> -> memref<80xi32, #tpu.memory_space<vmem>>
        %dma_start3A_715 = arith.constant 0 : i32
        %dma_start3A_716 = arith.constant 0 : i32
        %dma_start3A_717 = tpu.memref_slice %arg19[%dma_start3A_715, %dma_start3A_716] : memref<6400x128xf32, #tpu.memory_space<vmem_shared>> -> memref<6400x128xf32, #tpu.memory_space<vmem_shared>>
        tpu.enqueue_indirect_dma source(%dma_start3A_711 : memref<80x128xf32, #tpu.memory_space<vmem>>) target(%dma_start3A_717 : memref<6400x128xf32, #tpu.memory_space<vmem_shared>>) offsets(%dma_start3A_714 : memref<80xi32, #tpu.memory_space<vmem>>) semaphore(%arg26 : memref<!tpu.dma_semaphore, #tpu.memory_space<semaphore_mem>>) {add = true}
      } else {
      }
      %eq3A_671 = arith.constant 1 : i32
      %eq3A_672 = arith.cmpi eq, %and3A_636, %eq3A_671 : i32
      %convert_element_type3A_673 = arith.extui %eq3A_672 : i1 to i32
      %cond3A_674 = arith.constant 0 : i32
      %cond3A_675 = arith.cmpi ne, %convert_element_type3A_673, %cond3A_674 : i32
      scf.if %cond3A_675 {
        %dma_start3A_706 = arith.constant 1 : i32
        %dma_start3A_707 = arith.constant 1 : i32
        %dma_start3A_708 = arith.constant 0 : i32
        %dma_start3A_709 = arith.constant 0 : i32
        %dma_start3A_710 = tpu.memref_slice %arg16[%dma_start3A_706, %dma_start3A_708, %dma_start3A_709] : memref<4x80x128xf32, #tpu.memory_space<vmem>> -> memref<1x80x128xf32, #tpu.memory_space<vmem>>
        %dma_start3A_711 = tpu.memref_squeeze %dma_start3A_710 : memref<1x80x128xf32, #tpu.memory_space<vmem>> -> memref<80x128xf32, #tpu.memory_space<vmem>>
        %dma_start3A_712 = arith.constant 0 : i32
        %dma_start3A_713 = tpu.memref_slice %arg17[%dma_start3A_707, %dma_start3A_712] : memref<4x80xi32, #tpu.memory_space<vmem>> -> memref<1x80xi32, #tpu.memory_space<vmem>>
        %dma_start3A_714 = tpu.memref_squeeze %dma_start3A_713 : memref<1x80xi32, #tpu.memory_space<vmem>> -> memref<80xi32, #tpu.memory_space<vmem>>
        %dma_start3A_715 = arith.constant 0 : i32
        %dma_start3A_716 = arith.constant 0 : i32
        %dma_start3A_717 = tpu.memref_slice %arg19[%dma_start3A_715, %dma_start3A_716] : memref<6400x128xf32, #tpu.memory_space<vmem_shared>> -> memref<6400x128xf32, #tpu.memory_space<vmem_shared>>
        tpu.enqueue_indirect_dma source(%dma_start3A_711 : memref<80x128xf32, #tpu.memory_space<vmem>>) target(%dma_start3A_717 : memref<6400x128xf32, #tpu.memory_space<vmem_shared>>) offsets(%dma_start3A_714 : memref<80xi32, #tpu.memory_space<vmem>>) semaphore(%arg27 : memref<!tpu.dma_semaphore, #tpu.memory_space<semaphore_mem>>) {add = true}
      } else {
      }
      %eq3A_676 = arith.constant 2 : i32
      %eq3A_677 = arith.cmpi eq, %and3A_636, %eq3A_676 : i32
      %convert_element_type3A_678 = arith.extui %eq3A_677 : i1 to i32
      %cond3A_679 = arith.constant 0 : i32
      %cond3A_680 = arith.cmpi ne, %convert_element_type3A_678, %cond3A_679 : i32
      scf.if %cond3A_680 {
        %dma_start3A_706 = arith.constant 2 : i32
        %dma_start3A_707 = arith.constant 2 : i32
        %dma_start3A_708 = arith.constant 0 : i32
        %dma_start3A_709 = arith.constant 0 : i32
        %dma_start3A_710 = tpu.memref_slice %arg16[%dma_start3A_706, %dma_start3A_708, %dma_start3A_709] : memref<4x80x128xf32, #tpu.memory_space<vmem>> -> memref<1x80x128xf32, #tpu.memory_space<vmem>>
        %dma_start3A_711 = tpu.memref_squeeze %dma_start3A_710 : memref<1x80x128xf32, #tpu.memory_space<vmem>> -> memref<80x128xf32, #tpu.memory_space<vmem>>
        %dma_start3A_712 = arith.constant 0 : i32
        %dma_start3A_713 = tpu.memref_slice %arg17[%dma_start3A_707, %dma_start3A_712] : memref<4x80xi32, #tpu.memory_space<vmem>> -> memref<1x80xi32, #tpu.memory_space<vmem>>
        %dma_start3A_714 = tpu.memref_squeeze %dma_start3A_713 : memref<1x80xi32, #tpu.memory_space<vmem>> -> memref<80xi32, #tpu.memory_space<vmem>>
        %dma_start3A_715 = arith.constant 0 : i32
        %dma_start3A_716 = arith.constant 0 : i32
        %dma_start3A_717 = tpu.memref_slice %arg19[%dma_start3A_715, %dma_start3A_716] : memref<6400x128xf32, #tpu.memory_space<vmem_shared>> -> memref<6400x128xf32, #tpu.memory_space<vmem_shared>>
        tpu.enqueue_indirect_dma source(%dma_start3A_711 : memref<80x128xf32, #tpu.memory_space<vmem>>) target(%dma_start3A_717 : memref<6400x128xf32, #tpu.memory_space<vmem_shared>>) offsets(%dma_start3A_714 : memref<80xi32, #tpu.memory_space<vmem>>) semaphore(%arg28 : memref<!tpu.dma_semaphore, #tpu.memory_space<semaphore_mem>>) {add = true}
      } else {
      }
      %eq3A_681 = arith.constant 3 : i32
      %eq3A_682 = arith.cmpi eq, %and3A_636, %eq3A_681 : i32
      %convert_element_type3A_683 = arith.extui %eq3A_682 : i1 to i32
      %cond3A_684 = arith.constant 0 : i32
      %cond3A_685 = arith.cmpi ne, %convert_element_type3A_683, %cond3A_684 : i32
      scf.if %cond3A_685 {
        %dma_start3A_706 = arith.constant 3 : i32
        %dma_start3A_707 = arith.constant 3 : i32
        %dma_start3A_708 = arith.constant 0 : i32
        %dma_start3A_709 = arith.constant 0 : i32
        %dma_start3A_710 = tpu.memref_slice %arg16[%dma_start3A_706, %dma_start3A_708, %dma_start3A_709] : memref<4x80x128xf32, #tpu.memory_space<vmem>> -> memref<1x80x128xf32, #tpu.memory_space<vmem>>
        %dma_start3A_711 = tpu.memref_squeeze %dma_start3A_710 : memref<1x80x128xf32, #tpu.memory_space<vmem>> -> memref<80x128xf32, #tpu.memory_space<vmem>>
        %dma_start3A_712 = arith.constant 0 : i32
        %dma_start3A_713 = tpu.memref_slice %arg17[%dma_start3A_707, %dma_start3A_712] : memref<4x80xi32, #tpu.memory_space<vmem>> -> memref<1x80xi32, #tpu.memory_space<vmem>>
        %dma_start3A_714 = tpu.memref_squeeze %dma_start3A_713 : memref<1x80xi32, #tpu.memory_space<vmem>> -> memref<80xi32, #tpu.memory_space<vmem>>
        %dma_start3A_715 = arith.constant 0 : i32
        %dma_start3A_716 = arith.constant 0 : i32
        %dma_start3A_717 = tpu.memref_slice %arg19[%dma_start3A_715, %dma_start3A_716] : memref<6400x128xf32, #tpu.memory_space<vmem_shared>> -> memref<6400x128xf32, #tpu.memory_space<vmem_shared>>
        tpu.enqueue_indirect_dma source(%dma_start3A_711 : memref<80x128xf32, #tpu.memory_space<vmem>>) target(%dma_start3A_717 : memref<6400x128xf32, #tpu.memory_space<vmem_shared>>) offsets(%dma_start3A_714 : memref<80xi32, #tpu.memory_space<vmem>>) semaphore(%arg29 : memref<!tpu.dma_semaphore, #tpu.memory_space<semaphore_mem>>) {add = true}
      } else {
      }
      %eq3A_686 = arith.constant 0 : i32
      %eq3A_687 = arith.cmpi eq, %scan3A_635, %eq3A_686 : i32
      %convert_element_type3A_688 = arith.extui %eq3A_687 : i1 to i32
      %cond3A_689 = arith.constant 0 : i32
      %cond3A_690 = arith.cmpi ne, %convert_element_type3A_688, %cond3A_689 : i32
      scf.if %cond3A_690 {
        %dma_wait3A_706 = arith.constant 1 : i32
        %dma_wait3A_707 = arith.constant 1 : i32
        %dma_wait3A_708 = arith.constant 0 : i32
        %dma_wait3A_709 = arith.constant 0 : i32
        %dma_wait3A_710 = tpu.memref_slice %arg14[%dma_wait3A_707, %dma_wait3A_708, %dma_wait3A_709] : memref<2x80x128xi32, #tpu.memory_space<vmem>> -> memref<1x80x128xi32, #tpu.memory_space<vmem>>
        %dma_wait3A_711 = tpu.memref_squeeze %dma_wait3A_710 : memref<1x80x128xi32, #tpu.memory_space<vmem>> -> memref<80x128xi32, #tpu.memory_space<vmem>>
        %dma_wait3A_712 = arith.constant 0 : i32
        %dma_wait3A_713 = tpu.memref_slice %arg12[%dma_wait3A_706, %dma_wait3A_712] : memref<2x80xi32, #tpu.memory_space<vmem>> -> memref<1x80xi32, #tpu.memory_space<vmem>>
        %dma_wait3A_714 = tpu.memref_squeeze %dma_wait3A_713 : memref<1x80xi32, #tpu.memory_space<vmem>> -> memref<80xi32, #tpu.memory_space<vmem>>
        %dma_wait3A_715 = arith.constant 0 : i32
        %dma_wait3A_716 = arith.constant 0 : i32
        %dma_wait3A_717 = tpu.memref_slice %arg4[%dma_wait3A_715, %dma_wait3A_716] : memref<25000x128xi32, #tpu.memory_space<hbm>> -> memref<25000x128xi32, #tpu.memory_space<hbm>>
        tpu.wait_indirect_dma semaphore(%arg21 : memref<!tpu.dma_semaphore, #tpu.memory_space<semaphore_mem>>) src(%dma_wait3A_717 : memref<25000x128xi32, #tpu.memory_space<hbm>>) dst(%dma_wait3A_711 : memref<80x128xi32, #tpu.memory_space<vmem>>)
        %scan3A_718 = arith.constant 0 : i32
        %scan3A_719 = arith.constant 0 : i32
        %scan3A_720 = arith.constant 5 : i32
        %scan3A_721 = arith.addi %scan3A_719, %scan3A_720 : i32
        %scan3A_722 = arith.constant 1 : i32
        scf.for %scan3A_742 = %scan3A_719 to %scan3A_721 step %scan3A_722  : i32 {
          %mul3A_743 = arith.constant 16 : i32
          %mul3A_744 = arith.muli %scan3A_742, %mul3A_743 : i32
          %add3A_745 = arith.constant 160 : i32
          %add3A_746 = arith.addi %add3A_745, %mul3A_744 : i32
          %get3A_747 = arith.index_cast %add3A_746 : i32 to index
          %get3A_748 = tpu.vector_load %arg9[%get3A_747] {strides = array<i32>} : memref<800xi32, #tpu.memory_space<vmem>>, vector<16xi32>,
          %shift_right_arithmetic3A_749 = arith.constant 2 : i32
          %shift_right_arithmetic3A_750 = vector.broadcast %shift_right_arithmetic3A_749 : i32 to vector<16xi32>
          %shift_right_arithmetic3A_751 = arith.shrsi %get3A_748, %shift_right_arithmetic3A_750 : vector<16xi32>
          %mul3A_752 = arith.constant 16 : i32
          %mul3A_753 = arith.muli %scan3A_742, %mul3A_752 : i32
          %swap3A_754 = arith.constant 0 : i32
          %swap3A_755 = arith.index_cast %swap3A_754 : i32 to index
          %swap3A_756 = arith.index_cast %mul3A_753 : i32 to index
          %swap3A_757 = tpu.vector_load %arg12[%swap3A_755, %swap3A_756] {strides = array<i32>} : memref<2x80xi32, #tpu.memory_space<vmem>>, vector<16xi32>,
          tpu.vector_store %arg12[%swap3A_755, %swap3A_756], %shift_right_arithmetic3A_751 {strides = array<i32>} : memref<2x80xi32, #tpu.memory_space<vmem>>, vector<16xi32>,
          %and3A_758 = arith.constant 3 : i32
          %and3A_759 = vector.broadcast %and3A_758 : i32 to vector<16xi32>
          %and3A_760 = arith.andi %get3A_748, %and3A_759 : vector<16xi32>
          %mul3A_761 = arith.constant 32 : i32
          %mul3A_762 = vector.broadcast %mul3A_761 : i32 to vector<16xi32>
          %mul3A_763 = arith.muli %and3A_760, %mul3A_762 : vector<16xi32>
          %mul3A_764 = arith.constant 16 : i32
          %mul3A_765 = arith.muli %scan3A_742, %mul3A_764 : i32
          %swap3A_766 = arith.constant 0 : i32
          %swap3A_767 = arith.index_cast %swap3A_766 : i32 to index
          %swap3A_768 = arith.index_cast %mul3A_765 : i32 to index
          %swap3A_769 = tpu.vector_load %arg13[%swap3A_767, %swap3A_768] {strides = array<i32>} : memref<2x80xi32, #tpu.memory_space<vmem>>, vector<16xi32>,
          tpu.vector_store %arg13[%swap3A_767, %swap3A_768], %mul3A_763 {strides = array<i32>} : memref<2x80xi32, #tpu.memory_space<vmem>>, vector<16xi32>,
        }
        %scan3A_723 = arith.constant 5 : i32
        %dma_start3A_724 = arith.constant 0 : i32
        %dma_start3A_725 = arith.constant 0 : i32
        %dma_start3A_726 = arith.constant 0 : i32
        %dma_start3A_727 = arith.constant 0 : i32
        %dma_start3A_728 = tpu.memref_slice %arg14[%dma_start3A_725, %dma_start3A_726, %dma_start3A_727] : memref<2x80x128xi32, #tpu.memory_space<vmem>> -> memref<1x80x128xi32, #tpu.memory_space<vmem>>
        %dma_start3A_729 = tpu.memref_squeeze %dma_start3A_728 : memref<1x80x128xi32, #tpu.memory_space<vmem>> -> memref<80x128xi32, #tpu.memory_space<vmem>>
        %dma_start3A_730 = arith.constant 0 : i32
        %dma_start3A_731 = tpu.memref_slice %arg12[%dma_start3A_724, %dma_start3A_730] : memref<2x80xi32, #tpu.memory_space<vmem>> -> memref<1x80xi32, #tpu.memory_space<vmem>>
        %dma_start3A_732 = tpu.memref_squeeze %dma_start3A_731 : memref<1x80xi32, #tpu.memory_space<vmem>> -> memref<80xi32, #tpu.memory_space<vmem>>
        %dma_start3A_733 = arith.constant 0 : i32
        %dma_start3A_734 = arith.constant 0 : i32
        %dma_start3A_735 = tpu.memref_slice %arg4[%dma_start3A_733, %dma_start3A_734] : memref<25000x128xi32, #tpu.memory_space<hbm>> -> memref<25000x128xi32, #tpu.memory_space<hbm>>
        tpu.enqueue_indirect_dma source(%dma_start3A_735 : memref<25000x128xi32, #tpu.memory_space<hbm>>) target(%dma_start3A_729 : memref<80x128xi32, #tpu.memory_space<vmem>>) offsets(%dma_start3A_732 : memref<80xi32, #tpu.memory_space<vmem>>) semaphore(%arg20 : memref<!tpu.dma_semaphore, #tpu.memory_space<semaphore_mem>>)
        %scan3A_736 = arith.constant 0 : i32
        %scan3A_737 = arith.constant 0 : i32
        %scan3A_738 = arith.constant 50 : i32
        %scan3A_739 = arith.addi %scan3A_737, %scan3A_738 : i32
        %scan3A_740 = arith.constant 1 : i32
        scf.for %scan3A_742 = %scan3A_737 to %scan3A_739 step %scan3A_740  : i32 {
          %iota3A_743 = tpu.iota {dimensions = array<i32: 0>} : vector<16xi32>
          %mul3A_744 = arith.constant 16 : i32
          %mul3A_745 = arith.muli %scan3A_742, %mul3A_744 : i32
          %add3A_746 = vector.broadcast %mul3A_745 : i32 to vector<16xi32>
          %add3A_747 = arith.addi %iota3A_743, %add3A_746 : vector<16xi32>
          %mul3A_748 = arith.constant 6554 : i32
          %mul3A_749 = vector.broadcast %mul3A_748 : i32 to vector<16xi32>
          %mul3A_750 = arith.muli %add3A_747, %mul3A_749 : vector<16xi32>
          %shift_right_arithmetic3A_751 = arith.constant 16 : i32
          %shift_right_arithmetic3A_752 = vector.broadcast %shift_right_arithmetic3A_751 : i32 to vector<16xi32>
          %shift_right_arithmetic3A_753 = arith.shrsi %mul3A_750, %shift_right_arithmetic3A_752 : vector<16xi32>
          %mul3A_754 = arith.constant 0 : i32
          %mul3A_755 = vector.broadcast %mul3A_754 : i32 to vector<16xi32>
          %mul3A_756 = arith.muli %shift_right_arithmetic3A_753, %mul3A_755 : vector<16xi32>
          %add3A_757 = arith.constant 1 : i32
          %add3A_758 = vector.broadcast %add3A_757 : i32 to vector<16xi32>
          %add3A_759 = arith.addi %mul3A_756, %add3A_758 : vector<16xi32>
          %gather3A = tpu.vector_load_idx %arg13[%add3A_759, %shift_right_arithmetic3A_753] : memref<2x80xi32, #tpu.memory_space<vmem>>[vector<16xi32>, vector<16xi32>], vector<16xi32>,
          %add3A_760 = arith.addi %gather3A, %add3A_747 : vector<16xi32>
          %mul3A_761 = arith.constant 10 : i32
          %mul3A_762 = vector.broadcast %mul3A_761 : i32 to vector<16xi32>
          %mul3A_763 = arith.muli %shift_right_arithmetic3A_753, %mul3A_762 : vector<16xi32>
          %sub3A = arith.subi %add3A_760, %mul3A_763 : vector<16xi32>
          %mul3A_764 = arith.constant 0 : i32
          %mul3A_765 = vector.broadcast %mul3A_764 : i32 to vector<16xi32>
          %mul3A_766 = arith.muli %shift_right_arithmetic3A_753, %mul3A_765 : vector<16xi32>
          %add3A_767 = arith.constant 1 : i32
          %add3A_768 = vector.broadcast %add3A_767 : i32 to vector<16xi32>
          %add3A_769 = arith.addi %mul3A_766, %add3A_768 : vector<16xi32>
          %gather3A_770 = tpu.vector_load_idx %arg14[%add3A_769, %shift_right_arithmetic3A_753, %sub3A] : memref<2x80x128xi32, #tpu.memory_space<vmem>>[vector<16xi32>, vector<16xi32>, vector<16xi32>], vector<16xi32>,
          %mul3A_771 = arith.constant 16 : i32
          %mul3A_772 = arith.muli %scan3A_742, %mul3A_771 : i32
          %add3A_773 = arith.constant 800 : i32
          %add3A_774 = arith.addi %add3A_773, %mul3A_772 : i32
          %swap3A_775 = arith.index_cast %add3A_774 : i32 to index
          %swap3A_776 = tpu.vector_load %arg15[%swap3A_775] {strides = array<i32>} : memref<8000xi32, #tpu.memory_space<vmem>>, vector<16xi32>,
          tpu.vector_store %arg15[%swap3A_775], %gather3A_770 {strides = array<i32>} : memref<8000xi32, #tpu.memory_space<vmem>>, vector<16xi32>,
        }
        %scan3A_741 = arith.constant 50 : i32
      } else {
      }
      %eq3A_691 = arith.constant 10 : i32
      %eq3A_692 = arith.cmpi eq, %scan3A_635, %eq3A_691 : i32
      %convert_element_type3A_693 = arith.extui %eq3A_692 : i1 to i32
      %cond3A_694 = arith.constant 0 : i32
      %cond3A_695 = arith.cmpi ne, %convert_element_type3A_693, %cond3A_694 : i32
      scf.if %cond3A_695 {
        %dma_wait3A_706 = arith.constant 0 : i32
        %dma_wait3A_707 = arith.constant 0 : i32
        %dma_wait3A_708 = arith.constant 0 : i32
        %dma_wait3A_709 = arith.constant 0 : i32
        %dma_wait3A_710 = tpu.memref_slice %arg14[%dma_wait3A_707, %dma_wait3A_708, %dma_wait3A_709] : memref<2x80x128xi32, #tpu.memory_space<vmem>> -> memref<1x80x128xi32, #tpu.memory_space<vmem>>
        %dma_wait3A_711 = tpu.memref_squeeze %dma_wait3A_710 : memref<1x80x128xi32, #tpu.memory_space<vmem>> -> memref<80x128xi32, #tpu.memory_space<vmem>>
        %dma_wait3A_712 = arith.constant 0 : i32
        %dma_wait3A_713 = tpu.memref_slice %arg12[%dma_wait3A_706, %dma_wait3A_712] : memref<2x80xi32, #tpu.memory_space<vmem>> -> memref<1x80xi32, #tpu.memory_space<vmem>>
        %dma_wait3A_714 = tpu.memref_squeeze %dma_wait3A_713 : memref<1x80xi32, #tpu.memory_space<vmem>> -> memref<80xi32, #tpu.memory_space<vmem>>
        %dma_wait3A_715 = arith.constant 0 : i32
        %dma_wait3A_716 = arith.constant 0 : i32
        %dma_wait3A_717 = tpu.memref_slice %arg4[%dma_wait3A_715, %dma_wait3A_716] : memref<25000x128xi32, #tpu.memory_space<hbm>> -> memref<25000x128xi32, #tpu.memory_space<hbm>>
        tpu.wait_indirect_dma semaphore(%arg20 : memref<!tpu.dma_semaphore, #tpu.memory_space<semaphore_mem>>) src(%dma_wait3A_717 : memref<25000x128xi32, #tpu.memory_space<hbm>>) dst(%dma_wait3A_711 : memref<80x128xi32, #tpu.memory_space<vmem>>)
        %scan3A_718 = arith.constant 0 : i32
        %scan3A_719 = arith.constant 0 : i32
        %scan3A_720 = arith.constant 5 : i32
        %scan3A_721 = arith.addi %scan3A_719, %scan3A_720 : i32
        %scan3A_722 = arith.constant 1 : i32
        scf.for %scan3A_742 = %scan3A_719 to %scan3A_721 step %scan3A_722  : i32 {
          %mul3A_743 = arith.constant 16 : i32
          %mul3A_744 = arith.muli %scan3A_742, %mul3A_743 : i32
          %add3A_745 = arith.constant 240 : i32
          %add3A_746 = arith.addi %add3A_745, %mul3A_744 : i32
          %get3A_747 = arith.index_cast %add3A_746 : i32 to index
          %get3A_748 = tpu.vector_load %arg9[%get3A_747] {strides = array<i32>} : memref<800xi32, #tpu.memory_space<vmem>>, vector<16xi32>,
          %shift_right_arithmetic3A_749 = arith.constant 2 : i32
          %shift_right_arithmetic3A_750 = vector.broadcast %shift_right_arithmetic3A_749 : i32 to vector<16xi32>
          %shift_right_arithmetic3A_751 = arith.shrsi %get3A_748, %shift_right_arithmetic3A_750 : vector<16xi32>
          %mul3A_752 = arith.constant 16 : i32
          %mul3A_753 = arith.muli %scan3A_742, %mul3A_752 : i32
          %swap3A_754 = arith.constant 1 : i32
          %swap3A_755 = arith.index_cast %swap3A_754 : i32 to index
          %swap3A_756 = arith.index_cast %mul3A_753 : i32 to index
          %swap3A_757 = tpu.vector_load %arg12[%swap3A_755, %swap3A_756] {strides = array<i32>} : memref<2x80xi32, #tpu.memory_space<vmem>>, vector<16xi32>,
          tpu.vector_store %arg12[%swap3A_755, %swap3A_756], %shift_right_arithmetic3A_751 {strides = array<i32>} : memref<2x80xi32, #tpu.memory_space<vmem>>, vector<16xi32>,
          %and3A_758 = arith.constant 3 : i32
          %and3A_759 = vector.broadcast %and3A_758 : i32 to vector<16xi32>
          %and3A_760 = arith.andi %get3A_748, %and3A_759 : vector<16xi32>
          %mul3A_761 = arith.constant 32 : i32
          %mul3A_762 = vector.broadcast %mul3A_761 : i32 to vector<16xi32>
          %mul3A_763 = arith.muli %and3A_760, %mul3A_762 : vector<16xi32>
          %mul3A_764 = arith.constant 16 : i32
          %mul3A_765 = arith.muli %scan3A_742, %mul3A_764 : i32
          %swap3A_766 = arith.constant 1 : i32
          %swap3A_767 = arith.index_cast %swap3A_766 : i32 to index
          %swap3A_768 = arith.index_cast %mul3A_765 : i32 to index
          %swap3A_769 = tpu.vector_load %arg13[%swap3A_767, %swap3A_768] {strides = array<i32>} : memref<2x80xi32, #tpu.memory_space<vmem>>, vector<16xi32>,
          tpu.vector_store %arg13[%swap3A_767, %swap3A_768], %mul3A_763 {strides = array<i32>} : memref<2x80xi32, #tpu.memory_space<vmem>>, vector<16xi32>,
        }
        %scan3A_723 = arith.constant 5 : i32
        %dma_start3A_724 = arith.constant 1 : i32
        %dma_start3A_725 = arith.constant 1 : i32
        %dma_start3A_726 = arith.constant 0 : i32
        %dma_start3A_727 = arith.constant 0 : i32
        %dma_start3A_728 = tpu.memref_slice %arg14[%dma_start3A_725, %dma_start3A_726, %dma_start3A_727] : memref<2x80x128xi32, #tpu.memory_space<vmem>> -> memref<1x80x128xi32, #tpu.memory_space<vmem>>
        %dma_start3A_729 = tpu.memref_squeeze %dma_start3A_728 : memref<1x80x128xi32, #tpu.memory_space<vmem>> -> memref<80x128xi32, #tpu.memory_space<vmem>>
        %dma_start3A_730 = arith.constant 0 : i32
        %dma_start3A_731 = tpu.memref_slice %arg12[%dma_start3A_724, %dma_start3A_730] : memref<2x80xi32, #tpu.memory_space<vmem>> -> memref<1x80xi32, #tpu.memory_space<vmem>>
        %dma_start3A_732 = tpu.memref_squeeze %dma_start3A_731 : memref<1x80xi32, #tpu.memory_space<vmem>> -> memref<80xi32, #tpu.memory_space<vmem>>
        %dma_start3A_733 = arith.constant 0 : i32
        %dma_start3A_734 = arith.constant 0 : i32
        %dma_start3A_735 = tpu.memref_slice %arg4[%dma_start3A_733, %dma_start3A_734] : memref<25000x128xi32, #tpu.memory_space<hbm>> -> memref<25000x128xi32, #tpu.memory_space<hbm>>
        tpu.enqueue_indirect_dma source(%dma_start3A_735 : memref<25000x128xi32, #tpu.memory_space<hbm>>) target(%dma_start3A_729 : memref<80x128xi32, #tpu.memory_space<vmem>>) offsets(%dma_start3A_732 : memref<80xi32, #tpu.memory_space<vmem>>) semaphore(%arg21 : memref<!tpu.dma_semaphore, #tpu.memory_space<semaphore_mem>>)
        %scan3A_736 = arith.constant 0 : i32
        %scan3A_737 = arith.constant 0 : i32
        %scan3A_738 = arith.constant 50 : i32
        %scan3A_739 = arith.addi %scan3A_737, %scan3A_738 : i32
        %scan3A_740 = arith.constant 1 : i32
        scf.for %scan3A_742 = %scan3A_737 to %scan3A_739 step %scan3A_740  : i32 {
          %iota3A_743 = tpu.iota {dimensions = array<i32: 0>} : vector<16xi32>
          %mul3A_744 = arith.constant 16 : i32
          %mul3A_745 = arith.muli %scan3A_742, %mul3A_744 : i32
          %add3A_746 = vector.broadcast %mul3A_745 : i32 to vector<16xi32>
          %add3A_747 = arith.addi %iota3A_743, %add3A_746 : vector<16xi32>
          %mul3A_748 = arith.constant 6554 : i32
          %mul3A_749 = vector.broadcast %mul3A_748 : i32 to vector<16xi32>
          %mul3A_750 = arith.muli %add3A_747, %mul3A_749 : vector<16xi32>
          %shift_right_arithmetic3A_751 = arith.constant 16 : i32
          %shift_right_arithmetic3A_752 = vector.broadcast %shift_right_arithmetic3A_751 : i32 to vector<16xi32>
          %shift_right_arithmetic3A_753 = arith.shrsi %mul3A_750, %shift_right_arithmetic3A_752 : vector<16xi32>
          %mul3A_754 = arith.constant 0 : i32
          %mul3A_755 = vector.broadcast %mul3A_754 : i32 to vector<16xi32>
          %mul3A_756 = arith.muli %shift_right_arithmetic3A_753, %mul3A_755 : vector<16xi32>
          %add3A_757 = arith.constant 0 : i32
          %add3A_758 = vector.broadcast %add3A_757 : i32 to vector<16xi32>
          %add3A_759 = arith.addi %mul3A_756, %add3A_758 : vector<16xi32>
          %gather3A = tpu.vector_load_idx %arg13[%add3A_759, %shift_right_arithmetic3A_753] : memref<2x80xi32, #tpu.memory_space<vmem>>[vector<16xi32>, vector<16xi32>], vector<16xi32>,
          %add3A_760 = arith.addi %gather3A, %add3A_747 : vector<16xi32>
          %mul3A_761 = arith.constant 10 : i32
          %mul3A_762 = vector.broadcast %mul3A_761 : i32 to vector<16xi32>
          %mul3A_763 = arith.muli %shift_right_arithmetic3A_753, %mul3A_762 : vector<16xi32>
          %sub3A = arith.subi %add3A_760, %mul3A_763 : vector<16xi32>
          %mul3A_764 = arith.constant 0 : i32
          %mul3A_765 = vector.broadcast %mul3A_764 : i32 to vector<16xi32>
          %mul3A_766 = arith.muli %shift_right_arithmetic3A_753, %mul3A_765 : vector<16xi32>
          %add3A_767 = arith.constant 0 : i32
          %add3A_768 = vector.broadcast %add3A_767 : i32 to vector<16xi32>
          %add3A_769 = arith.addi %mul3A_766, %add3A_768 : vector<16xi32>
          %gather3A_770 = tpu.vector_load_idx %arg14[%add3A_769, %shift_right_arithmetic3A_753, %sub3A] : memref<2x80x128xi32, #tpu.memory_space<vmem>>[vector<16xi32>, vector<16xi32>, vector<16xi32>], vector<16xi32>,
          %mul3A_771 = arith.constant 16 : i32
          %mul3A_772 = arith.muli %scan3A_742, %mul3A_771 : i32
          %add3A_773 = arith.constant 1600 : i32
          %add3A_774 = arith.addi %add3A_773, %mul3A_772 : i32
          %swap3A_775 = arith.index_cast %add3A_774 : i32 to index
          %swap3A_776 = tpu.vector_load %arg15[%swap3A_775] {strides = array<i32>} : memref<8000xi32, #tpu.memory_space<vmem>>, vector<16xi32>,
          tpu.vector_store %arg15[%swap3A_775], %gather3A_770 {strides = array<i32>} : memref<8000xi32, #tpu.memory_space<vmem>>, vector<16xi32>,
        }
        %scan3A_741 = arith.constant 50 : i32
      } else {
      }
      %eq3A_696 = arith.constant 20 : i32
      %eq3A_697 = arith.cmpi eq, %scan3A_635, %eq3A_696 : i32
      %convert_element_type3A_698 = arith.extui %eq3A_697 : i1 to i32
      %cond3A_699 = arith.constant 0 : i32
      %cond3A_700 = arith.cmpi ne, %convert_element_type3A_698, %cond3A_699 : i32
      scf.if %cond3A_700 {
        %dma_wait3A_706 = arith.constant 1 : i32
        %dma_wait3A_707 = arith.constant 1 : i32
        %dma_wait3A_708 = arith.constant 0 : i32
        %dma_wait3A_709 = arith.constant 0 : i32
        %dma_wait3A_710 = tpu.memref_slice %arg14[%dma_wait3A_707, %dma_wait3A_708, %dma_wait3A_709] : memref<2x80x128xi32, #tpu.memory_space<vmem>> -> memref<1x80x128xi32, #tpu.memory_space<vmem>>
        %dma_wait3A_711 = tpu.memref_squeeze %dma_wait3A_710 : memref<1x80x128xi32, #tpu.memory_space<vmem>> -> memref<80x128xi32, #tpu.memory_space<vmem>>
        %dma_wait3A_712 = arith.constant 0 : i32
        %dma_wait3A_713 = tpu.memref_slice %arg12[%dma_wait3A_706, %dma_wait3A_712] : memref<2x80xi32, #tpu.memory_space<vmem>> -> memref<1x80xi32, #tpu.memory_space<vmem>>
        %dma_wait3A_714 = tpu.memref_squeeze %dma_wait3A_713 : memref<1x80xi32, #tpu.memory_space<vmem>> -> memref<80xi32, #tpu.memory_space<vmem>>
        %dma_wait3A_715 = arith.constant 0 : i32
        %dma_wait3A_716 = arith.constant 0 : i32
        %dma_wait3A_717 = tpu.memref_slice %arg4[%dma_wait3A_715, %dma_wait3A_716] : memref<25000x128xi32, #tpu.memory_space<hbm>> -> memref<25000x128xi32, #tpu.memory_space<hbm>>
        tpu.wait_indirect_dma semaphore(%arg21 : memref<!tpu.dma_semaphore, #tpu.memory_space<semaphore_mem>>) src(%dma_wait3A_717 : memref<25000x128xi32, #tpu.memory_space<hbm>>) dst(%dma_wait3A_711 : memref<80x128xi32, #tpu.memory_space<vmem>>)
        %scan3A_718 = arith.constant 0 : i32
        %scan3A_719 = arith.constant 0 : i32
        %scan3A_720 = arith.constant 5 : i32
        %scan3A_721 = arith.addi %scan3A_719, %scan3A_720 : i32
        %scan3A_722 = arith.constant 1 : i32
        scf.for %scan3A_742 = %scan3A_719 to %scan3A_721 step %scan3A_722  : i32 {
          %mul3A_743 = arith.constant 16 : i32
          %mul3A_744 = arith.muli %scan3A_742, %mul3A_743 : i32
          %add3A_745 = arith.constant 320 : i32
          %add3A_746 = arith.addi %add3A_745, %mul3A_744 : i32
          %get3A_747 = arith.index_cast %add3A_746 : i32 to index
          %get3A_748 = tpu.vector_load %arg9[%get3A_747] {strides = array<i32>} : memref<800xi32, #tpu.memory_space<vmem>>, vector<16xi32>,
          %shift_right_arithmetic3A_749 = arith.constant 2 : i32
          %shift_right_arithmetic3A_750 = vector.broadcast %shift_right_arithmetic3A_749 : i32 to vector<16xi32>
          %shift_right_arithmetic3A_751 = arith.shrsi %get3A_748, %shift_right_arithmetic3A_750 : vector<16xi32>
          %mul3A_752 = arith.constant 16 : i32
          %mul3A_753 = arith.muli %scan3A_742, %mul3A_752 : i32
          %swap3A_754 = arith.constant 0 : i32
          %swap3A_755 = arith.index_cast %swap3A_754 : i32 to index
          %swap3A_756 = arith.index_cast %mul3A_753 : i32 to index
          %swap3A_757 = tpu.vector_load %arg12[%swap3A_755, %swap3A_756] {strides = array<i32>} : memref<2x80xi32, #tpu.memory_space<vmem>>, vector<16xi32>,
          tpu.vector_store %arg12[%swap3A_755, %swap3A_756], %shift_right_arithmetic3A_751 {strides = array<i32>} : memref<2x80xi32, #tpu.memory_space<vmem>>, vector<16xi32>,
          %and3A_758 = arith.constant 3 : i32
          %and3A_759 = vector.broadcast %and3A_758 : i32 to vector<16xi32>
          %and3A_760 = arith.andi %get3A_748, %and3A_759 : vector<16xi32>
          %mul3A_761 = arith.constant 32 : i32
          %mul3A_762 = vector.broadcast %mul3A_761 : i32 to vector<16xi32>
          %mul3A_763 = arith.muli %and3A_760, %mul3A_762 : vector<16xi32>
          %mul3A_764 = arith.constant 16 : i32
          %mul3A_765 = arith.muli %scan3A_742, %mul3A_764 : i32
          %swap3A_766 = arith.constant 0 : i32
          %swap3A_767 = arith.index_cast %swap3A_766 : i32 to index
          %swap3A_768 = arith.index_cast %mul3A_765 : i32 to index
          %swap3A_769 = tpu.vector_load %arg13[%swap3A_767, %swap3A_768] {strides = array<i32>} : memref<2x80xi32, #tpu.memory_space<vmem>>, vector<16xi32>,
          tpu.vector_store %arg13[%swap3A_767, %swap3A_768], %mul3A_763 {strides = array<i32>} : memref<2x80xi32, #tpu.memory_space<vmem>>, vector<16xi32>,
        }
        %scan3A_723 = arith.constant 5 : i32
        %dma_start3A_724 = arith.constant 0 : i32
        %dma_start3A_725 = arith.constant 0 : i32
        %dma_start3A_726 = arith.constant 0 : i32
        %dma_start3A_727 = arith.constant 0 : i32
        %dma_start3A_728 = tpu.memref_slice %arg14[%dma_start3A_725, %dma_start3A_726, %dma_start3A_727] : memref<2x80x128xi32, #tpu.memory_space<vmem>> -> memref<1x80x128xi32, #tpu.memory_space<vmem>>
        %dma_start3A_729 = tpu.memref_squeeze %dma_start3A_728 : memref<1x80x128xi32, #tpu.memory_space<vmem>> -> memref<80x128xi32, #tpu.memory_space<vmem>>
        %dma_start3A_730 = arith.constant 0 : i32
        %dma_start3A_731 = tpu.memref_slice %arg12[%dma_start3A_724, %dma_start3A_730] : memref<2x80xi32, #tpu.memory_space<vmem>> -> memref<1x80xi32, #tpu.memory_space<vmem>>
        %dma_start3A_732 = tpu.memref_squeeze %dma_start3A_731 : memref<1x80xi32, #tpu.memory_space<vmem>> -> memref<80xi32, #tpu.memory_space<vmem>>
        %dma_start3A_733 = arith.constant 0 : i32
        %dma_start3A_734 = arith.constant 0 : i32
        %dma_start3A_735 = tpu.memref_slice %arg4[%dma_start3A_733, %dma_start3A_734] : memref<25000x128xi32, #tpu.memory_space<hbm>> -> memref<25000x128xi32, #tpu.memory_space<hbm>>
        tpu.enqueue_indirect_dma source(%dma_start3A_735 : memref<25000x128xi32, #tpu.memory_space<hbm>>) target(%dma_start3A_729 : memref<80x128xi32, #tpu.memory_space<vmem>>) offsets(%dma_start3A_732 : memref<80xi32, #tpu.memory_space<vmem>>) semaphore(%arg20 : memref<!tpu.dma_semaphore, #tpu.memory_space<semaphore_mem>>)
        %scan3A_736 = arith.constant 0 : i32
        %scan3A_737 = arith.constant 0 : i32
        %scan3A_738 = arith.constant 50 : i32
        %scan3A_739 = arith.addi %scan3A_737, %scan3A_738 : i32
        %scan3A_740 = arith.constant 1 : i32
        scf.for %scan3A_742 = %scan3A_737 to %scan3A_739 step %scan3A_740  : i32 {
          %iota3A_743 = tpu.iota {dimensions = array<i32: 0>} : vector<16xi32>
          %mul3A_744 = arith.constant 16 : i32
          %mul3A_745 = arith.muli %scan3A_742, %mul3A_744 : i32
          %add3A_746 = vector.broadcast %mul3A_745 : i32 to vector<16xi32>
          %add3A_747 = arith.addi %iota3A_743, %add3A_746 : vector<16xi32>
          %mul3A_748 = arith.constant 6554 : i32
          %mul3A_749 = vector.broadcast %mul3A_748 : i32 to vector<16xi32>
          %mul3A_750 = arith.muli %add3A_747, %mul3A_749 : vector<16xi32>
          %shift_right_arithmetic3A_751 = arith.constant 16 : i32
          %shift_right_arithmetic3A_752 = vector.broadcast %shift_right_arithmetic3A_751 : i32 to vector<16xi32>
          %shift_right_arithmetic3A_753 = arith.shrsi %mul3A_750, %shift_right_arithmetic3A_752 : vector<16xi32>
          %mul3A_754 = arith.constant 0 : i32
          %mul3A_755 = vector.broadcast %mul3A_754 : i32 to vector<16xi32>
          %mul3A_756 = arith.muli %shift_right_arithmetic3A_753, %mul3A_755 : vector<16xi32>
          %add3A_757 = arith.constant 1 : i32
          %add3A_758 = vector.broadcast %add3A_757 : i32 to vector<16xi32>
          %add3A_759 = arith.addi %mul3A_756, %add3A_758 : vector<16xi32>
          %gather3A = tpu.vector_load_idx %arg13[%add3A_759, %shift_right_arithmetic3A_753] : memref<2x80xi32, #tpu.memory_space<vmem>>[vector<16xi32>, vector<16xi32>], vector<16xi32>,
          %add3A_760 = arith.addi %gather3A, %add3A_747 : vector<16xi32>
          %mul3A_761 = arith.constant 10 : i32
          %mul3A_762 = vector.broadcast %mul3A_761 : i32 to vector<16xi32>
          %mul3A_763 = arith.muli %shift_right_arithmetic3A_753, %mul3A_762 : vector<16xi32>
          %sub3A = arith.subi %add3A_760, %mul3A_763 : vector<16xi32>
          %mul3A_764 = arith.constant 0 : i32
          %mul3A_765 = vector.broadcast %mul3A_764 : i32 to vector<16xi32>
          %mul3A_766 = arith.muli %shift_right_arithmetic3A_753, %mul3A_765 : vector<16xi32>
          %add3A_767 = arith.constant 1 : i32
          %add3A_768 = vector.broadcast %add3A_767 : i32 to vector<16xi32>
          %add3A_769 = arith.addi %mul3A_766, %add3A_768 : vector<16xi32>
          %gather3A_770 = tpu.vector_load_idx %arg14[%add3A_769, %shift_right_arithmetic3A_753, %sub3A] : memref<2x80x128xi32, #tpu.memory_space<vmem>>[vector<16xi32>, vector<16xi32>, vector<16xi32>], vector<16xi32>,
          %mul3A_771 = arith.constant 16 : i32
          %mul3A_772 = arith.muli %scan3A_742, %mul3A_771 : i32
          %add3A_773 = arith.constant 2400 : i32
          %add3A_774 = arith.addi %add3A_773, %mul3A_772 : i32
          %swap3A_775 = arith.index_cast %add3A_774 : i32 to index
          %swap3A_776 = tpu.vector_load %arg15[%swap3A_775] {strides = array<i32>} : memref<8000xi32, #tpu.memory_space<vmem>>, vector<16xi32>,
          tpu.vector_store %arg15[%swap3A_775], %gather3A_770 {strides = array<i32>} : memref<8000xi32, #tpu.memory_space<vmem>>, vector<16xi32>,
        }
        %scan3A_741 = arith.constant 50 : i32
      } else {
      }
      %eq3A_701 = arith.constant 30 : i32
      %eq3A_702 = arith.cmpi eq, %scan3A_635, %eq3A_701 : i32
      %convert_element_type3A_703 = arith.extui %eq3A_702 : i1 to i32
      %cond3A_704 = arith.constant 0 : i32
      %cond3A_705 = arith.cmpi ne, %convert_element_type3A_703, %cond3A_704 : i32
      scf.if %cond3A_705 {
        %dma_wait3A_706 = arith.constant 0 : i32
        %dma_wait3A_707 = arith.constant 0 : i32
        %dma_wait3A_708 = arith.constant 0 : i32
        %dma_wait3A_709 = arith.constant 0 : i32
        %dma_wait3A_710 = tpu.memref_slice %arg14[%dma_wait3A_707, %dma_wait3A_708, %dma_wait3A_709] : memref<2x80x128xi32, #tpu.memory_space<vmem>> -> memref<1x80x128xi32, #tpu.memory_space<vmem>>
        %dma_wait3A_711 = tpu.memref_squeeze %dma_wait3A_710 : memref<1x80x128xi32, #tpu.memory_space<vmem>> -> memref<80x128xi32, #tpu.memory_space<vmem>>
        %dma_wait3A_712 = arith.constant 0 : i32
        %dma_wait3A_713 = tpu.memref_slice %arg12[%dma_wait3A_706, %dma_wait3A_712] : memref<2x80xi32, #tpu.memory_space<vmem>> -> memref<1x80xi32, #tpu.memory_space<vmem>>
        %dma_wait3A_714 = tpu.memref_squeeze %dma_wait3A_713 : memref<1x80xi32, #tpu.memory_space<vmem>> -> memref<80xi32, #tpu.memory_space<vmem>>
        %dma_wait3A_715 = arith.constant 0 : i32
        %dma_wait3A_716 = arith.constant 0 : i32
        %dma_wait3A_717 = tpu.memref_slice %arg4[%dma_wait3A_715, %dma_wait3A_716] : memref<25000x128xi32, #tpu.memory_space<hbm>> -> memref<25000x128xi32, #tpu.memory_space<hbm>>
        tpu.wait_indirect_dma semaphore(%arg20 : memref<!tpu.dma_semaphore, #tpu.memory_space<semaphore_mem>>) src(%dma_wait3A_717 : memref<25000x128xi32, #tpu.memory_space<hbm>>) dst(%dma_wait3A_711 : memref<80x128xi32, #tpu.memory_space<vmem>>)
        %scan3A_718 = arith.constant 0 : i32
        %scan3A_719 = arith.constant 0 : i32
        %scan3A_720 = arith.constant 5 : i32
        %scan3A_721 = arith.addi %scan3A_719, %scan3A_720 : i32
        %scan3A_722 = arith.constant 1 : i32
        scf.for %scan3A_742 = %scan3A_719 to %scan3A_721 step %scan3A_722  : i32 {
          %mul3A_743 = arith.constant 16 : i32
          %mul3A_744 = arith.muli %scan3A_742, %mul3A_743 : i32
          %add3A_745 = arith.constant 400 : i32
          %add3A_746 = arith.addi %add3A_745, %mul3A_744 : i32
          %get3A_747 = arith.index_cast %add3A_746 : i32 to index
          %get3A_748 = tpu.vector_load %arg9[%get3A_747] {strides = array<i32>} : memref<800xi32, #tpu.memory_space<vmem>>, vector<16xi32>,
          %shift_right_arithmetic3A_749 = arith.constant 2 : i32
          %shift_right_arithmetic3A_750 = vector.broadcast %shift_right_arithmetic3A_749 : i32 to vector<16xi32>
          %shift_right_arithmetic3A_751 = arith.shrsi %get3A_748, %shift_right_arithmetic3A_750 : vector<16xi32>
          %mul3A_752 = arith.constant 16 : i32
          %mul3A_753 = arith.muli %scan3A_742, %mul3A_752 : i32
          %swap3A_754 = arith.constant 1 : i32
          %swap3A_755 = arith.index_cast %swap3A_754 : i32 to index
          %swap3A_756 = arith.index_cast %mul3A_753 : i32 to index
          %swap3A_757 = tpu.vector_load %arg12[%swap3A_755, %swap3A_756] {strides = array<i32>} : memref<2x80xi32, #tpu.memory_space<vmem>>, vector<16xi32>,
          tpu.vector_store %arg12[%swap3A_755, %swap3A_756], %shift_right_arithmetic3A_751 {strides = array<i32>} : memref<2x80xi32, #tpu.memory_space<vmem>>, vector<16xi32>,
          %and3A_758 = arith.constant 3 : i32
          %and3A_759 = vector.broadcast %and3A_758 : i32 to vector<16xi32>
          %and3A_760 = arith.andi %get3A_748, %and3A_759 : vector<16xi32>
          %mul3A_761 = arith.constant 32 : i32
          %mul3A_762 = vector.broadcast %mul3A_761 : i32 to vector<16xi32>
          %mul3A_763 = arith.muli %and3A_760, %mul3A_762 : vector<16xi32>
          %mul3A_764 = arith.constant 16 : i32
          %mul3A_765 = arith.muli %scan3A_742, %mul3A_764 : i32
          %swap3A_766 = arith.constant 1 : i32
          %swap3A_767 = arith.index_cast %swap3A_766 : i32 to index
          %swap3A_768 = arith.index_cast %mul3A_765 : i32 to index
          %swap3A_769 = tpu.vector_load %arg13[%swap3A_767, %swap3A_768] {strides = array<i32>} : memref<2x80xi32, #tpu.memory_space<vmem>>, vector<16xi32>,
          tpu.vector_store %arg13[%swap3A_767, %swap3A_768], %mul3A_763 {strides = array<i32>} : memref<2x80xi32, #tpu.memory_space<vmem>>, vector<16xi32>,
        }
        %scan3A_723 = arith.constant 5 : i32
        %dma_start3A_724 = arith.constant 1 : i32
        %dma_start3A_725 = arith.constant 1 : i32
        %dma_start3A_726 = arith.constant 0 : i32
        %dma_start3A_727 = arith.constant 0 : i32
        %dma_start3A_728 = tpu.memref_slice %arg14[%dma_start3A_725, %dma_start3A_726, %dma_start3A_727] : memref<2x80x128xi32, #tpu.memory_space<vmem>> -> memref<1x80x128xi32, #tpu.memory_space<vmem>>
        %dma_start3A_729 = tpu.memref_squeeze %dma_start3A_728 : memref<1x80x128xi32, #tpu.memory_space<vmem>> -> memref<80x128xi32, #tpu.memory_space<vmem>>
        %dma_start3A_730 = arith.constant 0 : i32
        %dma_start3A_731 = tpu.memref_slice %arg12[%dma_start3A_724, %dma_start3A_730] : memref<2x80xi32, #tpu.memory_space<vmem>> -> memref<1x80xi32, #tpu.memory_space<vmem>>
        %dma_start3A_732 = tpu.memref_squeeze %dma_start3A_731 : memref<1x80xi32, #tpu.memory_space<vmem>> -> memref<80xi32, #tpu.memory_space<vmem>>
        %dma_start3A_733 = arith.constant 0 : i32
        %dma_start3A_734 = arith.constant 0 : i32
        %dma_start3A_735 = tpu.memref_slice %arg4[%dma_start3A_733, %dma_start3A_734] : memref<25000x128xi32, #tpu.memory_space<hbm>> -> memref<25000x128xi32, #tpu.memory_space<hbm>>
        tpu.enqueue_indirect_dma source(%dma_start3A_735 : memref<25000x128xi32, #tpu.memory_space<hbm>>) target(%dma_start3A_729 : memref<80x128xi32, #tpu.memory_space<vmem>>) offsets(%dma_start3A_732 : memref<80xi32, #tpu.memory_space<vmem>>) semaphore(%arg21 : memref<!tpu.dma_semaphore, #tpu.memory_space<semaphore_mem>>)
        %scan3A_736 = arith.constant 0 : i32
        %scan3A_737 = arith.constant 0 : i32
        %scan3A_738 = arith.constant 50 : i32
        %scan3A_739 = arith.addi %scan3A_737, %scan3A_738 : i32
        %scan3A_740 = arith.constant 1 : i32
        scf.for %scan3A_742 = %scan3A_737 to %scan3A_739 step %scan3A_740  : i32 {
          %iota3A_743 = tpu.iota {dimensions = array<i32: 0>} : vector<16xi32>
          %mul3A_744 = arith.constant 16 : i32
          %mul3A_745 = arith.muli %scan3A_742, %mul3A_744 : i32
          %add3A_746 = vector.broadcast %mul3A_745 : i32 to vector<16xi32>
          %add3A_747 = arith.addi %iota3A_743, %add3A_746 : vector<16xi32>
          %mul3A_748 = arith.constant 6554 : i32
          %mul3A_749 = vector.broadcast %mul3A_748 : i32 to vector<16xi32>
          %mul3A_750 = arith.muli %add3A_747, %mul3A_749 : vector<16xi32>
          %shift_right_arithmetic3A_751 = arith.constant 16 : i32
          %shift_right_arithmetic3A_752 = vector.broadcast %shift_right_arithmetic3A_751 : i32 to vector<16xi32>
          %shift_right_arithmetic3A_753 = arith.shrsi %mul3A_750, %shift_right_arithmetic3A_752 : vector<16xi32>
          %mul3A_754 = arith.constant 0 : i32
          %mul3A_755 = vector.broadcast %mul3A_754 : i32 to vector<16xi32>
          %mul3A_756 = arith.muli %shift_right_arithmetic3A_753, %mul3A_755 : vector<16xi32>
          %add3A_757 = arith.constant 0 : i32
          %add3A_758 = vector.broadcast %add3A_757 : i32 to vector<16xi32>
          %add3A_759 = arith.addi %mul3A_756, %add3A_758 : vector<16xi32>
          %gather3A = tpu.vector_load_idx %arg13[%add3A_759, %shift_right_arithmetic3A_753] : memref<2x80xi32, #tpu.memory_space<vmem>>[vector<16xi32>, vector<16xi32>], vector<16xi32>,
          %add3A_760 = arith.addi %gather3A, %add3A_747 : vector<16xi32>
          %mul3A_761 = arith.constant 10 : i32
          %mul3A_762 = vector.broadcast %mul3A_761 : i32 to vector<16xi32>
          %mul3A_763 = arith.muli %shift_right_arithmetic3A_753, %mul3A_762 : vector<16xi32>
          %sub3A = arith.subi %add3A_760, %mul3A_763 : vector<16xi32>
          %mul3A_764 = arith.constant 0 : i32
          %mul3A_765 = vector.broadcast %mul3A_764 : i32 to vector<16xi32>
          %mul3A_766 = arith.muli %shift_right_arithmetic3A_753, %mul3A_765 : vector<16xi32>
          %add3A_767 = arith.constant 0 : i32
          %add3A_768 = vector.broadcast %add3A_767 : i32 to vector<16xi32>
          %add3A_769 = arith.addi %mul3A_766, %add3A_768 : vector<16xi32>
          %gather3A_770 = tpu.vector_load_idx %arg14[%add3A_769, %shift_right_arithmetic3A_753, %sub3A] : memref<2x80x128xi32, #tpu.memory_space<vmem>>[vector<16xi32>, vector<16xi32>, vector<16xi32>], vector<16xi32>,
          %mul3A_771 = arith.constant 16 : i32
          %mul3A_772 = arith.muli %scan3A_742, %mul3A_771 : i32
          %add3A_773 = arith.constant 3200 : i32
          %add3A_774 = arith.addi %add3A_773, %mul3A_772 : i32
          %swap3A_775 = arith.index_cast %add3A_774 : i32 to index
          %swap3A_776 = tpu.vector_load %arg15[%swap3A_775] {strides = array<i32>} : memref<8000xi32, #tpu.memory_space<vmem>>, vector<16xi32>,
          tpu.vector_store %arg15[%swap3A_775], %gather3A_770 {strides = array<i32>} : memref<8000xi32, #tpu.memory_space<vmem>>, vector<16xi32>,
        }
        %scan3A_741 = arith.constant 50 : i32
      } else {
      }
    }
    %scan3A_370 = arith.constant 50 : i32
    %dma_wait3A_371 = arith.constant 1 : i32
    %dma_wait3A_372 = arith.constant 1 : i32
    %dma_wait3A_373 = arith.constant 0 : i32
    %dma_wait3A_374 = arith.constant 0 : i32
    %dma_wait3A_375 = tpu.memref_slice %arg16[%dma_wait3A_371, %dma_wait3A_373, %dma_wait3A_374] : memref<4x80x128xf32, #tpu.memory_space<vmem>> -> memref<1x80x128xf32, #tpu.memory_space<vmem>>
    %dma_wait3A_376 = tpu.memref_squeeze %dma_wait3A_375 : memref<1x80x128xf32, #tpu.memory_space<vmem>> -> memref<80x128xf32, #tpu.memory_space<vmem>>
    %dma_wait3A_377 = arith.constant 0 : i32
    %dma_wait3A_378 = tpu.memref_slice %arg17[%dma_wait3A_372, %dma_wait3A_377] : memref<4x80xi32, #tpu.memory_space<vmem>> -> memref<1x80xi32, #tpu.memory_space<vmem>>
    %dma_wait3A_379 = tpu.memref_squeeze %dma_wait3A_378 : memref<1x80xi32, #tpu.memory_space<vmem>> -> memref<80xi32, #tpu.memory_space<vmem>>
    %dma_wait3A_380 = arith.constant 0 : i32
    %dma_wait3A_381 = arith.constant 0 : i32
    %dma_wait3A_382 = tpu.memref_slice %arg19[%dma_wait3A_380, %dma_wait3A_381] : memref<6400x128xf32, #tpu.memory_space<vmem_shared>> -> memref<6400x128xf32, #tpu.memory_space<vmem_shared>>
    tpu.wait_indirect_dma semaphore(%arg27 : memref<!tpu.dma_semaphore, #tpu.memory_space<semaphore_mem>>) src(%dma_wait3A_376 : memref<80x128xf32, #tpu.memory_space<vmem>>) dst(%dma_wait3A_382 : memref<6400x128xf32, #tpu.memory_space<vmem_shared>>)
    %add3A_383 = arith.constant 0 : i32
    %add3A_384 = arith.addi %mul3A_4, %add3A_383 : i32
    %multiple_of3A_385 = tpu.assume_multiple %add3A_384, 8 : i32
    "tpu.region"() ({
      %run_scoped3A = tpu.sem_alloc : memref<!tpu.dma_semaphore, #tpu.memory_space<semaphore_mem>>
      %dma_start3A_635 = arith.constant 0 : i32
      %dma_start3A_636 = tpu.memref_slice %arg7[%multiple_of3A_385, %dma_start3A_635] : memref<25600x128xf32, #tpu.memory_space<hbm>> -> memref<400x128xf32, #tpu.memory_space<hbm>>
      %dma_start3A_637 = arith.constant 0 : i32
      %dma_start3A_638 = tpu.memref_slice %arg19[%mul3A_136, %dma_start3A_637] : memref<6400x128xf32, #tpu.memory_space<vmem_shared>> -> memref<400x128xf32, #tpu.memory_space<vmem_shared>>
      tpu.enqueue_dma source(%dma_start3A_638 : memref<400x128xf32, #tpu.memory_space<vmem_shared>>) target(%dma_start3A_636 : memref<400x128xf32, #tpu.memory_space<hbm>>) target_semaphore(%run_scoped3A : memref<!tpu.dma_semaphore, #tpu.memory_space<semaphore_mem>>)
      %dma_wait3A_639 = arith.constant 0 : i32
      %dma_wait3A_640 = tpu.memref_slice %arg7[%multiple_of3A_385, %dma_wait3A_639] : memref<25600x128xf32, #tpu.memory_space<hbm>> -> memref<400x128xf32, #tpu.memory_space<hbm>>
      %dma_wait3A_641 = arith.constant 0 : i32
      %dma_wait3A_642 = tpu.memref_slice %arg19[%mul3A_136, %dma_wait3A_641] : memref<6400x128xf32, #tpu.memory_space<vmem_shared>> -> memref<400x128xf32, #tpu.memory_space<vmem_shared>>
      tpu.wait_dma2 semaphore(%run_scoped3A : memref<!tpu.dma_semaphore, #tpu.memory_space<semaphore_mem>>) src(%dma_wait3A_642 : memref<400x128xf32, #tpu.memory_space<vmem_shared>>) dst(%dma_wait3A_640 : memref<400x128xf32, #tpu.memory_space<hbm>>)
      tpu.yield
    }) : () -> ()
    %dma_wait3A_386 = arith.constant 1 : i32
    %dma_wait3A_387 = arith.constant 1 : i32
    %dma_wait3A_388 = arith.constant 0 : i32
    %dma_wait3A_389 = arith.constant 0 : i32
    %dma_wait3A_390 = tpu.memref_slice %arg14[%dma_wait3A_387, %dma_wait3A_388, %dma_wait3A_389] : memref<2x80x128xi32, #tpu.memory_space<vmem>> -> memref<1x80x128xi32, #tpu.memory_space<vmem>>
    %dma_wait3A_391 = tpu.memref_squeeze %dma_wait3A_390 : memref<1x80x128xi32, #tpu.memory_space<vmem>> -> memref<80x128xi32, #tpu.memory_space<vmem>>
    %dma_wait3A_392 = arith.constant 0 : i32
    %dma_wait3A_393 = tpu.memref_slice %arg12[%dma_wait3A_386, %dma_wait3A_392] : memref<2x80xi32, #tpu.memory_space<vmem>> -> memref<1x80xi32, #tpu.memory_space<vmem>>
    %dma_wait3A_394 = tpu.memref_squeeze %dma_wait3A_393 : memref<1x80xi32, #tpu.memory_space<vmem>> -> memref<80xi32, #tpu.memory_space<vmem>>
    %dma_wait3A_395 = arith.constant 0 : i32
    %dma_wait3A_396 = arith.constant 0 : i32
    %dma_wait3A_397 = tpu.memref_slice %arg4[%dma_wait3A_395, %dma_wait3A_396] : memref<25000x128xi32, #tpu.memory_space<hbm>> -> memref<25000x128xi32, #tpu.memory_space<hbm>>
    tpu.wait_indirect_dma semaphore(%arg21 : memref<!tpu.dma_semaphore, #tpu.memory_space<semaphore_mem>>) src(%dma_wait3A_397 : memref<25000x128xi32, #tpu.memory_space<hbm>>) dst(%dma_wait3A_391 : memref<80x128xi32, #tpu.memory_space<vmem>>)
    %scan3A_398 = arith.constant 0 : i32
    %scan3A_399 = arith.constant 0 : i32
    %scan3A_400 = arith.constant 5 : i32
    %scan3A_401 = arith.addi %scan3A_399, %scan3A_400 : i32
    %scan3A_402 = arith.constant 1 : i32
    scf.for %scan3A_635 = %scan3A_399 to %scan3A_401 step %scan3A_402  : i32 {
      %mul3A_636 = arith.constant 16 : i32
      %mul3A_637 = arith.muli %scan3A_635, %mul3A_636 : i32
      %add3A_638 = arith.constant 480 : i32
      %add3A_639 = arith.addi %add3A_638, %mul3A_637 : i32
      %get3A_640 = arith.index_cast %add3A_639 : i32 to index
      %get3A_641 = tpu.vector_load %arg9[%get3A_640] {strides = array<i32>} : memref<800xi32, #tpu.memory_space<vmem>>, vector<16xi32>,
      %shift_right_arithmetic3A_642 = arith.constant 2 : i32
      %shift_right_arithmetic3A_643 = vector.broadcast %shift_right_arithmetic3A_642 : i32 to vector<16xi32>
      %shift_right_arithmetic3A_644 = arith.shrsi %get3A_641, %shift_right_arithmetic3A_643 : vector<16xi32>
      %mul3A_645 = arith.constant 16 : i32
      %mul3A_646 = arith.muli %scan3A_635, %mul3A_645 : i32
      %swap3A_647 = arith.constant 0 : i32
      %swap3A_648 = arith.index_cast %swap3A_647 : i32 to index
      %swap3A_649 = arith.index_cast %mul3A_646 : i32 to index
      %swap3A_650 = tpu.vector_load %arg12[%swap3A_648, %swap3A_649] {strides = array<i32>} : memref<2x80xi32, #tpu.memory_space<vmem>>, vector<16xi32>,
      tpu.vector_store %arg12[%swap3A_648, %swap3A_649], %shift_right_arithmetic3A_644 {strides = array<i32>} : memref<2x80xi32, #tpu.memory_space<vmem>>, vector<16xi32>,
      %and3A = arith.constant 3 : i32
      %and3A_651 = vector.broadcast %and3A : i32 to vector<16xi32>
      %and3A_652 = arith.andi %get3A_641, %and3A_651 : vector<16xi32>
      %mul3A_653 = arith.constant 32 : i32
      %mul3A_654 = vector.broadcast %mul3A_653 : i32 to vector<16xi32>
      %mul3A_655 = arith.muli %and3A_652, %mul3A_654 : vector<16xi32>
      %mul3A_656 = arith.constant 16 : i32
      %mul3A_657 = arith.muli %scan3A_635, %mul3A_656 : i32
      %swap3A_658 = arith.constant 0 : i32
      %swap3A_659 = arith.index_cast %swap3A_658 : i32 to index
      %swap3A_660 = arith.index_cast %mul3A_657 : i32 to index
      %swap3A_661 = tpu.vector_load %arg13[%swap3A_659, %swap3A_660] {strides = array<i32>} : memref<2x80xi32, #tpu.memory_space<vmem>>, vector<16xi32>,
      tpu.vector_store %arg13[%swap3A_659, %swap3A_660], %mul3A_655 {strides = array<i32>} : memref<2x80xi32, #tpu.memory_space<vmem>>, vector<16xi32>,
    }
    %scan3A_403 = arith.constant 5 : i32
    %dma_start3A_404 = arith.constant 0 : i32
    %dma_start3A_405 = arith.constant 0 : i32
    %dma_start3A_406 = arith.constant 0 : i32
    %dma_start3A_407 = arith.constant 0 : i32
    %dma_start3A_408 = tpu.memref_slice %arg14[%dma_start3A_405, %dma_start3A_406, %dma_start3A_407] : memref<2x80x128xi32, #tpu.memory_space<vmem>> -> memref<1x80x128xi32, #tpu.memory_space<vmem>>
    %dma_start3A_409 = tpu.memref_squeeze %dma_start3A_408 : memref<1x80x128xi32, #tpu.memory_space<vmem>> -> memref<80x128xi32, #tpu.memory_space<vmem>>
    %dma_start3A_410 = arith.constant 0 : i32
    %dma_start3A_411 = tpu.memref_slice %arg12[%dma_start3A_404, %dma_start3A_410] : memref<2x80xi32, #tpu.memory_space<vmem>> -> memref<1x80xi32, #tpu.memory_space<vmem>>
    %dma_start3A_412 = tpu.memref_squeeze %dma_start3A_411 : memref<1x80xi32, #tpu.memory_space<vmem>> -> memref<80xi32, #tpu.memory_space<vmem>>
    %dma_start3A_413 = arith.constant 0 : i32
    %dma_start3A_414 = arith.constant 0 : i32
    %dma_start3A_415 = tpu.memref_slice %arg4[%dma_start3A_413, %dma_start3A_414] : memref<25000x128xi32, #tpu.memory_space<hbm>> -> memref<25000x128xi32, #tpu.memory_space<hbm>>
    tpu.enqueue_indirect_dma source(%dma_start3A_415 : memref<25000x128xi32, #tpu.memory_space<hbm>>) target(%dma_start3A_409 : memref<80x128xi32, #tpu.memory_space<vmem>>) offsets(%dma_start3A_412 : memref<80xi32, #tpu.memory_space<vmem>>) semaphore(%arg20 : memref<!tpu.dma_semaphore, #tpu.memory_space<semaphore_mem>>)
    %scan3A_416 = arith.constant 0 : i32
    %scan3A_417 = arith.constant 0 : i32
    %scan3A_418 = arith.constant 50 : i32
    %scan3A_419 = arith.addi %scan3A_417, %scan3A_418 : i32
    %scan3A_420 = arith.constant 1 : i32
    scf.for %scan3A_635 = %scan3A_417 to %scan3A_419 step %scan3A_420  : i32 {
      %iota3A_636 = tpu.iota {dimensions = array<i32: 0>} : vector<16xi32>
      %mul3A_637 = arith.constant 16 : i32
      %mul3A_638 = arith.muli %scan3A_635, %mul3A_637 : i32
      %add3A_639 = vector.broadcast %mul3A_638 : i32 to vector<16xi32>
      %add3A_640 = arith.addi %iota3A_636, %add3A_639 : vector<16xi32>
      %mul3A_641 = arith.constant 6554 : i32
      %mul3A_642 = vector.broadcast %mul3A_641 : i32 to vector<16xi32>
      %mul3A_643 = arith.muli %add3A_640, %mul3A_642 : vector<16xi32>
      %shift_right_arithmetic3A_644 = arith.constant 16 : i32
      %shift_right_arithmetic3A_645 = vector.broadcast %shift_right_arithmetic3A_644 : i32 to vector<16xi32>
      %shift_right_arithmetic3A_646 = arith.shrsi %mul3A_643, %shift_right_arithmetic3A_645 : vector<16xi32>
      %mul3A_647 = arith.constant 0 : i32
      %mul3A_648 = vector.broadcast %mul3A_647 : i32 to vector<16xi32>
      %mul3A_649 = arith.muli %shift_right_arithmetic3A_646, %mul3A_648 : vector<16xi32>
      %add3A_650 = arith.constant 1 : i32
      %add3A_651 = vector.broadcast %add3A_650 : i32 to vector<16xi32>
      %add3A_652 = arith.addi %mul3A_649, %add3A_651 : vector<16xi32>
      %gather3A = tpu.vector_load_idx %arg13[%add3A_652, %shift_right_arithmetic3A_646] : memref<2x80xi32, #tpu.memory_space<vmem>>[vector<16xi32>, vector<16xi32>], vector<16xi32>,
      %add3A_653 = arith.addi %gather3A, %add3A_640 : vector<16xi32>
      %mul3A_654 = arith.constant 10 : i32
      %mul3A_655 = vector.broadcast %mul3A_654 : i32 to vector<16xi32>
      %mul3A_656 = arith.muli %shift_right_arithmetic3A_646, %mul3A_655 : vector<16xi32>
      %sub3A = arith.subi %add3A_653, %mul3A_656 : vector<16xi32>
      %mul3A_657 = arith.constant 0 : i32
      %mul3A_658 = vector.broadcast %mul3A_657 : i32 to vector<16xi32>
      %mul3A_659 = arith.muli %shift_right_arithmetic3A_646, %mul3A_658 : vector<16xi32>
      %add3A_660 = arith.constant 1 : i32
      %add3A_661 = vector.broadcast %add3A_660 : i32 to vector<16xi32>
      %add3A_662 = arith.addi %mul3A_659, %add3A_661 : vector<16xi32>
      %gather3A_663 = tpu.vector_load_idx %arg14[%add3A_662, %shift_right_arithmetic3A_646, %sub3A] : memref<2x80x128xi32, #tpu.memory_space<vmem>>[vector<16xi32>, vector<16xi32>, vector<16xi32>], vector<16xi32>,
      %mul3A_664 = arith.constant 16 : i32
      %mul3A_665 = arith.muli %scan3A_635, %mul3A_664 : i32
      %add3A_666 = arith.constant 4000 : i32
      %add3A_667 = arith.addi %add3A_666, %mul3A_665 : i32
      %swap3A_668 = arith.index_cast %add3A_667 : i32 to index
      %swap3A_669 = tpu.vector_load %arg15[%swap3A_668] {strides = array<i32>} : memref<8000xi32, #tpu.memory_space<vmem>>, vector<16xi32>,
      tpu.vector_store %arg15[%swap3A_668], %gather3A_663 {strides = array<i32>} : memref<8000xi32, #tpu.memory_space<vmem>>, vector<16xi32>,
    }
    %scan3A_421 = arith.constant 50 : i32
    %scan3A_422 = arith.constant 0 : i32
    %scan3A_423 = arith.constant 0 : i32
    %scan3A_424 = arith.constant 80 : i32
    %scan3A_425 = arith.addi %scan3A_423, %scan3A_424 : i32
    %scan3A_426 = arith.constant 1 : i32
    scf.for %scan3A_635 = %scan3A_423 to %scan3A_425 step %scan3A_426  : i32 {
      %broadcast_in_dim3A = arith.constant 0.000000e+00 : f32
      %broadcast_in_dim3A_636 = vector.broadcast %broadcast_in_dim3A : f32 to vector<16xf32>
      %swap3A_637 = arith.constant 0 : i32
      %swap3A_638 = arith.index_cast %swap3A_637 : i32 to index
      %swap3A_639 = arith.index_cast %scan3A_635 : i32 to index
      %swap3A_640 = arith.constant 0 : index
      %swap3A_641 = tpu.vector_load %arg16[%swap3A_638, %swap3A_639, %swap3A_640] {strides = array<i32>} : memref<4x80x128xf32, #tpu.memory_space<vmem>>, vector<16xf32>,
      tpu.vector_store %arg16[%swap3A_638, %swap3A_639, %swap3A_640], %broadcast_in_dim3A_636 {strides = array<i32>} : memref<4x80x128xf32, #tpu.memory_space<vmem>>, vector<16xf32>,
      %broadcast_in_dim3A_642 = arith.constant 0.000000e+00 : f32
      %broadcast_in_dim3A_643 = vector.broadcast %broadcast_in_dim3A_642 : f32 to vector<16xf32>
      %swap3A_644 = arith.constant 0 : i32
      %swap3A_645 = arith.index_cast %swap3A_644 : i32 to index
      %swap3A_646 = arith.index_cast %scan3A_635 : i32 to index
      %swap3A_647 = arith.constant 16 : index
      %swap3A_648 = tpu.vector_load %arg16[%swap3A_645, %swap3A_646, %swap3A_647] {strides = array<i32>} : memref<4x80x128xf32, #tpu.memory_space<vmem>>, vector<16xf32>,
      tpu.vector_store %arg16[%swap3A_645, %swap3A_646, %swap3A_647], %broadcast_in_dim3A_643 {strides = array<i32>} : memref<4x80x128xf32, #tpu.memory_space<vmem>>, vector<16xf32>,
      %broadcast_in_dim3A_649 = arith.constant 0.000000e+00 : f32
      %broadcast_in_dim3A_650 = vector.broadcast %broadcast_in_dim3A_649 : f32 to vector<16xf32>
      %swap3A_651 = arith.constant 0 : i32
      %swap3A_652 = arith.index_cast %swap3A_651 : i32 to index
      %swap3A_653 = arith.index_cast %scan3A_635 : i32 to index
      %swap3A_654 = arith.constant 32 : index
      %swap3A_655 = tpu.vector_load %arg16[%swap3A_652, %swap3A_653, %swap3A_654] {strides = array<i32>} : memref<4x80x128xf32, #tpu.memory_space<vmem>>, vector<16xf32>,
      tpu.vector_store %arg16[%swap3A_652, %swap3A_653, %swap3A_654], %broadcast_in_dim3A_650 {strides = array<i32>} : memref<4x80x128xf32, #tpu.memory_space<vmem>>, vector<16xf32>,
      %broadcast_in_dim3A_656 = arith.constant 0.000000e+00 : f32
      %broadcast_in_dim3A_657 = vector.broadcast %broadcast_in_dim3A_656 : f32 to vector<16xf32>
      %swap3A_658 = arith.constant 0 : i32
      %swap3A_659 = arith.index_cast %swap3A_658 : i32 to index
      %swap3A_660 = arith.index_cast %scan3A_635 : i32 to index
      %swap3A_661 = arith.constant 48 : index
      %swap3A_662 = tpu.vector_load %arg16[%swap3A_659, %swap3A_660, %swap3A_661] {strides = array<i32>} : memref<4x80x128xf32, #tpu.memory_space<vmem>>, vector<16xf32>,
      tpu.vector_store %arg16[%swap3A_659, %swap3A_660, %swap3A_661], %broadcast_in_dim3A_657 {strides = array<i32>} : memref<4x80x128xf32, #tpu.memory_space<vmem>>, vector<16xf32>,
      %broadcast_in_dim3A_663 = arith.constant 0.000000e+00 : f32
      %broadcast_in_dim3A_664 = vector.broadcast %broadcast_in_dim3A_663 : f32 to vector<16xf32>
      %swap3A_665 = arith.constant 0 : i32
      %swap3A_666 = arith.index_cast %swap3A_665 : i32 to index
      %swap3A_667 = arith.index_cast %scan3A_635 : i32 to index
      %swap3A_668 = arith.constant 64 : index
      %swap3A_669 = tpu.vector_load %arg16[%swap3A_666, %swap3A_667, %swap3A_668] {strides = array<i32>} : memref<4x80x128xf32, #tpu.memory_space<vmem>>, vector<16xf32>,
      tpu.vector_store %arg16[%swap3A_666, %swap3A_667, %swap3A_668], %broadcast_in_dim3A_664 {strides = array<i32>} : memref<4x80x128xf32, #tpu.memory_space<vmem>>, vector<16xf32>,
      %broadcast_in_dim3A_670 = arith.constant 0.000000e+00 : f32
      %broadcast_in_dim3A_671 = vector.broadcast %broadcast_in_dim3A_670 : f32 to vector<16xf32>
      %swap3A_672 = arith.constant 0 : i32
      %swap3A_673 = arith.index_cast %swap3A_672 : i32 to index
      %swap3A_674 = arith.index_cast %scan3A_635 : i32 to index
      %swap3A_675 = arith.constant 80 : index
      %swap3A_676 = tpu.vector_load %arg16[%swap3A_673, %swap3A_674, %swap3A_675] {strides = array<i32>} : memref<4x80x128xf32, #tpu.memory_space<vmem>>, vector<16xf32>,
      tpu.vector_store %arg16[%swap3A_673, %swap3A_674, %swap3A_675], %broadcast_in_dim3A_671 {strides = array<i32>} : memref<4x80x128xf32, #tpu.memory_space<vmem>>, vector<16xf32>,
      %broadcast_in_dim3A_677 = arith.constant 0.000000e+00 : f32
      %broadcast_in_dim3A_678 = vector.broadcast %broadcast_in_dim3A_677 : f32 to vector<16xf32>
      %swap3A_679 = arith.constant 0 : i32
      %swap3A_680 = arith.index_cast %swap3A_679 : i32 to index
      %swap3A_681 = arith.index_cast %scan3A_635 : i32 to index
      %swap3A_682 = arith.constant 96 : index
      %swap3A_683 = tpu.vector_load %arg16[%swap3A_680, %swap3A_681, %swap3A_682] {strides = array<i32>} : memref<4x80x128xf32, #tpu.memory_space<vmem>>, vector<16xf32>,
      tpu.vector_store %arg16[%swap3A_680, %swap3A_681, %swap3A_682], %broadcast_in_dim3A_678 {strides = array<i32>} : memref<4x80x128xf32, #tpu.memory_space<vmem>>, vector<16xf32>,
      %broadcast_in_dim3A_684 = arith.constant 0.000000e+00 : f32
      %broadcast_in_dim3A_685 = vector.broadcast %broadcast_in_dim3A_684 : f32 to vector<16xf32>
      %swap3A_686 = arith.constant 0 : i32
      %swap3A_687 = arith.index_cast %swap3A_686 : i32 to index
      %swap3A_688 = arith.index_cast %scan3A_635 : i32 to index
      %swap3A_689 = arith.constant 112 : index
      %swap3A_690 = tpu.vector_load %arg16[%swap3A_687, %swap3A_688, %swap3A_689] {strides = array<i32>} : memref<4x80x128xf32, #tpu.memory_space<vmem>>, vector<16xf32>,
      tpu.vector_store %arg16[%swap3A_687, %swap3A_688, %swap3A_689], %broadcast_in_dim3A_685 {strides = array<i32>} : memref<4x80x128xf32, #tpu.memory_space<vmem>>, vector<16xf32>,
    }
    %scan3A_427 = arith.constant 80 : i32
    %scan3A_428 = arith.constant 0 : i32
    %scan3A_429 = arith.constant 0 : i32
    %scan3A_430 = arith.constant 5 : i32
    %scan3A_431 = arith.addi %scan3A_429, %scan3A_430 : i32
    %scan3A_432 = arith.constant 1 : i32
    scf.for %scan3A_635 = %scan3A_429 to %scan3A_431 step %scan3A_432  : i32 {
      %mul3A_636 = arith.constant 80 : i32
      %mul3A_637 = arith.muli %scan3A_635, %mul3A_636 : i32
      %add3A_638 = arith.addi %mul3A_136, %mul3A_637 : i32
      %run_scoped3A = arith.constant 0 : i32
      "tpu.region"() ({
        %run_scoped3A_639 = tpu.sem_alloc : memref<!tpu.dma_semaphore, #tpu.memory_space<semaphore_mem>>
        %dma_start3A_640 = arith.constant 0 : i32
        %dma_start3A_641 = arith.constant 0 : i32
        %dma_start3A_642 = tpu.memref_slice %arg16[%run_scoped3A, %dma_start3A_640, %dma_start3A_641] : memref<4x80x128xf32, #tpu.memory_space<vmem>> -> memref<1x80x128xf32, #tpu.memory_space<vmem>>
        %dma_start3A_643 = tpu.memref_squeeze %dma_start3A_642 : memref<1x80x128xf32, #tpu.memory_space<vmem>> -> memref<80x128xf32, #tpu.memory_space<vmem>>
        %dma_start3A_644 = arith.constant 0 : i32
        %dma_start3A_645 = tpu.memref_slice %arg19[%add3A_638, %dma_start3A_644] : memref<6400x128xf32, #tpu.memory_space<vmem_shared>> -> memref<80x128xf32, #tpu.memory_space<vmem_shared>>
        %dma_start3A_646 = arith.constant 0 : i32
        %dma_start3A_647 = tpu.memref_slice %arg19[%add3A_638, %dma_start3A_646] : memref<6400x128xf32, #tpu.memory_space<vmem_shared>> -> memref<80x128xf32, #tpu.memory_space<vmem_shared>>
        %dma_start3A_648 = arith.constant 0 : i32
        %dma_start3A_649 = arith.constant 0 : i32
        %dma_start3A_650 = tpu.memref_slice %arg16[%run_scoped3A, %dma_start3A_648, %dma_start3A_649] : memref<4x80x128xf32, #tpu.memory_space<vmem>> -> memref<1x80x128xf32, #tpu.memory_space<vmem>>
        %dma_start3A_651 = tpu.memref_squeeze %dma_start3A_650 : memref<1x80x128xf32, #tpu.memory_space<vmem>> -> memref<80x128xf32, #tpu.memory_space<vmem>>
        tpu.enqueue_dma source(%dma_start3A_651 : memref<80x128xf32, #tpu.memory_space<vmem>>) target(%dma_start3A_647 : memref<80x128xf32, #tpu.memory_space<vmem_shared>>) target_semaphore(%run_scoped3A_639 : memref<!tpu.dma_semaphore, #tpu.memory_space<semaphore_mem>>)
        %dma_wait3A_652 = arith.constant 0 : i32
        %dma_wait3A_653 = arith.constant 0 : i32
        %dma_wait3A_654 = tpu.memref_slice %arg16[%run_scoped3A, %dma_wait3A_652, %dma_wait3A_653] : memref<4x80x128xf32, #tpu.memory_space<vmem>> -> memref<1x80x128xf32, #tpu.memory_space<vmem>>
        %dma_wait3A_655 = tpu.memref_squeeze %dma_wait3A_654 : memref<1x80x128xf32, #tpu.memory_space<vmem>> -> memref<80x128xf32, #tpu.memory_space<vmem>>
        %dma_wait3A_656 = arith.constant 0 : i32
        %dma_wait3A_657 = tpu.memref_slice %arg19[%add3A_638, %dma_wait3A_656] : memref<6400x128xf32, #tpu.memory_space<vmem_shared>> -> memref<80x128xf32, #tpu.memory_space<vmem_shared>>
        %dma_wait3A_658 = arith.constant 0 : i32
        %dma_wait3A_659 = tpu.memref_slice %arg19[%add3A_638, %dma_wait3A_658] : memref<6400x128xf32, #tpu.memory_space<vmem_shared>> -> memref<80x128xf32, #tpu.memory_space<vmem_shared>>
        %dma_wait3A_660 = arith.constant 0 : i32
        %dma_wait3A_661 = arith.constant 0 : i32
        %dma_wait3A_662 = tpu.memref_slice %arg16[%run_scoped3A, %dma_wait3A_660, %dma_wait3A_661] : memref<4x80x128xf32, #tpu.memory_space<vmem>> -> memref<1x80x128xf32, #tpu.memory_space<vmem>>
        %dma_wait3A_663 = tpu.memref_squeeze %dma_wait3A_662 : memref<1x80x128xf32, #tpu.memory_space<vmem>> -> memref<80x128xf32, #tpu.memory_space<vmem>>
        tpu.wait_dma2 semaphore(%run_scoped3A_639 : memref<!tpu.dma_semaphore, #tpu.memory_space<semaphore_mem>>) src(%dma_wait3A_663 : memref<80x128xf32, #tpu.memory_space<vmem>>) dst(%dma_wait3A_659 : memref<80x128xf32, #tpu.memory_space<vmem_shared>>)
        tpu.yield
      }) : () -> ()
    }
    %scan3A_433 = arith.constant 5 : i32
    %get3A_434 = arith.constant 0 : index
    %get3A_435 = tpu.vector_load %arg18[%get3A_434] {strides = array<i32>} : memref<80xi32, #tpu.memory_space<vmem>>, vector<16xi32>,
    %add3A_436 = arith.constant 0 : i32
    %add3A_437 = arith.addi %mul3A_136, %add3A_436 : i32
    %add3A_438 = vector.broadcast %add3A_437 : i32 to vector<16xi32>
    %add3A_439 = arith.addi %get3A_435, %add3A_438 : vector<16xi32>
    %swap3A_440 = arith.constant 0 : i32
    %swap3A_441 = arith.index_cast %swap3A_440 : i32 to index
    %swap3A_442 = arith.constant 0 : index
    %swap3A_443 = tpu.vector_load %arg17[%swap3A_441, %swap3A_442] {strides = array<i32>} : memref<4x80xi32, #tpu.memory_space<vmem>>, vector<16xi32>,
    tpu.vector_store %arg17[%swap3A_441, %swap3A_442], %add3A_439 {strides = array<i32>} : memref<4x80xi32, #tpu.memory_space<vmem>>, vector<16xi32>,
    %get3A_444 = arith.constant 16 : index
    %get3A_445 = tpu.vector_load %arg18[%get3A_444] {strides = array<i32>} : memref<80xi32, #tpu.memory_space<vmem>>, vector<16xi32>,
    %add3A_446 = arith.constant 0 : i32
    %add3A_447 = arith.addi %mul3A_136, %add3A_446 : i32
    %add3A_448 = vector.broadcast %add3A_447 : i32 to vector<16xi32>
    %add3A_449 = arith.addi %get3A_445, %add3A_448 : vector<16xi32>
    %swap3A_450 = arith.constant 0 : i32
    %swap3A_451 = arith.index_cast %swap3A_450 : i32 to index
    %swap3A_452 = arith.constant 16 : index
    %swap3A_453 = tpu.vector_load %arg17[%swap3A_451, %swap3A_452] {strides = array<i32>} : memref<4x80xi32, #tpu.memory_space<vmem>>, vector<16xi32>,
    tpu.vector_store %arg17[%swap3A_451, %swap3A_452], %add3A_449 {strides = array<i32>} : memref<4x80xi32, #tpu.memory_space<vmem>>, vector<16xi32>,
    %get3A_454 = arith.constant 32 : index
    %get3A_455 = tpu.vector_load %arg18[%get3A_454] {strides = array<i32>} : memref<80xi32, #tpu.memory_space<vmem>>, vector<16xi32>,
    %add3A_456 = arith.constant 0 : i32
    %add3A_457 = arith.addi %mul3A_136, %add3A_456 : i32
    %add3A_458 = vector.broadcast %add3A_457 : i32 to vector<16xi32>
    %add3A_459 = arith.addi %get3A_455, %add3A_458 : vector<16xi32>
    %swap3A_460 = arith.constant 0 : i32
    %swap3A_461 = arith.index_cast %swap3A_460 : i32 to index
    %swap3A_462 = arith.constant 32 : index
    %swap3A_463 = tpu.vector_load %arg17[%swap3A_461, %swap3A_462] {strides = array<i32>} : memref<4x80xi32, #tpu.memory_space<vmem>>, vector<16xi32>,
    tpu.vector_store %arg17[%swap3A_461, %swap3A_462], %add3A_459 {strides = array<i32>} : memref<4x80xi32, #tpu.memory_space<vmem>>, vector<16xi32>,
    %get3A_464 = arith.constant 48 : index
    %get3A_465 = tpu.vector_load %arg18[%get3A_464] {strides = array<i32>} : memref<80xi32, #tpu.memory_space<vmem>>, vector<16xi32>,
    %add3A_466 = arith.constant 0 : i32
    %add3A_467 = arith.addi %mul3A_136, %add3A_466 : i32
    %add3A_468 = vector.broadcast %add3A_467 : i32 to vector<16xi32>
    %add3A_469 = arith.addi %get3A_465, %add3A_468 : vector<16xi32>
    %swap3A_470 = arith.constant 0 : i32
    %swap3A_471 = arith.index_cast %swap3A_470 : i32 to index
    %swap3A_472 = arith.constant 48 : index
    %swap3A_473 = tpu.vector_load %arg17[%swap3A_471, %swap3A_472] {strides = array<i32>} : memref<4x80xi32, #tpu.memory_space<vmem>>, vector<16xi32>,
    tpu.vector_store %arg17[%swap3A_471, %swap3A_472], %add3A_469 {strides = array<i32>} : memref<4x80xi32, #tpu.memory_space<vmem>>, vector<16xi32>,
    %get3A_474 = arith.constant 64 : index
    %get3A_475 = tpu.vector_load %arg18[%get3A_474] {strides = array<i32>} : memref<80xi32, #tpu.memory_space<vmem>>, vector<16xi32>,
    %add3A_476 = arith.constant 0 : i32
    %add3A_477 = arith.addi %mul3A_136, %add3A_476 : i32
    %add3A_478 = vector.broadcast %add3A_477 : i32 to vector<16xi32>
    %add3A_479 = arith.addi %get3A_475, %add3A_478 : vector<16xi32>
    %swap3A_480 = arith.constant 0 : i32
    %swap3A_481 = arith.index_cast %swap3A_480 : i32 to index
    %swap3A_482 = arith.constant 64 : index
    %swap3A_483 = tpu.vector_load %arg17[%swap3A_481, %swap3A_482] {strides = array<i32>} : memref<4x80xi32, #tpu.memory_space<vmem>>, vector<16xi32>,
    tpu.vector_store %arg17[%swap3A_481, %swap3A_482], %add3A_479 {strides = array<i32>} : memref<4x80xi32, #tpu.memory_space<vmem>>, vector<16xi32>,
    %dma_start3A_484 = arith.constant 0 : i32
    %dma_start3A_485 = arith.constant 0 : i32
    %dma_start3A_486 = arith.constant 0 : i32
    %dma_start3A_487 = tpu.memref_slice %arg16[%dma_start3A_484, %dma_start3A_485, %dma_start3A_486] : memref<4x80x128xf32, #tpu.memory_space<vmem>> -> memref<1x80x128xf32, #tpu.memory_space<vmem>>
    %dma_start3A_488 = tpu.memref_squeeze %dma_start3A_487 : memref<1x80x128xf32, #tpu.memory_space<vmem>> -> memref<80x128xf32, #tpu.memory_space<vmem>>
    %dma_start3A_489 = arith.constant 4000 : i32
    %dma_start3A_490 = tpu.memref_slice %arg15[%dma_start3A_489] : memref<8000xi32, #tpu.memory_space<vmem>> -> memref<80xi32, #tpu.memory_space<vmem>>
    %dma_start3A_491 = arith.constant 0 : i32
    %dma_start3A_492 = arith.constant 0 : i32
    %dma_start3A_493 = tpu.memref_slice %arg3[%dma_start3A_491, %dma_start3A_492] : memref<100000x128xf32, #tpu.memory_space<hbm>> -> memref<100000x128xf32, #tpu.memory_space<hbm>>
    tpu.enqueue_indirect_dma source(%dma_start3A_493 : memref<100000x128xf32, #tpu.memory_space<hbm>>) target(%dma_start3A_488 : memref<80x128xf32, #tpu.memory_space<vmem>>) offsets(%dma_start3A_490 : memref<80xi32, #tpu.memory_space<vmem>>) semaphore(%arg22 : memref<!tpu.dma_semaphore, #tpu.memory_space<semaphore_mem>>)
    %get3A_494 = arith.constant 0 : index
    %get3A_495 = tpu.vector_load %arg18[%get3A_494] {strides = array<i32>} : memref<80xi32, #tpu.memory_space<vmem>>, vector<16xi32>,
    %add3A_496 = arith.constant 8 : i32
    %add3A_497 = arith.addi %mul3A_136, %add3A_496 : i32
    %add3A_498 = vector.broadcast %add3A_497 : i32 to vector<16xi32>
    %add3A_499 = arith.addi %get3A_495, %add3A_498 : vector<16xi32>
    %swap3A_500 = arith.constant 1 : i32
    %swap3A_501 = arith.index_cast %swap3A_500 : i32 to index
    %swap3A_502 = arith.constant 0 : index
    %swap3A_503 = tpu.vector_load %arg17[%swap3A_501, %swap3A_502] {strides = array<i32>} : memref<4x80xi32, #tpu.memory_space<vmem>>, vector<16xi32>,
    tpu.vector_store %arg17[%swap3A_501, %swap3A_502], %add3A_499 {strides = array<i32>} : memref<4x80xi32, #tpu.memory_space<vmem>>, vector<16xi32>,
    %get3A_504 = arith.constant 16 : index
    %get3A_505 = tpu.vector_load %arg18[%get3A_504] {strides = array<i32>} : memref<80xi32, #tpu.memory_space<vmem>>, vector<16xi32>,
    %add3A_506 = arith.constant 8 : i32
    %add3A_507 = arith.addi %mul3A_136, %add3A_506 : i32
    %add3A_508 = vector.broadcast %add3A_507 : i32 to vector<16xi32>
    %add3A_509 = arith.addi %get3A_505, %add3A_508 : vector<16xi32>
    %swap3A_510 = arith.constant 1 : i32
    %swap3A_511 = arith.index_cast %swap3A_510 : i32 to index
    %swap3A_512 = arith.constant 16 : index
    %swap3A_513 = tpu.vector_load %arg17[%swap3A_511, %swap3A_512] {strides = array<i32>} : memref<4x80xi32, #tpu.memory_space<vmem>>, vector<16xi32>,
    tpu.vector_store %arg17[%swap3A_511, %swap3A_512], %add3A_509 {strides = array<i32>} : memref<4x80xi32, #tpu.memory_space<vmem>>, vector<16xi32>,
    %get3A_514 = arith.constant 32 : index
    %get3A_515 = tpu.vector_load %arg18[%get3A_514] {strides = array<i32>} : memref<80xi32, #tpu.memory_space<vmem>>, vector<16xi32>,
    %add3A_516 = arith.constant 8 : i32
    %add3A_517 = arith.addi %mul3A_136, %add3A_516 : i32
    %add3A_518 = vector.broadcast %add3A_517 : i32 to vector<16xi32>
    %add3A_519 = arith.addi %get3A_515, %add3A_518 : vector<16xi32>
    %swap3A_520 = arith.constant 1 : i32
    %swap3A_521 = arith.index_cast %swap3A_520 : i32 to index
    %swap3A_522 = arith.constant 32 : index
    %swap3A_523 = tpu.vector_load %arg17[%swap3A_521, %swap3A_522] {strides = array<i32>} : memref<4x80xi32, #tpu.memory_space<vmem>>, vector<16xi32>,
    tpu.vector_store %arg17[%swap3A_521, %swap3A_522], %add3A_519 {strides = array<i32>} : memref<4x80xi32, #tpu.memory_space<vmem>>, vector<16xi32>,
    %get3A_524 = arith.constant 48 : index
    %get3A_525 = tpu.vector_load %arg18[%get3A_524] {strides = array<i32>} : memref<80xi32, #tpu.memory_space<vmem>>, vector<16xi32>,
    %add3A_526 = arith.constant 8 : i32
    %add3A_527 = arith.addi %mul3A_136, %add3A_526 : i32
    %add3A_528 = vector.broadcast %add3A_527 : i32 to vector<16xi32>
    %add3A_529 = arith.addi %get3A_525, %add3A_528 : vector<16xi32>
    %swap3A_530 = arith.constant 1 : i32
    %swap3A_531 = arith.index_cast %swap3A_530 : i32 to index
    %swap3A_532 = arith.constant 48 : index
    %swap3A_533 = tpu.vector_load %arg17[%swap3A_531, %swap3A_532] {strides = array<i32>} : memref<4x80xi32, #tpu.memory_space<vmem>>, vector<16xi32>,
    tpu.vector_store %arg17[%swap3A_531, %swap3A_532], %add3A_529 {strides = array<i32>} : memref<4x80xi32, #tpu.memory_space<vmem>>, vector<16xi32>,
    %get3A_534 = arith.constant 64 : index
    %get3A_535 = tpu.vector_load %arg18[%get3A_534] {strides = array<i32>} : memref<80xi32, #tpu.memory_space<vmem>>, vector<16xi32>,
    %add3A_536 = arith.constant 8 : i32
    %add3A_537 = arith.addi %mul3A_136, %add3A_536 : i32
    %add3A_538 = vector.broadcast %add3A_537 : i32 to vector<16xi32>
    %add3A_539 = arith.addi %get3A_535, %add3A_538 : vector<16xi32>
    %swap3A_540 = arith.constant 1 : i32
    %swap3A_541 = arith.index_cast %swap3A_540 : i32 to index
    %swap3A_542 = arith.constant 64 : index
    %swap3A_543 = tpu.vector_load %arg17[%swap3A_541, %swap3A_542] {strides = array<i32>} : memref<4x80xi32, #tpu.memory_space<vmem>>, vector<16xi32>,
    tpu.vector_store %arg17[%swap3A_541, %swap3A_542], %add3A_539 {strides = array<i32>} : memref<4x80xi32, #tpu.memory_space<vmem>>, vector<16xi32>,
    %dma_start3A_544 = arith.constant 1 : i32
    %dma_start3A_545 = arith.constant 0 : i32
    %dma_start3A_546 = arith.constant 0 : i32
    %dma_start3A_547 = tpu.memref_slice %arg16[%dma_start3A_544, %dma_start3A_545, %dma_start3A_546] : memref<4x80x128xf32, #tpu.memory_space<vmem>> -> memref<1x80x128xf32, #tpu.memory_space<vmem>>
    %dma_start3A_548 = tpu.memref_squeeze %dma_start3A_547 : memref<1x80x128xf32, #tpu.memory_space<vmem>> -> memref<80x128xf32, #tpu.memory_space<vmem>>
    %dma_start3A_549 = arith.constant 4080 : i32
    %dma_start3A_550 = tpu.memref_slice %arg15[%dma_start3A_549] : memref<8000xi32, #tpu.memory_space<vmem>> -> memref<80xi32, #tpu.memory_space<vmem>>
    %dma_start3A_551 = arith.constant 0 : i32
    %dma_start3A_552 = arith.constant 0 : i32
    %dma_start3A_553 = tpu.memref_slice %arg3[%dma_start3A_551, %dma_start3A_552] : memref<100000x128xf32, #tpu.memory_space<hbm>> -> memref<100000x128xf32, #tpu.memory_space<hbm>>
    tpu.enqueue_indirect_dma source(%dma_start3A_553 : memref<100000x128xf32, #tpu.memory_space<hbm>>) target(%dma_start3A_548 : memref<80x128xf32, #tpu.memory_space<vmem>>) offsets(%dma_start3A_550 : memref<80xi32, #tpu.memory_space<vmem>>) semaphore(%arg23 : memref<!tpu.dma_semaphore, #tpu.memory_space<semaphore_mem>>)
    %get3A_554 = arith.constant 0 : index
    %get3A_555 = tpu.vector_load %arg18[%get3A_554] {strides = array<i32>} : memref<80xi32, #tpu.memory_space<vmem>>, vector<16xi32>,
    %add3A_556 = arith.constant 16 : i32
    %add3A_557 = arith.addi %mul3A_136, %add3A_556 : i32
    %add3A_558 = vector.broadcast %add3A_557 : i32 to vector<16xi32>
    %add3A_559 = arith.addi %get3A_555, %add3A_558 : vector<16xi32>
    %swap3A_560 = arith.constant 2 : i32
    %swap3A_561 = arith.index_cast %swap3A_560 : i32 to index
    %swap3A_562 = arith.constant 0 : index
    %swap3A_563 = tpu.vector_load %arg17[%swap3A_561, %swap3A_562] {strides = array<i32>} : memref<4x80xi32, #tpu.memory_space<vmem>>, vector<16xi32>,
    tpu.vector_store %arg17[%swap3A_561, %swap3A_562], %add3A_559 {strides = array<i32>} : memref<4x80xi32, #tpu.memory_space<vmem>>, vector<16xi32>,
    %get3A_564 = arith.constant 16 : index
    %get3A_565 = tpu.vector_load %arg18[%get3A_564] {strides = array<i32>} : memref<80xi32, #tpu.memory_space<vmem>>, vector<16xi32>,
    %add3A_566 = arith.constant 16 : i32
    %add3A_567 = arith.addi %mul3A_136, %add3A_566 : i32
    %add3A_568 = vector.broadcast %add3A_567 : i32 to vector<16xi32>
    %add3A_569 = arith.addi %get3A_565, %add3A_568 : vector<16xi32>
    %swap3A_570 = arith.constant 2 : i32
    %swap3A_571 = arith.index_cast %swap3A_570 : i32 to index
    %swap3A_572 = arith.constant 16 : index
    %swap3A_573 = tpu.vector_load %arg17[%swap3A_571, %swap3A_572] {strides = array<i32>} : memref<4x80xi32, #tpu.memory_space<vmem>>, vector<16xi32>,
    tpu.vector_store %arg17[%swap3A_571, %swap3A_572], %add3A_569 {strides = array<i32>} : memref<4x80xi32, #tpu.memory_space<vmem>>, vector<16xi32>,
    %get3A_574 = arith.constant 32 : index
    %get3A_575 = tpu.vector_load %arg18[%get3A_574] {strides = array<i32>} : memref<80xi32, #tpu.memory_space<vmem>>, vector<16xi32>,
    %add3A_576 = arith.constant 16 : i32
    %add3A_577 = arith.addi %mul3A_136, %add3A_576 : i32
    %add3A_578 = vector.broadcast %add3A_577 : i32 to vector<16xi32>
    %add3A_579 = arith.addi %get3A_575, %add3A_578 : vector<16xi32>
    %swap3A_580 = arith.constant 2 : i32
    %swap3A_581 = arith.index_cast %swap3A_580 : i32 to index
    %swap3A_582 = arith.constant 32 : index
    %swap3A_583 = tpu.vector_load %arg17[%swap3A_581, %swap3A_582] {strides = array<i32>} : memref<4x80xi32, #tpu.memory_space<vmem>>, vector<16xi32>,
    tpu.vector_store %arg17[%swap3A_581, %swap3A_582], %add3A_579 {strides = array<i32>} : memref<4x80xi32, #tpu.memory_space<vmem>>, vector<16xi32>,
    %get3A_584 = arith.constant 48 : index
    %get3A_585 = tpu.vector_load %arg18[%get3A_584] {strides = array<i32>} : memref<80xi32, #tpu.memory_space<vmem>>, vector<16xi32>,
    %add3A_586 = arith.constant 16 : i32
    %add3A_587 = arith.addi %mul3A_136, %add3A_586 : i32
    %add3A_588 = vector.broadcast %add3A_587 : i32 to vector<16xi32>
    %add3A_589 = arith.addi %get3A_585, %add3A_588 : vector<16xi32>
    %swap3A_590 = arith.constant 2 : i32
    %swap3A_591 = arith.index_cast %swap3A_590 : i32 to index
    %swap3A_592 = arith.constant 48 : index
    %swap3A_593 = tpu.vector_load %arg17[%swap3A_591, %swap3A_592] {strides = array<i32>} : memref<4x80xi32, #tpu.memory_space<vmem>>, vector<16xi32>,
    tpu.vector_store %arg17[%swap3A_591, %swap3A_592], %add3A_589 {strides = array<i32>} : memref<4x80xi32, #tpu.memory_space<vmem>>, vector<16xi32>,
    %get3A_594 = arith.constant 64 : index
    %get3A_595 = tpu.vector_load %arg18[%get3A_594] {strides = array<i32>} : memref<80xi32, #tpu.memory_space<vmem>>, vector<16xi32>,
    %add3A_596 = arith.constant 16 : i32
    %add3A_597 = arith.addi %mul3A_136, %add3A_596 : i32
    %add3A_598 = vector.broadcast %add3A_597 : i32 to vector<16xi32>
    %add3A_599 = arith.addi %get3A_595, %add3A_598 : vector<16xi32>
    %swap3A_600 = arith.constant 2 : i32
    %swap3A_601 = arith.index_cast %swap3A_600 : i32 to index
    %swap3A_602 = arith.constant 64 : index
    %swap3A_603 = tpu.vector_load %arg17[%swap3A_601, %swap3A_602] {strides = array<i32>} : memref<4x80xi32, #tpu.memory_space<vmem>>, vector<16xi32>,
    tpu.vector_store %arg17[%swap3A_601, %swap3A_602], %add3A_599 {strides = array<i32>} : memref<4x80xi32, #tpu.memory_space<vmem>>, vector<16xi32>,
    %dma_start3A_604 = arith.constant 2 : i32
    %dma_start3A_605 = arith.constant 0 : i32
    %dma_start3A_606 = arith.constant 0 : i32
    %dma_start3A_607 = tpu.memref_slice %arg16[%dma_start3A_604, %dma_start3A_605, %dma_start3A_606] : memref<4x80x128xf32, #tpu.memory_space<vmem>> -> memref<1x80x128xf32, #tpu.memory_space<vmem>>
    %dma_start3A_608 = tpu.memref_squeeze %dma_start3A_607 : memref<1x80x128xf32, #tpu.memory_space<vmem>> -> memref<80x128xf32, #tpu.memory_space<vmem>>
    %dma_start3A_609 = arith.constant 4160 : i32
    %dma_start3A_610 = tpu.memref_slice %arg15[%dma_start3A_609] : memref<8000xi32, #tpu.memory_space<vmem>> -> memref<80xi32, #tpu.memory_space<vmem>>
    %dma_start3A_611 = arith.constant 0 : i32
    %dma_start3A_612 = arith.constant 0 : i32
    %dma_start3A_613 = tpu.memref_slice %arg3[%dma_start3A_611, %dma_start3A_612] : memref<100000x128xf32, #tpu.memory_space<hbm>> -> memref<100000x128xf32, #tpu.memory_space<hbm>>
    tpu.enqueue_indirect_dma source(%dma_start3A_613 : memref<100000x128xf32, #tpu.memory_space<hbm>>) target(%dma_start3A_608 : memref<80x128xf32, #tpu.memory_space<vmem>>) offsets(%dma_start3A_610 : memref<80xi32, #tpu.memory_space<vmem>>) semaphore(%arg24 : memref<!tpu.dma_semaphore, #tpu.memory_space<semaphore_mem>>)
    %scan3A_614 = arith.constant 0 : i32
    %scan3A_615 = arith.constant 0 : i32
    %scan3A_616 = arith.constant 50 : i32
    %scan3A_617 = arith.addi %scan3A_615, %scan3A_616 : i32
    %scan3A_618 = arith.constant 1 : i32
    scf.for %scan3A_635 = %scan3A_615 to %scan3A_617 step %scan3A_618  : i32 {
      %and3A = arith.constant 3 : i32
      %and3A_636 = arith.andi %scan3A_635, %and3A : i32
      %add3A_637 = arith.constant 50 : i32
      %add3A_638 = arith.addi %add3A_637, %scan3A_635 : i32
      %eq3A = arith.constant 0 : i32
      %eq3A_639 = arith.cmpi eq, %and3A_636, %eq3A : i32
      %convert_element_type3A = arith.extui %eq3A_639 : i1 to i32
      %cond3A = arith.constant 0 : i32
      %cond3A_640 = arith.cmpi ne, %convert_element_type3A, %cond3A : i32
      scf.if %cond3A_640 {
        %mul3A_706 = arith.constant 80 : i32
        %mul3A_707 = arith.muli %add3A_638, %mul3A_706 : i32
        %dma_wait3A_708 = arith.constant 0 : i32
        %dma_wait3A_709 = arith.constant 0 : i32
        %dma_wait3A_710 = arith.constant 0 : i32
        %dma_wait3A_711 = tpu.memref_slice %arg16[%dma_wait3A_708, %dma_wait3A_709, %dma_wait3A_710] : memref<4x80x128xf32, #tpu.memory_space<vmem>> -> memref<1x80x128xf32, #tpu.memory_space<vmem>>
        %dma_wait3A_712 = tpu.memref_squeeze %dma_wait3A_711 : memref<1x80x128xf32, #tpu.memory_space<vmem>> -> memref<80x128xf32, #tpu.memory_space<vmem>>
        %dma_wait3A_713 = tpu.memref_slice %arg15[%mul3A_707] : memref<8000xi32, #tpu.memory_space<vmem>> -> memref<80xi32, #tpu.memory_space<vmem>>
        %dma_wait3A_714 = arith.constant 0 : i32
        %dma_wait3A_715 = arith.constant 0 : i32
        %dma_wait3A_716 = tpu.memref_slice %arg3[%dma_wait3A_714, %dma_wait3A_715] : memref<100000x128xf32, #tpu.memory_space<hbm>> -> memref<100000x128xf32, #tpu.memory_space<hbm>>
        tpu.wait_indirect_dma semaphore(%arg22 : memref<!tpu.dma_semaphore, #tpu.memory_space<semaphore_mem>>) src(%dma_wait3A_716 : memref<100000x128xf32, #tpu.memory_space<hbm>>) dst(%dma_wait3A_712 : memref<80x128xf32, #tpu.memory_space<vmem>>)
      } else {
      }
      %eq3A_641 = arith.constant 1 : i32
      %eq3A_642 = arith.cmpi eq, %and3A_636, %eq3A_641 : i32
      %convert_element_type3A_643 = arith.extui %eq3A_642 : i1 to i32
      %cond3A_644 = arith.constant 0 : i32
      %cond3A_645 = arith.cmpi ne, %convert_element_type3A_643, %cond3A_644 : i32
      scf.if %cond3A_645 {
        %mul3A_706 = arith.constant 80 : i32
        %mul3A_707 = arith.muli %add3A_638, %mul3A_706 : i32
        %dma_wait3A_708 = arith.constant 1 : i32
        %dma_wait3A_709 = arith.constant 0 : i32
        %dma_wait3A_710 = arith.constant 0 : i32
        %dma_wait3A_711 = tpu.memref_slice %arg16[%dma_wait3A_708, %dma_wait3A_709, %dma_wait3A_710] : memref<4x80x128xf32, #tpu.memory_space<vmem>> -> memref<1x80x128xf32, #tpu.memory_space<vmem>>
        %dma_wait3A_712 = tpu.memref_squeeze %dma_wait3A_711 : memref<1x80x128xf32, #tpu.memory_space<vmem>> -> memref<80x128xf32, #tpu.memory_space<vmem>>
        %dma_wait3A_713 = tpu.memref_slice %arg15[%mul3A_707] : memref<8000xi32, #tpu.memory_space<vmem>> -> memref<80xi32, #tpu.memory_space<vmem>>
        %dma_wait3A_714 = arith.constant 0 : i32
        %dma_wait3A_715 = arith.constant 0 : i32
        %dma_wait3A_716 = tpu.memref_slice %arg3[%dma_wait3A_714, %dma_wait3A_715] : memref<100000x128xf32, #tpu.memory_space<hbm>> -> memref<100000x128xf32, #tpu.memory_space<hbm>>
        tpu.wait_indirect_dma semaphore(%arg23 : memref<!tpu.dma_semaphore, #tpu.memory_space<semaphore_mem>>) src(%dma_wait3A_716 : memref<100000x128xf32, #tpu.memory_space<hbm>>) dst(%dma_wait3A_712 : memref<80x128xf32, #tpu.memory_space<vmem>>)
      } else {
      }
      %eq3A_646 = arith.constant 2 : i32
      %eq3A_647 = arith.cmpi eq, %and3A_636, %eq3A_646 : i32
      %convert_element_type3A_648 = arith.extui %eq3A_647 : i1 to i32
      %cond3A_649 = arith.constant 0 : i32
      %cond3A_650 = arith.cmpi ne, %convert_element_type3A_648, %cond3A_649 : i32
      scf.if %cond3A_650 {
        %mul3A_706 = arith.constant 80 : i32
        %mul3A_707 = arith.muli %add3A_638, %mul3A_706 : i32
        %dma_wait3A_708 = arith.constant 2 : i32
        %dma_wait3A_709 = arith.constant 0 : i32
        %dma_wait3A_710 = arith.constant 0 : i32
        %dma_wait3A_711 = tpu.memref_slice %arg16[%dma_wait3A_708, %dma_wait3A_709, %dma_wait3A_710] : memref<4x80x128xf32, #tpu.memory_space<vmem>> -> memref<1x80x128xf32, #tpu.memory_space<vmem>>
        %dma_wait3A_712 = tpu.memref_squeeze %dma_wait3A_711 : memref<1x80x128xf32, #tpu.memory_space<vmem>> -> memref<80x128xf32, #tpu.memory_space<vmem>>
        %dma_wait3A_713 = tpu.memref_slice %arg15[%mul3A_707] : memref<8000xi32, #tpu.memory_space<vmem>> -> memref<80xi32, #tpu.memory_space<vmem>>
        %dma_wait3A_714 = arith.constant 0 : i32
        %dma_wait3A_715 = arith.constant 0 : i32
        %dma_wait3A_716 = tpu.memref_slice %arg3[%dma_wait3A_714, %dma_wait3A_715] : memref<100000x128xf32, #tpu.memory_space<hbm>> -> memref<100000x128xf32, #tpu.memory_space<hbm>>
        tpu.wait_indirect_dma semaphore(%arg24 : memref<!tpu.dma_semaphore, #tpu.memory_space<semaphore_mem>>) src(%dma_wait3A_716 : memref<100000x128xf32, #tpu.memory_space<hbm>>) dst(%dma_wait3A_712 : memref<80x128xf32, #tpu.memory_space<vmem>>)
      } else {
      }
      %eq3A_651 = arith.constant 3 : i32
      %eq3A_652 = arith.cmpi eq, %and3A_636, %eq3A_651 : i32
      %convert_element_type3A_653 = arith.extui %eq3A_652 : i1 to i32
      %cond3A_654 = arith.constant 0 : i32
      %cond3A_655 = arith.cmpi ne, %convert_element_type3A_653, %cond3A_654 : i32
      scf.if %cond3A_655 {
        %mul3A_706 = arith.constant 80 : i32
        %mul3A_707 = arith.muli %add3A_638, %mul3A_706 : i32
        %dma_wait3A_708 = arith.constant 3 : i32
        %dma_wait3A_709 = arith.constant 0 : i32
        %dma_wait3A_710 = arith.constant 0 : i32
        %dma_wait3A_711 = tpu.memref_slice %arg16[%dma_wait3A_708, %dma_wait3A_709, %dma_wait3A_710] : memref<4x80x128xf32, #tpu.memory_space<vmem>> -> memref<1x80x128xf32, #tpu.memory_space<vmem>>
        %dma_wait3A_712 = tpu.memref_squeeze %dma_wait3A_711 : memref<1x80x128xf32, #tpu.memory_space<vmem>> -> memref<80x128xf32, #tpu.memory_space<vmem>>
        %dma_wait3A_713 = tpu.memref_slice %arg15[%mul3A_707] : memref<8000xi32, #tpu.memory_space<vmem>> -> memref<80xi32, #tpu.memory_space<vmem>>
        %dma_wait3A_714 = arith.constant 0 : i32
        %dma_wait3A_715 = arith.constant 0 : i32
        %dma_wait3A_716 = tpu.memref_slice %arg3[%dma_wait3A_714, %dma_wait3A_715] : memref<100000x128xf32, #tpu.memory_space<hbm>> -> memref<100000x128xf32, #tpu.memory_space<hbm>>
        tpu.wait_indirect_dma semaphore(%arg25 : memref<!tpu.dma_semaphore, #tpu.memory_space<semaphore_mem>>) src(%dma_wait3A_716 : memref<100000x128xf32, #tpu.memory_space<hbm>>) dst(%dma_wait3A_712 : memref<80x128xf32, #tpu.memory_space<vmem>>)
      } else {
      }
      %ge3A = arith.constant 1 : i32
      %ge3A_656 = arith.cmpi sge, %scan3A_635, %ge3A : i32
      %convert_element_type3A_657 = arith.extui %ge3A_656 : i1 to i32
      %cond3A_658 = arith.constant 0 : i32
      %cond3A_659 = arith.cmpi ne, %convert_element_type3A_657, %cond3A_658 : i32
      scf.if %cond3A_659 {
        %sub3A = arith.constant 1 : i32
        %sub3A_706 = arith.subi %scan3A_635, %sub3A : i32
        %and3A_707 = arith.constant 3 : i32
        %and3A_708 = arith.andi %sub3A_706, %and3A_707 : i32
        %eq3A_709 = arith.constant 0 : i32
        %eq3A_710 = arith.cmpi eq, %and3A_708, %eq3A_709 : i32
        %convert_element_type3A_711 = arith.extui %eq3A_710 : i1 to i32
        %cond3A_712 = arith.constant 0 : i32
        %cond3A_713 = arith.cmpi ne, %convert_element_type3A_711, %cond3A_712 : i32
        scf.if %cond3A_713 {
          %dma_wait3A_729 = arith.constant 0 : i32
          %dma_wait3A_730 = arith.constant 0 : i32
          %dma_wait3A_731 = arith.constant 0 : i32
          %dma_wait3A_732 = arith.constant 0 : i32
          %dma_wait3A_733 = tpu.memref_slice %arg16[%dma_wait3A_729, %dma_wait3A_731, %dma_wait3A_732] : memref<4x80x128xf32, #tpu.memory_space<vmem>> -> memref<1x80x128xf32, #tpu.memory_space<vmem>>
          %dma_wait3A_734 = tpu.memref_squeeze %dma_wait3A_733 : memref<1x80x128xf32, #tpu.memory_space<vmem>> -> memref<80x128xf32, #tpu.memory_space<vmem>>
          %dma_wait3A_735 = arith.constant 0 : i32
          %dma_wait3A_736 = tpu.memref_slice %arg17[%dma_wait3A_730, %dma_wait3A_735] : memref<4x80xi32, #tpu.memory_space<vmem>> -> memref<1x80xi32, #tpu.memory_space<vmem>>
          %dma_wait3A_737 = tpu.memref_squeeze %dma_wait3A_736 : memref<1x80xi32, #tpu.memory_space<vmem>> -> memref<80xi32, #tpu.memory_space<vmem>>
          %dma_wait3A_738 = arith.constant 0 : i32
          %dma_wait3A_739 = arith.constant 0 : i32
          %dma_wait3A_740 = tpu.memref_slice %arg19[%dma_wait3A_738, %dma_wait3A_739] : memref<6400x128xf32, #tpu.memory_space<vmem_shared>> -> memref<6400x128xf32, #tpu.memory_space<vmem_shared>>
          tpu.wait_indirect_dma semaphore(%arg26 : memref<!tpu.dma_semaphore, #tpu.memory_space<semaphore_mem>>) src(%dma_wait3A_734 : memref<80x128xf32, #tpu.memory_space<vmem>>) dst(%dma_wait3A_740 : memref<6400x128xf32, #tpu.memory_space<vmem_shared>>)
        } else {
        }
        %eq3A_714 = arith.constant 1 : i32
        %eq3A_715 = arith.cmpi eq, %and3A_708, %eq3A_714 : i32
        %convert_element_type3A_716 = arith.extui %eq3A_715 : i1 to i32
        %cond3A_717 = arith.constant 0 : i32
        %cond3A_718 = arith.cmpi ne, %convert_element_type3A_716, %cond3A_717 : i32
        scf.if %cond3A_718 {
          %dma_wait3A_729 = arith.constant 1 : i32
          %dma_wait3A_730 = arith.constant 1 : i32
          %dma_wait3A_731 = arith.constant 0 : i32
          %dma_wait3A_732 = arith.constant 0 : i32
          %dma_wait3A_733 = tpu.memref_slice %arg16[%dma_wait3A_729, %dma_wait3A_731, %dma_wait3A_732] : memref<4x80x128xf32, #tpu.memory_space<vmem>> -> memref<1x80x128xf32, #tpu.memory_space<vmem>>
          %dma_wait3A_734 = tpu.memref_squeeze %dma_wait3A_733 : memref<1x80x128xf32, #tpu.memory_space<vmem>> -> memref<80x128xf32, #tpu.memory_space<vmem>>
          %dma_wait3A_735 = arith.constant 0 : i32
          %dma_wait3A_736 = tpu.memref_slice %arg17[%dma_wait3A_730, %dma_wait3A_735] : memref<4x80xi32, #tpu.memory_space<vmem>> -> memref<1x80xi32, #tpu.memory_space<vmem>>
          %dma_wait3A_737 = tpu.memref_squeeze %dma_wait3A_736 : memref<1x80xi32, #tpu.memory_space<vmem>> -> memref<80xi32, #tpu.memory_space<vmem>>
          %dma_wait3A_738 = arith.constant 0 : i32
          %dma_wait3A_739 = arith.constant 0 : i32
          %dma_wait3A_740 = tpu.memref_slice %arg19[%dma_wait3A_738, %dma_wait3A_739] : memref<6400x128xf32, #tpu.memory_space<vmem_shared>> -> memref<6400x128xf32, #tpu.memory_space<vmem_shared>>
          tpu.wait_indirect_dma semaphore(%arg27 : memref<!tpu.dma_semaphore, #tpu.memory_space<semaphore_mem>>) src(%dma_wait3A_734 : memref<80x128xf32, #tpu.memory_space<vmem>>) dst(%dma_wait3A_740 : memref<6400x128xf32, #tpu.memory_space<vmem_shared>>)
        } else {
        }
        %eq3A_719 = arith.constant 2 : i32
        %eq3A_720 = arith.cmpi eq, %and3A_708, %eq3A_719 : i32
        %convert_element_type3A_721 = arith.extui %eq3A_720 : i1 to i32
        %cond3A_722 = arith.constant 0 : i32
        %cond3A_723 = arith.cmpi ne, %convert_element_type3A_721, %cond3A_722 : i32
        scf.if %cond3A_723 {
          %dma_wait3A_729 = arith.constant 2 : i32
          %dma_wait3A_730 = arith.constant 2 : i32
          %dma_wait3A_731 = arith.constant 0 : i32
          %dma_wait3A_732 = arith.constant 0 : i32
          %dma_wait3A_733 = tpu.memref_slice %arg16[%dma_wait3A_729, %dma_wait3A_731, %dma_wait3A_732] : memref<4x80x128xf32, #tpu.memory_space<vmem>> -> memref<1x80x128xf32, #tpu.memory_space<vmem>>
          %dma_wait3A_734 = tpu.memref_squeeze %dma_wait3A_733 : memref<1x80x128xf32, #tpu.memory_space<vmem>> -> memref<80x128xf32, #tpu.memory_space<vmem>>
          %dma_wait3A_735 = arith.constant 0 : i32
          %dma_wait3A_736 = tpu.memref_slice %arg17[%dma_wait3A_730, %dma_wait3A_735] : memref<4x80xi32, #tpu.memory_space<vmem>> -> memref<1x80xi32, #tpu.memory_space<vmem>>
          %dma_wait3A_737 = tpu.memref_squeeze %dma_wait3A_736 : memref<1x80xi32, #tpu.memory_space<vmem>> -> memref<80xi32, #tpu.memory_space<vmem>>
          %dma_wait3A_738 = arith.constant 0 : i32
          %dma_wait3A_739 = arith.constant 0 : i32
          %dma_wait3A_740 = tpu.memref_slice %arg19[%dma_wait3A_738, %dma_wait3A_739] : memref<6400x128xf32, #tpu.memory_space<vmem_shared>> -> memref<6400x128xf32, #tpu.memory_space<vmem_shared>>
          tpu.wait_indirect_dma semaphore(%arg28 : memref<!tpu.dma_semaphore, #tpu.memory_space<semaphore_mem>>) src(%dma_wait3A_734 : memref<80x128xf32, #tpu.memory_space<vmem>>) dst(%dma_wait3A_740 : memref<6400x128xf32, #tpu.memory_space<vmem_shared>>)
        } else {
        }
        %eq3A_724 = arith.constant 3 : i32
        %eq3A_725 = arith.cmpi eq, %and3A_708, %eq3A_724 : i32
        %convert_element_type3A_726 = arith.extui %eq3A_725 : i1 to i32
        %cond3A_727 = arith.constant 0 : i32
        %cond3A_728 = arith.cmpi ne, %convert_element_type3A_726, %cond3A_727 : i32
        scf.if %cond3A_728 {
          %dma_wait3A_729 = arith.constant 3 : i32
          %dma_wait3A_730 = arith.constant 3 : i32
          %dma_wait3A_731 = arith.constant 0 : i32
          %dma_wait3A_732 = arith.constant 0 : i32
          %dma_wait3A_733 = tpu.memref_slice %arg16[%dma_wait3A_729, %dma_wait3A_731, %dma_wait3A_732] : memref<4x80x128xf32, #tpu.memory_space<vmem>> -> memref<1x80x128xf32, #tpu.memory_space<vmem>>
          %dma_wait3A_734 = tpu.memref_squeeze %dma_wait3A_733 : memref<1x80x128xf32, #tpu.memory_space<vmem>> -> memref<80x128xf32, #tpu.memory_space<vmem>>
          %dma_wait3A_735 = arith.constant 0 : i32
          %dma_wait3A_736 = tpu.memref_slice %arg17[%dma_wait3A_730, %dma_wait3A_735] : memref<4x80xi32, #tpu.memory_space<vmem>> -> memref<1x80xi32, #tpu.memory_space<vmem>>
          %dma_wait3A_737 = tpu.memref_squeeze %dma_wait3A_736 : memref<1x80xi32, #tpu.memory_space<vmem>> -> memref<80xi32, #tpu.memory_space<vmem>>
          %dma_wait3A_738 = arith.constant 0 : i32
          %dma_wait3A_739 = arith.constant 0 : i32
          %dma_wait3A_740 = tpu.memref_slice %arg19[%dma_wait3A_738, %dma_wait3A_739] : memref<6400x128xf32, #tpu.memory_space<vmem_shared>> -> memref<6400x128xf32, #tpu.memory_space<vmem_shared>>
          tpu.wait_indirect_dma semaphore(%arg29 : memref<!tpu.dma_semaphore, #tpu.memory_space<semaphore_mem>>) src(%dma_wait3A_734 : memref<80x128xf32, #tpu.memory_space<vmem>>) dst(%dma_wait3A_740 : memref<6400x128xf32, #tpu.memory_space<vmem_shared>>)
        } else {
        }
      } else {
      }
      %add3A_660 = arith.constant 3 : i32
      %add3A_661 = arith.addi %scan3A_635, %add3A_660 : i32
      %lt3A = arith.constant 50 : i32
      %lt3A_662 = arith.cmpi slt, %add3A_661, %lt3A : i32
      %convert_element_type3A_663 = arith.extui %lt3A_662 : i1 to i32
      %cond3A_664 = arith.constant 0 : i32
      %cond3A_665 = arith.cmpi ne, %convert_element_type3A_663, %cond3A_664 : i32
      scf.if %cond3A_665 {
        %add3A_706 = arith.constant 3 : i32
        %add3A_707 = arith.addi %scan3A_635, %add3A_706 : i32
        %and3A_708 = arith.constant 3 : i32
        %and3A_709 = arith.andi %add3A_707, %and3A_708 : i32
        %eq3A_710 = arith.constant 0 : i32
        %eq3A_711 = arith.cmpi eq, %and3A_709, %eq3A_710 : i32
        %convert_element_type3A_712 = arith.extui %eq3A_711 : i1 to i32
        %cond3A_713 = arith.constant 0 : i32
        %cond3A_714 = arith.cmpi ne, %convert_element_type3A_712, %cond3A_713 : i32
        scf.if %cond3A_714 {
          %add3A_730 = arith.constant 3 : i32
          %add3A_731 = arith.addi %scan3A_635, %add3A_730 : i32
          %get3A_732 = arith.constant 0 : index
          %get3A_733 = tpu.vector_load %arg18[%get3A_732] {strides = array<i32>} : memref<80xi32, #tpu.memory_space<vmem>>, vector<16xi32>,
          %mul3A_734 = arith.constant 8 : i32
          %mul3A_735 = arith.muli %add3A_731, %mul3A_734 : i32
          %add3A_736 = arith.addi %mul3A_136, %mul3A_735 : i32
          %add3A_737 = vector.broadcast %add3A_736 : i32 to vector<16xi32>
          %add3A_738 = arith.addi %get3A_733, %add3A_737 : vector<16xi32>
          %swap3A_739 = arith.constant 0 : i32
          %swap3A_740 = arith.index_cast %swap3A_739 : i32 to index
          %swap3A_741 = arith.constant 0 : index
          %swap3A_742 = tpu.vector_load %arg17[%swap3A_740, %swap3A_741] {strides = array<i32>} : memref<4x80xi32, #tpu.memory_space<vmem>>, vector<16xi32>,
          tpu.vector_store %arg17[%swap3A_740, %swap3A_741], %add3A_738 {strides = array<i32>} : memref<4x80xi32, #tpu.memory_space<vmem>>, vector<16xi32>,
          %get3A_743 = arith.constant 16 : index
          %get3A_744 = tpu.vector_load %arg18[%get3A_743] {strides = array<i32>} : memref<80xi32, #tpu.memory_space<vmem>>, vector<16xi32>,
          %mul3A_745 = arith.constant 8 : i32
          %mul3A_746 = arith.muli %add3A_731, %mul3A_745 : i32
          %add3A_747 = arith.addi %mul3A_136, %mul3A_746 : i32
          %add3A_748 = vector.broadcast %add3A_747 : i32 to vector<16xi32>
          %add3A_749 = arith.addi %get3A_744, %add3A_748 : vector<16xi32>
          %swap3A_750 = arith.constant 0 : i32
          %swap3A_751 = arith.index_cast %swap3A_750 : i32 to index
          %swap3A_752 = arith.constant 16 : index
          %swap3A_753 = tpu.vector_load %arg17[%swap3A_751, %swap3A_752] {strides = array<i32>} : memref<4x80xi32, #tpu.memory_space<vmem>>, vector<16xi32>,
          tpu.vector_store %arg17[%swap3A_751, %swap3A_752], %add3A_749 {strides = array<i32>} : memref<4x80xi32, #tpu.memory_space<vmem>>, vector<16xi32>,
          %get3A_754 = arith.constant 32 : index
          %get3A_755 = tpu.vector_load %arg18[%get3A_754] {strides = array<i32>} : memref<80xi32, #tpu.memory_space<vmem>>, vector<16xi32>,
          %mul3A_756 = arith.constant 8 : i32
          %mul3A_757 = arith.muli %add3A_731, %mul3A_756 : i32
          %add3A_758 = arith.addi %mul3A_136, %mul3A_757 : i32
          %add3A_759 = vector.broadcast %add3A_758 : i32 to vector<16xi32>
          %add3A_760 = arith.addi %get3A_755, %add3A_759 : vector<16xi32>
          %swap3A_761 = arith.constant 0 : i32
          %swap3A_762 = arith.index_cast %swap3A_761 : i32 to index
          %swap3A_763 = arith.constant 32 : index
          %swap3A_764 = tpu.vector_load %arg17[%swap3A_762, %swap3A_763] {strides = array<i32>} : memref<4x80xi32, #tpu.memory_space<vmem>>, vector<16xi32>,
          tpu.vector_store %arg17[%swap3A_762, %swap3A_763], %add3A_760 {strides = array<i32>} : memref<4x80xi32, #tpu.memory_space<vmem>>, vector<16xi32>,
          %get3A_765 = arith.constant 48 : index
          %get3A_766 = tpu.vector_load %arg18[%get3A_765] {strides = array<i32>} : memref<80xi32, #tpu.memory_space<vmem>>, vector<16xi32>,
          %mul3A_767 = arith.constant 8 : i32
          %mul3A_768 = arith.muli %add3A_731, %mul3A_767 : i32
          %add3A_769 = arith.addi %mul3A_136, %mul3A_768 : i32
          %add3A_770 = vector.broadcast %add3A_769 : i32 to vector<16xi32>
          %add3A_771 = arith.addi %get3A_766, %add3A_770 : vector<16xi32>
          %swap3A_772 = arith.constant 0 : i32
          %swap3A_773 = arith.index_cast %swap3A_772 : i32 to index
          %swap3A_774 = arith.constant 48 : index
          %swap3A_775 = tpu.vector_load %arg17[%swap3A_773, %swap3A_774] {strides = array<i32>} : memref<4x80xi32, #tpu.memory_space<vmem>>, vector<16xi32>,
          tpu.vector_store %arg17[%swap3A_773, %swap3A_774], %add3A_771 {strides = array<i32>} : memref<4x80xi32, #tpu.memory_space<vmem>>, vector<16xi32>,
          %get3A_776 = arith.constant 64 : index
          %get3A_777 = tpu.vector_load %arg18[%get3A_776] {strides = array<i32>} : memref<80xi32, #tpu.memory_space<vmem>>, vector<16xi32>,
          %mul3A_778 = arith.constant 8 : i32
          %mul3A_779 = arith.muli %add3A_731, %mul3A_778 : i32
          %add3A_780 = arith.addi %mul3A_136, %mul3A_779 : i32
          %add3A_781 = vector.broadcast %add3A_780 : i32 to vector<16xi32>
          %add3A_782 = arith.addi %get3A_777, %add3A_781 : vector<16xi32>
          %swap3A_783 = arith.constant 0 : i32
          %swap3A_784 = arith.index_cast %swap3A_783 : i32 to index
          %swap3A_785 = arith.constant 64 : index
          %swap3A_786 = tpu.vector_load %arg17[%swap3A_784, %swap3A_785] {strides = array<i32>} : memref<4x80xi32, #tpu.memory_space<vmem>>, vector<16xi32>,
          tpu.vector_store %arg17[%swap3A_784, %swap3A_785], %add3A_782 {strides = array<i32>} : memref<4x80xi32, #tpu.memory_space<vmem>>, vector<16xi32>,
          %add3A_787 = arith.constant 3 : i32
          %add3A_788 = arith.addi %add3A_638, %add3A_787 : i32
          %mul3A_789 = arith.constant 80 : i32
          %mul3A_790 = arith.muli %add3A_788, %mul3A_789 : i32
          %dma_start3A_791 = arith.constant 0 : i32
          %dma_start3A_792 = arith.constant 0 : i32
          %dma_start3A_793 = arith.constant 0 : i32
          %dma_start3A_794 = tpu.memref_slice %arg16[%dma_start3A_791, %dma_start3A_792, %dma_start3A_793] : memref<4x80x128xf32, #tpu.memory_space<vmem>> -> memref<1x80x128xf32, #tpu.memory_space<vmem>>
          %dma_start3A_795 = tpu.memref_squeeze %dma_start3A_794 : memref<1x80x128xf32, #tpu.memory_space<vmem>> -> memref<80x128xf32, #tpu.memory_space<vmem>>
          %dma_start3A_796 = tpu.memref_slice %arg15[%mul3A_790] : memref<8000xi32, #tpu.memory_space<vmem>> -> memref<80xi32, #tpu.memory_space<vmem>>
          %dma_start3A_797 = arith.constant 0 : i32
          %dma_start3A_798 = arith.constant 0 : i32
          %dma_start3A_799 = tpu.memref_slice %arg3[%dma_start3A_797, %dma_start3A_798] : memref<100000x128xf32, #tpu.memory_space<hbm>> -> memref<100000x128xf32, #tpu.memory_space<hbm>>
          tpu.enqueue_indirect_dma source(%dma_start3A_799 : memref<100000x128xf32, #tpu.memory_space<hbm>>) target(%dma_start3A_795 : memref<80x128xf32, #tpu.memory_space<vmem>>) offsets(%dma_start3A_796 : memref<80xi32, #tpu.memory_space<vmem>>) semaphore(%arg22 : memref<!tpu.dma_semaphore, #tpu.memory_space<semaphore_mem>>)
        } else {
        }
        %eq3A_715 = arith.constant 1 : i32
        %eq3A_716 = arith.cmpi eq, %and3A_709, %eq3A_715 : i32
        %convert_element_type3A_717 = arith.extui %eq3A_716 : i1 to i32
        %cond3A_718 = arith.constant 0 : i32
        %cond3A_719 = arith.cmpi ne, %convert_element_type3A_717, %cond3A_718 : i32
        scf.if %cond3A_719 {
          %add3A_730 = arith.constant 3 : i32
          %add3A_731 = arith.addi %scan3A_635, %add3A_730 : i32
          %get3A_732 = arith.constant 0 : index
          %get3A_733 = tpu.vector_load %arg18[%get3A_732] {strides = array<i32>} : memref<80xi32, #tpu.memory_space<vmem>>, vector<16xi32>,
          %mul3A_734 = arith.constant 8 : i32
          %mul3A_735 = arith.muli %add3A_731, %mul3A_734 : i32
          %add3A_736 = arith.addi %mul3A_136, %mul3A_735 : i32
          %add3A_737 = vector.broadcast %add3A_736 : i32 to vector<16xi32>
          %add3A_738 = arith.addi %get3A_733, %add3A_737 : vector<16xi32>
          %swap3A_739 = arith.constant 1 : i32
          %swap3A_740 = arith.index_cast %swap3A_739 : i32 to index
          %swap3A_741 = arith.constant 0 : index
          %swap3A_742 = tpu.vector_load %arg17[%swap3A_740, %swap3A_741] {strides = array<i32>} : memref<4x80xi32, #tpu.memory_space<vmem>>, vector<16xi32>,
          tpu.vector_store %arg17[%swap3A_740, %swap3A_741], %add3A_738 {strides = array<i32>} : memref<4x80xi32, #tpu.memory_space<vmem>>, vector<16xi32>,
          %get3A_743 = arith.constant 16 : index
          %get3A_744 = tpu.vector_load %arg18[%get3A_743] {strides = array<i32>} : memref<80xi32, #tpu.memory_space<vmem>>, vector<16xi32>,
          %mul3A_745 = arith.constant 8 : i32
          %mul3A_746 = arith.muli %add3A_731, %mul3A_745 : i32
          %add3A_747 = arith.addi %mul3A_136, %mul3A_746 : i32
          %add3A_748 = vector.broadcast %add3A_747 : i32 to vector<16xi32>
          %add3A_749 = arith.addi %get3A_744, %add3A_748 : vector<16xi32>
          %swap3A_750 = arith.constant 1 : i32
          %swap3A_751 = arith.index_cast %swap3A_750 : i32 to index
          %swap3A_752 = arith.constant 16 : index
          %swap3A_753 = tpu.vector_load %arg17[%swap3A_751, %swap3A_752] {strides = array<i32>} : memref<4x80xi32, #tpu.memory_space<vmem>>, vector<16xi32>,
          tpu.vector_store %arg17[%swap3A_751, %swap3A_752], %add3A_749 {strides = array<i32>} : memref<4x80xi32, #tpu.memory_space<vmem>>, vector<16xi32>,
          %get3A_754 = arith.constant 32 : index
          %get3A_755 = tpu.vector_load %arg18[%get3A_754] {strides = array<i32>} : memref<80xi32, #tpu.memory_space<vmem>>, vector<16xi32>,
          %mul3A_756 = arith.constant 8 : i32
          %mul3A_757 = arith.muli %add3A_731, %mul3A_756 : i32
          %add3A_758 = arith.addi %mul3A_136, %mul3A_757 : i32
          %add3A_759 = vector.broadcast %add3A_758 : i32 to vector<16xi32>
          %add3A_760 = arith.addi %get3A_755, %add3A_759 : vector<16xi32>
          %swap3A_761 = arith.constant 1 : i32
          %swap3A_762 = arith.index_cast %swap3A_761 : i32 to index
          %swap3A_763 = arith.constant 32 : index
          %swap3A_764 = tpu.vector_load %arg17[%swap3A_762, %swap3A_763] {strides = array<i32>} : memref<4x80xi32, #tpu.memory_space<vmem>>, vector<16xi32>,
          tpu.vector_store %arg17[%swap3A_762, %swap3A_763], %add3A_760 {strides = array<i32>} : memref<4x80xi32, #tpu.memory_space<vmem>>, vector<16xi32>,
          %get3A_765 = arith.constant 48 : index
          %get3A_766 = tpu.vector_load %arg18[%get3A_765] {strides = array<i32>} : memref<80xi32, #tpu.memory_space<vmem>>, vector<16xi32>,
          %mul3A_767 = arith.constant 8 : i32
          %mul3A_768 = arith.muli %add3A_731, %mul3A_767 : i32
          %add3A_769 = arith.addi %mul3A_136, %mul3A_768 : i32
          %add3A_770 = vector.broadcast %add3A_769 : i32 to vector<16xi32>
          %add3A_771 = arith.addi %get3A_766, %add3A_770 : vector<16xi32>
          %swap3A_772 = arith.constant 1 : i32
          %swap3A_773 = arith.index_cast %swap3A_772 : i32 to index
          %swap3A_774 = arith.constant 48 : index
          %swap3A_775 = tpu.vector_load %arg17[%swap3A_773, %swap3A_774] {strides = array<i32>} : memref<4x80xi32, #tpu.memory_space<vmem>>, vector<16xi32>,
          tpu.vector_store %arg17[%swap3A_773, %swap3A_774], %add3A_771 {strides = array<i32>} : memref<4x80xi32, #tpu.memory_space<vmem>>, vector<16xi32>,
          %get3A_776 = arith.constant 64 : index
          %get3A_777 = tpu.vector_load %arg18[%get3A_776] {strides = array<i32>} : memref<80xi32, #tpu.memory_space<vmem>>, vector<16xi32>,
          %mul3A_778 = arith.constant 8 : i32
          %mul3A_779 = arith.muli %add3A_731, %mul3A_778 : i32
          %add3A_780 = arith.addi %mul3A_136, %mul3A_779 : i32
          %add3A_781 = vector.broadcast %add3A_780 : i32 to vector<16xi32>
          %add3A_782 = arith.addi %get3A_777, %add3A_781 : vector<16xi32>
          %swap3A_783 = arith.constant 1 : i32
          %swap3A_784 = arith.index_cast %swap3A_783 : i32 to index
          %swap3A_785 = arith.constant 64 : index
          %swap3A_786 = tpu.vector_load %arg17[%swap3A_784, %swap3A_785] {strides = array<i32>} : memref<4x80xi32, #tpu.memory_space<vmem>>, vector<16xi32>,
          tpu.vector_store %arg17[%swap3A_784, %swap3A_785], %add3A_782 {strides = array<i32>} : memref<4x80xi32, #tpu.memory_space<vmem>>, vector<16xi32>,
          %add3A_787 = arith.constant 3 : i32
          %add3A_788 = arith.addi %add3A_638, %add3A_787 : i32
          %mul3A_789 = arith.constant 80 : i32
          %mul3A_790 = arith.muli %add3A_788, %mul3A_789 : i32
          %dma_start3A_791 = arith.constant 1 : i32
          %dma_start3A_792 = arith.constant 0 : i32
          %dma_start3A_793 = arith.constant 0 : i32
          %dma_start3A_794 = tpu.memref_slice %arg16[%dma_start3A_791, %dma_start3A_792, %dma_start3A_793] : memref<4x80x128xf32, #tpu.memory_space<vmem>> -> memref<1x80x128xf32, #tpu.memory_space<vmem>>
          %dma_start3A_795 = tpu.memref_squeeze %dma_start3A_794 : memref<1x80x128xf32, #tpu.memory_space<vmem>> -> memref<80x128xf32, #tpu.memory_space<vmem>>
          %dma_start3A_796 = tpu.memref_slice %arg15[%mul3A_790] : memref<8000xi32, #tpu.memory_space<vmem>> -> memref<80xi32, #tpu.memory_space<vmem>>
          %dma_start3A_797 = arith.constant 0 : i32
          %dma_start3A_798 = arith.constant 0 : i32
          %dma_start3A_799 = tpu.memref_slice %arg3[%dma_start3A_797, %dma_start3A_798] : memref<100000x128xf32, #tpu.memory_space<hbm>> -> memref<100000x128xf32, #tpu.memory_space<hbm>>
          tpu.enqueue_indirect_dma source(%dma_start3A_799 : memref<100000x128xf32, #tpu.memory_space<hbm>>) target(%dma_start3A_795 : memref<80x128xf32, #tpu.memory_space<vmem>>) offsets(%dma_start3A_796 : memref<80xi32, #tpu.memory_space<vmem>>) semaphore(%arg23 : memref<!tpu.dma_semaphore, #tpu.memory_space<semaphore_mem>>)
        } else {
        }
        %eq3A_720 = arith.constant 2 : i32
        %eq3A_721 = arith.cmpi eq, %and3A_709, %eq3A_720 : i32
        %convert_element_type3A_722 = arith.extui %eq3A_721 : i1 to i32
        %cond3A_723 = arith.constant 0 : i32
        %cond3A_724 = arith.cmpi ne, %convert_element_type3A_722, %cond3A_723 : i32
        scf.if %cond3A_724 {
          %add3A_730 = arith.constant 3 : i32
          %add3A_731 = arith.addi %scan3A_635, %add3A_730 : i32
          %get3A_732 = arith.constant 0 : index
          %get3A_733 = tpu.vector_load %arg18[%get3A_732] {strides = array<i32>} : memref<80xi32, #tpu.memory_space<vmem>>, vector<16xi32>,
          %mul3A_734 = arith.constant 8 : i32
          %mul3A_735 = arith.muli %add3A_731, %mul3A_734 : i32
          %add3A_736 = arith.addi %mul3A_136, %mul3A_735 : i32
          %add3A_737 = vector.broadcast %add3A_736 : i32 to vector<16xi32>
          %add3A_738 = arith.addi %get3A_733, %add3A_737 : vector<16xi32>
          %swap3A_739 = arith.constant 2 : i32
          %swap3A_740 = arith.index_cast %swap3A_739 : i32 to index
          %swap3A_741 = arith.constant 0 : index
          %swap3A_742 = tpu.vector_load %arg17[%swap3A_740, %swap3A_741] {strides = array<i32>} : memref<4x80xi32, #tpu.memory_space<vmem>>, vector<16xi32>,
          tpu.vector_store %arg17[%swap3A_740, %swap3A_741], %add3A_738 {strides = array<i32>} : memref<4x80xi32, #tpu.memory_space<vmem>>, vector<16xi32>,
          %get3A_743 = arith.constant 16 : index
          %get3A_744 = tpu.vector_load %arg18[%get3A_743] {strides = array<i32>} : memref<80xi32, #tpu.memory_space<vmem>>, vector<16xi32>,
          %mul3A_745 = arith.constant 8 : i32
          %mul3A_746 = arith.muli %add3A_731, %mul3A_745 : i32
          %add3A_747 = arith.addi %mul3A_136, %mul3A_746 : i32
          %add3A_748 = vector.broadcast %add3A_747 : i32 to vector<16xi32>
          %add3A_749 = arith.addi %get3A_744, %add3A_748 : vector<16xi32>
          %swap3A_750 = arith.constant 2 : i32
          %swap3A_751 = arith.index_cast %swap3A_750 : i32 to index
          %swap3A_752 = arith.constant 16 : index
          %swap3A_753 = tpu.vector_load %arg17[%swap3A_751, %swap3A_752] {strides = array<i32>} : memref<4x80xi32, #tpu.memory_space<vmem>>, vector<16xi32>,
          tpu.vector_store %arg17[%swap3A_751, %swap3A_752], %add3A_749 {strides = array<i32>} : memref<4x80xi32, #tpu.memory_space<vmem>>, vector<16xi32>,
          %get3A_754 = arith.constant 32 : index
          %get3A_755 = tpu.vector_load %arg18[%get3A_754] {strides = array<i32>} : memref<80xi32, #tpu.memory_space<vmem>>, vector<16xi32>,
          %mul3A_756 = arith.constant 8 : i32
          %mul3A_757 = arith.muli %add3A_731, %mul3A_756 : i32
          %add3A_758 = arith.addi %mul3A_136, %mul3A_757 : i32
          %add3A_759 = vector.broadcast %add3A_758 : i32 to vector<16xi32>
          %add3A_760 = arith.addi %get3A_755, %add3A_759 : vector<16xi32>
          %swap3A_761 = arith.constant 2 : i32
          %swap3A_762 = arith.index_cast %swap3A_761 : i32 to index
          %swap3A_763 = arith.constant 32 : index
          %swap3A_764 = tpu.vector_load %arg17[%swap3A_762, %swap3A_763] {strides = array<i32>} : memref<4x80xi32, #tpu.memory_space<vmem>>, vector<16xi32>,
          tpu.vector_store %arg17[%swap3A_762, %swap3A_763], %add3A_760 {strides = array<i32>} : memref<4x80xi32, #tpu.memory_space<vmem>>, vector<16xi32>,
          %get3A_765 = arith.constant 48 : index
          %get3A_766 = tpu.vector_load %arg18[%get3A_765] {strides = array<i32>} : memref<80xi32, #tpu.memory_space<vmem>>, vector<16xi32>,
          %mul3A_767 = arith.constant 8 : i32
          %mul3A_768 = arith.muli %add3A_731, %mul3A_767 : i32
          %add3A_769 = arith.addi %mul3A_136, %mul3A_768 : i32
          %add3A_770 = vector.broadcast %add3A_769 : i32 to vector<16xi32>
          %add3A_771 = arith.addi %get3A_766, %add3A_770 : vector<16xi32>
          %swap3A_772 = arith.constant 2 : i32
          %swap3A_773 = arith.index_cast %swap3A_772 : i32 to index
          %swap3A_774 = arith.constant 48 : index
          %swap3A_775 = tpu.vector_load %arg17[%swap3A_773, %swap3A_774] {strides = array<i32>} : memref<4x80xi32, #tpu.memory_space<vmem>>, vector<16xi32>,
          tpu.vector_store %arg17[%swap3A_773, %swap3A_774], %add3A_771 {strides = array<i32>} : memref<4x80xi32, #tpu.memory_space<vmem>>, vector<16xi32>,
          %get3A_776 = arith.constant 64 : index
          %get3A_777 = tpu.vector_load %arg18[%get3A_776] {strides = array<i32>} : memref<80xi32, #tpu.memory_space<vmem>>, vector<16xi32>,
          %mul3A_778 = arith.constant 8 : i32
          %mul3A_779 = arith.muli %add3A_731, %mul3A_778 : i32
          %add3A_780 = arith.addi %mul3A_136, %mul3A_779 : i32
          %add3A_781 = vector.broadcast %add3A_780 : i32 to vector<16xi32>
          %add3A_782 = arith.addi %get3A_777, %add3A_781 : vector<16xi32>
          %swap3A_783 = arith.constant 2 : i32
          %swap3A_784 = arith.index_cast %swap3A_783 : i32 to index
          %swap3A_785 = arith.constant 64 : index
          %swap3A_786 = tpu.vector_load %arg17[%swap3A_784, %swap3A_785] {strides = array<i32>} : memref<4x80xi32, #tpu.memory_space<vmem>>, vector<16xi32>,
          tpu.vector_store %arg17[%swap3A_784, %swap3A_785], %add3A_782 {strides = array<i32>} : memref<4x80xi32, #tpu.memory_space<vmem>>, vector<16xi32>,
          %add3A_787 = arith.constant 3 : i32
          %add3A_788 = arith.addi %add3A_638, %add3A_787 : i32
          %mul3A_789 = arith.constant 80 : i32
          %mul3A_790 = arith.muli %add3A_788, %mul3A_789 : i32
          %dma_start3A_791 = arith.constant 2 : i32
          %dma_start3A_792 = arith.constant 0 : i32
          %dma_start3A_793 = arith.constant 0 : i32
          %dma_start3A_794 = tpu.memref_slice %arg16[%dma_start3A_791, %dma_start3A_792, %dma_start3A_793] : memref<4x80x128xf32, #tpu.memory_space<vmem>> -> memref<1x80x128xf32, #tpu.memory_space<vmem>>
          %dma_start3A_795 = tpu.memref_squeeze %dma_start3A_794 : memref<1x80x128xf32, #tpu.memory_space<vmem>> -> memref<80x128xf32, #tpu.memory_space<vmem>>
          %dma_start3A_796 = tpu.memref_slice %arg15[%mul3A_790] : memref<8000xi32, #tpu.memory_space<vmem>> -> memref<80xi32, #tpu.memory_space<vmem>>
          %dma_start3A_797 = arith.constant 0 : i32
          %dma_start3A_798 = arith.constant 0 : i32
          %dma_start3A_799 = tpu.memref_slice %arg3[%dma_start3A_797, %dma_start3A_798] : memref<100000x128xf32, #tpu.memory_space<hbm>> -> memref<100000x128xf32, #tpu.memory_space<hbm>>
          tpu.enqueue_indirect_dma source(%dma_start3A_799 : memref<100000x128xf32, #tpu.memory_space<hbm>>) target(%dma_start3A_795 : memref<80x128xf32, #tpu.memory_space<vmem>>) offsets(%dma_start3A_796 : memref<80xi32, #tpu.memory_space<vmem>>) semaphore(%arg24 : memref<!tpu.dma_semaphore, #tpu.memory_space<semaphore_mem>>)
        } else {
        }
        %eq3A_725 = arith.constant 3 : i32
        %eq3A_726 = arith.cmpi eq, %and3A_709, %eq3A_725 : i32
        %convert_element_type3A_727 = arith.extui %eq3A_726 : i1 to i32
        %cond3A_728 = arith.constant 0 : i32
        %cond3A_729 = arith.cmpi ne, %convert_element_type3A_727, %cond3A_728 : i32
        scf.if %cond3A_729 {
          %add3A_730 = arith.constant 3 : i32
          %add3A_731 = arith.addi %scan3A_635, %add3A_730 : i32
          %get3A_732 = arith.constant 0 : index
          %get3A_733 = tpu.vector_load %arg18[%get3A_732] {strides = array<i32>} : memref<80xi32, #tpu.memory_space<vmem>>, vector<16xi32>,
          %mul3A_734 = arith.constant 8 : i32
          %mul3A_735 = arith.muli %add3A_731, %mul3A_734 : i32
          %add3A_736 = arith.addi %mul3A_136, %mul3A_735 : i32
          %add3A_737 = vector.broadcast %add3A_736 : i32 to vector<16xi32>
          %add3A_738 = arith.addi %get3A_733, %add3A_737 : vector<16xi32>
          %swap3A_739 = arith.constant 3 : i32
          %swap3A_740 = arith.index_cast %swap3A_739 : i32 to index
          %swap3A_741 = arith.constant 0 : index
          %swap3A_742 = tpu.vector_load %arg17[%swap3A_740, %swap3A_741] {strides = array<i32>} : memref<4x80xi32, #tpu.memory_space<vmem>>, vector<16xi32>,
          tpu.vector_store %arg17[%swap3A_740, %swap3A_741], %add3A_738 {strides = array<i32>} : memref<4x80xi32, #tpu.memory_space<vmem>>, vector<16xi32>,
          %get3A_743 = arith.constant 16 : index
          %get3A_744 = tpu.vector_load %arg18[%get3A_743] {strides = array<i32>} : memref<80xi32, #tpu.memory_space<vmem>>, vector<16xi32>,
          %mul3A_745 = arith.constant 8 : i32
          %mul3A_746 = arith.muli %add3A_731, %mul3A_745 : i32
          %add3A_747 = arith.addi %mul3A_136, %mul3A_746 : i32
          %add3A_748 = vector.broadcast %add3A_747 : i32 to vector<16xi32>
          %add3A_749 = arith.addi %get3A_744, %add3A_748 : vector<16xi32>
          %swap3A_750 = arith.constant 3 : i32
          %swap3A_751 = arith.index_cast %swap3A_750 : i32 to index
          %swap3A_752 = arith.constant 16 : index
          %swap3A_753 = tpu.vector_load %arg17[%swap3A_751, %swap3A_752] {strides = array<i32>} : memref<4x80xi32, #tpu.memory_space<vmem>>, vector<16xi32>,
          tpu.vector_store %arg17[%swap3A_751, %swap3A_752], %add3A_749 {strides = array<i32>} : memref<4x80xi32, #tpu.memory_space<vmem>>, vector<16xi32>,
          %get3A_754 = arith.constant 32 : index
          %get3A_755 = tpu.vector_load %arg18[%get3A_754] {strides = array<i32>} : memref<80xi32, #tpu.memory_space<vmem>>, vector<16xi32>,
          %mul3A_756 = arith.constant 8 : i32
          %mul3A_757 = arith.muli %add3A_731, %mul3A_756 : i32
          %add3A_758 = arith.addi %mul3A_136, %mul3A_757 : i32
          %add3A_759 = vector.broadcast %add3A_758 : i32 to vector<16xi32>
          %add3A_760 = arith.addi %get3A_755, %add3A_759 : vector<16xi32>
          %swap3A_761 = arith.constant 3 : i32
          %swap3A_762 = arith.index_cast %swap3A_761 : i32 to index
          %swap3A_763 = arith.constant 32 : index
          %swap3A_764 = tpu.vector_load %arg17[%swap3A_762, %swap3A_763] {strides = array<i32>} : memref<4x80xi32, #tpu.memory_space<vmem>>, vector<16xi32>,
          tpu.vector_store %arg17[%swap3A_762, %swap3A_763], %add3A_760 {strides = array<i32>} : memref<4x80xi32, #tpu.memory_space<vmem>>, vector<16xi32>,
          %get3A_765 = arith.constant 48 : index
          %get3A_766 = tpu.vector_load %arg18[%get3A_765] {strides = array<i32>} : memref<80xi32, #tpu.memory_space<vmem>>, vector<16xi32>,
          %mul3A_767 = arith.constant 8 : i32
          %mul3A_768 = arith.muli %add3A_731, %mul3A_767 : i32
          %add3A_769 = arith.addi %mul3A_136, %mul3A_768 : i32
          %add3A_770 = vector.broadcast %add3A_769 : i32 to vector<16xi32>
          %add3A_771 = arith.addi %get3A_766, %add3A_770 : vector<16xi32>
          %swap3A_772 = arith.constant 3 : i32
          %swap3A_773 = arith.index_cast %swap3A_772 : i32 to index
          %swap3A_774 = arith.constant 48 : index
          %swap3A_775 = tpu.vector_load %arg17[%swap3A_773, %swap3A_774] {strides = array<i32>} : memref<4x80xi32, #tpu.memory_space<vmem>>, vector<16xi32>,
          tpu.vector_store %arg17[%swap3A_773, %swap3A_774], %add3A_771 {strides = array<i32>} : memref<4x80xi32, #tpu.memory_space<vmem>>, vector<16xi32>,
          %get3A_776 = arith.constant 64 : index
          %get3A_777 = tpu.vector_load %arg18[%get3A_776] {strides = array<i32>} : memref<80xi32, #tpu.memory_space<vmem>>, vector<16xi32>,
          %mul3A_778 = arith.constant 8 : i32
          %mul3A_779 = arith.muli %add3A_731, %mul3A_778 : i32
          %add3A_780 = arith.addi %mul3A_136, %mul3A_779 : i32
          %add3A_781 = vector.broadcast %add3A_780 : i32 to vector<16xi32>
          %add3A_782 = arith.addi %get3A_777, %add3A_781 : vector<16xi32>
          %swap3A_783 = arith.constant 3 : i32
          %swap3A_784 = arith.index_cast %swap3A_783 : i32 to index
          %swap3A_785 = arith.constant 64 : index
          %swap3A_786 = tpu.vector_load %arg17[%swap3A_784, %swap3A_785] {strides = array<i32>} : memref<4x80xi32, #tpu.memory_space<vmem>>, vector<16xi32>,
          tpu.vector_store %arg17[%swap3A_784, %swap3A_785], %add3A_782 {strides = array<i32>} : memref<4x80xi32, #tpu.memory_space<vmem>>, vector<16xi32>,
          %add3A_787 = arith.constant 3 : i32
          %add3A_788 = arith.addi %add3A_638, %add3A_787 : i32
          %mul3A_789 = arith.constant 80 : i32
          %mul3A_790 = arith.muli %add3A_788, %mul3A_789 : i32
          %dma_start3A_791 = arith.constant 3 : i32
          %dma_start3A_792 = arith.constant 0 : i32
          %dma_start3A_793 = arith.constant 0 : i32
          %dma_start3A_794 = tpu.memref_slice %arg16[%dma_start3A_791, %dma_start3A_792, %dma_start3A_793] : memref<4x80x128xf32, #tpu.memory_space<vmem>> -> memref<1x80x128xf32, #tpu.memory_space<vmem>>
          %dma_start3A_795 = tpu.memref_squeeze %dma_start3A_794 : memref<1x80x128xf32, #tpu.memory_space<vmem>> -> memref<80x128xf32, #tpu.memory_space<vmem>>
          %dma_start3A_796 = tpu.memref_slice %arg15[%mul3A_790] : memref<8000xi32, #tpu.memory_space<vmem>> -> memref<80xi32, #tpu.memory_space<vmem>>
          %dma_start3A_797 = arith.constant 0 : i32
          %dma_start3A_798 = arith.constant 0 : i32
          %dma_start3A_799 = tpu.memref_slice %arg3[%dma_start3A_797, %dma_start3A_798] : memref<100000x128xf32, #tpu.memory_space<hbm>> -> memref<100000x128xf32, #tpu.memory_space<hbm>>
          tpu.enqueue_indirect_dma source(%dma_start3A_799 : memref<100000x128xf32, #tpu.memory_space<hbm>>) target(%dma_start3A_795 : memref<80x128xf32, #tpu.memory_space<vmem>>) offsets(%dma_start3A_796 : memref<80xi32, #tpu.memory_space<vmem>>) semaphore(%arg25 : memref<!tpu.dma_semaphore, #tpu.memory_space<semaphore_mem>>)
        } else {
        }
      } else {
      }
      %eq3A_666 = arith.constant 0 : i32
      %eq3A_667 = arith.cmpi eq, %and3A_636, %eq3A_666 : i32
      %convert_element_type3A_668 = arith.extui %eq3A_667 : i1 to i32
      %cond3A_669 = arith.constant 0 : i32
      %cond3A_670 = arith.cmpi ne, %convert_element_type3A_668, %cond3A_669 : i32
      scf.if %cond3A_670 {
        %dma_start3A_706 = arith.constant 0 : i32
        %dma_start3A_707 = arith.constant 0 : i32
        %dma_start3A_708 = arith.constant 0 : i32
        %dma_start3A_709 = arith.constant 0 : i32
        %dma_start3A_710 = tpu.memref_slice %arg16[%dma_start3A_706, %dma_start3A_708, %dma_start3A_709] : memref<4x80x128xf32, #tpu.memory_space<vmem>> -> memref<1x80x128xf32, #tpu.memory_space<vmem>>
        %dma_start3A_711 = tpu.memref_squeeze %dma_start3A_710 : memref<1x80x128xf32, #tpu.memory_space<vmem>> -> memref<80x128xf32, #tpu.memory_space<vmem>>
        %dma_start3A_712 = arith.constant 0 : i32
        %dma_start3A_713 = tpu.memref_slice %arg17[%dma_start3A_707, %dma_start3A_712] : memref<4x80xi32, #tpu.memory_space<vmem>> -> memref<1x80xi32, #tpu.memory_space<vmem>>
        %dma_start3A_714 = tpu.memref_squeeze %dma_start3A_713 : memref<1x80xi32, #tpu.memory_space<vmem>> -> memref<80xi32, #tpu.memory_space<vmem>>
        %dma_start3A_715 = arith.constant 0 : i32
        %dma_start3A_716 = arith.constant 0 : i32
        %dma_start3A_717 = tpu.memref_slice %arg19[%dma_start3A_715, %dma_start3A_716] : memref<6400x128xf32, #tpu.memory_space<vmem_shared>> -> memref<6400x128xf32, #tpu.memory_space<vmem_shared>>
        tpu.enqueue_indirect_dma source(%dma_start3A_711 : memref<80x128xf32, #tpu.memory_space<vmem>>) target(%dma_start3A_717 : memref<6400x128xf32, #tpu.memory_space<vmem_shared>>) offsets(%dma_start3A_714 : memref<80xi32, #tpu.memory_space<vmem>>) semaphore(%arg26 : memref<!tpu.dma_semaphore, #tpu.memory_space<semaphore_mem>>) {add = true}
      } else {
      }
      %eq3A_671 = arith.constant 1 : i32
      %eq3A_672 = arith.cmpi eq, %and3A_636, %eq3A_671 : i32
      %convert_element_type3A_673 = arith.extui %eq3A_672 : i1 to i32
      %cond3A_674 = arith.constant 0 : i32
      %cond3A_675 = arith.cmpi ne, %convert_element_type3A_673, %cond3A_674 : i32
      scf.if %cond3A_675 {
        %dma_start3A_706 = arith.constant 1 : i32
        %dma_start3A_707 = arith.constant 1 : i32
        %dma_start3A_708 = arith.constant 0 : i32
        %dma_start3A_709 = arith.constant 0 : i32
        %dma_start3A_710 = tpu.memref_slice %arg16[%dma_start3A_706, %dma_start3A_708, %dma_start3A_709] : memref<4x80x128xf32, #tpu.memory_space<vmem>> -> memref<1x80x128xf32, #tpu.memory_space<vmem>>
        %dma_start3A_711 = tpu.memref_squeeze %dma_start3A_710 : memref<1x80x128xf32, #tpu.memory_space<vmem>> -> memref<80x128xf32, #tpu.memory_space<vmem>>
        %dma_start3A_712 = arith.constant 0 : i32
        %dma_start3A_713 = tpu.memref_slice %arg17[%dma_start3A_707, %dma_start3A_712] : memref<4x80xi32, #tpu.memory_space<vmem>> -> memref<1x80xi32, #tpu.memory_space<vmem>>
        %dma_start3A_714 = tpu.memref_squeeze %dma_start3A_713 : memref<1x80xi32, #tpu.memory_space<vmem>> -> memref<80xi32, #tpu.memory_space<vmem>>
        %dma_start3A_715 = arith.constant 0 : i32
        %dma_start3A_716 = arith.constant 0 : i32
        %dma_start3A_717 = tpu.memref_slice %arg19[%dma_start3A_715, %dma_start3A_716] : memref<6400x128xf32, #tpu.memory_space<vmem_shared>> -> memref<6400x128xf32, #tpu.memory_space<vmem_shared>>
        tpu.enqueue_indirect_dma source(%dma_start3A_711 : memref<80x128xf32, #tpu.memory_space<vmem>>) target(%dma_start3A_717 : memref<6400x128xf32, #tpu.memory_space<vmem_shared>>) offsets(%dma_start3A_714 : memref<80xi32, #tpu.memory_space<vmem>>) semaphore(%arg27 : memref<!tpu.dma_semaphore, #tpu.memory_space<semaphore_mem>>) {add = true}
      } else {
      }
      %eq3A_676 = arith.constant 2 : i32
      %eq3A_677 = arith.cmpi eq, %and3A_636, %eq3A_676 : i32
      %convert_element_type3A_678 = arith.extui %eq3A_677 : i1 to i32
      %cond3A_679 = arith.constant 0 : i32
      %cond3A_680 = arith.cmpi ne, %convert_element_type3A_678, %cond3A_679 : i32
      scf.if %cond3A_680 {
        %dma_start3A_706 = arith.constant 2 : i32
        %dma_start3A_707 = arith.constant 2 : i32
        %dma_start3A_708 = arith.constant 0 : i32
        %dma_start3A_709 = arith.constant 0 : i32
        %dma_start3A_710 = tpu.memref_slice %arg16[%dma_start3A_706, %dma_start3A_708, %dma_start3A_709] : memref<4x80x128xf32, #tpu.memory_space<vmem>> -> memref<1x80x128xf32, #tpu.memory_space<vmem>>
        %dma_start3A_711 = tpu.memref_squeeze %dma_start3A_710 : memref<1x80x128xf32, #tpu.memory_space<vmem>> -> memref<80x128xf32, #tpu.memory_space<vmem>>
        %dma_start3A_712 = arith.constant 0 : i32
        %dma_start3A_713 = tpu.memref_slice %arg17[%dma_start3A_707, %dma_start3A_712] : memref<4x80xi32, #tpu.memory_space<vmem>> -> memref<1x80xi32, #tpu.memory_space<vmem>>
        %dma_start3A_714 = tpu.memref_squeeze %dma_start3A_713 : memref<1x80xi32, #tpu.memory_space<vmem>> -> memref<80xi32, #tpu.memory_space<vmem>>
        %dma_start3A_715 = arith.constant 0 : i32
        %dma_start3A_716 = arith.constant 0 : i32
        %dma_start3A_717 = tpu.memref_slice %arg19[%dma_start3A_715, %dma_start3A_716] : memref<6400x128xf32, #tpu.memory_space<vmem_shared>> -> memref<6400x128xf32, #tpu.memory_space<vmem_shared>>
        tpu.enqueue_indirect_dma source(%dma_start3A_711 : memref<80x128xf32, #tpu.memory_space<vmem>>) target(%dma_start3A_717 : memref<6400x128xf32, #tpu.memory_space<vmem_shared>>) offsets(%dma_start3A_714 : memref<80xi32, #tpu.memory_space<vmem>>) semaphore(%arg28 : memref<!tpu.dma_semaphore, #tpu.memory_space<semaphore_mem>>) {add = true}
      } else {
      }
      %eq3A_681 = arith.constant 3 : i32
      %eq3A_682 = arith.cmpi eq, %and3A_636, %eq3A_681 : i32
      %convert_element_type3A_683 = arith.extui %eq3A_682 : i1 to i32
      %cond3A_684 = arith.constant 0 : i32
      %cond3A_685 = arith.cmpi ne, %convert_element_type3A_683, %cond3A_684 : i32
      scf.if %cond3A_685 {
        %dma_start3A_706 = arith.constant 3 : i32
        %dma_start3A_707 = arith.constant 3 : i32
        %dma_start3A_708 = arith.constant 0 : i32
        %dma_start3A_709 = arith.constant 0 : i32
        %dma_start3A_710 = tpu.memref_slice %arg16[%dma_start3A_706, %dma_start3A_708, %dma_start3A_709] : memref<4x80x128xf32, #tpu.memory_space<vmem>> -> memref<1x80x128xf32, #tpu.memory_space<vmem>>
        %dma_start3A_711 = tpu.memref_squeeze %dma_start3A_710 : memref<1x80x128xf32, #tpu.memory_space<vmem>> -> memref<80x128xf32, #tpu.memory_space<vmem>>
        %dma_start3A_712 = arith.constant 0 : i32
        %dma_start3A_713 = tpu.memref_slice %arg17[%dma_start3A_707, %dma_start3A_712] : memref<4x80xi32, #tpu.memory_space<vmem>> -> memref<1x80xi32, #tpu.memory_space<vmem>>
        %dma_start3A_714 = tpu.memref_squeeze %dma_start3A_713 : memref<1x80xi32, #tpu.memory_space<vmem>> -> memref<80xi32, #tpu.memory_space<vmem>>
        %dma_start3A_715 = arith.constant 0 : i32
        %dma_start3A_716 = arith.constant 0 : i32
        %dma_start3A_717 = tpu.memref_slice %arg19[%dma_start3A_715, %dma_start3A_716] : memref<6400x128xf32, #tpu.memory_space<vmem_shared>> -> memref<6400x128xf32, #tpu.memory_space<vmem_shared>>
        tpu.enqueue_indirect_dma source(%dma_start3A_711 : memref<80x128xf32, #tpu.memory_space<vmem>>) target(%dma_start3A_717 : memref<6400x128xf32, #tpu.memory_space<vmem_shared>>) offsets(%dma_start3A_714 : memref<80xi32, #tpu.memory_space<vmem>>) semaphore(%arg29 : memref<!tpu.dma_semaphore, #tpu.memory_space<semaphore_mem>>) {add = true}
      } else {
      }
      %eq3A_686 = arith.constant 0 : i32
      %eq3A_687 = arith.cmpi eq, %scan3A_635, %eq3A_686 : i32
      %convert_element_type3A_688 = arith.extui %eq3A_687 : i1 to i32
      %cond3A_689 = arith.constant 0 : i32
      %cond3A_690 = arith.cmpi ne, %convert_element_type3A_688, %cond3A_689 : i32
      scf.if %cond3A_690 {
        %dma_wait3A_706 = arith.constant 0 : i32
        %dma_wait3A_707 = arith.constant 0 : i32
        %dma_wait3A_708 = arith.constant 0 : i32
        %dma_wait3A_709 = arith.constant 0 : i32
        %dma_wait3A_710 = tpu.memref_slice %arg14[%dma_wait3A_707, %dma_wait3A_708, %dma_wait3A_709] : memref<2x80x128xi32, #tpu.memory_space<vmem>> -> memref<1x80x128xi32, #tpu.memory_space<vmem>>
        %dma_wait3A_711 = tpu.memref_squeeze %dma_wait3A_710 : memref<1x80x128xi32, #tpu.memory_space<vmem>> -> memref<80x128xi32, #tpu.memory_space<vmem>>
        %dma_wait3A_712 = arith.constant 0 : i32
        %dma_wait3A_713 = tpu.memref_slice %arg12[%dma_wait3A_706, %dma_wait3A_712] : memref<2x80xi32, #tpu.memory_space<vmem>> -> memref<1x80xi32, #tpu.memory_space<vmem>>
        %dma_wait3A_714 = tpu.memref_squeeze %dma_wait3A_713 : memref<1x80xi32, #tpu.memory_space<vmem>> -> memref<80xi32, #tpu.memory_space<vmem>>
        %dma_wait3A_715 = arith.constant 0 : i32
        %dma_wait3A_716 = arith.constant 0 : i32
        %dma_wait3A_717 = tpu.memref_slice %arg4[%dma_wait3A_715, %dma_wait3A_716] : memref<25000x128xi32, #tpu.memory_space<hbm>> -> memref<25000x128xi32, #tpu.memory_space<hbm>>
        tpu.wait_indirect_dma semaphore(%arg20 : memref<!tpu.dma_semaphore, #tpu.memory_space<semaphore_mem>>) src(%dma_wait3A_717 : memref<25000x128xi32, #tpu.memory_space<hbm>>) dst(%dma_wait3A_711 : memref<80x128xi32, #tpu.memory_space<vmem>>)
        %scan3A_718 = arith.constant 0 : i32
        %scan3A_719 = arith.constant 0 : i32
        %scan3A_720 = arith.constant 5 : i32
        %scan3A_721 = arith.addi %scan3A_719, %scan3A_720 : i32
        %scan3A_722 = arith.constant 1 : i32
        scf.for %scan3A_742 = %scan3A_719 to %scan3A_721 step %scan3A_722  : i32 {
          %mul3A_743 = arith.constant 16 : i32
          %mul3A_744 = arith.muli %scan3A_742, %mul3A_743 : i32
          %add3A_745 = arith.constant 560 : i32
          %add3A_746 = arith.addi %add3A_745, %mul3A_744 : i32
          %get3A_747 = arith.index_cast %add3A_746 : i32 to index
          %get3A_748 = tpu.vector_load %arg9[%get3A_747] {strides = array<i32>} : memref<800xi32, #tpu.memory_space<vmem>>, vector<16xi32>,
          %shift_right_arithmetic3A_749 = arith.constant 2 : i32
          %shift_right_arithmetic3A_750 = vector.broadcast %shift_right_arithmetic3A_749 : i32 to vector<16xi32>
          %shift_right_arithmetic3A_751 = arith.shrsi %get3A_748, %shift_right_arithmetic3A_750 : vector<16xi32>
          %mul3A_752 = arith.constant 16 : i32
          %mul3A_753 = arith.muli %scan3A_742, %mul3A_752 : i32
          %swap3A_754 = arith.constant 1 : i32
          %swap3A_755 = arith.index_cast %swap3A_754 : i32 to index
          %swap3A_756 = arith.index_cast %mul3A_753 : i32 to index
          %swap3A_757 = tpu.vector_load %arg12[%swap3A_755, %swap3A_756] {strides = array<i32>} : memref<2x80xi32, #tpu.memory_space<vmem>>, vector<16xi32>,
          tpu.vector_store %arg12[%swap3A_755, %swap3A_756], %shift_right_arithmetic3A_751 {strides = array<i32>} : memref<2x80xi32, #tpu.memory_space<vmem>>, vector<16xi32>,
          %and3A_758 = arith.constant 3 : i32
          %and3A_759 = vector.broadcast %and3A_758 : i32 to vector<16xi32>
          %and3A_760 = arith.andi %get3A_748, %and3A_759 : vector<16xi32>
          %mul3A_761 = arith.constant 32 : i32
          %mul3A_762 = vector.broadcast %mul3A_761 : i32 to vector<16xi32>
          %mul3A_763 = arith.muli %and3A_760, %mul3A_762 : vector<16xi32>
          %mul3A_764 = arith.constant 16 : i32
          %mul3A_765 = arith.muli %scan3A_742, %mul3A_764 : i32
          %swap3A_766 = arith.constant 1 : i32
          %swap3A_767 = arith.index_cast %swap3A_766 : i32 to index
          %swap3A_768 = arith.index_cast %mul3A_765 : i32 to index
          %swap3A_769 = tpu.vector_load %arg13[%swap3A_767, %swap3A_768] {strides = array<i32>} : memref<2x80xi32, #tpu.memory_space<vmem>>, vector<16xi32>,
          tpu.vector_store %arg13[%swap3A_767, %swap3A_768], %mul3A_763 {strides = array<i32>} : memref<2x80xi32, #tpu.memory_space<vmem>>, vector<16xi32>,
        }
        %scan3A_723 = arith.constant 5 : i32
        %dma_start3A_724 = arith.constant 1 : i32
        %dma_start3A_725 = arith.constant 1 : i32
        %dma_start3A_726 = arith.constant 0 : i32
        %dma_start3A_727 = arith.constant 0 : i32
        %dma_start3A_728 = tpu.memref_slice %arg14[%dma_start3A_725, %dma_start3A_726, %dma_start3A_727] : memref<2x80x128xi32, #tpu.memory_space<vmem>> -> memref<1x80x128xi32, #tpu.memory_space<vmem>>
        %dma_start3A_729 = tpu.memref_squeeze %dma_start3A_728 : memref<1x80x128xi32, #tpu.memory_space<vmem>> -> memref<80x128xi32, #tpu.memory_space<vmem>>
        %dma_start3A_730 = arith.constant 0 : i32
        %dma_start3A_731 = tpu.memref_slice %arg12[%dma_start3A_724, %dma_start3A_730] : memref<2x80xi32, #tpu.memory_space<vmem>> -> memref<1x80xi32, #tpu.memory_space<vmem>>
        %dma_start3A_732 = tpu.memref_squeeze %dma_start3A_731 : memref<1x80xi32, #tpu.memory_space<vmem>> -> memref<80xi32, #tpu.memory_space<vmem>>
        %dma_start3A_733 = arith.constant 0 : i32
        %dma_start3A_734 = arith.constant 0 : i32
        %dma_start3A_735 = tpu.memref_slice %arg4[%dma_start3A_733, %dma_start3A_734] : memref<25000x128xi32, #tpu.memory_space<hbm>> -> memref<25000x128xi32, #tpu.memory_space<hbm>>
        tpu.enqueue_indirect_dma source(%dma_start3A_735 : memref<25000x128xi32, #tpu.memory_space<hbm>>) target(%dma_start3A_729 : memref<80x128xi32, #tpu.memory_space<vmem>>) offsets(%dma_start3A_732 : memref<80xi32, #tpu.memory_space<vmem>>) semaphore(%arg21 : memref<!tpu.dma_semaphore, #tpu.memory_space<semaphore_mem>>)
        %scan3A_736 = arith.constant 0 : i32
        %scan3A_737 = arith.constant 0 : i32
        %scan3A_738 = arith.constant 50 : i32
        %scan3A_739 = arith.addi %scan3A_737, %scan3A_738 : i32
        %scan3A_740 = arith.constant 1 : i32
        scf.for %scan3A_742 = %scan3A_737 to %scan3A_739 step %scan3A_740  : i32 {
          %iota3A_743 = tpu.iota {dimensions = array<i32: 0>} : vector<16xi32>
          %mul3A_744 = arith.constant 16 : i32
          %mul3A_745 = arith.muli %scan3A_742, %mul3A_744 : i32
          %add3A_746 = vector.broadcast %mul3A_745 : i32 to vector<16xi32>
          %add3A_747 = arith.addi %iota3A_743, %add3A_746 : vector<16xi32>
          %mul3A_748 = arith.constant 6554 : i32
          %mul3A_749 = vector.broadcast %mul3A_748 : i32 to vector<16xi32>
          %mul3A_750 = arith.muli %add3A_747, %mul3A_749 : vector<16xi32>
          %shift_right_arithmetic3A_751 = arith.constant 16 : i32
          %shift_right_arithmetic3A_752 = vector.broadcast %shift_right_arithmetic3A_751 : i32 to vector<16xi32>
          %shift_right_arithmetic3A_753 = arith.shrsi %mul3A_750, %shift_right_arithmetic3A_752 : vector<16xi32>
          %mul3A_754 = arith.constant 0 : i32
          %mul3A_755 = vector.broadcast %mul3A_754 : i32 to vector<16xi32>
          %mul3A_756 = arith.muli %shift_right_arithmetic3A_753, %mul3A_755 : vector<16xi32>
          %add3A_757 = arith.constant 0 : i32
          %add3A_758 = vector.broadcast %add3A_757 : i32 to vector<16xi32>
          %add3A_759 = arith.addi %mul3A_756, %add3A_758 : vector<16xi32>
          %gather3A = tpu.vector_load_idx %arg13[%add3A_759, %shift_right_arithmetic3A_753] : memref<2x80xi32, #tpu.memory_space<vmem>>[vector<16xi32>, vector<16xi32>], vector<16xi32>,
          %add3A_760 = arith.addi %gather3A, %add3A_747 : vector<16xi32>
          %mul3A_761 = arith.constant 10 : i32
          %mul3A_762 = vector.broadcast %mul3A_761 : i32 to vector<16xi32>
          %mul3A_763 = arith.muli %shift_right_arithmetic3A_753, %mul3A_762 : vector<16xi32>
          %sub3A = arith.subi %add3A_760, %mul3A_763 : vector<16xi32>
          %mul3A_764 = arith.constant 0 : i32
          %mul3A_765 = vector.broadcast %mul3A_764 : i32 to vector<16xi32>
          %mul3A_766 = arith.muli %shift_right_arithmetic3A_753, %mul3A_765 : vector<16xi32>
          %add3A_767 = arith.constant 0 : i32
          %add3A_768 = vector.broadcast %add3A_767 : i32 to vector<16xi32>
          %add3A_769 = arith.addi %mul3A_766, %add3A_768 : vector<16xi32>
          %gather3A_770 = tpu.vector_load_idx %arg14[%add3A_769, %shift_right_arithmetic3A_753, %sub3A] : memref<2x80x128xi32, #tpu.memory_space<vmem>>[vector<16xi32>, vector<16xi32>, vector<16xi32>], vector<16xi32>,
          %mul3A_771 = arith.constant 16 : i32
          %mul3A_772 = arith.muli %scan3A_742, %mul3A_771 : i32
          %add3A_773 = arith.constant 4800 : i32
          %add3A_774 = arith.addi %add3A_773, %mul3A_772 : i32
          %swap3A_775 = arith.index_cast %add3A_774 : i32 to index
          %swap3A_776 = tpu.vector_load %arg15[%swap3A_775] {strides = array<i32>} : memref<8000xi32, #tpu.memory_space<vmem>>, vector<16xi32>,
          tpu.vector_store %arg15[%swap3A_775], %gather3A_770 {strides = array<i32>} : memref<8000xi32, #tpu.memory_space<vmem>>, vector<16xi32>,
        }
        %scan3A_741 = arith.constant 50 : i32
      } else {
      }
      %eq3A_691 = arith.constant 10 : i32
      %eq3A_692 = arith.cmpi eq, %scan3A_635, %eq3A_691 : i32
      %convert_element_type3A_693 = arith.extui %eq3A_692 : i1 to i32
      %cond3A_694 = arith.constant 0 : i32
      %cond3A_695 = arith.cmpi ne, %convert_element_type3A_693, %cond3A_694 : i32
      scf.if %cond3A_695 {
        %dma_wait3A_706 = arith.constant 1 : i32
        %dma_wait3A_707 = arith.constant 1 : i32
        %dma_wait3A_708 = arith.constant 0 : i32
        %dma_wait3A_709 = arith.constant 0 : i32
        %dma_wait3A_710 = tpu.memref_slice %arg14[%dma_wait3A_707, %dma_wait3A_708, %dma_wait3A_709] : memref<2x80x128xi32, #tpu.memory_space<vmem>> -> memref<1x80x128xi32, #tpu.memory_space<vmem>>
        %dma_wait3A_711 = tpu.memref_squeeze %dma_wait3A_710 : memref<1x80x128xi32, #tpu.memory_space<vmem>> -> memref<80x128xi32, #tpu.memory_space<vmem>>
        %dma_wait3A_712 = arith.constant 0 : i32
        %dma_wait3A_713 = tpu.memref_slice %arg12[%dma_wait3A_706, %dma_wait3A_712] : memref<2x80xi32, #tpu.memory_space<vmem>> -> memref<1x80xi32, #tpu.memory_space<vmem>>
        %dma_wait3A_714 = tpu.memref_squeeze %dma_wait3A_713 : memref<1x80xi32, #tpu.memory_space<vmem>> -> memref<80xi32, #tpu.memory_space<vmem>>
        %dma_wait3A_715 = arith.constant 0 : i32
        %dma_wait3A_716 = arith.constant 0 : i32
        %dma_wait3A_717 = tpu.memref_slice %arg4[%dma_wait3A_715, %dma_wait3A_716] : memref<25000x128xi32, #tpu.memory_space<hbm>> -> memref<25000x128xi32, #tpu.memory_space<hbm>>
        tpu.wait_indirect_dma semaphore(%arg21 : memref<!tpu.dma_semaphore, #tpu.memory_space<semaphore_mem>>) src(%dma_wait3A_717 : memref<25000x128xi32, #tpu.memory_space<hbm>>) dst(%dma_wait3A_711 : memref<80x128xi32, #tpu.memory_space<vmem>>)
        %scan3A_718 = arith.constant 0 : i32
        %scan3A_719 = arith.constant 0 : i32
        %scan3A_720 = arith.constant 5 : i32
        %scan3A_721 = arith.addi %scan3A_719, %scan3A_720 : i32
        %scan3A_722 = arith.constant 1 : i32
        scf.for %scan3A_742 = %scan3A_719 to %scan3A_721 step %scan3A_722  : i32 {
          %mul3A_743 = arith.constant 16 : i32
          %mul3A_744 = arith.muli %scan3A_742, %mul3A_743 : i32
          %add3A_745 = arith.constant 640 : i32
          %add3A_746 = arith.addi %add3A_745, %mul3A_744 : i32
          %get3A_747 = arith.index_cast %add3A_746 : i32 to index
          %get3A_748 = tpu.vector_load %arg9[%get3A_747] {strides = array<i32>} : memref<800xi32, #tpu.memory_space<vmem>>, vector<16xi32>,
          %shift_right_arithmetic3A_749 = arith.constant 2 : i32
          %shift_right_arithmetic3A_750 = vector.broadcast %shift_right_arithmetic3A_749 : i32 to vector<16xi32>
          %shift_right_arithmetic3A_751 = arith.shrsi %get3A_748, %shift_right_arithmetic3A_750 : vector<16xi32>
          %mul3A_752 = arith.constant 16 : i32
          %mul3A_753 = arith.muli %scan3A_742, %mul3A_752 : i32
          %swap3A_754 = arith.constant 0 : i32
          %swap3A_755 = arith.index_cast %swap3A_754 : i32 to index
          %swap3A_756 = arith.index_cast %mul3A_753 : i32 to index
          %swap3A_757 = tpu.vector_load %arg12[%swap3A_755, %swap3A_756] {strides = array<i32>} : memref<2x80xi32, #tpu.memory_space<vmem>>, vector<16xi32>,
          tpu.vector_store %arg12[%swap3A_755, %swap3A_756], %shift_right_arithmetic3A_751 {strides = array<i32>} : memref<2x80xi32, #tpu.memory_space<vmem>>, vector<16xi32>,
          %and3A_758 = arith.constant 3 : i32
          %and3A_759 = vector.broadcast %and3A_758 : i32 to vector<16xi32>
          %and3A_760 = arith.andi %get3A_748, %and3A_759 : vector<16xi32>
          %mul3A_761 = arith.constant 32 : i32
          %mul3A_762 = vector.broadcast %mul3A_761 : i32 to vector<16xi32>
          %mul3A_763 = arith.muli %and3A_760, %mul3A_762 : vector<16xi32>
          %mul3A_764 = arith.constant 16 : i32
          %mul3A_765 = arith.muli %scan3A_742, %mul3A_764 : i32
          %swap3A_766 = arith.constant 0 : i32
          %swap3A_767 = arith.index_cast %swap3A_766 : i32 to index
          %swap3A_768 = arith.index_cast %mul3A_765 : i32 to index
          %swap3A_769 = tpu.vector_load %arg13[%swap3A_767, %swap3A_768] {strides = array<i32>} : memref<2x80xi32, #tpu.memory_space<vmem>>, vector<16xi32>,
          tpu.vector_store %arg13[%swap3A_767, %swap3A_768], %mul3A_763 {strides = array<i32>} : memref<2x80xi32, #tpu.memory_space<vmem>>, vector<16xi32>,
        }
        %scan3A_723 = arith.constant 5 : i32
        %dma_start3A_724 = arith.constant 0 : i32
        %dma_start3A_725 = arith.constant 0 : i32
        %dma_start3A_726 = arith.constant 0 : i32
        %dma_start3A_727 = arith.constant 0 : i32
        %dma_start3A_728 = tpu.memref_slice %arg14[%dma_start3A_725, %dma_start3A_726, %dma_start3A_727] : memref<2x80x128xi32, #tpu.memory_space<vmem>> -> memref<1x80x128xi32, #tpu.memory_space<vmem>>
        %dma_start3A_729 = tpu.memref_squeeze %dma_start3A_728 : memref<1x80x128xi32, #tpu.memory_space<vmem>> -> memref<80x128xi32, #tpu.memory_space<vmem>>
        %dma_start3A_730 = arith.constant 0 : i32
        %dma_start3A_731 = tpu.memref_slice %arg12[%dma_start3A_724, %dma_start3A_730] : memref<2x80xi32, #tpu.memory_space<vmem>> -> memref<1x80xi32, #tpu.memory_space<vmem>>
        %dma_start3A_732 = tpu.memref_squeeze %dma_start3A_731 : memref<1x80xi32, #tpu.memory_space<vmem>> -> memref<80xi32, #tpu.memory_space<vmem>>
        %dma_start3A_733 = arith.constant 0 : i32
        %dma_start3A_734 = arith.constant 0 : i32
        %dma_start3A_735 = tpu.memref_slice %arg4[%dma_start3A_733, %dma_start3A_734] : memref<25000x128xi32, #tpu.memory_space<hbm>> -> memref<25000x128xi32, #tpu.memory_space<hbm>>
        tpu.enqueue_indirect_dma source(%dma_start3A_735 : memref<25000x128xi32, #tpu.memory_space<hbm>>) target(%dma_start3A_729 : memref<80x128xi32, #tpu.memory_space<vmem>>) offsets(%dma_start3A_732 : memref<80xi32, #tpu.memory_space<vmem>>) semaphore(%arg20 : memref<!tpu.dma_semaphore, #tpu.memory_space<semaphore_mem>>)
        %scan3A_736 = arith.constant 0 : i32
        %scan3A_737 = arith.constant 0 : i32
        %scan3A_738 = arith.constant 50 : i32
        %scan3A_739 = arith.addi %scan3A_737, %scan3A_738 : i32
        %scan3A_740 = arith.constant 1 : i32
        scf.for %scan3A_742 = %scan3A_737 to %scan3A_739 step %scan3A_740  : i32 {
          %iota3A_743 = tpu.iota {dimensions = array<i32: 0>} : vector<16xi32>
          %mul3A_744 = arith.constant 16 : i32
          %mul3A_745 = arith.muli %scan3A_742, %mul3A_744 : i32
          %add3A_746 = vector.broadcast %mul3A_745 : i32 to vector<16xi32>
          %add3A_747 = arith.addi %iota3A_743, %add3A_746 : vector<16xi32>
          %mul3A_748 = arith.constant 6554 : i32
          %mul3A_749 = vector.broadcast %mul3A_748 : i32 to vector<16xi32>
          %mul3A_750 = arith.muli %add3A_747, %mul3A_749 : vector<16xi32>
          %shift_right_arithmetic3A_751 = arith.constant 16 : i32
          %shift_right_arithmetic3A_752 = vector.broadcast %shift_right_arithmetic3A_751 : i32 to vector<16xi32>
          %shift_right_arithmetic3A_753 = arith.shrsi %mul3A_750, %shift_right_arithmetic3A_752 : vector<16xi32>
          %mul3A_754 = arith.constant 0 : i32
          %mul3A_755 = vector.broadcast %mul3A_754 : i32 to vector<16xi32>
          %mul3A_756 = arith.muli %shift_right_arithmetic3A_753, %mul3A_755 : vector<16xi32>
          %add3A_757 = arith.constant 1 : i32
          %add3A_758 = vector.broadcast %add3A_757 : i32 to vector<16xi32>
          %add3A_759 = arith.addi %mul3A_756, %add3A_758 : vector<16xi32>
          %gather3A = tpu.vector_load_idx %arg13[%add3A_759, %shift_right_arithmetic3A_753] : memref<2x80xi32, #tpu.memory_space<vmem>>[vector<16xi32>, vector<16xi32>], vector<16xi32>,
          %add3A_760 = arith.addi %gather3A, %add3A_747 : vector<16xi32>
          %mul3A_761 = arith.constant 10 : i32
          %mul3A_762 = vector.broadcast %mul3A_761 : i32 to vector<16xi32>
          %mul3A_763 = arith.muli %shift_right_arithmetic3A_753, %mul3A_762 : vector<16xi32>
          %sub3A = arith.subi %add3A_760, %mul3A_763 : vector<16xi32>
          %mul3A_764 = arith.constant 0 : i32
          %mul3A_765 = vector.broadcast %mul3A_764 : i32 to vector<16xi32>
          %mul3A_766 = arith.muli %shift_right_arithmetic3A_753, %mul3A_765 : vector<16xi32>
          %add3A_767 = arith.constant 1 : i32
          %add3A_768 = vector.broadcast %add3A_767 : i32 to vector<16xi32>
          %add3A_769 = arith.addi %mul3A_766, %add3A_768 : vector<16xi32>
          %gather3A_770 = tpu.vector_load_idx %arg14[%add3A_769, %shift_right_arithmetic3A_753, %sub3A] : memref<2x80x128xi32, #tpu.memory_space<vmem>>[vector<16xi32>, vector<16xi32>, vector<16xi32>], vector<16xi32>,
          %mul3A_771 = arith.constant 16 : i32
          %mul3A_772 = arith.muli %scan3A_742, %mul3A_771 : i32
          %add3A_773 = arith.constant 5600 : i32
          %add3A_774 = arith.addi %add3A_773, %mul3A_772 : i32
          %swap3A_775 = arith.index_cast %add3A_774 : i32 to index
          %swap3A_776 = tpu.vector_load %arg15[%swap3A_775] {strides = array<i32>} : memref<8000xi32, #tpu.memory_space<vmem>>, vector<16xi32>,
          tpu.vector_store %arg15[%swap3A_775], %gather3A_770 {strides = array<i32>} : memref<8000xi32, #tpu.memory_space<vmem>>, vector<16xi32>,
        }
        %scan3A_741 = arith.constant 50 : i32
      } else {
      }
      %eq3A_696 = arith.constant 20 : i32
      %eq3A_697 = arith.cmpi eq, %scan3A_635, %eq3A_696 : i32
      %convert_element_type3A_698 = arith.extui %eq3A_697 : i1 to i32
      %cond3A_699 = arith.constant 0 : i32
      %cond3A_700 = arith.cmpi ne, %convert_element_type3A_698, %cond3A_699 : i32
      scf.if %cond3A_700 {
        %dma_wait3A_706 = arith.constant 0 : i32
        %dma_wait3A_707 = arith.constant 0 : i32
        %dma_wait3A_708 = arith.constant 0 : i32
        %dma_wait3A_709 = arith.constant 0 : i32
        %dma_wait3A_710 = tpu.memref_slice %arg14[%dma_wait3A_707, %dma_wait3A_708, %dma_wait3A_709] : memref<2x80x128xi32, #tpu.memory_space<vmem>> -> memref<1x80x128xi32, #tpu.memory_space<vmem>>
        %dma_wait3A_711 = tpu.memref_squeeze %dma_wait3A_710 : memref<1x80x128xi32, #tpu.memory_space<vmem>> -> memref<80x128xi32, #tpu.memory_space<vmem>>
        %dma_wait3A_712 = arith.constant 0 : i32
        %dma_wait3A_713 = tpu.memref_slice %arg12[%dma_wait3A_706, %dma_wait3A_712] : memref<2x80xi32, #tpu.memory_space<vmem>> -> memref<1x80xi32, #tpu.memory_space<vmem>>
        %dma_wait3A_714 = tpu.memref_squeeze %dma_wait3A_713 : memref<1x80xi32, #tpu.memory_space<vmem>> -> memref<80xi32, #tpu.memory_space<vmem>>
        %dma_wait3A_715 = arith.constant 0 : i32
        %dma_wait3A_716 = arith.constant 0 : i32
        %dma_wait3A_717 = tpu.memref_slice %arg4[%dma_wait3A_715, %dma_wait3A_716] : memref<25000x128xi32, #tpu.memory_space<hbm>> -> memref<25000x128xi32, #tpu.memory_space<hbm>>
        tpu.wait_indirect_dma semaphore(%arg20 : memref<!tpu.dma_semaphore, #tpu.memory_space<semaphore_mem>>) src(%dma_wait3A_717 : memref<25000x128xi32, #tpu.memory_space<hbm>>) dst(%dma_wait3A_711 : memref<80x128xi32, #tpu.memory_space<vmem>>)
        %scan3A_718 = arith.constant 0 : i32
        %scan3A_719 = arith.constant 0 : i32
        %scan3A_720 = arith.constant 5 : i32
        %scan3A_721 = arith.addi %scan3A_719, %scan3A_720 : i32
        %scan3A_722 = arith.constant 1 : i32
        scf.for %scan3A_742 = %scan3A_719 to %scan3A_721 step %scan3A_722  : i32 {
          %mul3A_743 = arith.constant 16 : i32
          %mul3A_744 = arith.muli %scan3A_742, %mul3A_743 : i32
          %add3A_745 = arith.constant 720 : i32
          %add3A_746 = arith.addi %add3A_745, %mul3A_744 : i32
          %get3A_747 = arith.index_cast %add3A_746 : i32 to index
          %get3A_748 = tpu.vector_load %arg9[%get3A_747] {strides = array<i32>} : memref<800xi32, #tpu.memory_space<vmem>>, vector<16xi32>,
          %shift_right_arithmetic3A_749 = arith.constant 2 : i32
          %shift_right_arithmetic3A_750 = vector.broadcast %shift_right_arithmetic3A_749 : i32 to vector<16xi32>
          %shift_right_arithmetic3A_751 = arith.shrsi %get3A_748, %shift_right_arithmetic3A_750 : vector<16xi32>
          %mul3A_752 = arith.constant 16 : i32
          %mul3A_753 = arith.muli %scan3A_742, %mul3A_752 : i32
          %swap3A_754 = arith.constant 1 : i32
          %swap3A_755 = arith.index_cast %swap3A_754 : i32 to index
          %swap3A_756 = arith.index_cast %mul3A_753 : i32 to index
          %swap3A_757 = tpu.vector_load %arg12[%swap3A_755, %swap3A_756] {strides = array<i32>} : memref<2x80xi32, #tpu.memory_space<vmem>>, vector<16xi32>,
          tpu.vector_store %arg12[%swap3A_755, %swap3A_756], %shift_right_arithmetic3A_751 {strides = array<i32>} : memref<2x80xi32, #tpu.memory_space<vmem>>, vector<16xi32>,
          %and3A_758 = arith.constant 3 : i32
          %and3A_759 = vector.broadcast %and3A_758 : i32 to vector<16xi32>
          %and3A_760 = arith.andi %get3A_748, %and3A_759 : vector<16xi32>
          %mul3A_761 = arith.constant 32 : i32
          %mul3A_762 = vector.broadcast %mul3A_761 : i32 to vector<16xi32>
          %mul3A_763 = arith.muli %and3A_760, %mul3A_762 : vector<16xi32>
          %mul3A_764 = arith.constant 16 : i32
          %mul3A_765 = arith.muli %scan3A_742, %mul3A_764 : i32
          %swap3A_766 = arith.constant 1 : i32
          %swap3A_767 = arith.index_cast %swap3A_766 : i32 to index
          %swap3A_768 = arith.index_cast %mul3A_765 : i32 to index
          %swap3A_769 = tpu.vector_load %arg13[%swap3A_767, %swap3A_768] {strides = array<i32>} : memref<2x80xi32, #tpu.memory_space<vmem>>, vector<16xi32>,
          tpu.vector_store %arg13[%swap3A_767, %swap3A_768], %mul3A_763 {strides = array<i32>} : memref<2x80xi32, #tpu.memory_space<vmem>>, vector<16xi32>,
        }
        %scan3A_723 = arith.constant 5 : i32
        %dma_start3A_724 = arith.constant 1 : i32
        %dma_start3A_725 = arith.constant 1 : i32
        %dma_start3A_726 = arith.constant 0 : i32
        %dma_start3A_727 = arith.constant 0 : i32
        %dma_start3A_728 = tpu.memref_slice %arg14[%dma_start3A_725, %dma_start3A_726, %dma_start3A_727] : memref<2x80x128xi32, #tpu.memory_space<vmem>> -> memref<1x80x128xi32, #tpu.memory_space<vmem>>
        %dma_start3A_729 = tpu.memref_squeeze %dma_start3A_728 : memref<1x80x128xi32, #tpu.memory_space<vmem>> -> memref<80x128xi32, #tpu.memory_space<vmem>>
        %dma_start3A_730 = arith.constant 0 : i32
        %dma_start3A_731 = tpu.memref_slice %arg12[%dma_start3A_724, %dma_start3A_730] : memref<2x80xi32, #tpu.memory_space<vmem>> -> memref<1x80xi32, #tpu.memory_space<vmem>>
        %dma_start3A_732 = tpu.memref_squeeze %dma_start3A_731 : memref<1x80xi32, #tpu.memory_space<vmem>> -> memref<80xi32, #tpu.memory_space<vmem>>
        %dma_start3A_733 = arith.constant 0 : i32
        %dma_start3A_734 = arith.constant 0 : i32
        %dma_start3A_735 = tpu.memref_slice %arg4[%dma_start3A_733, %dma_start3A_734] : memref<25000x128xi32, #tpu.memory_space<hbm>> -> memref<25000x128xi32, #tpu.memory_space<hbm>>
        tpu.enqueue_indirect_dma source(%dma_start3A_735 : memref<25000x128xi32, #tpu.memory_space<hbm>>) target(%dma_start3A_729 : memref<80x128xi32, #tpu.memory_space<vmem>>) offsets(%dma_start3A_732 : memref<80xi32, #tpu.memory_space<vmem>>) semaphore(%arg21 : memref<!tpu.dma_semaphore, #tpu.memory_space<semaphore_mem>>)
        %scan3A_736 = arith.constant 0 : i32
        %scan3A_737 = arith.constant 0 : i32
        %scan3A_738 = arith.constant 50 : i32
        %scan3A_739 = arith.addi %scan3A_737, %scan3A_738 : i32
        %scan3A_740 = arith.constant 1 : i32
        scf.for %scan3A_742 = %scan3A_737 to %scan3A_739 step %scan3A_740  : i32 {
          %iota3A_743 = tpu.iota {dimensions = array<i32: 0>} : vector<16xi32>
          %mul3A_744 = arith.constant 16 : i32
          %mul3A_745 = arith.muli %scan3A_742, %mul3A_744 : i32
          %add3A_746 = vector.broadcast %mul3A_745 : i32 to vector<16xi32>
          %add3A_747 = arith.addi %iota3A_743, %add3A_746 : vector<16xi32>
          %mul3A_748 = arith.constant 6554 : i32
          %mul3A_749 = vector.broadcast %mul3A_748 : i32 to vector<16xi32>
          %mul3A_750 = arith.muli %add3A_747, %mul3A_749 : vector<16xi32>
          %shift_right_arithmetic3A_751 = arith.constant 16 : i32
          %shift_right_arithmetic3A_752 = vector.broadcast %shift_right_arithmetic3A_751 : i32 to vector<16xi32>
          %shift_right_arithmetic3A_753 = arith.shrsi %mul3A_750, %shift_right_arithmetic3A_752 : vector<16xi32>
          %mul3A_754 = arith.constant 0 : i32
          %mul3A_755 = vector.broadcast %mul3A_754 : i32 to vector<16xi32>
          %mul3A_756 = arith.muli %shift_right_arithmetic3A_753, %mul3A_755 : vector<16xi32>
          %add3A_757 = arith.constant 0 : i32
          %add3A_758 = vector.broadcast %add3A_757 : i32 to vector<16xi32>
          %add3A_759 = arith.addi %mul3A_756, %add3A_758 : vector<16xi32>
          %gather3A = tpu.vector_load_idx %arg13[%add3A_759, %shift_right_arithmetic3A_753] : memref<2x80xi32, #tpu.memory_space<vmem>>[vector<16xi32>, vector<16xi32>], vector<16xi32>,
          %add3A_760 = arith.addi %gather3A, %add3A_747 : vector<16xi32>
          %mul3A_761 = arith.constant 10 : i32
          %mul3A_762 = vector.broadcast %mul3A_761 : i32 to vector<16xi32>
          %mul3A_763 = arith.muli %shift_right_arithmetic3A_753, %mul3A_762 : vector<16xi32>
          %sub3A = arith.subi %add3A_760, %mul3A_763 : vector<16xi32>
          %mul3A_764 = arith.constant 0 : i32
          %mul3A_765 = vector.broadcast %mul3A_764 : i32 to vector<16xi32>
          %mul3A_766 = arith.muli %shift_right_arithmetic3A_753, %mul3A_765 : vector<16xi32>
          %add3A_767 = arith.constant 0 : i32
          %add3A_768 = vector.broadcast %add3A_767 : i32 to vector<16xi32>
          %add3A_769 = arith.addi %mul3A_766, %add3A_768 : vector<16xi32>
          %gather3A_770 = tpu.vector_load_idx %arg14[%add3A_769, %shift_right_arithmetic3A_753, %sub3A] : memref<2x80x128xi32, #tpu.memory_space<vmem>>[vector<16xi32>, vector<16xi32>, vector<16xi32>], vector<16xi32>,
          %mul3A_771 = arith.constant 16 : i32
          %mul3A_772 = arith.muli %scan3A_742, %mul3A_771 : i32
          %add3A_773 = arith.constant 6400 : i32
          %add3A_774 = arith.addi %add3A_773, %mul3A_772 : i32
          %swap3A_775 = arith.index_cast %add3A_774 : i32 to index
          %swap3A_776 = tpu.vector_load %arg15[%swap3A_775] {strides = array<i32>} : memref<8000xi32, #tpu.memory_space<vmem>>, vector<16xi32>,
          tpu.vector_store %arg15[%swap3A_775], %gather3A_770 {strides = array<i32>} : memref<8000xi32, #tpu.memory_space<vmem>>, vector<16xi32>,
        }
        %scan3A_741 = arith.constant 50 : i32
      } else {
      }
      %eq3A_701 = arith.constant 30 : i32
      %eq3A_702 = arith.cmpi eq, %scan3A_635, %eq3A_701 : i32
      %convert_element_type3A_703 = arith.extui %eq3A_702 : i1 to i32
      %cond3A_704 = arith.constant 0 : i32
      %cond3A_705 = arith.cmpi ne, %convert_element_type3A_703, %cond3A_704 : i32
      scf.if %cond3A_705 {
        %dma_wait3A_706 = arith.constant 1 : i32
        %dma_wait3A_707 = arith.constant 1 : i32
        %dma_wait3A_708 = arith.constant 0 : i32
        %dma_wait3A_709 = arith.constant 0 : i32
        %dma_wait3A_710 = tpu.memref_slice %arg14[%dma_wait3A_707, %dma_wait3A_708, %dma_wait3A_709] : memref<2x80x128xi32, #tpu.memory_space<vmem>> -> memref<1x80x128xi32, #tpu.memory_space<vmem>>
        %dma_wait3A_711 = tpu.memref_squeeze %dma_wait3A_710 : memref<1x80x128xi32, #tpu.memory_space<vmem>> -> memref<80x128xi32, #tpu.memory_space<vmem>>
        %dma_wait3A_712 = arith.constant 0 : i32
        %dma_wait3A_713 = tpu.memref_slice %arg12[%dma_wait3A_706, %dma_wait3A_712] : memref<2x80xi32, #tpu.memory_space<vmem>> -> memref<1x80xi32, #tpu.memory_space<vmem>>
        %dma_wait3A_714 = tpu.memref_squeeze %dma_wait3A_713 : memref<1x80xi32, #tpu.memory_space<vmem>> -> memref<80xi32, #tpu.memory_space<vmem>>
        %dma_wait3A_715 = arith.constant 0 : i32
        %dma_wait3A_716 = arith.constant 0 : i32
        %dma_wait3A_717 = tpu.memref_slice %arg4[%dma_wait3A_715, %dma_wait3A_716] : memref<25000x128xi32, #tpu.memory_space<hbm>> -> memref<25000x128xi32, #tpu.memory_space<hbm>>
        tpu.wait_indirect_dma semaphore(%arg21 : memref<!tpu.dma_semaphore, #tpu.memory_space<semaphore_mem>>) src(%dma_wait3A_717 : memref<25000x128xi32, #tpu.memory_space<hbm>>) dst(%dma_wait3A_711 : memref<80x128xi32, #tpu.memory_space<vmem>>)
        %scan3A_718 = arith.constant 0 : i32
        %scan3A_719 = arith.constant 0 : i32
        %scan3A_720 = arith.constant 50 : i32
        %scan3A_721 = arith.addi %scan3A_719, %scan3A_720 : i32
        %scan3A_722 = arith.constant 1 : i32
        scf.for %scan3A_724 = %scan3A_719 to %scan3A_721 step %scan3A_722  : i32 {
          %iota3A_725 = tpu.iota {dimensions = array<i32: 0>} : vector<16xi32>
          %mul3A_726 = arith.constant 16 : i32
          %mul3A_727 = arith.muli %scan3A_724, %mul3A_726 : i32
          %add3A_728 = vector.broadcast %mul3A_727 : i32 to vector<16xi32>
          %add3A_729 = arith.addi %iota3A_725, %add3A_728 : vector<16xi32>
          %mul3A_730 = arith.constant 6554 : i32
          %mul3A_731 = vector.broadcast %mul3A_730 : i32 to vector<16xi32>
          %mul3A_732 = arith.muli %add3A_729, %mul3A_731 : vector<16xi32>
          %shift_right_arithmetic3A_733 = arith.constant 16 : i32
          %shift_right_arithmetic3A_734 = vector.broadcast %shift_right_arithmetic3A_733 : i32 to vector<16xi32>
          %shift_right_arithmetic3A_735 = arith.shrsi %mul3A_732, %shift_right_arithmetic3A_734 : vector<16xi32>
          %mul3A_736 = arith.constant 0 : i32
          %mul3A_737 = vector.broadcast %mul3A_736 : i32 to vector<16xi32>
          %mul3A_738 = arith.muli %shift_right_arithmetic3A_735, %mul3A_737 : vector<16xi32>
          %add3A_739 = arith.constant 1 : i32
          %add3A_740 = vector.broadcast %add3A_739 : i32 to vector<16xi32>
          %add3A_741 = arith.addi %mul3A_738, %add3A_740 : vector<16xi32>
          %gather3A = tpu.vector_load_idx %arg13[%add3A_741, %shift_right_arithmetic3A_735] : memref<2x80xi32, #tpu.memory_space<vmem>>[vector<16xi32>, vector<16xi32>], vector<16xi32>,
          %add3A_742 = arith.addi %gather3A, %add3A_729 : vector<16xi32>
          %mul3A_743 = arith.constant 10 : i32
          %mul3A_744 = vector.broadcast %mul3A_743 : i32 to vector<16xi32>
          %mul3A_745 = arith.muli %shift_right_arithmetic3A_735, %mul3A_744 : vector<16xi32>
          %sub3A = arith.subi %add3A_742, %mul3A_745 : vector<16xi32>
          %mul3A_746 = arith.constant 0 : i32
          %mul3A_747 = vector.broadcast %mul3A_746 : i32 to vector<16xi32>
          %mul3A_748 = arith.muli %shift_right_arithmetic3A_735, %mul3A_747 : vector<16xi32>
          %add3A_749 = arith.constant 1 : i32
          %add3A_750 = vector.broadcast %add3A_749 : i32 to vector<16xi32>
          %add3A_751 = arith.addi %mul3A_748, %add3A_750 : vector<16xi32>
          %gather3A_752 = tpu.vector_load_idx %arg14[%add3A_751, %shift_right_arithmetic3A_735, %sub3A] : memref<2x80x128xi32, #tpu.memory_space<vmem>>[vector<16xi32>, vector<16xi32>, vector<16xi32>], vector<16xi32>,
          %mul3A_753 = arith.constant 16 : i32
          %mul3A_754 = arith.muli %scan3A_724, %mul3A_753 : i32
          %add3A_755 = arith.constant 7200 : i32
          %add3A_756 = arith.addi %add3A_755, %mul3A_754 : i32
          %swap3A_757 = arith.index_cast %add3A_756 : i32 to index
          %swap3A_758 = tpu.vector_load %arg15[%swap3A_757] {strides = array<i32>} : memref<8000xi32, #tpu.memory_space<vmem>>, vector<16xi32>,
          tpu.vector_store %arg15[%swap3A_757], %gather3A_752 {strides = array<i32>} : memref<8000xi32, #tpu.memory_space<vmem>>, vector<16xi32>,
        }
        %scan3A_723 = arith.constant 50 : i32
      } else {
      }
    }
    %scan3A_619 = arith.constant 50 : i32
    %dma_wait3A_620 = arith.constant 1 : i32
    %dma_wait3A_621 = arith.constant 1 : i32
    %dma_wait3A_622 = arith.constant 0 : i32
    %dma_wait3A_623 = arith.constant 0 : i32
    %dma_wait3A_624 = tpu.memref_slice %arg16[%dma_wait3A_620, %dma_wait3A_622, %dma_wait3A_623] : memref<4x80x128xf32, #tpu.memory_space<vmem>> -> memref<1x80x128xf32, #tpu.memory_space<vmem>>
    %dma_wait3A_625 = tpu.memref_squeeze %dma_wait3A_624 : memref<1x80x128xf32, #tpu.memory_space<vmem>> -> memref<80x128xf32, #tpu.memory_space<vmem>>
    %dma_wait3A_626 = arith.constant 0 : i32
    %dma_wait3A_627 = tpu.memref_slice %arg17[%dma_wait3A_621, %dma_wait3A_626] : memref<4x80xi32, #tpu.memory_space<vmem>> -> memref<1x80xi32, #tpu.memory_space<vmem>>
    %dma_wait3A_628 = tpu.memref_squeeze %dma_wait3A_627 : memref<1x80xi32, #tpu.memory_space<vmem>> -> memref<80xi32, #tpu.memory_space<vmem>>
    %dma_wait3A_629 = arith.constant 0 : i32
    %dma_wait3A_630 = arith.constant 0 : i32
    %dma_wait3A_631 = tpu.memref_slice %arg19[%dma_wait3A_629, %dma_wait3A_630] : memref<6400x128xf32, #tpu.memory_space<vmem_shared>> -> memref<6400x128xf32, #tpu.memory_space<vmem_shared>>
    tpu.wait_indirect_dma semaphore(%arg27 : memref<!tpu.dma_semaphore, #tpu.memory_space<semaphore_mem>>) src(%dma_wait3A_625 : memref<80x128xf32, #tpu.memory_space<vmem>>) dst(%dma_wait3A_631 : memref<6400x128xf32, #tpu.memory_space<vmem_shared>>)
    %add3A_632 = arith.constant 400 : i32
    %add3A_633 = arith.addi %mul3A_4, %add3A_632 : i32
    %multiple_of3A_634 = tpu.assume_multiple %add3A_633, 8 : i32
    "tpu.region"() ({
      %run_scoped3A = tpu.sem_alloc : memref<!tpu.dma_semaphore, #tpu.memory_space<semaphore_mem>>
      %dma_start3A_635 = arith.constant 0 : i32
      %dma_start3A_636 = tpu.memref_slice %arg7[%multiple_of3A_634, %dma_start3A_635] : memref<25600x128xf32, #tpu.memory_space<hbm>> -> memref<400x128xf32, #tpu.memory_space<hbm>>
      %dma_start3A_637 = arith.constant 0 : i32
      %dma_start3A_638 = tpu.memref_slice %arg19[%mul3A_136, %dma_start3A_637] : memref<6400x128xf32, #tpu.memory_space<vmem_shared>> -> memref<400x128xf32, #tpu.memory_space<vmem_shared>>
      tpu.enqueue_dma source(%dma_start3A_638 : memref<400x128xf32, #tpu.memory_space<vmem_shared>>) target(%dma_start3A_636 : memref<400x128xf32, #tpu.memory_space<hbm>>) target_semaphore(%run_scoped3A : memref<!tpu.dma_semaphore, #tpu.memory_space<semaphore_mem>>)
      %dma_wait3A_639 = arith.constant 0 : i32
      %dma_wait3A_640 = tpu.memref_slice %arg7[%multiple_of3A_634, %dma_wait3A_639] : memref<25600x128xf32, #tpu.memory_space<hbm>> -> memref<400x128xf32, #tpu.memory_space<hbm>>
      %dma_wait3A_641 = arith.constant 0 : i32
      %dma_wait3A_642 = tpu.memref_slice %arg19[%mul3A_136, %dma_wait3A_641] : memref<6400x128xf32, #tpu.memory_space<vmem_shared>> -> memref<400x128xf32, #tpu.memory_space<vmem_shared>>
      tpu.wait_dma2 semaphore(%run_scoped3A : memref<!tpu.dma_semaphore, #tpu.memory_space<semaphore_mem>>) src(%dma_wait3A_642 : memref<400x128xf32, #tpu.memory_space<vmem_shared>>) dst(%dma_wait3A_640 : memref<400x128xf32, #tpu.memory_space<hbm>>)
      tpu.yield
    }) : () -> ()
    return
  }
}

module attributes {stable_mosaic.version = 14 : i64} {
  func.func @_tc_body(%arg0: i32, %arg1: memref<128x128xf32, #tpu.memory_space<vmem>>, %arg2: memref<3200x128xf32, #tpu.memory_space<vmem>>, %arg3: memref<3200x128xf32, #tpu.memory_space<vmem>>, %arg4: memref<128x128xf32, #tpu.memory_space<vmem>>, %arg5: memref<128x128xf32, #tpu.memory_space<vmem>>, %arg6: memref<1x128xf32, #tpu.memory_space<vmem>>, %arg7: memref<128x128xf32, #tpu.memory_space<vmem>>, %arg8: memref<128x128xf32, #tpu.memory_space<vmem>>, %arg9: memref<1x128xf32, #tpu.memory_space<vmem>>, %arg10: memref<128x41xf32, #tpu.memory_space<vmem>>, %arg11: memref<1x41xf32, #tpu.memory_space<vmem>>, %arg12: memref<128x41xf32, #tpu.memory_space<vmem>>) attributes {dimension_semantics = [#tpu.dimension_semantics<arbitrary>], iteration_bounds = array<i64: 8>, scalar_prefetch = 0 : i64, scratch_operands = 0 : i64, tpu.core_type = #tpu.core_type<tc>, window_params = [{transform_indices = @transform_0, window_bounds = array<i64: 128, 128>}, {transform_indices = @transform_1, window_bounds = array<i64: 3200, 128>}, {transform_indices = @transform_2, window_bounds = array<i64: 3200, 128>}, {pipeline_mode = #tpu.pipeline_mode<synchronous>, transform_indices = @transform_3, window_bounds = array<i64: 128, 128>}, {pipeline_mode = #tpu.pipeline_mode<synchronous>, transform_indices = @transform_4, window_bounds = array<i64: 128, 128>}, {pipeline_mode = #tpu.pipeline_mode<synchronous>, transform_indices = @transform_5, window_bounds = array<i64: 1, 128>}, {pipeline_mode = #tpu.pipeline_mode<synchronous>, transform_indices = @transform_6, window_bounds = array<i64: 128, 128>}, {pipeline_mode = #tpu.pipeline_mode<synchronous>, transform_indices = @transform_7, window_bounds = array<i64: 128, 128>}, {pipeline_mode = #tpu.pipeline_mode<synchronous>, transform_indices = @transform_8, window_bounds = array<i64: 1, 128>}, {pipeline_mode = #tpu.pipeline_mode<synchronous>, transform_indices = @transform_9, window_bounds = array<i64: 128, 41>}, {pipeline_mode = #tpu.pipeline_mode<synchronous>, transform_indices = @transform_10, window_bounds = array<i64: 1, 41>}, {transform_indices = @transform_11, window_bounds = array<i64: 128, 41>}]} {
    %get3A = arith.constant 0 : index
    %get3A_0 = arith.constant 0 : index
    %get3A_1 = vector.load %arg2[%get3A, %get3A_0] : memref<3200x128xf32, #tpu.memory_space<vmem>>, vector<3200x128xf32>
    %get3A_2 = arith.constant 0 : index
    %get3A_3 = arith.constant 0 : index
    %get3A_4 = vector.load %arg3[%get3A_2, %get3A_3] : memref<3200x128xf32, #tpu.memory_space<vmem>>, vector<3200x128xf32>
    %mul3A = arith.constant 1.000000e-01 : f32
    %mul3A_5 = vector.broadcast %mul3A : f32 to vector<3200x128xf32>
    %mul3A_6 = arith.mulf %get3A_4, %mul3A_5 : vector<3200x128xf32>
    %get3A_7 = arith.constant 0 : index
    %get3A_8 = arith.constant 0 : index
    %get3A_9 = vector.load %arg4[%get3A_7, %get3A_8] : memref<128x128xf32, #tpu.memory_space<vmem>>, vector<128x128xf32>
    %dot_general3A = arith.constant dense<0.000000e+00> : vector<3200x128xf32>
    %dot_general3A_10 = tpu.matmul %get3A_1, %get3A_9, %dot_general3A {dimension_numbers = #tpu.dot_dimension_numbers<[1], [0], [0], [1], [0, 0, 1, 1], [], []>, transpose_lhs_hint = false} : vector<3200x128xf32>, vector<128x128xf32>, vector<3200x128xf32> -> vector<3200x128xf32>
    %get3A_11 = arith.constant 0 : index
    %get3A_12 = arith.constant 0 : index
    %get3A_13 = vector.load %arg5[%get3A_11, %get3A_12] : memref<128x128xf32, #tpu.memory_space<vmem>>, vector<128x128xf32>
    %dot_general3A_14 = arith.constant dense<0.000000e+00> : vector<3200x128xf32>
    %dot_general3A_15 = tpu.matmul %mul3A_6, %get3A_13, %dot_general3A_14 {dimension_numbers = #tpu.dot_dimension_numbers<[1], [0], [0], [1], [0, 0, 1, 1], [], []>, transpose_lhs_hint = false} : vector<3200x128xf32>, vector<128x128xf32>, vector<3200x128xf32> -> vector<3200x128xf32>
    %add3A = arith.addf %dot_general3A_10, %dot_general3A_15 : vector<3200x128xf32>
    %get3A_16 = arith.constant 0 : index
    %get3A_17 = arith.constant 0 : index
    %get3A_18 = vector.load %arg6[%get3A_16, %get3A_17] : memref<1x128xf32, #tpu.memory_space<vmem>>, vector<1x128xf32>
    %add3A_19 = vector.broadcast %get3A_18 : vector<1x128xf32> to vector<3200x128xf32>
    %add3A_20 = arith.addf %add3A, %add3A_19 : vector<3200x128xf32>
    %max3A = arith.constant 0.000000e+00 : f32
    %max3A_21 = vector.broadcast %max3A : f32 to vector<3200x128xf32>
    %max3A_22 = arith.maximumf %add3A_20, %max3A_21 : vector<3200x128xf32>
    %reshape3A = vector.shape_cast %get3A_1 : vector<3200x128xf32> to vector<128x25x128xf32>
    %reduce_sum3A = arith.constant dense<0.000000e+00> : vector<128x128xf32>
    %reduce_sum3A_23 = vector.multi_reduction <add>, %reshape3A, %reduce_sum3A [1] : vector<128x25x128xf32> to vector<128x128xf32>
    %div3A = arith.constant 2.500000e+01 : f32
    %div3A_24 = vector.broadcast %div3A : f32 to vector<128x128xf32>
    %div3A_25 = arith.divf %reduce_sum3A_23, %div3A_24 : vector<128x128xf32>
    %reshape3A_26 = vector.shape_cast %max3A_22 : vector<3200x128xf32> to vector<128x25x128xf32>
    %reduce_sum3A_27 = arith.constant dense<0.000000e+00> : vector<128x128xf32>
    %reduce_sum3A_28 = vector.multi_reduction <add>, %reshape3A_26, %reduce_sum3A_27 [1] : vector<128x25x128xf32> to vector<128x128xf32>
    %div3A_29 = arith.constant 2.500000e+01 : f32
    %div3A_30 = vector.broadcast %div3A_29 : f32 to vector<128x128xf32>
    %div3A_31 = arith.divf %reduce_sum3A_28, %div3A_30 : vector<128x128xf32>
    %get3A_32 = arith.constant 0 : index
    %get3A_33 = arith.constant 0 : index
    %get3A_34 = vector.load %arg1[%get3A_32, %get3A_33] : memref<128x128xf32, #tpu.memory_space<vmem>>, vector<128x128xf32>
    %get3A_35 = arith.constant 0 : index
    %get3A_36 = arith.constant 0 : index
    %get3A_37 = vector.load %arg4[%get3A_35, %get3A_36] : memref<128x128xf32, #tpu.memory_space<vmem>>, vector<128x128xf32>
    %dot_general3A_38 = arith.constant dense<0.000000e+00> : vector<128x128xf32>
    %dot_general3A_39 = tpu.matmul %get3A_34, %get3A_37, %dot_general3A_38 {dimension_numbers = #tpu.dot_dimension_numbers<[1], [0], [0], [1], [0, 0, 1, 1], [], []>, transpose_lhs_hint = false} : vector<128x128xf32>, vector<128x128xf32>, vector<128x128xf32> -> vector<128x128xf32>
    %get3A_40 = arith.constant 0 : index
    %get3A_41 = arith.constant 0 : index
    %get3A_42 = vector.load %arg5[%get3A_40, %get3A_41] : memref<128x128xf32, #tpu.memory_space<vmem>>, vector<128x128xf32>
    %dot_general3A_43 = arith.constant dense<0.000000e+00> : vector<128x128xf32>
    %dot_general3A_44 = tpu.matmul %div3A_25, %get3A_42, %dot_general3A_43 {dimension_numbers = #tpu.dot_dimension_numbers<[1], [0], [0], [1], [0, 0, 1, 1], [], []>, transpose_lhs_hint = false} : vector<128x128xf32>, vector<128x128xf32>, vector<128x128xf32> -> vector<128x128xf32>
    %add3A_45 = arith.addf %dot_general3A_39, %dot_general3A_44 : vector<128x128xf32>
    %get3A_46 = arith.constant 0 : index
    %get3A_47 = arith.constant 0 : index
    %get3A_48 = vector.load %arg6[%get3A_46, %get3A_47] : memref<1x128xf32, #tpu.memory_space<vmem>>, vector<1x128xf32>
    %add3A_49 = vector.broadcast %get3A_48 : vector<1x128xf32> to vector<128x128xf32>
    %add3A_50 = arith.addf %add3A_45, %add3A_49 : vector<128x128xf32>
    %max3A_51 = arith.constant 0.000000e+00 : f32
    %max3A_52 = vector.broadcast %max3A_51 : f32 to vector<128x128xf32>
    %max3A_53 = arith.maximumf %add3A_50, %max3A_52 : vector<128x128xf32>
    %get3A_54 = arith.constant 0 : index
    %get3A_55 = arith.constant 0 : index
    %get3A_56 = vector.load %arg7[%get3A_54, %get3A_55] : memref<128x128xf32, #tpu.memory_space<vmem>>, vector<128x128xf32>
    %dot_general3A_57 = arith.constant dense<0.000000e+00> : vector<128x128xf32>
    %dot_general3A_58 = tpu.matmul %max3A_53, %get3A_56, %dot_general3A_57 {dimension_numbers = #tpu.dot_dimension_numbers<[1], [0], [0], [1], [0, 0, 1, 1], [], []>, transpose_lhs_hint = false} : vector<128x128xf32>, vector<128x128xf32>, vector<128x128xf32> -> vector<128x128xf32>
    %get3A_59 = arith.constant 0 : index
    %get3A_60 = arith.constant 0 : index
    %get3A_61 = vector.load %arg8[%get3A_59, %get3A_60] : memref<128x128xf32, #tpu.memory_space<vmem>>, vector<128x128xf32>
    %dot_general3A_62 = arith.constant dense<0.000000e+00> : vector<128x128xf32>
    %dot_general3A_63 = tpu.matmul %div3A_31, %get3A_61, %dot_general3A_62 {dimension_numbers = #tpu.dot_dimension_numbers<[1], [0], [0], [1], [0, 0, 1, 1], [], []>, transpose_lhs_hint = false} : vector<128x128xf32>, vector<128x128xf32>, vector<128x128xf32> -> vector<128x128xf32>
    %add3A_64 = arith.addf %dot_general3A_58, %dot_general3A_63 : vector<128x128xf32>
    %get3A_65 = arith.constant 0 : index
    %get3A_66 = arith.constant 0 : index
    %get3A_67 = vector.load %arg9[%get3A_65, %get3A_66] : memref<1x128xf32, #tpu.memory_space<vmem>>, vector<1x128xf32>
    %add3A_68 = vector.broadcast %get3A_67 : vector<1x128xf32> to vector<128x128xf32>
    %add3A_69 = arith.addf %add3A_64, %add3A_68 : vector<128x128xf32>
    %max3A_70 = arith.constant 0.000000e+00 : f32
    %max3A_71 = vector.broadcast %max3A_70 : f32 to vector<128x128xf32>
    %max3A_72 = arith.maximumf %add3A_69, %max3A_71 : vector<128x128xf32>
    %get3A_73 = arith.constant 0 : index
    %get3A_74 = arith.constant 0 : index
    %get3A_75 = vector.load %arg10[%get3A_73, %get3A_74] : memref<128x41xf32, #tpu.memory_space<vmem>>, vector<128x41xf32>
    %dot_general3A_76 = arith.constant dense<0.000000e+00> : vector<128x41xf32>
    %dot_general3A_77 = tpu.matmul %max3A_72, %get3A_75, %dot_general3A_76 {dimension_numbers = #tpu.dot_dimension_numbers<[1], [0], [0], [1], [0, 0, 1, 1], [], []>, transpose_lhs_hint = false} : vector<128x128xf32>, vector<128x41xf32>, vector<128x41xf32> -> vector<128x41xf32>
    %get3A_78 = arith.constant 0 : index
    %get3A_79 = arith.constant 0 : index
    %get3A_80 = vector.load %arg11[%get3A_78, %get3A_79] : memref<1x41xf32, #tpu.memory_space<vmem>>, vector<1x41xf32>
    %add3A_81 = vector.broadcast %get3A_80 : vector<1x41xf32> to vector<128x41xf32>
    %add3A_82 = arith.addf %dot_general3A_77, %add3A_81 : vector<128x41xf32>
    %swap3A = arith.constant 0 : index
    %swap3A_83 = arith.constant 0 : index
    %swap3A_84 = vector.load %arg12[%swap3A, %swap3A_83] : memref<128x41xf32, #tpu.memory_space<vmem>>, vector<128x41xf32>
    tpu.vector_store %arg12[%swap3A, %swap3A_83], %add3A_82 {strides = array<i32>} : memref<128x41xf32, #tpu.memory_space<vmem>>, vector<128x41xf32>,
    return
  }
  func.func @transform_0(%arg0: i32) -> (i32, i32) {
    %c0_i32 = arith.constant 0 : i32
    %c0_i32_0 = arith.constant 0 : i32
    return %arg0, %c0_i32 : i32, i32
  }
  func.func @transform_1(%arg0: i32) -> (i32, i32) {
    %c0_i32 = arith.constant 0 : i32
    %c0_i32_0 = arith.constant 0 : i32
    return %arg0, %c0_i32 : i32, i32
  }
  func.func @transform_2(%arg0: i32) -> (i32, i32) {
    %c0_i32 = arith.constant 0 : i32
    %c0_i32_0 = arith.constant 0 : i32
    return %arg0, %c0_i32 : i32, i32
  }
  func.func @transform_3(%arg0: i32) -> (i32, i32) {
    %c0_i32 = arith.constant 0 : i32
    %c0_i32_0 = arith.constant 0 : i32
    %c0_i32_1 = arith.constant 0 : i32
    return %c0_i32, %c0_i32_0 : i32, i32
  }
  func.func @transform_4(%arg0: i32) -> (i32, i32) {
    %c0_i32 = arith.constant 0 : i32
    %c0_i32_0 = arith.constant 0 : i32
    %c0_i32_1 = arith.constant 0 : i32
    return %c0_i32, %c0_i32_0 : i32, i32
  }
  func.func @transform_5(%arg0: i32) -> (i32, i32) {
    %c0_i32 = arith.constant 0 : i32
    %c0_i32_0 = arith.constant 0 : i32
    %c0_i32_1 = arith.constant 0 : i32
    return %c0_i32, %c0_i32_0 : i32, i32
  }
  func.func @transform_6(%arg0: i32) -> (i32, i32) {
    %c0_i32 = arith.constant 0 : i32
    %c0_i32_0 = arith.constant 0 : i32
    %c0_i32_1 = arith.constant 0 : i32
    return %c0_i32, %c0_i32_0 : i32, i32
  }
  func.func @transform_7(%arg0: i32) -> (i32, i32) {
    %c0_i32 = arith.constant 0 : i32
    %c0_i32_0 = arith.constant 0 : i32
    %c0_i32_1 = arith.constant 0 : i32
    return %c0_i32, %c0_i32_0 : i32, i32
  }
  func.func @transform_8(%arg0: i32) -> (i32, i32) {
    %c0_i32 = arith.constant 0 : i32
    %c0_i32_0 = arith.constant 0 : i32
    %c0_i32_1 = arith.constant 0 : i32
    return %c0_i32, %c0_i32_0 : i32, i32
  }
  func.func @transform_9(%arg0: i32) -> (i32, i32) {
    %c0_i32 = arith.constant 0 : i32
    %c0_i32_0 = arith.constant 0 : i32
    %c0_i32_1 = arith.constant 0 : i32
    return %c0_i32, %c0_i32_0 : i32, i32
  }
  func.func @transform_10(%arg0: i32) -> (i32, i32) {
    %c0_i32 = arith.constant 0 : i32
    %c0_i32_0 = arith.constant 0 : i32
    %c0_i32_1 = arith.constant 0 : i32
    return %c0_i32, %c0_i32_0 : i32, i32
  }
  func.func @transform_11(%arg0: i32) -> (i32, i32) {
    %c0_i32 = arith.constant 0 : i32
    %c0_i32_0 = arith.constant 0 : i32
    return %arg0, %c0_i32 : i32, i32
  }
}

</mosaic_0001>

<sc_bundles>
// kernel: kernel.4.cloned.1.call-start
scs
__scs_entry_jumppad:
0x0: {  	(pc) =	sbr.rel $0x88, $3  }
0x1: {  	(tag) =	ssettag $0x0;
	lr =	simm.s32 $0x1  }
0x2: {  	[smem:$0x3F96] =	sst lr;
	_ =	strace $0xD0000000  }
0x3: {  	_ = 	snop  }
0x4: {  	_ = 	snop  }
0x5: {  	_ = 	snop  }
0x6: {  	_ = 	snop  }
0x7: {  	_ = 	snop  }
__scs_overlays_trampoline_lowered:
0x8: {  	[smem:$0x3FA5] =	sst s0  }
0x9: {  	[smem:$0x3FA6] =	sst s1  }
0xa: {  	[smem:$0x3FA7] =	sst s2  }
0xb: {  	[smem:$0x3FA8] =	sst s3  }
0xc: {  	[smem:$0x3FA9] =	sst s4  }
0xd: {  	[smem:$0x3FAA] =	sst s5  }
0xe: {  	[smem:$0x3FAB] =	sst s6  }
0xf: {  	[smem:$0x3FAC] =	sst s7  }
0x10: {  	[smem:$0x3FAD] =	sst s8  }
0x11: {  	[smem:$0x3FAE] =	sst s9;
	s0 =	simm.s32 @!p0 $0x0  }
0x12: {  	s1 =	sld [smem:$0x3F94];
	s0 =	simm.s32 @p0 $0x1  }
0x13: {  	[smem:$0x3FAF] =	sst s0;
	s0 =	simm.s32 @!p1 $0x0  }
0x14: {  	s2 =	sld [smem:$0x3F93];
	s0 =	simm.s32 @p1 $0x1  }
0x15: {  	[smem:$0x3FB0] =	sst s0;
	s0 =	simm.s32 @!p2 $0x0  }
0x16: {  	s3 =	sld [smem:$0x3FDB];
	s0 =	simm.s32 @p2 $0x1  }
0x17: {  	s4 =	simm.s32 $0x1BF5;
	[smem:$0x3FB2] =	sst s0  }
0x18: {  	s0 =	sld [smem:$0x3F95];
	_ =	swait.ge [sflag:s4], $0x0  }
0x19: {  	s7 =	sld [smem:$0x3F96]  }
0x1a: {  	s8 =	sadd.s32 $0xFFFFE003, lr  }
0x1b: {  	s9 =	sadd.s32 $0xFFFFFEF7, lr;
	s5 =	simm.s32 $0xFFFFFFFF;
	p2 =	slt.u32 s8, $0xFFFFF086  }
0x1c: {  	p1 =	slt.u32 s9, $0xF7A;
	s5 =	simm.s32 @!p2 $0x0  }
0x1d: {  	s5 =	simm.s32 @p1 $0x1;
	p0 =	seq.s32 s7, s2  }
0x1e: {  	s7 =	smul.u32 @!p0 $0xF7A, s2;
	p2 =	seq.s32 @!p0 s5, $0x0  }
0x1f: {  	s9 =	smul.u32 $0xF7A, s1;
	s8 =	simm.s32 @!p0 $0x1BF5;
	p2 =	por !p2, p0  }
0x20: {  	[sflag:s8] =	ssyncset.s32 @!p0 $0xFFFFF086;
	s6 =	sadd.s32 @!p0 s3, s7;
	s7 =	simm.s32 @!p0 $0x108  }
0x21: {  	s3 =	sadd.s32 s3, s9;
	s6 =	sadd.s32 @!p0 $0x88, s6;
	s7 =	simm.s32 @p2 $0x1082  }
0x22: {  	[simem:s7], [sflag:s8] =	dma.local @!p0 [hbm:s6], $0xF7A  }
0x23: {  	s9 =	sor.u32 $0xD0000000, s2;
	s6 =	simm.s32 $0x108;
	_ =	swait.ge @!p0 [sflag:s8], $0x0  }
0x24: {  	s3 =	sadd.s32 $0x88, s3;
	s6 =	simm.s32 @!p1 $0x1082;
	[sflag:s4] =	ssyncset.s32 $0xFFFFF086  }
0x25: {  	[simem:s6], [sflag:s4] =	dma.local [hbm:s3], $0xF7A  }
0x26: {  	[smem:$0x3F96] =	sst s1;
	(tag) =	ssettag s2;
	_ =	strace s9  }
0x27: {  	s1 =	sld [smem:$0x3FA6]  }
0x28: {  	s2 =	sld [smem:$0x3FA7]  }
0x29: {  	s4 =	sld [smem:$0x3FA9]  }
0x2a: {  	p0 =	seq.s32 s5, $0x0;
	s5 =	sld [smem:$0x3FAA]  }
0x2b: {  	s6 =	sld [smem:$0x3FAB]  }
0x2c: {  	s7 =	sld [smem:$0x3FAC]  }
0x2d: {  	s3 =	simm.s32 $0x108;
	s8 =	sld [smem:$0x3FAD]  }
0x2e: {  	s3 =	simm.s32 @!p0 $0x1082;
	s9 =	sld [smem:$0x3FAE]  }
0x2f: {  	lr =	sadd.s32 s0, s3;
	s0 =	sld [smem:$0x3FA5]  }
0x30: {  	s3 =	sld [smem:$0x3FA8]  }
0x31: {  	[smem:$0x3FB1] =	sst s10  }
0x32: {  	s10 =	sld [smem:$0x3FAF];
	_ =	sdelay $0x3  }
0x33: {  	p0 =	seq.s32 s10, $0x1;
	s10 =	sld [smem:$0x3FB1];
	_ =	sdelay $0x3  }
0x34: {  	[smem:$0x3FB1] =	sst s10  }
0x35: {  	s10 =	sld [smem:$0x3FB0];
	_ =	sdelay $0x3  }
0x36: {  	p1 =	seq.s32 s10, $0x1;
	s10 =	sld [smem:$0x3FB1];
	_ =	sdelay $0x3  }
0x37: {  	[smem:$0x3FB1] =	sst s10  }
0x38: {  	s10 =	sld [smem:$0x3FB2]  }
0x39: {  	_ = 	snop;
	(pc) =	sbr.ind lr, $3  }
0x3a: {  	_ = 	snop  }
0x3b: {  	_ = 	snop  }
0x3c: {  	p2 =	seq.s32 s10, $0x1;
	s10 =	sld [smem:$0x3FB1]  }
0x3d: {  	_ =	shalt  }
0x3e: {  	_ =	shalt  }
0x3f: {  	_ =	shalt  }
0x40: {  	_ =	shalt  }
0x41: {  	_ =	shalt  }
0x42: {  	_ =	shalt  }
0x43: {  	_ =	shalt  }
0x44: {  	_ =	shalt  }
0x45: {  	_ =	shalt  }
0x46: {  	_ =	shalt  }
0x47: {  	_ =	shalt  }
0x48: {  	_ =	shalt  }
0x49: {  	_ =	shalt  }
0x4a: {  	_ =	shalt  }
0x4b: {  	_ =	shalt  }
0x4c: {  	_ =	shalt  }
0x4d: {  	_ =	shalt  }
0x4e: {  	_ =	shalt  }
0x4f: {  	_ =	shalt  }
0x50: {  	_ =	shalt  }
0x51: {  	_ =	shalt  }
0x52: {  	_ =	shalt  }
0x53: {  	_ =	shalt  }
0x54: {  	_ =	shalt  }
0x55: {  	_ =	shalt  }
0x56: {  	_ =	shalt  }
0x57: {  	_ =	shalt  }
0x58: {  	_ =	shalt  }
0x59: {  	_ =	shalt  }
0x5a: {  	_ =	shalt  }
0x5b: {  	_ =	shalt  }
0x5c: {  	_ =	shalt  }
0x5d: {  	_ =	shalt  }
0x5e: {  	_ =	shalt  }
0x5f: {  	_ =	shalt  }
0x60: {  	_ =	shalt  }
0x61: {  	_ =	shalt  }
0x62: {  	_ =	shalt  }
0x63: {  	_ =	shalt  }
0x64: {  	_ =	shalt  }
0x65: {  	_ =	shalt  }
0x66: {  	_ =	shalt  }
0x67: {  	_ =	shalt  }
0x68: {  	_ =	shalt  }
0x69: {  	_ =	shalt  }
0x6a: {  	_ =	shalt  }
0x6b: {  	_ =	shalt  }
0x6c: {  	_ =	shalt  }
0x6d: {  	_ =	shalt  }
0x6e: {  	_ =	shalt  }
0x6f: {  	_ =	shalt  }
0x70: {  	_ =	shalt  }
0x71: {  	_ =	shalt  }
0x72: {  	_ =	shalt  }
0x73: {  	_ =	shalt  }
0x74: {  	_ =	shalt  }
0x75: {  	_ =	shalt  }
0x76: {  	_ =	shalt  }
0x77: {  	_ =	shalt  }
0x78: {  	_ =	shalt  }
0x79: {  	_ =	shalt  }
0x7a: {  	_ =	shalt  }
0x7b: {  	_ =	shalt  }
0x7c: {  	_ =	shalt  }
0x7d: {  	_ =	shalt  }
0x7e: {  	_ =	shalt  }
0x7f: {  	_ =	shalt  }
0x80: {  	_ =	shalt  }
0x81: {  	_ =	shalt  }
0x82: {  	_ =	shalt  }
0x83: {  	_ =	shalt  }
0x84: {  	_ =	shalt  }
0x85: {  	_ =	shalt  }
0x86: {  	_ =	shalt  }
0x87: {  	_ =	shalt  }
.Lfunc_end0:
.L_simem_size_0:
called_computation_lowered:
.L_overlay_start_0:
0x88: {  	s2 =	sld [smem:$0x3FD9]  }
0x89: {  	s3 =	sld [smem:$0x3FFE];
	_ =	sdelay $0x1  }
0x8a: {  	s1 =	srdreg.scid  }
0x8b: {  	s0 =	sand.u32 $0x1, s1  }
0x8c: {  	s17 =	sshll.u32 s0, $0xA;
	s2 =	sadd.s32 s3, s2  }
0x8d: {  	s2 =	sadd.s32 s2, s17  }
0x8e: {  	[smem:$0x3FBD] =	sst s2  }
0x8f: {  	_ = 	snop  }
0x90: {  	s2 =	sld [smem:$0x3FC9]  }
0x91: {  	s18 =	sld [smem:$0x3FC8];
	(tm) =	ssettm $0x1  }
0x92: {  	s4 =	sld [smem:$0x3FFB];
	_ =	sdelay $0x3  }
0x93: {  	_ =	strace s4  }
0x94: {  	s4 =	sld [smem:$0x3FFC];
	_ =	sdelay $0x3  }
0x95: {  	_ =	strace s4  }
0x96: {  	s4 =	sld [smem:$0x3FFD];
	_ =	sdelay $0x3  }
0x97: {  	_ =	strace s4  }
0x98: {  	_ =	strace $0x8FFFFFFF  }
0x99: {  	s19 =	sld [smem:$0x3FDB];
	_ =	sdelay $0x1  }
0x9a: {  	s5 =	simm.s32 $_scs_section_size  }
0x9b: {  	s6 =	simm.s32 $_size__tile_overlayer_lowered;
	s7 =	simm.s32 $_tile_overlayer_lowered  }
0x9c: {  	s22 =	simm.s32 $0x1BFF;
	s21 =	sshll.u32 s7, $0x1;
	s4 =	sadd.s32 s5, s19  }
0x9d: {  	s8 =	simm.s32 $0x0;
	s20 =	sshll.u32 s6, $0x1;
	s6 =	sadd.s32 s21, s4  }
0x9e: {  	[timem:s8], [sflag:s22] =	dma.local [hbm:s6], s20  }
0x9f: {  	_ =	swait.ge [sflag:s22], s20  }
0xa0: {  	s5 =	ssub.s32 $0x0, s20;
	[sflag:s22] =	ssyncset.done $0x0  }
0xa1: {  	[sflag:s22] =	ssyncadd.s32 s5;
	_ =	sdelay $0x1  }
0xa2: {  	s23 =	simm.s32 $0x1B8B  }
0xa3: {  	_ =	swait.ge [sflag:s23], $0x1  }
0xa4: {  	[sflag:s23] =	ssyncset.done $0x0  }
0xa5: {  	s25 =	simm.s32 $0x1B8E;
	s24 =	sld [smem:$0x3FFE];
	[sflag:s23] =	ssyncadd.s32 $0xFFFFFFFF  }
0xa6: {  	s26 =	simm.s32 $execute0_lowered;
	[smem:$0x3FD2] =	sst s25  }
0xa7: {  	s6 =	sshll.u32 s26, $0x1;
	_ =	strace $0x80000046;
	[dreg:$0x1] =	wrdreg $0xFFFFFFFF  }
0xa8: {  	s28 =	simm.s32 $_size_execute0_lowered;
	s4 =	sadd.s32 s4, s6;
	[dreg:$0x0] =	wrdreg $0x0  }
0xa9: {  	s6 =	sshll.u32 s28, $0x1;
	[dreg:$0x2] =	wrdreg s4  }
0xaa: {  	[dreg:$0x3] =	wrdreg s6  }
0xab: {  	[dreg:$0x4] =	wrdreg $0xC0  }
0xac: {  	_ =	task [dreg:s8], $0x5FFFF  }
0xad: {  	[dreg:$0x1] =	wrdreg $0xFFFFFFFF  }
0xae: {  	[dreg:$0x0] =	wrdreg $0x60  }
0xaf: {  	[dreg:$0x2] =	wrdreg s2  }
0xb0: {  	[dreg:$0x3] =	wrdreg s18  }
0xb1: {  	[dreg:$0x4] =	wrdreg s24  }
0xb2: {  	[dreg:$0x5] =	wrdreg $0x128800  }
0xb3: {  	[dreg:$0x6] =	wrdreg $0x9  }
0xb4: {  	_ =	task.clear_ibuf [dreg:s8], $0x7FFFF;
	_ =	strace $0x90000046  }
0xb5: {  	s29 =	simm.s32 $0x9;
	_ =	strace $0x80000048  }
0xb6: {  	_ =	swait.ge [sflag:s29], $0x1  }
0xb7: {  	[sflag:s29] =	ssyncadd.s32 $0xFFFFFFFF  }
0xb8: {  	_ =	strace $0x90000048  }
0xb9: {  	_ =	sfence  }
0xba: {  	s30 =	sld [smem:$0x0];
	_ =	sdelay $0x2  }
0xbb: {  	s31 =	sshll.u32 s1, $0xD;
	s1 =	sshrl.u32 s1, $0x2  }
0xbc: {  	s3 =	sand.u32 $0x4000, s31;
	s1 =	sadd.s32 s1, s30  }
0xbd: {  	s0 =	sor.u32 s3, s0;
	s1 =	sshll.u32 s1, $0x11  }
0xbe: {  	s0 =	sor.u32 s1, s0  }
0xbf: {  	s0 =	sadd.s32 $0x8F2B, s0  }
0xc0: {  	[sflag:s0] =	ssyncadd.remote.s32 $0x1  }
0xc1: {  	_ =	sfence.sel $0xFFFF  }
0xc2: {  	[dreg:$0x0] =	wrdreg $0xFFFFFFFF;
	(pc) =	sbr.abs _section_cstart, $3  }
0xc3: {  	[dreg:$0x1] =	wrdreg $0xFFFFFFFF  }
0xc4: {  	_ =	task.clear_ibuf [dreg:s8], $0x2FFFF;
	_ =	strace $0x9FFFFFFF  }
0xc5: {  	(tm) =	ssettm $0x7FFFFFFF  }
tec
execute0_lowered:
.L_overlay_start_1:
0x0: {  	(tag) =	ssettag $0x1  }
0x1: {  	s0 =	rddreg [dreg:$0x0]  }
0x2: {  	s1 =	rddreg [dreg:$0x1]  }
0x3: {  	s2 =	rddreg [dreg:$0x2]  }
0x4: {  	s3 =	rddreg [dreg:$0x3]  }
0x5: {  	s5 =	srdreg.scid;
	s12 =	stileid.u32  }
0x6: {  	s4 =	simm.s32 $0x0;
	s7 =	sand.u32 $0x1, s5;
	s23 =	sshll.u32 s12, $0x1  }
0x7: {  	[smem:$0x7FF] =	sst s4;
	s5 =	sadd.s32 $0x188600, s2;
	s8 =	sor.u32 s7, s23  }
0x8: {  	_ =	strace $0x80000047;
	s7 =	ssub.s32 $0x2, s7;
	s10 =	smul.u32 $0x3200, s8  }
0x9: {  	s6 =	sshll.u32 s8, $0x9;
	s13 =	sshrl.u32 s7, $0x1;
	s14 =	sshll.u32 s8, $0x2  }
0xa: {  	s8 =	smul.u32 $0x19000, s8;
	s9 =	sadd.s32 s6, s2;
	s7 =	ssub.s32 s7, s13  }
0xb: {  	s0 =	sadd.s32 s0, s14;
	s11 =	sadd.s32 s10, s2;
	s2 =	sadd.s32 $0x69C00, s2  }
0xc: {  	[dreg:$0x5] =	wrdreg s0;
	s24 =	sadd.s32 $0x65C00, s9;
	s8 =	sshrl.u32 s8, $0x3  }
0xd: {  	[dreg:$0x6] =	wrdreg s24;
	s26 =	sadd.s32 s2, s8;
	s2 =	sadd.s32 s2, s10  }
0xe: {  	s28 =	simm.s32 $0xB;
	s8 =	smax.u32 s7, $0x1;
	[dreg:$0x7] =	wrdreg s2  }
0xf: {  	s31 =	simm.s32 $0x2;
	s10 =	sadd.s32 $0x1C00, s11;
	[dreg:$0x9] =	wrdreg s8  }
0x10: {  	s29 =	simm.s32 $0x50;
	s14 =	sadd.s32 $0x2100, s11;
	[dreg:$0xa] =	wrdreg s10  }
0x11: {  	s30 =	simm.s32 $0x8600;
	s15 =	sadd.s32 $0x2600, s11;
	[dreg:$0xb] =	wrdreg s14  }
0x12: {  	s6 =	smul.u32 $0x190, s12;
	s16 =	sadd.s32 $0x2B00, s11;
	[dreg:$0xc] =	wrdreg s15  }
0x13: {  	s12 =	smul.u32 $0x32000, s12;
	s17 =	sadd.s32 $0x3000, s11;
	[dreg:$0xd] =	wrdreg s16  }
0x14: {  	s13 =	sor.u32 $0x8, s6;
	s18 =	sadd.s32 $0x3500, s11;
	[dreg:$0xe] =	wrdreg s17  }
0x15: {  	s25 =	sshrl.u32 s12, $0x2;
	s19 =	sadd.s32 $0x3A00, s11;
	[dreg:$0xf] =	wrdreg s18  }
0x16: {  	s12 =	sadd.s32 $0x10, s6;
	s20 =	sadd.s32 $0x3F00, s11;
	[dreg:$0x10] =	wrdreg s19  }
0x17: {  	s21 =	sadd.s32 $0x4400, s11;
	s22 =	sadd.s32 $0x4900, s11;
	[dreg:$0x11] =	wrdreg s20  }
0x18: {  	s7 =	simm.s32 $0x3;
	s11 =	simm.s32 $0x4;
	[dreg:$0x12] =	wrdreg s21  }
0x19: {  	vm0 =	vcmask $0x2700;
	v2 =	vimm.s32 $0x1;
	s9 =	sadd.s32 s25, s3;
	s0 =	sadd.s32 $0x1900, s26;
	[dreg:$0x13] =	wrdreg s22  }
0x1a: {  	vm13 =	vcmask $0xF00;
	v3 =	vimm.s32 $0x3;
	v4 =	vimm.s32 $0x5050404;
	s2 =	simm.s32 $0x1;
	s8 =	simm.s32 $0xAE00;
	s10 =	simm.s32 $0xC  }
0x1b: {  	vm1 =	vcmask $0x3710;
	v0 =	vmov s13;
	v1 =	vmov s12;
	s12 =	simm.s32 $0x1480;
	s13 =	simm.s32 $0x1500;
	s14 =	simm.s32 $0x3E80  }
.Ltmp0:
0x1c: {  	vm14 =	vcmask $0x2F10;
	v8 =	vimm.s32 $0x7;
	vm15 =	vcmask $0x1700;
	[dreg:$0x8] =	wrdreg s0;
	s23 =	sadd.s32 $0x2800, s9;
	(pc) =	sbr.rel .LBB2_1-.Ltmp0, $4  }
0x1d: {  	v9 =	vimm.f32 $0.0e+00;
	v2 =	vsel vm0, $0x0, v2;
	v6 =	vunpack.c.0.s8.s32 v4;
	s15 =	simm.s32 $0x1580;
	s24 =	sadd.s32 $0x5000, s9;
	[dreg:$0x14] =	wrdreg s23  }
0x1e: {  	v5 =	vsel vm13, $0x1, v3;
	v4 =	vlaneseq.u32;
	v8 =	vsel vm15, $0x6, v8;
	s16 =	simm.s32 $0xD600;
	s25 =	sadd.s32 $0x7800, s9;
	[dreg:$0x15] =	wrdreg s24  }
0x1f: {  	v5 =	vsel vm1, $0x2, v5;
	v7 =	vshrl.u32 v4, $0x3;
	v6 =	vnsel vm13, $0x6, v6;
	s17 =	simm.s32 $0xFE00;
	s26 =	sadd.s32 $0xA000, s9;
	[dreg:$0x16] =	wrdreg s25  }
0x20: {  	v7 =	vadd.s32 $0x3, v7;
	v6 =	vsel vm14, $0x5, v6;
	v3 =	vmov s6;
	s19 =	simm.s32 $0x0;
	s0 =	simm.s32 $0x1680;
	[dreg:$0x17] =	wrdreg s26  }
.LBB2_77:
0x21: {  	s18 =	simm.s32 $0x8  }
0x22: {  	_ =	swait.ge [sflag:s18], $0x2800  }
0x23: {  	[sflag:s18] =	ssyncset.done $0x0  }
0x24: {  	s25 =	rddreg [dreg:$0x8];
	[sflag:s18] =	ssyncadd.s32 $0xFFFFD800  }
0x25: {  	[hbm:s25], [sflag:s20] =	dma.local [spmem:s21], $0x1900  }
0x26: {  	_ =	swait.ge [sflag:s28], $0x1900  }
0x27: {  	s19 =	sadd.s32 $0x1, s19;
	s26 =	rddreg [dreg:$0x9]  }
0x28: {  	p0 =	sne.s32 s19, s26  }
.Ltmp1:
0x29: {  	_ = 	snop;
	(pc) =	sbr.rel @!p0 .LBB2_78-.Ltmp1, $3  }
0x2a: {  	_ =	sdelay $0x1  }
0x2b: {  	[sflag:s28] =	ssyncset.done $0x0  }
0x2c: {  	[sflag:s28] =	ssyncadd.s32 $0xFFFFE700  }
.LBB2_1:
0x2d: {  	s18 =	rddreg [dreg:$0x5]  }
0x2e: {  	[tilespmem:s4], [sflag:$0xB] =	stream.linear.gather [hbm4b:s18+s4], $0x20, $0x38;
	[tilespmem:$0x1F080] =	vst v63  }
0x2f: {  	_ =	swait.ge [sflag:s28], $0x20  }
0x30: {  	[sflag:s28] =	ssyncset.done $0x0  }
0x31: {  	s20 =	simm.s32 $0x20;
	s21 =	simm.s32 $0x400;
	[sflag:s28] =	ssyncadd.s32 $0xFFFFFFE0  }
0x32: {  	[tilespmem:s21], [sflag:$0x2] =	stream.indirect.gather [hbm4b:s1+s20], $0x80, s4, s20, $0xb8;
	[tilespmem:$0x1F080] =	vst v63  }
0x33: {  	_ =	swait.ge [sflag:s31], $0x1000  }
0x34: {  	[sflag:s31] =	ssyncset.done $0x0  }
0x35: {  	s22 =	rddreg [dreg:$0x6];
	[sflag:s31] =	ssyncadd.s32 $0xFFFFF000  }
0x36: {  	[hbm4b:s22+s4] =	stream.linear.scatter [tilespmem:s21], [sflag:$0xB], $0x1000, $0x38;
	[tilespmem:$0x1F080] =	vst v63  }
0x37: {  	_ =	swait.ge [sflag:s28], $0x1000  }
0x38: {  	[sflag:s28] =	ssyncset.done $0x0  }
0x39: {  	[sflag:s28] =	ssyncadd.s32 $0xFFFFF000  }
0x3a: {  	v10 =	vld [tilespmem:$0x0]  }
0x3b: {  	v11 =	vld [tilespmem:$0x10];
	_ =	sdelay $0x2  }
0x3c: {  	v12 =	vor.u32 s4, v4  }
0x3d: {  	v13 =	vmul.u32 $0x147B, v12;
	v10 =	vshra.s32 v10, $0x2  }
0x3e: {  	[tilespmem:$0x1400] =	vst v10;
	v10 =	vshra.s32 v11, $0x2  }
0x3f: {  	s23 =	simm.s32 $0x1400;
	[tilespmem:$0x1410] =	vst v10;
	v10 =	vshrl.u32 v13, $0x11  }
0x40: {  	[tilespmem:s0], [sflag:$0x1] =	stream.indirect.gather [hbm4b:s5+s20], $0x80, s23, s20, $0xb8;
	[tilespmem:$0x1F080] =	vst v63  }
0x41: {  	_ =	swait.ge [sflag:s2], $0x1000  }
0x42: {  	[sflag:s2] =	ssyncset.done $0x0  }
0x43: {  	[sflag:s2] =	ssyncadd.s32 $0xFFFFF000  }
0x44: {  	v11 =	vld.idx.msk [tilespmem:v10+s4+$0x0], $0xffff;
	_ =	sdelay $0x3  }
0x45: {  	v13 =	vmul.u32 $0xFFFFFFE7, v10  }
0x46: {  	v11 =	vshll.u32 v11, $0x5  }
0x47: {  	v12 =	vadd.s32 v12, v13;
	v11 =	vand.u32 $0x60, v11  }
0x48: {  	v11 =	vadd.s32 v11, v12  }
0x49: {  	v10 =	vshll.u32 v10, $0x7;
	v12 =	vand.u32 $0xFFFFFF80, v11  }
0x4a: {  	v11 =	vand.u32 $0x7F, v11;
	v10 =	vadd.s32 v10, v12  }
0x4b: {  	v10 =	vor.u32 v11, v10;
	_ =	sdelay $0x1  }
0x4c: {  	s24 =	simm.s32 $0x10  }
0x4d: {  	v11 =	vor.u32 s24, v4  }
0x4e: {  	v62 =	vmul.u32 $0x147B, v11  }
0x4f: {  	v10 =	vld.idx.msk [tilespmem:v10+s0+$0x0], $0xffff  }
0x50: {  	v12 =	vshrl.u32 v62, $0x11;
	_ =	sdelay $0x2  }
0x51: {  	s25 =	simm.s32 $0x80  }
0x52: {  	[tilespmem:s25+$0x0] =	vst v10  }
0x53: {  	v10 =	vld.idx.msk [tilespmem:v12+s4+$0x0], $0xffff;
	_ =	sdelay $0x3  }
0x54: {  	v63 =	vmul.u32 $0xFFFFFFE7, v12  }
0x55: {  	v10 =	vshll.u32 v10, $0x5  }
0x56: {  	v11 =	vadd.s32 v11, v63;
	v10 =	vand.u32 $0x60, v10  }
0x57: {  	v10 =	vadd.s32 v10, v11  }
0x58: {  	v12 =	vshll.u32 v12, $0x7;
	v11 =	vand.u32 $0xFFFFFF80, v10  }
0x59: {  	v10 =	vand.u32 $0x7F, v10;
	v11 =	vadd.s32 v12, v11  }
0x5a: {  	v11 =	vor.u32 v10, v11;
	_ =	sdelay $0x2  }
0x5b: {  	s26 =	simm.s32 $0x20  }
0x5c: {  	s21 =	simm.s32 $0x30;
	s20 =	simm.s32 $0x80;
	v10 =	vor.u32 s26, v4  }
.LBB2_2:
0x5d: {  	p0 =	sne.s32 s21, $0x310;
	v12 =	vmul.u32 $0x147B, v10;
	v11 =	vld.idx.msk [tilespmem:v11+s0+$0x0], $0xffff;
	_ =	sdelay $0x1  }
0x5e: {  	v12 =	vshrl.u32 v12, $0x11;
	_ =	sdelay $0x2  }
0x5f: {  	s20 =	sadd.s32 $0x10, s20  }
0x60: {  	[tilespmem:s20+$0x0] =	vst v11  }
0x61: {  	v11 =	vld.idx.msk [tilespmem:v12+s4+$0x0], $0xffff;
	_ =	sdelay $0x4  }
0x62: {  	v13 =	vmul.u32 $0xFFFFFFE7, v12  }
0x63: {  	v11 =	vshll.u32 v11, $0x5  }
0x64: {  	v10 =	vadd.s32 v10, v13;
	v11 =	vand.u32 $0x60, v11  }
0x65: {  	v10 =	vadd.s32 v11, v10  }
0x66: {  	v12 =	vshll.u32 v12, $0x7;
	v11 =	vand.u32 $0xFFFFFF80, v10  }
0x67: {  	v10 =	vand.u32 $0x7F, v10;
	v11 =	vadd.s32 v12, v11  }
.Ltmp2:
0x68: {  	v11 =	vor.u32 v10, v11;
	(pc) =	sbr.rel @p0 .LBB2_2-.Ltmp2, $2  }
0x69: {  	_ =	sdelay $0x2  }
0x6a: {  	v10 =	vor.u32 s21, v4;
	s21 =	sadd.s32 $0x10, s21  }
0x6b: {  	_ =	sdelay $0x2  }
0x6c: {  	v12 =	vmul.u32 $0x147B, v10  }
0x6d: {  	v11 =	vld.idx.msk [tilespmem:v11+s0+$0x0], $0xffff  }
0x6e: {  	v12 =	vshrl.u32 v12, $0x11;
	_ =	sdelay $0x2  }
0x6f: {  	s20 =	sadd.s32 $0x10, s20  }
0x70: {  	[tilespmem:s20+$0x0] =	vst v11  }
0x71: {  	v11 =	vld.idx.msk [tilespmem:v12+s4+$0x0], $0xffff;
	_ =	sdelay $0x3  }
0x72: {  	v13 =	vmul.u32 $0xFFFFFFE7, v12  }
0x73: {  	v11 =	vshll.u32 v11, $0x5  }
0x74: {  	v10 =	vadd.s32 v10, v13;
	v11 =	vand.u32 $0x60, v11  }
0x75: {  	v10 =	vadd.s32 v11, v10  }
0x76: {  	v12 =	vshll.u32 v12, $0x7;
	v11 =	vand.u32 $0xFFFFFF80, v10  }
0x77: {  	v10 =	vand.u32 $0x7F, v10;
	v11 =	vadd.s32 v12, v11  }
0x78: {  	v10 =	vor.u32 v10, v11;
	_ =	sdelay $0x4  }
0x79: {  	v10 =	vld.idx.msk [tilespmem:v10+s0+$0x0], $0xffff;
	_ =	sdelay $0x3  }
0x7a: {  	s20 =	sadd.s32 $0x10, s20  }
0x7b: {  	s18 =	simm.s32 $0x80;
	[tilespmem:s20+$0x0] =	vst v10  }
0x7c: {  	[tilespmem:s30], [sflag:$0x3] =	stream.indirect.gather [hbm4b:s1+s29], $0x80, s18, s29, $0xb8;
	[tilespmem:$0x1F080] =	vst v63  }
0x7d: {  	_ =	swait.ge [sflag:s7], $0x2800  }
0x7e: {  	[sflag:s7] =	ssyncset.done $0x0  }
0x7f: {  	s25 =	simm.s32 $0xD0;
	[sflag:s7] =	ssyncadd.s32 $0xFFFFD800  }
0x80: {  	[tilespmem:s8], [sflag:$0x4] =	stream.indirect.gather [hbm4b:s1+s29], $0x80, s25, s29, $0xb8;
	[tilespmem:$0x1F080] =	vst v63  }
0x81: {  	s20 =	simm.s32 $0x0;
	s26 =	rddreg [dreg:$0xa]  }
0x82: {  	[hbm4b:s26+s20] =	stream.linear.scatter [tilespmem:s30], [sflag:$0xC], $0x2800, $0x38;
	[tilespmem:$0x1F080] =	vst v63  }
0x83: {  	_ =	swait.ge [sflag:s10], $0x2800  }
0x84: {  	[sflag:s10] =	ssyncset.done $0x0  }
0x85: {  	[sflag:s10] =	ssyncadd.s32 $0xFFFFD800  }
0x86: {  	_ =	swait.ge [sflag:s11], $0x2800  }
0x87: {  	[sflag:s11] =	ssyncset.done $0x0  }
0x88: {  	s21 =	simm.s32 $0x120;
	[sflag:s11] =	ssyncadd.s32 $0xFFFFD800  }
0x89: {  	[tilespmem:s30], [sflag:$0x3] =	stream.indirect.gather [hbm4b:s1+s29], $0x80, s21, s29, $0xb8;
	[tilespmem:$0x1F080] =	vst v63  }
0x8a: {  	s22 =	rddreg [dreg:$0xb]  }
0x8b: {  	[hbm4b:s22+s20] =	stream.linear.scatter [tilespmem:s8], [sflag:$0xB], $0x2800, $0x38;
	[tilespmem:$0x1F080] =	vst v63  }
0x8c: {  	_ =	swait.ge [sflag:s28], $0x2800  }
0x8d: {  	[sflag:s28] =	ssyncset.done $0x0  }
0x8e: {  	[sflag:s28] =	ssyncadd.s32 $0xFFFFD800  }
0x8f: {  	_ =	swait.ge [sflag:s7], $0x2800  }
0x90: {  	[sflag:s7] =	ssyncset.done $0x0  }
0x91: {  	s23 =	simm.s32 $0x170;
	[sflag:s7] =	ssyncadd.s32 $0xFFFFD800  }
0x92: {  	[tilespmem:s8], [sflag:$0x4] =	stream.indirect.gather [hbm4b:s1+s29], $0x80, s23, s29, $0xb8;
	[tilespmem:$0x1F080] =	vst v63  }
0x93: {  	s24 =	rddreg [dreg:$0xc]  }
0x94: {  	[hbm4b:s24+s20] =	stream.linear.scatter [tilespmem:s30], [sflag:$0xC], $0x2800, $0x38;
	[tilespmem:$0x1F080] =	vst v63  }
0x95: {  	_ =	swait.ge [sflag:s10], $0x2800  }
0x96: {  	[sflag:s10] =	ssyncset.done $0x0  }
0x97: {  	[sflag:s10] =	ssyncadd.s32 $0xFFFFD800  }
0x98: {  	_ =	swait.ge [sflag:s11], $0x2800  }
0x99: {  	[sflag:s11] =	ssyncset.done $0x0  }
0x9a: {  	s25 =	simm.s32 $0x1C0;
	[sflag:s11] =	ssyncadd.s32 $0xFFFFD800  }
0x9b: {  	[tilespmem:s30], [sflag:$0x3] =	stream.indirect.gather [hbm4b:s1+s29], $0x80, s25, s29, $0xb8;
	[tilespmem:$0x1F080] =	vst v63  }
0x9c: {  	s26 =	rddreg [dreg:$0xd]  }
0x9d: {  	[hbm4b:s26+s20] =	stream.linear.scatter [tilespmem:s8], [sflag:$0xB], $0x2800, $0x38;
	[tilespmem:$0x1F080] =	vst v63  }
0x9e: {  	_ =	swait.ge [sflag:s28], $0x2800  }
0x9f: {  	[sflag:s28] =	ssyncset.done $0x0  }
0xa0: {  	[sflag:s28] =	ssyncadd.s32 $0xFFFFD800  }
0xa1: {  	_ =	swait.ge [sflag:s7], $0x2800  }
0xa2: {  	[sflag:s7] =	ssyncset.done $0x0  }
0xa3: {  	s21 =	simm.s32 $0x210;
	[sflag:s7] =	ssyncadd.s32 $0xFFFFD800  }
0xa4: {  	[tilespmem:s8], [sflag:$0x4] =	stream.indirect.gather [hbm4b:s1+s29], $0x80, s21, s29, $0xb8;
	[tilespmem:$0x1F080] =	vst v63  }
0xa5: {  	s22 =	rddreg [dreg:$0xe]  }
0xa6: {  	[hbm4b:s22+s20] =	stream.linear.scatter [tilespmem:s30], [sflag:$0xC], $0x2800, $0x38;
	[tilespmem:$0x1F080] =	vst v63  }
0xa7: {  	_ =	swait.ge [sflag:s10], $0x2800  }
0xa8: {  	[sflag:s10] =	ssyncset.done $0x0  }
0xa9: {  	[sflag:s10] =	ssyncadd.s32 $0xFFFFD800  }
0xaa: {  	_ =	swait.ge [sflag:s11], $0x2800  }
0xab: {  	[sflag:s11] =	ssyncset.done $0x0  }
0xac: {  	s23 =	simm.s32 $0x260;
	[sflag:s11] =	ssyncadd.s32 $0xFFFFD800  }
0xad: {  	[tilespmem:s30], [sflag:$0x3] =	stream.indirect.gather [hbm4b:s1+s29], $0x80, s23, s29, $0xb8;
	[tilespmem:$0x1F080] =	vst v63  }
0xae: {  	s24 =	rddreg [dreg:$0xf]  }
0xaf: {  	[hbm4b:s24+s20] =	stream.linear.scatter [tilespmem:s8], [sflag:$0xB], $0x2800, $0x38;
	[tilespmem:$0x1F080] =	vst v63  }
0xb0: {  	_ =	swait.ge [sflag:s28], $0x2800  }
0xb1: {  	[sflag:s28] =	ssyncset.done $0x0  }
0xb2: {  	[sflag:s28] =	ssyncadd.s32 $0xFFFFD800  }
0xb3: {  	_ =	swait.ge [sflag:s7], $0x2800  }
0xb4: {  	[sflag:s7] =	ssyncset.done $0x0  }
0xb5: {  	s25 =	simm.s32 $0x2B0;
	[sflag:s7] =	ssyncadd.s32 $0xFFFFD800  }
0xb6: {  	[tilespmem:s8], [sflag:$0x4] =	stream.indirect.gather [hbm4b:s1+s29], $0x80, s25, s29, $0xb8;
	[tilespmem:$0x1F080] =	vst v63  }
0xb7: {  	s26 =	rddreg [dreg:$0x10]  }
0xb8: {  	[hbm4b:s26+s20] =	stream.linear.scatter [tilespmem:s30], [sflag:$0xC], $0x2800, $0x38;
	[tilespmem:$0x1F080] =	vst v63  }
0xb9: {  	_ =	swait.ge [sflag:s10], $0x2800  }
0xba: {  	[sflag:s10] =	ssyncset.done $0x0  }
0xbb: {  	[sflag:s10] =	ssyncadd.s32 $0xFFFFD800  }
0xbc: {  	_ =	swait.ge [sflag:s11], $0x2800  }
0xbd: {  	[sflag:s11] =	ssyncset.done $0x0  }
0xbe: {  	s21 =	simm.s32 $0x300;
	[sflag:s11] =	ssyncadd.s32 $0xFFFFD800  }
0xbf: {  	[tilespmem:s30], [sflag:$0x3] =	stream.indirect.gather [hbm4b:s1+s29], $0x80, s21, s29, $0xb8;
	[tilespmem:$0x1F080] =	vst v63  }
0xc0: {  	s22 =	rddreg [dreg:$0x11]  }
0xc1: {  	[hbm4b:s22+s20] =	stream.linear.scatter [tilespmem:s8], [sflag:$0xB], $0x2800, $0x38;
	[tilespmem:$0x1F080] =	vst v63  }
0xc2: {  	_ =	swait.ge [sflag:s28], $0x2800  }
0xc3: {  	[sflag:s28] =	ssyncset.done $0x0  }
0xc4: {  	[sflag:s28] =	ssyncadd.s32 $0xFFFFD800  }
0xc5: {  	_ =	swait.ge [sflag:s7], $0x2800  }
0xc6: {  	[sflag:s7] =	ssyncset.done $0x0  }
0xc7: {  	s23 =	simm.s32 $0x350;
	[sflag:s7] =	ssyncadd.s32 $0xFFFFD800  }
0xc8: {  	[tilespmem:s8], [sflag:$0x4] =	stream.indirect.gather [hbm4b:s1+s29], $0x80, s23, s29, $0xb8;
	[tilespmem:$0x1F080] =	vst v63  }
0xc9: {  	s24 =	rddreg [dreg:$0x12]  }
0xca: {  	[hbm4b:s24+s20] =	stream.linear.scatter [tilespmem:s30], [sflag:$0xC], $0x2800, $0x38;
	[tilespmem:$0x1F080] =	vst v63  }
0xcb: {  	_ =	swait.ge [sflag:s10], $0x2800  }
0xcc: {  	[sflag:s10] =	ssyncset.done $0x0  }
0xcd: {  	[sflag:s10] =	ssyncadd.s32 $0xFFFFD800  }
0xce: {  	_ =	swait.ge [sflag:s11], $0x2800  }
0xcf: {  	[sflag:s11] =	ssyncset.done $0x0  }
0xd0: {  	s25 =	rddreg [dreg:$0x13];
	[sflag:s11] =	ssyncadd.s32 $0xFFFFD800  }
0xd1: {  	[hbm4b:s25+s20] =	stream.linear.scatter [tilespmem:s8], [sflag:$0xB], $0x2800, $0x38;
	[tilespmem:$0x1F080] =	vst v63  }
0xd2: {  	_ =	swait.ge [sflag:s28], $0x2800  }
0xd3: {  	[sflag:s28] =	ssyncset.done $0x0  }
0xd4: {  	[sflag:s28] =	ssyncadd.s32 $0xFFFFD800  }
0xd5: {  	v10 =	vld [tilespmem:$0x80];
	_ =	sdelay $0x1  }
0xd6: {  	v11 =	vld [tilespmem:$0x90];
	_ =	sdelay $0x1  }
0xd7: {  	v54 =	vld [tilespmem:$0xA0]  }
0xd8: {  	v55 =	vshra.s32 v10, $0x2;
	v10 =	vshll.u32 v10, $0x5  }
0xd9: {  	v56 =	vld [tilespmem:$0xB0];
	[tilespmem:$0x1480] =	vst v55;
	v10 =	vand.u32 $0x60, v10  }
0xda: {  	[tilespmem:$0x1580] =	vst v10;
	v10 =	vshra.s32 v11, $0x2;
	v11 =	vshll.u32 v11, $0x5  }
0xdb: {  	[tilespmem:$0x1490] =	vst v10;
	v10 =	vand.u32 $0x60, v11;
	v11 =	vld [tilespmem:$0xC0]  }
0xdc: {  	v12 =	vshll.u32 v54, $0x5;
	[tilespmem:$0x1590] =	vst v10;
	v10 =	vshra.s32 v54, $0x2  }
0xdd: {  	[tilespmem:$0x14A0] =	vst v10;
	v10 =	vand.u32 $0x60, v12  }
0xde: {  	v57 =	vshll.u32 v56, $0x5;
	[tilespmem:$0x15A0] =	vst v10;
	v10 =	vshra.s32 v56, $0x2  }
0xdf: {  	[tilespmem:$0x14B0] =	vst v10;
	v10 =	vand.u32 $0x60, v57  }
0xe0: {  	[tilespmem:$0x15B0] =	vst v10;
	v10 =	vshra.s32 v11, $0x2;
	v11 =	vshll.u32 v11, $0x5  }
0xe1: {  	[tilespmem:$0x14C0] =	vst v10;
	v10 =	vand.u32 $0x60, v11  }
0xe2: {  	[tilespmem:$0x15C0] =	vst v10  }
0xe3: {  	[tilespmem:s0], [sflag:$0x1] =	stream.indirect.gather [hbm4b:s5+s29], $0x80, s12, s29, $0xb8;
	[tilespmem:$0x1F080] =	vst v63  }
0xe4: {  	[tilespmem:$0x12800] =	vst v2  }
0xe5: {  	[tilespmem:$0x12810] =	vst v5  }
0xe6: {  	[tilespmem:$0x12820] =	vst v7  }
0xe7: {  	[tilespmem:$0x12830] =	vst v6  }
0xe8: {  	[tilespmem:$0x12840] =	vst v8  }
0xe9: {  	_ =	swait.ge [sflag:s2], $0x2800  }
0xea: {  	[sflag:s2] =	ssyncset.done $0x0  }
0xeb: {  	[sflag:s2] =	ssyncadd.s32 $0xFFFFD800  }
0xec: {  	v10 =	vld [tilespmem:$0xD0];
	_ =	sdelay $0x1  }
0xed: {  	v11 =	vld [tilespmem:$0xE0];
	_ =	sdelay $0x1  }
0xee: {  	v58 =	vld [tilespmem:$0xF0]  }
0xef: {  	v59 =	vshra.s32 v10, $0x2;
	v10 =	vshll.u32 v10, $0x5  }
0xf0: {  	v60 =	vld [tilespmem:$0x100];
	[tilespmem:$0x1500] =	vst v59;
	v10 =	vand.u32 $0x60, v10  }
0xf1: {  	[tilespmem:$0x1600] =	vst v10;
	v10 =	vshra.s32 v11, $0x2;
	v11 =	vshll.u32 v11, $0x5  }
0xf2: {  	[tilespmem:$0x1510] =	vst v10;
	v10 =	vand.u32 $0x60, v11;
	v11 =	vld [tilespmem:$0x110]  }
0xf3: {  	v14 =	vor.u32 s20, v4;
	v12 =	vshll.u32 v58, $0x5;
	[tilespmem:$0x1610] =	vst v10;
	v10 =	vshra.s32 v58, $0x2  }
0xf4: {  	v61 =	vmul.u32 $0x199A, v14;
	[tilespmem:$0x1520] =	vst v10;
	v10 =	vand.u32 $0x60, v12  }
0xf5: {  	v13 =	vshll.u32 v60, $0x5;
	[tilespmem:$0x1620] =	vst v10;
	v10 =	vshra.s32 v60, $0x2  }
0xf6: {  	v12 =	vshrl.u32 v61, $0x10;
	[tilespmem:$0x1530] =	vst v10;
	v10 =	vand.u32 $0x60, v13  }
0xf7: {  	[tilespmem:$0x1630] =	vst v10;
	v10 =	vshra.s32 v11, $0x2;
	v11 =	vshll.u32 v11, $0x5  }
0xf8: {  	[tilespmem:$0x1540] =	vst v10;
	v10 =	vand.u32 $0x60, v11  }
0xf9: {  	[tilespmem:$0x1640] =	vst v10  }
0xfa: {  	[tilespmem:s14], [sflag:$0x2] =	stream.indirect.gather [hbm4b:s5+s29], $0x80, s13, s29, $0xb8;
	[tilespmem:$0x1F080] =	vst v63  }
0xfb: {  	v10 =	vld.idx.msk [tilespmem:v12+s15+$0x0], $0xffff;
	_ =	sdelay $0x1  }
0xfc: {  	v11 =	vmul.u32 $0xFFFFFFF6, v12;
	_ =	sdelay $0x1  }
0xfd: {  	v11 =	vadd.s32 v14, v11  }
0xfe: {  	v10 =	vadd.s32 v10, v11  }
0xff: {  	v12 =	vshll.u32 v12, $0x7;
	v11 =	vand.u32 $0xFFFFFF80, v10  }
0x100: {  	v10 =	vand.u32 $0x7F, v10;
	v11 =	vadd.s32 v12, v11  }
0x101: {  	v10 =	vor.u32 v10, v11;
	_ =	sdelay $0x1  }
0x102: {  	s26 =	simm.s32 $0x10  }
0x103: {  	v11 =	vor.u32 s26, v4  }
0x104: {  	v62 =	vmul.u32 $0x199A, v11  }
0x105: {  	v10 =	vld.idx.msk [tilespmem:v10+s0+$0x0], $0xffff  }
0x106: {  	v12 =	vshrl.u32 v62, $0x10;
	_ =	sdelay $0x2  }
0x107: {  	s20 =	simm.s32 $0x6680  }
0x108: {  	[tilespmem:s20+$0x0] =	vst v10  }
0x109: {  	v10 =	vld.idx.msk [tilespmem:v12+s15+$0x0], $0xffff;
	_ =	sdelay $0x1  }
0x10a: {  	v63 =	vmul.u32 $0xFFFFFFF6, v12;
	_ =	sdelay $0x1  }
0x10b: {  	v11 =	vadd.s32 v11, v63  }
0x10c: {  	v10 =	vadd.s32 v10, v11  }
0x10d: {  	v12 =	vshll.u32 v12, $0x7;
	v11 =	vand.u32 $0xFFFFFF80, v10  }
0x10e: {  	v10 =	vand.u32 $0x7F, v10;
	v11 =	vadd.s32 v12, v11  }
0x10f: {  	v11 =	vor.u32 v10, v11;
	_ =	sdelay $0x2  }
0x110: {  	s21 =	simm.s32 $0x20  }
0x111: {  	v10 =	vor.u32 s21, v4;
	s21 =	simm.s32 $0x30  }
.LBB2_4:
0x112: {  	p0 =	sne.s32 s21, $0x310;
	v12 =	vmul.u32 $0x199A, v10;
	v11 =	vld.idx.msk [tilespmem:v11+s0+$0x0], $0xffff;
	_ =	sdelay $0x1  }
0x113: {  	v12 =	vshrl.u32 v12, $0x10;
	_ =	sdelay $0x2  }
0x114: {  	s20 =	sadd.s32 $0x10, s20  }
0x115: {  	[tilespmem:s20+$0x0] =	vst v11  }
0x116: {  	v11 =	vld.idx.msk [tilespmem:v12+s15+$0x0], $0xffff;
	_ =	sdelay $0x2  }
0x117: {  	v13 =	vmul.u32 $0xFFFFFFF6, v12;
	_ =	sdelay $0x1  }
0x118: {  	v10 =	vadd.s32 v10, v13  }
0x119: {  	v10 =	vadd.s32 v11, v10  }
0x11a: {  	v12 =	vshll.u32 v12, $0x7;
	v11 =	vand.u32 $0xFFFFFF80, v10  }
0x11b: {  	v10 =	vand.u32 $0x7F, v10;
	v11 =	vadd.s32 v12, v11  }
.Ltmp3:
0x11c: {  	v11 =	vor.u32 v10, v11;
	(pc) =	sbr.rel @p0 .LBB2_4-.Ltmp3, $2  }
0x11d: {  	_ =	sdelay $0x2  }
0x11e: {  	v10 =	vor.u32 s21, v4;
	s21 =	sadd.s32 $0x10, s21  }
0x11f: {  	_ =	sdelay $0x2  }
0x120: {  	v12 =	vmul.u32 $0x199A, v10  }
0x121: {  	v11 =	vld.idx.msk [tilespmem:v11+s0+$0x0], $0xffff  }
0x122: {  	v12 =	vshrl.u32 v12, $0x10;
	_ =	sdelay $0x2  }
0x123: {  	s20 =	sadd.s32 $0x10, s20  }
0x124: {  	[tilespmem:s20+$0x0] =	vst v11  }
0x125: {  	v11 =	vld.idx.msk [tilespmem:v12+s15+$0x0], $0xffff;
	_ =	sdelay $0x1  }
0x126: {  	v13 =	vmul.u32 $0xFFFFFFF6, v12;
	_ =	sdelay $0x1  }
0x127: {  	v10 =	vadd.s32 v10, v13  }
0x128: {  	v10 =	vadd.s32 v11, v10  }
0x129: {  	v12 =	vshll.u32 v12, $0x7;
	v11 =	vand.u32 $0xFFFFFF80, v10  }
0x12a: {  	v10 =	vand.u32 $0x7F, v10;
	v11 =	vadd.s32 v12, v11  }
0x12b: {  	v10 =	vor.u32 v10, v11;
	_ =	sdelay $0x4  }
0x12c: {  	v10 =	vld.idx.msk [tilespmem:v10+s0+$0x0], $0xffff;
	_ =	sdelay $0x3  }
0x12d: {  	s20 =	sadd.s32 $0x10, s20  }
0x12e: {  	s21 =	simm.s32 $0x200;
	[tilespmem:s20+$0x0] =	vst v10;
	s20 =	simm.s32 $0x0  }
.LBB2_6:
0x12f: {  	p0 =	sne.s32 s21, $0x9E00;
	[tilespmem:s20+$0x8670] =	vst v9  }
0x130: {  	[tilespmem:s20+$0x8600] =	vst v9  }
0x131: {  	[tilespmem:s20+$0x8610] =	vst v9  }
.Ltmp4:
0x132: {  	[tilespmem:s20+$0x8620] =	vst v9;
	(pc) =	sbr.rel @p0 .LBB2_6-.Ltmp4, $4  }
0x133: {  	[tilespmem:s20+$0x8630] =	vst v9  }
0x134: {  	[tilespmem:s20+$0x8640] =	vst v9  }
0x135: {  	[tilespmem:s20+$0x8650] =	vst v9  }
0x136: {  	[tilespmem:s20+$0x8660] =	vst v9;
	s20 =	sshra.s32 s21, $0x2;
	s21 =	sadd.s32 $0x200, s21  }
0x137: {  	[tilespmem:s20+$0x8670] =	vst v9  }
0x138: {  	[tilespmem:s20+$0x8600] =	vst v9  }
0x139: {  	[tilespmem:s20+$0x8610] =	vst v9  }
0x13a: {  	[tilespmem:s20+$0x8620] =	vst v9  }
0x13b: {  	[tilespmem:s20+$0x8630] =	vst v9  }
0x13c: {  	[tilespmem:s20+$0x8640] =	vst v9  }
0x13d: {  	[tilespmem:s20+$0x8650] =	vst v9  }
0x13e: {  	[tilespmem:s20+$0x8660] =	vst v9  }
0x13f: {  	[spmem:s9] =	stream.linear.scatter [tilespmem:s30], [sflag:$0xB], $0x2800, $0x38;
	[tilespmem:$0x1F080] =	vst v63  }
0x140: {  	_ =	swait.ge [sflag:s28], $0x2800  }
0x141: {  	[sflag:s28] =	ssyncset.done $0x0  }
0x142: {  	s18 =	rddreg [dreg:$0x14];
	[sflag:s28] =	ssyncadd.s32 $0xFFFFD800  }
0x143: {  	[spmem:s18] =	stream.linear.scatter [tilespmem:s30], [sflag:$0xB], $0x2800, $0x38;
	[tilespmem:$0x1F080] =	vst v63  }
0x144: {  	_ =	swait.ge [sflag:s28], $0x2800  }
0x145: {  	[sflag:s28] =	ssyncset.done $0x0  }
0x146: {  	s21 =	rddreg [dreg:$0x15];
	[sflag:s28] =	ssyncadd.s32 $0xFFFFD800  }
0x147: {  	[spmem:s21] =	stream.linear.scatter [tilespmem:s30], [sflag:$0xB], $0x2800, $0x38;
	[tilespmem:$0x1F080] =	vst v63  }
0x148: {  	_ =	swait.ge [sflag:s28], $0x2800  }
0x149: {  	[sflag:s28] =	ssyncset.done $0x0  }
0x14a: {  	s22 =	rddreg [dreg:$0x16];
	[sflag:s28] =	ssyncadd.s32 $0xFFFFD800  }
0x14b: {  	[spmem:s22] =	stream.linear.scatter [tilespmem:s30], [sflag:$0xB], $0x2800, $0x38;
	[tilespmem:$0x1F080] =	vst v63  }
0x14c: {  	_ =	swait.ge [sflag:s28], $0x2800  }
0x14d: {  	[sflag:s28] =	ssyncset.done $0x0  }
0x14e: {  	s23 =	rddreg [dreg:$0x17];
	[sflag:s28] =	ssyncadd.s32 $0xFFFFD800  }
0x14f: {  	[spmem:s23] =	stream.linear.scatter [tilespmem:s30], [sflag:$0xB], $0x2800, $0x38;
	[tilespmem:$0x1F080] =	vst v63  }
0x150: {  	_ =	swait.ge [sflag:s28], $0x2800  }
0x151: {  	[sflag:s28] =	ssyncset.done $0x0  }
0x152: {  	[sflag:s28] =	ssyncadd.s32 $0xFFFFD800  }
0x153: {  	v10 =	vld [tilespmem:$0x12800]  }
0x154: {  	v11 =	vld [tilespmem:$0x12810]  }
0x155: {  	v12 =	vld [tilespmem:$0x12820]  }
0x156: {  	v13 =	vld [tilespmem:$0x12830]  }
0x157: {  	v14 =	vld [tilespmem:$0x12840]  }
0x158: {  	v10 =	vadd.s32 v3, v10  }
0x159: {  	[tilespmem:$0x12600] =	vst v10;
	v10 =	vadd.s32 v3, v11  }
0x15a: {  	[tilespmem:$0x12610] =	vst v10;
	v10 =	vadd.s32 v3, v12  }
0x15b: {  	[tilespmem:$0x12620] =	vst v10;
	v10 =	vadd.s32 v3, v13  }
0x15c: {  	[tilespmem:$0x12630] =	vst v10;
	v10 =	vadd.s32 v3, v14  }
0x15d: {  	s24 =	simm.s32 $0x6680;
	[tilespmem:$0x12640] =	vst v10  }
0x15e: {  	[tilespmem:s30], [sflag:$0x3] =	stream.indirect.gather [hbm4b:s1+s29], $0x80, s24, s29, $0xb8;
	[tilespmem:$0x1F080] =	vst v63  }
0x15f: {  	v10 =	vld [tilespmem:$0x12800]  }
0x160: {  	v11 =	vld [tilespmem:$0x12810]  }
0x161: {  	v58 =	vld [tilespmem:$0x12820]  }
0x162: {  	v59 =	vld [tilespmem:$0x12830]  }
0x163: {  	v60 =	vld [tilespmem:$0x12840]  }
0x164: {  	v10 =	vadd.s32 v0, v10  }
0x165: {  	[tilespmem:$0x12680] =	vst v10;
	v10 =	vadd.s32 v0, v11  }
0x166: {  	[tilespmem:$0x12690] =	vst v10;
	v10 =	vadd.s32 v0, v58  }
0x167: {  	[tilespmem:$0x126A0] =	vst v10;
	v10 =	vadd.s32 v0, v59  }
0x168: {  	[tilespmem:$0x126B0] =	vst v10;
	v10 =	vadd.s32 v0, v60  }
0x169: {  	s25 =	simm.s32 $0x66D0;
	[tilespmem:$0x126C0] =	vst v10  }
0x16a: {  	[tilespmem:s8], [sflag:$0x4] =	stream.indirect.gather [hbm4b:s1+s29], $0x80, s25, s29, $0xb8;
	[tilespmem:$0x1F080] =	vst v63  }
0x16b: {  	v10 =	vld [tilespmem:$0x12800]  }
0x16c: {  	v11 =	vld [tilespmem:$0x12810]  }
0x16d: {  	v61 =	vld [tilespmem:$0x12820]  }
0x16e: {  	v62 =	vld [tilespmem:$0x12830]  }
0x16f: {  	v63 =	vld [tilespmem:$0x12840]  }
0x170: {  	v10 =	vadd.s32 v1, v10  }
0x171: {  	[tilespmem:$0x12700] =	vst v10;
	v10 =	vadd.s32 v1, v11  }
.Ltmp5:
0x172: {  	[tilespmem:$0x12710] =	vst v10;
	v10 =	vadd.s32 v1, v61;
	(pc) =	sbr.rel .LBB2_8-.Ltmp5, $4  }
0x173: {  	[tilespmem:$0x12720] =	vst v10;
	v10 =	vadd.s32 v1, v62  }
0x174: {  	[tilespmem:$0x12730] =	vst v10;
	v10 =	vadd.s32 v1, v63  }
0x175: {  	s26 =	simm.s32 $0x6720;
	s20 =	simm.s32 $0x0;
	[tilespmem:$0x12740] =	vst v10  }
0x176: {  	[tilespmem:s16], [sflag:$0x5] =	stream.indirect.gather [hbm4b:s1+s29], $0x80, s26, s29, $0xb8;
	[tilespmem:$0x1F080] =	vst v63  }
.LBB2_32:
0x177: {  	_ =	sdelay $0x2  }
0x178: {  	v12 =	vmul.u32 $0x199A, v10  }
0x179: {  	v11 =	vld.idx.msk [tilespmem:v11+s0+$0x0], $0xffff  }
0x17a: {  	v12 =	vshrl.u32 v12, $0x10;
	_ =	sdelay $0x2  }
0x17b: {  	s21 =	sand.u32 $0x3F0, s21  }
0x17c: {  	[tilespmem:s21+$0x7300] =	vst v11  }
0x17d: {  	v11 =	vld.idx.msk [tilespmem:v12+s15+$0x0], $0xffff;
	_ =	sdelay $0x1  }
0x17e: {  	v13 =	vmul.u32 $0xFFFFFFF6, v12;
	_ =	sdelay $0x1  }
0x17f: {  	v10 =	vadd.s32 v10, v13  }
0x180: {  	v10 =	vadd.s32 v11, v10  }
0x181: {  	v12 =	vshll.u32 v12, $0x7;
	v11 =	vand.u32 $0xFFFFFF80, v10  }
0x182: {  	v10 =	vand.u32 $0x7F, v10;
	v11 =	vadd.s32 v12, v11  }
0x183: {  	v10 =	vor.u32 v10, v11;
	_ =	sdelay $0x4  }
0x184: {  	v10 =	vld.idx.msk [tilespmem:v10+s0+$0x0], $0xffff;
	_ =	sdelay $0x3  }
0x185: {  	s26 =	sand.u32 $0x3F0, s22  }
0x186: {  	[tilespmem:s26+$0x7300] =	vst v10  }
.LBB2_39:
0x187: {  	s20 =	sadd.s32 $0x1, s20  }
0x188: {  	p0 =	sne.s32 s20, $0x32  }
.Ltmp6:
0x189: {  	_ = 	snop;
	(pc) =	sbr.rel @!p0 .LBB2_40-.Ltmp6, $1  }
0x18a: {  	_ =	sdelay $0x3  }
.LBB2_8:
0x18b: {  	s21 =	sand.u32 $0x3, s20  }
0x18c: {  	p0 =	sgt.s32 s21, $0x1  }
.Ltmp7:
0x18d: {  	_ = 	snop;
	(pc) =	sbr.rel @p0 .LBB2_11-.Ltmp7, $1  }
0x18e: {  	_ =	sdelay $0x3  }
0x18f: {  	p0 =	seq.s32 s21, $0x0  }
.Ltmp8:
0x190: {  	_ = 	snop;
	(pc) =	sbr.rel @!p0 .LBB2_10-.Ltmp8, $1  }
0x191: {  	_ =	sdelay $0x3  }
0x192: {  	p3 =	seq.s32 s20, $0x0  }
.Ltmp9:
0x193: {  	_ = 	snop;
	(pc) =	sbr.rel @!p3 .LBB2_15-.Ltmp9, $4  }
.Ltmp10:
0x194: {  	s22 =	simm.s32 $0x3;
	(pc) =	sbr.rel @p3 .LBB2_21-.Ltmp10, $4  }
0x195: {  	_ =	swait.ge [sflag:s22], $0x2800  }
0x196: {  	p0 =	por $0x0, $0x0;
	[sflag:s22] =	ssyncset.done $0x0  }
0x197: {  	p2 =	por $0x0, $0x0;
	p1 =	por $0x0, $0x0;
	[sflag:s22] =	ssyncadd.s32 $0xFFFFD800  }
0x198: {  	_ = 	snop  }
.LBB2_11:
0x199: {  	p0 =	seq.s32 s21, $0x3  }
.Ltmp11:
0x19a: {  	_ = 	snop;
	(pc) =	sbr.rel @!p0 .LBB2_12-.Ltmp11, $1  }
0x19b: {  	_ =	sdelay $0x3  }
.Ltmp12:
0x19c: {  	(pc) =	sbr.rel .LBB2_14-.Ltmp12, $3  }
0x19d: {  	_ =	sdelay $0x1  }
0x19e: {  	p1 =	por $0x1, $0x1  }
0x19f: {  	p0 =	por $0x0, $0x0;
	s22 =	simm.s32 $0x6;
	p2 =	por $0x0, $0x0  }
.LBB2_10:
.Ltmp13:
0x1a0: {  	(pc) =	sbr.rel .LBB2_14-.Ltmp13, $3  }
0x1a1: {  	_ =	sdelay $0x1  }
0x1a2: {  	p2 =	por $0x1, $0x1  }
0x1a3: {  	p0 =	por $0x0, $0x0;
	s22 =	simm.s32 $0x4;
	p1 =	por $0x0, $0x0  }
.LBB2_12:
0x1a4: {  	p2 =	por $0x0, $0x0  }
0x1a5: {  	p0 =	por $0x1, $0x1;
	s22 =	simm.s32 $0x5;
	p1 =	por $0x0, $0x0  }
.LBB2_14:
0x1a6: {  	_ =	swait.ge [sflag:s22], $0x2800  }
0x1a7: {  	[sflag:s22] =	ssyncset.done $0x0  }
0x1a8: {  	[sflag:s22] =	ssyncadd.s32 $0xFFFFD800  }
.LBB2_15:
0x1a9: {  	s22 =	sadd.s32 $0x3, s20  }
0x1aa: {  	s23 =	sand.u32 $0x3, s22  }
0x1ab: {  	p3 =	sgt.s32 s23, $0x1  }
0x1ac: {  	p4 =	seq.s32 @p3 s23, $0x2  }
0x1ad: {  	p4 =	por !p4, !p3  }
0x1ae: {  	s24 =	simm.s32 $0x7;
	p5 =	seq.s32 @!p3 s23, $0x0;
	s25 =	simm.s32 @!p4 $0x9  }
0x1af: {  	p5 =	por !p5, p3;
	s25 =	simm.s32 @p4 $0xA;
	p4 =	sgt.u32 s20, $0x2E  }
.Ltmp14:
0x1b0: {  	s24 =	simm.s32 @p5 $0x8;
	(pc) =	sbr.rel @p4 .LBB2_22-.Ltmp14, $4  }
0x1b1: {  	s24 =	smov.u32 @p3 s25  }
0x1b2: {  	_ =	swait.ge [sflag:s24], $0x2800  }
0x1b3: {  	[sflag:s24] =	ssyncset.done $0x0  }
0x1b4: {  	[sflag:s24] =	ssyncadd.s32 $0xFFFFD800  }
.Ltmp15:
0x1b5: {  	(pc) =	sbr.rel @p3 .LBB2_18-.Ltmp15, $1  }
0x1b6: {  	_ =	sdelay $0x3  }
0x1b7: {  	p3 =	seq.s32 s23, $0x0  }
0x1b8: {  	v10 =	vld @p3 [tilespmem:$0x12800]  }
0x1b9: {  	v11 =	vld @p3 [tilespmem:$0x12810]  }
0x1ba: {  	v12 =	vld @p3 [tilespmem:$0x12820]  }
0x1bb: {  	s23 =	sshll.u32 @p3 s22, $0x3;
	v13 =	vld @p3 [tilespmem:$0x12830]  }
0x1bc: {  	v14 =	vld @p3 [tilespmem:$0x12840];
	s23 =	sadd.s32 @p3 s6, s23  }
0x1bd: {  	v10 =	vadd.s32 @p3 s23, v10  }
0x1be: {  	[tilespmem:$0x12600] =	vst @p3 v10;
	v10 =	vadd.s32 @p3 s23, v11  }
0x1bf: {  	s24 =	smul.u32 @p3 $0x140, s22;
	[tilespmem:$0x12610] =	vst @p3 v10;
	v10 =	vadd.s32 @p3 s23, v12  }
0x1c0: {  	[tilespmem:$0x12620] =	vst @p3 v10;
	v10 =	vadd.s32 @p3 s23, v13  }
0x1c1: {  	[tilespmem:$0x12630] =	vst @p3 v10;
	v10 =	vadd.s32 @p3 s23, v14;
	s23 =	sshra.s32 @p3 s24, $0x2  }
0x1c2: {  	s25 =	simm.s32 @p3 $0x8600;
	s24 =	simm.s32 @p3 $0x50;
	[tilespmem:$0x12640] =	vst @p3 v10;
	s23 =	sadd.s32 @p3 $0x6680, s23  }
0x1c3: {  	[tilespmem:s25], [sflag:$0x3] =	stream.indirect.gather @p3 [hbm4b:s1+s24], $0x80, s23, s24, $0xb8;
	[tilespmem:$0x1F080] =	vst v63  }
0x1c4: {  	v10 =	vld @!p3 [tilespmem:$0x12800]  }
0x1c5: {  	v11 =	vld @!p3 [tilespmem:$0x12810]  }
0x1c6: {  	v12 =	vld @!p3 [tilespmem:$0x12820]  }
0x1c7: {  	s23 =	sshll.u32 @!p3 s22, $0x3;
	v13 =	vld @!p3 [tilespmem:$0x12830]  }
0x1c8: {  	s23 =	sadd.s32 @!p3 s6, s23;
	v14 =	vld @!p3 [tilespmem:$0x12840]  }
0x1c9: {  	v10 =	vadd.s32 @!p3 s23, v10  }
0x1ca: {  	s22 =	smul.u32 @!p3 $0x140, s22;
	[tilespmem:$0x12680] =	vst @!p3 v10;
	v10 =	vadd.s32 @!p3 s23, v11  }
.Ltmp16:
0x1cb: {  	[tilespmem:$0x12690] =	vst @!p3 v10;
	v10 =	vadd.s32 @!p3 s23, v12;
	(pc) =	sbr.rel .LBB2_22-.Ltmp16, $4  }
0x1cc: {  	[tilespmem:$0x126A0] =	vst @!p3 v10;
	v10 =	vadd.s32 @!p3 s23, v13  }
0x1cd: {  	s22 =	sshra.s32 @!p3 s22, $0x2;
	[tilespmem:$0x126B0] =	vst @!p3 v10;
	v10 =	vadd.s32 @!p3 s23, v14  }
0x1ce: {  	s24 =	simm.s32 @!p3 $0xAE00;
	s22 =	sadd.s32 @!p3 $0x6680, s22;
	s23 =	simm.s32 @!p3 $0x50;
	[tilespmem:$0x126C0] =	vst @!p3 v10  }
0x1cf: {  	[tilespmem:s24], [sflag:$0x4] =	stream.indirect.gather @!p3 [hbm4b:s1+s23], $0x80, s22, s23, $0xb8;
	[tilespmem:$0x1F080] =	vst v63  }
.LBB2_18:
0x1d0: {  	p3 =	seq.s32 s23, $0x2  }
.Ltmp17:
0x1d1: {  	_ = 	snop;
	(pc) =	sbr.rel @!p3 .LBB2_21-.Ltmp17, $1  }
0x1d2: {  	_ =	sdelay $0x3  }
0x1d3: {  	v10 =	vld [tilespmem:$0x12800]  }
0x1d4: {  	v11 =	vld [tilespmem:$0x12810]  }
0x1d5: {  	v12 =	vld [tilespmem:$0x12820]  }
0x1d6: {  	s23 =	sshll.u32 s22, $0x3;
	v13 =	vld [tilespmem:$0x12830]  }
0x1d7: {  	v14 =	vld [tilespmem:$0x12840];
	s23 =	sadd.s32 s6, s23  }
0x1d8: {  	v10 =	vadd.s32 s23, v10  }
0x1d9: {  	s26 =	smul.u32 $0x140, s22;
	[tilespmem:$0x12700] =	vst v10;
	v10 =	vadd.s32 s23, v11  }
.Ltmp18:
0x1da: {  	[tilespmem:$0x12710] =	vst v10;
	v10 =	vadd.s32 s23, v12;
	(pc) =	sbr.rel .LBB2_22-.Ltmp18, $4  }
0x1db: {  	[tilespmem:$0x12720] =	vst v10;
	v10 =	vadd.s32 s23, v13  }
0x1dc: {  	s22 =	sshra.s32 s26, $0x2;
	[tilespmem:$0x12730] =	vst v10;
	v10 =	vadd.s32 s23, v14  }
0x1dd: {  	s22 =	sadd.s32 $0x6680, s22;
	[tilespmem:$0x12740] =	vst v10  }
0x1de: {  	[tilespmem:s16], [sflag:$0x5] =	stream.indirect.gather [hbm4b:s1+s29], $0x80, s22, s29, $0xb8;
	[tilespmem:$0x1F080] =	vst v63  }
.LBB2_21:
0x1df: {  	v10 =	vld [tilespmem:$0x12800]  }
0x1e0: {  	v11 =	vld [tilespmem:$0x12810]  }
0x1e1: {  	v12 =	vld [tilespmem:$0x12820]  }
0x1e2: {  	s23 =	sshll.u32 s22, $0x3;
	v13 =	vld [tilespmem:$0x12830]  }
0x1e3: {  	v14 =	vld [tilespmem:$0x12840];
	s23 =	sadd.s32 s6, s23  }
0x1e4: {  	v10 =	vadd.s32 s23, v10  }
0x1e5: {  	[tilespmem:$0x12780] =	vst v10;
	v10 =	vadd.s32 s23, v11  }
0x1e6: {  	s26 =	smul.u32 $0x140, s22;
	[tilespmem:$0x12790] =	vst v10;
	v10 =	vadd.s32 s23, v12  }
0x1e7: {  	[tilespmem:$0x127A0] =	vst v10;
	v10 =	vadd.s32 s23, v13  }
0x1e8: {  	s22 =	sshra.s32 s26, $0x2;
	[tilespmem:$0x127B0] =	vst v10;
	v10 =	vadd.s32 s23, v14  }
0x1e9: {  	s22 =	sadd.s32 $0x6680, s22;
	[tilespmem:$0x127C0] =	vst v10  }
0x1ea: {  	[tilespmem:s17], [sflag:$0x6] =	stream.indirect.gather [hbm4b:s1+s29], $0x80, s22, s29, $0xb8;
	[tilespmem:$0x1F080] =	vst v63  }
.LBB2_22:
0x1eb: {  	p3 =	sne.s32 s21, $0x0  }
0x1ec: {  	s21 =	simm.s32 @!p3 $0x50;
	s22 =	simm.s32 @!p3 $0x12600;
	s23 =	simm.s32 @!p3 $0x8600  }
0x1ed: {  	[spmem:s3] =	stream.indirect.scatter.add.f32 @!p3 [tilespmem:s23], [sflag:$0x7], $0x80, s22, s21, $0xb8;
	[tilespmem:$0x1F080] =	vst v63  }
0x1ee: {  	s21 =	simm.s32 @p2 $0x50;
	s22 =	simm.s32 @p2 $0x12680;
	s23 =	simm.s32 @p2 $0xAE00  }
0x1ef: {  	[spmem:s3] =	stream.indirect.scatter.add.f32 @p2 [tilespmem:s23], [sflag:$0x8], $0x80, s22, s21, $0xb8;
	[tilespmem:$0x1F080] =	vst v63  }
0x1f0: {  	s21 =	simm.s32 @p0 $0x50;
	s22 =	simm.s32 @p0 $0x12700;
	s23 =	simm.s32 @p0 $0xD600  }
0x1f1: {  	[spmem:s3] =	stream.indirect.scatter.add.f32 @p0 [tilespmem:s23], [sflag:$0x9], $0x80, s22, s21, $0xb8;
	[tilespmem:$0x1F080] =	vst v63  }
0x1f2: {  	p0 =	sgt.s32 s20, $0x13  }
.Ltmp19:
0x1f3: {  	_ = 	snop;
	(pc) =	sbr.rel @p0 .LBB2_28-.Ltmp19, $3  }
0x1f4: {  	_ =	sdelay $0x1  }
0x1f5: {  	s21 =	simm.s32 @p1 $0x50;
	s22 =	simm.s32 @p1 $0x12780;
	s23 =	simm.s32 @p1 $0xFE00  }
0x1f6: {  	[spmem:s3] =	stream.indirect.scatter.add.f32 @p1 [tilespmem:s23], [sflag:$0xA], $0x80, s22, s21, $0xb8;
	[tilespmem:$0x1F080] =	vst v63  }
0x1f7: {  	p0 =	seq.s32 s20, $0x0  }
.Ltmp20:
0x1f8: {  	_ = 	snop;
	(pc) =	sbr.rel @p0 .LBB2_33-.Ltmp20, $1  }
0x1f9: {  	_ =	sdelay $0x3  }
0x1fa: {  	p0 =	seq.s32 s20, $0xA  }
.Ltmp21:
0x1fb: {  	_ = 	snop;
	(pc) =	sbr.rel @!p0 .LBB2_39-.Ltmp21, $1  }
0x1fc: {  	_ =	sdelay $0x3  }
0x1fd: {  	_ =	swait.ge [sflag:s2], $0x2800  }
0x1fe: {  	[sflag:s2] =	ssyncset.done $0x0  }
0x1ff: {  	[sflag:s2] =	ssyncadd.s32 $0xFFFFD800  }
0x200: {  	v10 =	vld [tilespmem:$0x170];
	_ =	sdelay $0x1  }
0x201: {  	v11 =	vld [tilespmem:$0x180];
	_ =	sdelay $0x1  }
0x202: {  	v12 =	vld [tilespmem:$0x190]  }
0x203: {  	v13 =	vshra.s32 v10, $0x2;
	v10 =	vshll.u32 v10, $0x5  }
0x204: {  	v60 =	vld [tilespmem:$0x1A0];
	[tilespmem:$0x1500] =	vst v13;
	v10 =	vand.u32 $0x60, v10  }
0x205: {  	[tilespmem:$0x1600] =	vst v10;
	v10 =	vshra.s32 v11, $0x2;
	v11 =	vshll.u32 v11, $0x5  }
0x206: {  	s21 =	simm.s32 $0x0;
	[tilespmem:$0x1510] =	vst v10;
	v10 =	vand.u32 $0x60, v11;
	v11 =	vld [tilespmem:$0x1B0]  }
0x207: {  	v14 =	vor.u32 s21, v4;
	[tilespmem:$0x1610] =	vst v10;
	v10 =	vshra.s32 v12, $0x2;
	v12 =	vshll.u32 v12, $0x5  }
0x208: {  	v61 =	vmul.u32 $0x199A, v14;
	[tilespmem:$0x1520] =	vst v10;
	v10 =	vand.u32 $0x60, v12  }
0x209: {  	v13 =	vshll.u32 v60, $0x5;
	[tilespmem:$0x1620] =	vst v10;
	v10 =	vshra.s32 v60, $0x2  }
0x20a: {  	v12 =	vshrl.u32 v61, $0x10;
	[tilespmem:$0x1530] =	vst v10;
	v10 =	vand.u32 $0x60, v13  }
0x20b: {  	[tilespmem:$0x1630] =	vst v10;
	v10 =	vshra.s32 v11, $0x2;
	v11 =	vshll.u32 v11, $0x5  }
0x20c: {  	[tilespmem:$0x1540] =	vst v10;
	v10 =	vand.u32 $0x60, v11  }
0x20d: {  	[tilespmem:$0x1640] =	vst v10  }
0x20e: {  	[tilespmem:s14], [sflag:$0x2] =	stream.indirect.gather [hbm4b:s5+s29], $0x80, s13, s29, $0xb8;
	[tilespmem:$0x1F080] =	vst v63  }
0x20f: {  	v10 =	vld.idx.msk [tilespmem:v12+s15+$0x0], $0xffff;
	_ =	sdelay $0x1  }
0x210: {  	v11 =	vmul.u32 $0xFFFFFFF6, v12;
	_ =	sdelay $0x1  }
0x211: {  	v11 =	vadd.s32 v14, v11  }
0x212: {  	v10 =	vadd.s32 v10, v11  }
0x213: {  	v12 =	vshll.u32 v12, $0x7;
	v11 =	vand.u32 $0xFFFFFF80, v10  }
0x214: {  	v10 =	vand.u32 $0x7F, v10;
	v11 =	vadd.s32 v12, v11  }
0x215: {  	v10 =	vor.u32 v10, v11;
	_ =	sdelay $0x1  }
0x216: {  	s26 =	simm.s32 $0x10  }
0x217: {  	v11 =	vor.u32 s26, v4  }
0x218: {  	v62 =	vmul.u32 $0x199A, v11  }
0x219: {  	v10 =	vld.idx.msk [tilespmem:v10+s0+$0x0], $0xffff  }
0x21a: {  	v12 =	vshrl.u32 v62, $0x10;
	_ =	sdelay $0x2  }
0x21b: {  	s21 =	simm.s32 $0x6CC0  }
0x21c: {  	[tilespmem:s21+$0x0] =	vst v10  }
0x21d: {  	v10 =	vld.idx.msk [tilespmem:v12+s15+$0x0], $0xffff;
	_ =	sdelay $0x1  }
0x21e: {  	v63 =	vmul.u32 $0xFFFFFFF6, v12;
	_ =	sdelay $0x1  }
0x21f: {  	v11 =	vadd.s32 v11, v63  }
0x220: {  	v10 =	vadd.s32 v10, v11  }
0x221: {  	v12 =	vshll.u32 v12, $0x7;
	v11 =	vand.u32 $0xFFFFFF80, v10  }
0x222: {  	v10 =	vand.u32 $0x7F, v10;
	v11 =	vadd.s32 v12, v11  }
0x223: {  	v11 =	vor.u32 v10, v11;
	_ =	sdelay $0x2  }
0x224: {  	s22 =	simm.s32 $0x20  }
0x225: {  	v10 =	vor.u32 s22, v4;
	s22 =	simm.s32 $0x30  }
.LBB2_26:
0x226: {  	p0 =	seq.s32 s22, $0x310;
	v12 =	vmul.u32 $0x199A, v10;
	v11 =	vld.idx.msk [tilespmem:v11+s0+$0x0], $0xffff;
	_ =	sdelay $0x1  }
0x227: {  	v12 =	vshrl.u32 v12, $0x10;
	_ =	sdelay $0x2  }
0x228: {  	s21 =	sadd.s32 $0x10, s21  }
0x229: {  	[tilespmem:s21+$0x0] =	vst v11  }
0x22a: {  	v11 =	vld.idx.msk [tilespmem:v12+s15+$0x0], $0xffff;
	_ =	sdelay $0x2  }
0x22b: {  	v13 =	vmul.u32 $0xFFFFFFF6, v12;
	_ =	sdelay $0x1  }
0x22c: {  	v10 =	vadd.s32 v10, v13  }
0x22d: {  	v10 =	vadd.s32 v11, v10  }
0x22e: {  	v12 =	vshll.u32 v12, $0x7;
	v11 =	vand.u32 $0xFFFFFF80, v10  }
0x22f: {  	v10 =	vand.u32 $0x7F, v10;
	v11 =	vadd.s32 v12, v11  }
.Ltmp22:
0x230: {  	v11 =	vor.u32 v10, v11;
	(pc) =	sbr.rel @!p0 .LBB2_26-.Ltmp22, $2  }
0x231: {  	_ =	sdelay $0x2  }
0x232: {  	v10 =	vor.u32 s22, v4;
	s22 =	sadd.s32 $0x10, s22  }
0x233: {  	_ =	sdelay $0x2  }
0x234: {  	v12 =	vmul.u32 $0x199A, v10  }
0x235: {  	v11 =	vld.idx.msk [tilespmem:v11+s0+$0x0], $0xffff  }
0x236: {  	v12 =	vshrl.u32 v12, $0x10;
	_ =	sdelay $0x2  }
0x237: {  	s21 =	sadd.s32 $0x10, s21  }
0x238: {  	[tilespmem:s21+$0x0] =	vst v11  }
0x239: {  	v11 =	vld.idx.msk [tilespmem:v12+s15+$0x0], $0xffff;
	_ =	sdelay $0x1  }
0x23a: {  	v13 =	vmul.u32 $0xFFFFFFF6, v12;
	_ =	sdelay $0x1  }
0x23b: {  	v10 =	vadd.s32 v10, v13  }
0x23c: {  	v10 =	vadd.s32 v11, v10  }
0x23d: {  	v12 =	vshll.u32 v12, $0x7;
	v11 =	vand.u32 $0xFFFFFF80, v10  }
0x23e: {  	v10 =	vand.u32 $0x7F, v10;
	v11 =	vadd.s32 v12, v11  }
0x23f: {  	v10 =	vor.u32 v10, v11;
	_ =	sdelay $0x4  }
0x240: {  	v10 =	vld.idx.msk [tilespmem:v10+s0+$0x0], $0xffff  }
.Ltmp23:
0x241: {  	_ = 	snop;
	(pc) =	sbr.rel .LBB2_39-.Ltmp23, $3  }
0x242: {  	_ =	sdelay $0x1  }
0x243: {  	s21 =	sadd.s32 $0x10, s21  }
0x244: {  	[tilespmem:s21+$0x0] =	vst v10  }
.LBB2_28:
0x245: {  	p0 =	seq.s32 s20, $0x14  }
.Ltmp24:
0x246: {  	_ = 	snop;
	(pc) =	sbr.rel @p0 .LBB2_36-.Ltmp24, $1  }
0x247: {  	_ =	sdelay $0x3  }
0x248: {  	p0 =	seq.s32 s20, $0x1E  }
.Ltmp25:
0x249: {  	_ = 	snop;
	(pc) =	sbr.rel @!p0 .LBB2_39-.Ltmp25, $1  }
0x24a: {  	_ =	sdelay $0x3  }
0x24b: {  	_ =	swait.ge [sflag:s2], $0x2800  }
0x24c: {  	[sflag:s2] =	ssyncset.done $0x0  }
0x24d: {  	[sflag:s2] =	ssyncadd.s32 $0xFFFFD800  }
0x24e: {  	v10 =	vld [tilespmem:$0x210];
	_ =	sdelay $0x1  }
0x24f: {  	v11 =	vld [tilespmem:$0x220];
	_ =	sdelay $0x1  }
0x250: {  	v12 =	vld [tilespmem:$0x230]  }
0x251: {  	v13 =	vshra.s32 v10, $0x2;
	v10 =	vshll.u32 v10, $0x5  }
0x252: {  	v62 =	vld [tilespmem:$0x240];
	[tilespmem:$0x1500] =	vst v13;
	v10 =	vand.u32 $0x60, v10  }
0x253: {  	[tilespmem:$0x1600] =	vst v10;
	v10 =	vshra.s32 v11, $0x2;
	v11 =	vshll.u32 v11, $0x5  }
0x254: {  	s21 =	simm.s32 $0x0;
	[tilespmem:$0x1510] =	vst v10;
	v10 =	vand.u32 $0x60, v11;
	v11 =	vld [tilespmem:$0x250]  }
0x255: {  	v14 =	vor.u32 s21, v4;
	[tilespmem:$0x1610] =	vst v10;
	v10 =	vshra.s32 v12, $0x2;
	v12 =	vshll.u32 v12, $0x5  }
0x256: {  	v63 =	vmul.u32 $0x199A, v14;
	[tilespmem:$0x1520] =	vst v10;
	v10 =	vand.u32 $0x60, v12  }
0x257: {  	v13 =	vshll.u32 v62, $0x5;
	[tilespmem:$0x1620] =	vst v10;
	v10 =	vshra.s32 v62, $0x2  }
0x258: {  	v12 =	vshrl.u32 v63, $0x10;
	[tilespmem:$0x1530] =	vst v10;
	v10 =	vand.u32 $0x60, v13  }
0x259: {  	[tilespmem:$0x1630] =	vst v10;
	v10 =	vshra.s32 v11, $0x2;
	v11 =	vshll.u32 v11, $0x5  }
0x25a: {  	[tilespmem:$0x1540] =	vst v10;
	v10 =	vand.u32 $0x60, v11  }
0x25b: {  	[tilespmem:$0x1640] =	vst v10  }
0x25c: {  	[tilespmem:s14], [sflag:$0x2] =	stream.indirect.gather [hbm4b:s5+s29], $0x80, s13, s29, $0xb8;
	[tilespmem:$0x1F080] =	vst v63  }
0x25d: {  	v10 =	vld.idx.msk [tilespmem:v12+s15+$0x0], $0xffff;
	_ =	sdelay $0x1  }
0x25e: {  	v11 =	vmul.u32 $0xFFFFFFF6, v12;
	_ =	sdelay $0x1  }
0x25f: {  	v11 =	vadd.s32 v14, v11  }
0x260: {  	v10 =	vadd.s32 v10, v11  }
0x261: {  	v12 =	vshll.u32 v12, $0x7;
	v11 =	vand.u32 $0xFFFFFF80, v10  }
0x262: {  	v10 =	vand.u32 $0x7F, v10;
	v11 =	vadd.s32 v12, v11  }
0x263: {  	v11 =	vor.u32 v10, v11;
	_ =	sdelay $0x2  }
0x264: {  	s22 =	simm.s32 $0x10  }
0x265: {  	s23 =	simm.s32 $0x20;
	v10 =	vor.u32 s22, v4  }
.LBB2_31:
0x266: {  	p0 =	sne.s32 s23, $0x310;
	v12 =	vmul.u32 $0x199A, v10;
	v11 =	vld.idx.msk [tilespmem:v11+s0+$0x0], $0xffff;
	_ =	sdelay $0x1  }
0x267: {  	v12 =	vshrl.u32 v12, $0x10;
	_ =	sdelay $0x2  }
0x268: {  	s24 =	sand.u32 $0x3F0, s21;
	s21 =	smov.u32 s22;
	s22 =	smov.u32 s23  }
0x269: {  	[tilespmem:s24+$0x7300] =	vst v11  }
0x26a: {  	v11 =	vld.idx.msk [tilespmem:v12+s15+$0x0], $0xffff;
	_ =	sdelay $0x2  }
0x26b: {  	v13 =	vmul.u32 $0xFFFFFFF6, v12;
	_ =	sdelay $0x1  }
0x26c: {  	v10 =	vadd.s32 v10, v13  }
0x26d: {  	v10 =	vadd.s32 v11, v10  }
0x26e: {  	v12 =	vshll.u32 v12, $0x7;
	v11 =	vand.u32 $0xFFFFFF80, v10  }
0x26f: {  	v10 =	vand.u32 $0x7F, v10;
	v11 =	vadd.s32 v12, v11  }
.Ltmp26:
0x270: {  	v11 =	vor.u32 v10, v11;
	(pc) =	sbr.rel @p0 .LBB2_31-.Ltmp26, $2  }
0x271: {  	_ =	sdelay $0x2  }
0x272: {  	s23 =	sadd.s32 $0x10, s23;
	v10 =	vor.u32 s22, v4  }
.Ltmp27:
0x273: {  	_ = 	snop;
	(pc) =	sbr.rel .LBB2_32-.Ltmp27, $1  }
0x274: {  	_ =	sdelay $0x3  }
.LBB2_33:
0x275: {  	_ =	swait.ge [sflag:s31], $0x2800  }
0x276: {  	[sflag:s31] =	ssyncset.done $0x0  }
0x277: {  	[sflag:s31] =	ssyncadd.s32 $0xFFFFD800  }
0x278: {  	v10 =	vld [tilespmem:$0x120];
	_ =	sdelay $0x1  }
0x279: {  	v11 =	vld [tilespmem:$0x130];
	_ =	sdelay $0x1  }
0x27a: {  	v12 =	vld [tilespmem:$0x140]  }
0x27b: {  	v13 =	vshra.s32 v10, $0x2;
	v10 =	vshll.u32 v10, $0x5  }
0x27c: {  	s21 =	simm.s32 $0x0;
	v58 =	vld [tilespmem:$0x150];
	[tilespmem:$0x1480] =	vst v13;
	v10 =	vand.u32 $0x60, v10  }
0x27d: {  	v14 =	vor.u32 s21, v4;
	[tilespmem:$0x1580] =	vst v10;
	v10 =	vshra.s32 v11, $0x2;
	v11 =	vshll.u32 v11, $0x5  }
0x27e: {  	v15 =	vmul.u32 $0x199A, v14;
	[tilespmem:$0x1490] =	vst v10;
	v10 =	vand.u32 $0x60, v11;
	v11 =	vld [tilespmem:$0x160]  }
0x27f: {  	[tilespmem:$0x1590] =	vst v10;
	v10 =	vshra.s32 v12, $0x2;
	v12 =	vshll.u32 v12, $0x5  }
0x280: {  	v59 =	vshrl.u32 v15, $0x10;
	[tilespmem:$0x14A0] =	vst v10;
	v10 =	vand.u32 $0x60, v12  }
0x281: {  	v15 =	vand.u32 $0x7FFF, v59;
	v13 =	vshll.u32 v58, $0x5;
	[tilespmem:$0x15A0] =	vst v10;
	v10 =	vshra.s32 v58, $0x2  }
0x282: {  	v60 =	vadd.s32 $0x80, v15;
	[tilespmem:$0x14B0] =	vst v10;
	v10 =	vand.u32 $0x60, v13  }
0x283: {  	[tilespmem:$0x15B0] =	vst v10;
	v10 =	vshra.s32 v11, $0x2;
	v11 =	vshll.u32 v11, $0x5  }
0x284: {  	[tilespmem:$0x14C0] =	vst v10;
	v10 =	vand.u32 $0x60, v11  }
0x285: {  	[tilespmem:$0x15C0] =	vst v10  }
0x286: {  	[tilespmem:s0], [sflag:$0x1] =	stream.indirect.gather [hbm4b:s5+s29], $0x80, s12, s29, $0xb8;
	[tilespmem:$0x1F080] =	vst v63  }
0x287: {  	v10 =	vld.idx.msk [tilespmem:v60+s15+$0x0], $0xffff;
	_ =	sdelay $0x1  }
0x288: {  	v11 =	vmul.u32 $0xFFFFFFF6, v59;
	_ =	sdelay $0x1  }
0x289: {  	v11 =	vadd.s32 v14, v11  }
0x28a: {  	v10 =	vadd.s32 v10, v11  }
0x28b: {  	v12 =	vshll.u32 v59, $0x7;
	v11 =	vand.u32 $0xFFFFFF80, v10  }
0x28c: {  	v10 =	vand.u32 $0x7F, v10;
	v11 =	vadd.s32 v11, v12  }
0x28d: {  	v10 =	vor.u32 v10, v11  }
0x28e: {  	s26 =	simm.s32 $0x10;
	v10 =	vadd.s32 $0x2800, v10  }
0x28f: {  	v11 =	vor.u32 s26, v4  }
0x290: {  	v61 =	vmul.u32 $0x199A, v11;
	_ =	sdelay $0x1  }
0x291: {  	v12 =	vshrl.u32 v61, $0x10  }
0x292: {  	v62 =	vand.u32 $0x7FFF, v12;
	v10 =	vld.idx.msk [tilespmem:v10+s0+$0x0], $0xffff  }
0x293: {  	v13 =	vadd.s32 $0x80, v62;
	_ =	sdelay $0x2  }
0x294: {  	s21 =	simm.s32 $0x69A0  }
0x295: {  	[tilespmem:s21+$0x0] =	vst v10  }
0x296: {  	v10 =	vld.idx.msk [tilespmem:v13+s15+$0x0], $0xffff;
	_ =	sdelay $0x1  }
0x297: {  	v63 =	vmul.u32 $0xFFFFFFF6, v12;
	_ =	sdelay $0x1  }
0x298: {  	v11 =	vadd.s32 v11, v63  }
0x299: {  	v10 =	vadd.s32 v10, v11  }
0x29a: {  	v12 =	vshll.u32 v12, $0x7;
	v11 =	vand.u32 $0xFFFFFF80, v10  }
0x29b: {  	v10 =	vand.u32 $0x7F, v10;
	v11 =	vadd.s32 v11, v12  }
0x29c: {  	v10 =	vor.u32 v10, v11  }
0x29d: {  	v11 =	vadd.s32 $0x2800, v10  }
0x29e: {  	s22 =	simm.s32 $0x20  }
0x29f: {  	v10 =	vor.u32 s22, v4;
	s22 =	simm.s32 $0x30  }
.LBB2_34:
0x2a0: {  	p0 =	seq.s32 s22, $0x310;
	v12 =	vmul.u32 $0x199A, v10;
	_ =	sdelay $0x1  }
0x2a1: {  	v12 =	vshrl.u32 v12, $0x10;
	v11 =	vld.idx.msk [tilespmem:v11+s0+$0x0], $0xffff  }
0x2a2: {  	v13 =	vand.u32 $0x7FFF, v12  }
0x2a3: {  	v13 =	vadd.s32 $0x80, v13;
	_ =	sdelay $0x2  }
0x2a4: {  	s21 =	sadd.s32 $0x10, s21  }
0x2a5: {  	[tilespmem:s21+$0x0] =	vst v11  }
0x2a6: {  	v11 =	vld.idx.msk [tilespmem:v13+s15+$0x0], $0xffff;
	_ =	sdelay $0x2  }
0x2a7: {  	v13 =	vmul.u32 $0xFFFFFFF6, v12;
	_ =	sdelay $0x1  }
0x2a8: {  	v10 =	vadd.s32 v10, v13  }
0x2a9: {  	v10 =	vadd.s32 v11, v10  }
0x2aa: {  	v12 =	vshll.u32 v12, $0x7;
	v11 =	vand.u32 $0xFFFFFF80, v10  }
.Ltmp28:
0x2ab: {  	v10 =	vand.u32 $0x7F, v10;
	v11 =	vadd.s32 v11, v12;
	(pc) =	sbr.rel @!p0 .LBB2_34-.Ltmp28, $3  }
0x2ac: {  	v10 =	vor.u32 v10, v11  }
0x2ad: {  	v11 =	vadd.s32 $0x2800, v10;
	_ =	sdelay $0x1  }
0x2ae: {  	v10 =	vor.u32 s22, v4;
	s22 =	sadd.s32 $0x10, s22  }
0x2af: {  	_ = 	snop  }
0x2b0: {  	v12 =	vmul.u32 $0x199A, v10;
	_ =	sdelay $0x1  }
0x2b1: {  	v12 =	vshrl.u32 v12, $0x10  }
0x2b2: {  	v11 =	vld.idx.msk [tilespmem:v11+s0+$0x0], $0xffff;
	v13 =	vand.u32 $0x7FFF, v12  }
0x2b3: {  	v13 =	vadd.s32 $0x80, v13;
	_ =	sdelay $0x2  }
0x2b4: {  	s21 =	sadd.s32 $0x10, s21  }
0x2b5: {  	[tilespmem:s21+$0x0] =	vst v11  }
0x2b6: {  	v11 =	vld.idx.msk [tilespmem:v13+s15+$0x0], $0xffff;
	_ =	sdelay $0x1  }
0x2b7: {  	v63 =	vmul.u32 $0xFFFFFFF6, v12;
	_ =	sdelay $0x1  }
0x2b8: {  	v10 =	vadd.s32 v10, v63  }
0x2b9: {  	v10 =	vadd.s32 v11, v10  }
0x2ba: {  	v12 =	vshll.u32 v12, $0x7;
	v11 =	vand.u32 $0xFFFFFF80, v10  }
0x2bb: {  	v10 =	vand.u32 $0x7F, v10;
	v11 =	vadd.s32 v11, v12  }
0x2bc: {  	v10 =	vor.u32 v10, v11  }
0x2bd: {  	v10 =	vadd.s32 $0x2800, v10;
	_ =	sdelay $0x4  }
0x2be: {  	v10 =	vld.idx.msk [tilespmem:v10+s0+$0x0], $0xffff  }
.Ltmp29:
0x2bf: {  	_ = 	snop;
	(pc) =	sbr.rel .LBB2_39-.Ltmp29, $3  }
0x2c0: {  	_ =	sdelay $0x1  }
0x2c1: {  	s21 =	sadd.s32 $0x10, s21  }
0x2c2: {  	[tilespmem:s21+$0x0] =	vst v10  }
.LBB2_36:
0x2c3: {  	_ =	swait.ge [sflag:s31], $0x2800  }
0x2c4: {  	[sflag:s31] =	ssyncset.done $0x0  }
0x2c5: {  	[sflag:s31] =	ssyncadd.s32 $0xFFFFD800  }
0x2c6: {  	v10 =	vld [tilespmem:$0x1C0];
	_ =	sdelay $0x1  }
0x2c7: {  	v11 =	vld [tilespmem:$0x1D0];
	_ =	sdelay $0x1  }
0x2c8: {  	v12 =	vld [tilespmem:$0x1E0]  }
0x2c9: {  	v13 =	vshra.s32 v10, $0x2;
	v10 =	vshll.u32 v10, $0x5  }
0x2ca: {  	s21 =	simm.s32 $0x0;
	v58 =	vld [tilespmem:$0x1F0];
	[tilespmem:$0x1480] =	vst v13;
	v10 =	vand.u32 $0x60, v10  }
0x2cb: {  	v14 =	vor.u32 s21, v4;
	[tilespmem:$0x1580] =	vst v10;
	v10 =	vshra.s32 v11, $0x2;
	v11 =	vshll.u32 v11, $0x5  }
0x2cc: {  	v15 =	vmul.u32 $0x199A, v14;
	[tilespmem:$0x1490] =	vst v10;
	v10 =	vand.u32 $0x60, v11;
	v11 =	vld [tilespmem:$0x200]  }
0x2cd: {  	[tilespmem:$0x1590] =	vst v10;
	v10 =	vshra.s32 v12, $0x2;
	v12 =	vshll.u32 v12, $0x5  }
0x2ce: {  	v59 =	vshrl.u32 v15, $0x10;
	[tilespmem:$0x14A0] =	vst v10;
	v10 =	vand.u32 $0x60, v12  }
0x2cf: {  	v15 =	vand.u32 $0x7FFF, v59;
	v13 =	vshll.u32 v58, $0x5;
	[tilespmem:$0x15A0] =	vst v10;
	v10 =	vshra.s32 v58, $0x2  }
0x2d0: {  	v60 =	vadd.s32 $0x80, v15;
	[tilespmem:$0x14B0] =	vst v10;
	v10 =	vand.u32 $0x60, v13  }
0x2d1: {  	[tilespmem:$0x15B0] =	vst v10;
	v10 =	vshra.s32 v11, $0x2;
	v11 =	vshll.u32 v11, $0x5  }
0x2d2: {  	[tilespmem:$0x14C0] =	vst v10;
	v10 =	vand.u32 $0x60, v11  }
0x2d3: {  	[tilespmem:$0x15C0] =	vst v10  }
0x2d4: {  	[tilespmem:s0], [sflag:$0x1] =	stream.indirect.gather [hbm4b:s5+s29], $0x80, s12, s29, $0xb8;
	[tilespmem:$0x1F080] =	vst v63  }
0x2d5: {  	v10 =	vld.idx.msk [tilespmem:v60+s15+$0x0], $0xffff;
	_ =	sdelay $0x1  }
0x2d6: {  	v11 =	vmul.u32 $0xFFFFFFF6, v59;
	_ =	sdelay $0x1  }
0x2d7: {  	v11 =	vadd.s32 v14, v11  }
0x2d8: {  	v10 =	vadd.s32 v10, v11  }
0x2d9: {  	v12 =	vshll.u32 v59, $0x7;
	v11 =	vand.u32 $0xFFFFFF80, v10  }
0x2da: {  	v10 =	vand.u32 $0x7F, v10;
	v11 =	vadd.s32 v11, v12  }
0x2db: {  	v10 =	vor.u32 v10, v11  }
0x2dc: {  	s26 =	simm.s32 $0x10;
	v10 =	vadd.s32 $0x2800, v10  }
0x2dd: {  	v11 =	vor.u32 s26, v4  }
0x2de: {  	v61 =	vmul.u32 $0x199A, v11;
	_ =	sdelay $0x1  }
0x2df: {  	v12 =	vshrl.u32 v61, $0x10  }
0x2e0: {  	v62 =	vand.u32 $0x7FFF, v12;
	v10 =	vld.idx.msk [tilespmem:v10+s0+$0x0], $0xffff  }
0x2e1: {  	v13 =	vadd.s32 $0x80, v62;
	_ =	sdelay $0x2  }
0x2e2: {  	s21 =	simm.s32 $0x6FE0  }
0x2e3: {  	[tilespmem:s21+$0x0] =	vst v10  }
0x2e4: {  	v10 =	vld.idx.msk [tilespmem:v13+s15+$0x0], $0xffff;
	_ =	sdelay $0x1  }
0x2e5: {  	v63 =	vmul.u32 $0xFFFFFFF6, v12;
	_ =	sdelay $0x1  }
0x2e6: {  	v11 =	vadd.s32 v11, v63  }
0x2e7: {  	v10 =	vadd.s32 v10, v11  }
0x2e8: {  	v12 =	vshll.u32 v12, $0x7;
	v11 =	vand.u32 $0xFFFFFF80, v10  }
0x2e9: {  	v10 =	vand.u32 $0x7F, v10;
	v11 =	vadd.s32 v11, v12  }
0x2ea: {  	v10 =	vor.u32 v10, v11  }
0x2eb: {  	v11 =	vadd.s32 $0x2800, v10  }
0x2ec: {  	s22 =	simm.s32 $0x20  }
0x2ed: {  	v10 =	vor.u32 s22, v4;
	s22 =	simm.s32 $0x30  }
.LBB2_37:
0x2ee: {  	p0 =	seq.s32 s22, $0x310;
	v12 =	vmul.u32 $0x199A, v10;
	_ =	sdelay $0x1  }
0x2ef: {  	v12 =	vshrl.u32 v12, $0x10;
	v11 =	vld.idx.msk [tilespmem:v11+s0+$0x0], $0xffff  }
0x2f0: {  	v13 =	vand.u32 $0x7FFF, v12  }
0x2f1: {  	v13 =	vadd.s32 $0x80, v13;
	_ =	sdelay $0x2  }
0x2f2: {  	s21 =	sadd.s32 $0x10, s21  }
0x2f3: {  	[tilespmem:s21+$0x0] =	vst v11  }
0x2f4: {  	v11 =	vld.idx.msk [tilespmem:v13+s15+$0x0], $0xffff;
	_ =	sdelay $0x2  }
0x2f5: {  	v13 =	vmul.u32 $0xFFFFFFF6, v12;
	_ =	sdelay $0x1  }
0x2f6: {  	v10 =	vadd.s32 v10, v13  }
0x2f7: {  	v10 =	vadd.s32 v11, v10  }
0x2f8: {  	v12 =	vshll.u32 v12, $0x7;
	v11 =	vand.u32 $0xFFFFFF80, v10  }
.Ltmp30:
0x2f9: {  	v10 =	vand.u32 $0x7F, v10;
	v11 =	vadd.s32 v11, v12;
	(pc) =	sbr.rel @!p0 .LBB2_37-.Ltmp30, $3  }
0x2fa: {  	v10 =	vor.u32 v10, v11  }
0x2fb: {  	v11 =	vadd.s32 $0x2800, v10;
	_ =	sdelay $0x1  }
0x2fc: {  	v10 =	vor.u32 s22, v4;
	s22 =	sadd.s32 $0x10, s22  }
0x2fd: {  	_ = 	snop  }
0x2fe: {  	v12 =	vmul.u32 $0x199A, v10;
	_ =	sdelay $0x1  }
0x2ff: {  	v12 =	vshrl.u32 v12, $0x10  }
0x300: {  	v11 =	vld.idx.msk [tilespmem:v11+s0+$0x0], $0xffff;
	v13 =	vand.u32 $0x7FFF, v12  }
0x301: {  	v13 =	vadd.s32 $0x80, v13;
	_ =	sdelay $0x2  }
0x302: {  	s21 =	sadd.s32 $0x10, s21  }
0x303: {  	[tilespmem:s21+$0x0] =	vst v11  }
0x304: {  	v11 =	vld.idx.msk [tilespmem:v13+s15+$0x0], $0xffff;
	_ =	sdelay $0x1  }
0x305: {  	v63 =	vmul.u32 $0xFFFFFFF6, v12;
	_ =	sdelay $0x1  }
0x306: {  	v10 =	vadd.s32 v10, v63  }
0x307: {  	v10 =	vadd.s32 v11, v10  }
0x308: {  	v12 =	vshll.u32 v12, $0x7;
	v11 =	vand.u32 $0xFFFFFF80, v10  }
0x309: {  	v10 =	vand.u32 $0x7F, v10;
	v11 =	vadd.s32 v11, v12  }
0x30a: {  	v10 =	vor.u32 v10, v11  }
0x30b: {  	v10 =	vadd.s32 $0x2800, v10;
	_ =	sdelay $0x4  }
0x30c: {  	v10 =	vld.idx.msk [tilespmem:v10+s0+$0x0], $0xffff  }
.Ltmp31:
0x30d: {  	_ = 	snop;
	(pc) =	sbr.rel .LBB2_39-.Ltmp31, $3  }
0x30e: {  	_ =	sdelay $0x1  }
0x30f: {  	s21 =	sadd.s32 $0x10, s21  }
0x310: {  	[tilespmem:s21+$0x0] =	vst v10  }
.LBB2_40:
0x311: {  	s21 =	simm.s32 $0x8;
	s18 =	stileid.u32  }
0x312: {  	_ =	swait.ge [sflag:s21], $0x2800;
	s20 =	sshll.u32 s18, $0x6  }
0x313: {  	[sflag:s21] =	ssyncset.done $0x0;
	s20 =	sor.u32 $0x1C0B, s20  }
0x314: {  	s25 =	rddreg [dreg:$0x7];
	[sflag:s21] =	ssyncadd.s32 $0xFFFFD800;
	s21 =	sshrl.u32 s9, $0x3  }
0x315: {  	[hbm:s25], [sflag:s20] =	dma.local [spmem:s21], $0x1900  }
0x316: {  	_ =	swait.ge [sflag:s28], $0x1900  }
0x317: {  	[sflag:s28] =	ssyncset.done $0x0  }
0x318: {  	[sflag:s28] =	ssyncadd.s32 $0xFFFFE700  }
0x319: {  	_ =	swait.ge [sflag:s31], $0x2800  }
0x31a: {  	[sflag:s31] =	ssyncset.done $0x0  }
0x31b: {  	[sflag:s31] =	ssyncadd.s32 $0xFFFFD800  }
0x31c: {  	v10 =	vld [tilespmem:$0x260];
	_ =	sdelay $0x1  }
0x31d: {  	v11 =	vld [tilespmem:$0x270];
	_ =	sdelay $0x1  }
0x31e: {  	v12 =	vld [tilespmem:$0x280]  }
0x31f: {  	v13 =	vshra.s32 v10, $0x2;
	v10 =	vshll.u32 v10, $0x5  }
0x320: {  	s22 =	simm.s32 $0x0;
	v58 =	vld [tilespmem:$0x290];
	[tilespmem:$0x1480] =	vst v13;
	v10 =	vand.u32 $0x60, v10  }
0x321: {  	v14 =	vor.u32 s22, v4;
	[tilespmem:$0x1580] =	vst v10;
	v10 =	vshra.s32 v11, $0x2;
	v11 =	vshll.u32 v11, $0x5  }
0x322: {  	v15 =	vmul.u32 $0x199A, v14;
	[tilespmem:$0x1490] =	vst v10;
	v10 =	vand.u32 $0x60, v11;
	v11 =	vld [tilespmem:$0x2A0]  }
0x323: {  	[tilespmem:$0x1590] =	vst v10;
	v10 =	vshra.s32 v12, $0x2;
	v12 =	vshll.u32 v12, $0x5  }
0x324: {  	v59 =	vshrl.u32 v15, $0x10;
	[tilespmem:$0x14A0] =	vst v10;
	v10 =	vand.u32 $0x60, v12  }
0x325: {  	v15 =	vand.u32 $0x7FFF, v59;
	v13 =	vshll.u32 v58, $0x5;
	[tilespmem:$0x15A0] =	vst v10;
	v10 =	vshra.s32 v58, $0x2  }
0x326: {  	v60 =	vadd.s32 $0x80, v15;
	[tilespmem:$0x14B0] =	vst v10;
	v10 =	vand.u32 $0x60, v13  }
0x327: {  	[tilespmem:$0x15B0] =	vst v10;
	v10 =	vshra.s32 v11, $0x2;
	v11 =	vshll.u32 v11, $0x5  }
0x328: {  	[tilespmem:$0x14C0] =	vst v10;
	v10 =	vand.u32 $0x60, v11  }
0x329: {  	[tilespmem:$0x15C0] =	vst v10  }
0x32a: {  	[tilespmem:s0], [sflag:$0x1] =	stream.indirect.gather [hbm4b:s5+s29], $0x80, s12, s29, $0xb8;
	[tilespmem:$0x1F080] =	vst v63  }
0x32b: {  	v10 =	vld.idx.msk [tilespmem:v60+s15+$0x0], $0xffff;
	_ =	sdelay $0x1  }
0x32c: {  	v11 =	vmul.u32 $0xFFFFFFF6, v59;
	_ =	sdelay $0x1  }
0x32d: {  	v11 =	vadd.s32 v14, v11  }
0x32e: {  	v10 =	vadd.s32 v10, v11  }
0x32f: {  	v12 =	vshll.u32 v59, $0x7;
	v11 =	vand.u32 $0xFFFFFF80, v10  }
0x330: {  	v10 =	vand.u32 $0x7F, v10;
	v11 =	vadd.s32 v11, v12  }
0x331: {  	v10 =	vor.u32 v10, v11  }
0x332: {  	s26 =	simm.s32 $0x10;
	v10 =	vadd.s32 $0x2800, v10  }
0x333: {  	v11 =	vor.u32 s26, v4  }
0x334: {  	v61 =	vmul.u32 $0x199A, v11;
	_ =	sdelay $0x1  }
0x335: {  	v12 =	vshrl.u32 v61, $0x10  }
0x336: {  	v62 =	vand.u32 $0x7FFF, v12;
	v10 =	vld.idx.msk [tilespmem:v10+s0+$0x0], $0xffff  }
0x337: {  	v13 =	vadd.s32 $0x80, v62;
	_ =	sdelay $0x2  }
0x338: {  	s22 =	simm.s32 $0x7620  }
0x339: {  	[tilespmem:s22+$0x0] =	vst v10  }
0x33a: {  	v10 =	vld.idx.msk [tilespmem:v13+s15+$0x0], $0xffff;
	_ =	sdelay $0x1  }
0x33b: {  	v63 =	vmul.u32 $0xFFFFFFF6, v12;
	_ =	sdelay $0x1  }
0x33c: {  	v11 =	vadd.s32 v11, v63  }
0x33d: {  	v10 =	vadd.s32 v10, v11  }
0x33e: {  	v12 =	vshll.u32 v12, $0x7;
	v11 =	vand.u32 $0xFFFFFF80, v10  }
0x33f: {  	v10 =	vand.u32 $0x7F, v10;
	v11 =	vadd.s32 v11, v12  }
0x340: {  	v10 =	vor.u32 v10, v11  }
0x341: {  	v11 =	vadd.s32 $0x2800, v10  }
0x342: {  	s23 =	simm.s32 $0x20  }
0x343: {  	v10 =	vor.u32 s23, v4;
	s23 =	simm.s32 $0x30  }
.LBB2_41:
0x344: {  	p0 =	sne.s32 s23, $0x310;
	v12 =	vmul.u32 $0x199A, v10;
	_ =	sdelay $0x1  }
0x345: {  	v12 =	vshrl.u32 v12, $0x10;
	v11 =	vld.idx.msk [tilespmem:v11+s0+$0x0], $0xffff  }
0x346: {  	v13 =	vand.u32 $0x7FFF, v12  }
0x347: {  	v13 =	vadd.s32 $0x80, v13;
	_ =	sdelay $0x2  }
0x348: {  	s22 =	sadd.s32 $0x10, s22  }
0x349: {  	[tilespmem:s22+$0x0] =	vst v11  }
0x34a: {  	v11 =	vld.idx.msk [tilespmem:v13+s15+$0x0], $0xffff;
	_ =	sdelay $0x2  }
0x34b: {  	v13 =	vmul.u32 $0xFFFFFFF6, v12;
	_ =	sdelay $0x1  }
0x34c: {  	v10 =	vadd.s32 v10, v13  }
0x34d: {  	v10 =	vadd.s32 v11, v10  }
0x34e: {  	v12 =	vshll.u32 v12, $0x7;
	v11 =	vand.u32 $0xFFFFFF80, v10  }
.Ltmp32:
0x34f: {  	v10 =	vand.u32 $0x7F, v10;
	v11 =	vadd.s32 v11, v12;
	(pc) =	sbr.rel @p0 .LBB2_41-.Ltmp32, $3  }
0x350: {  	v10 =	vor.u32 v10, v11  }
0x351: {  	v11 =	vadd.s32 $0x2800, v10;
	_ =	sdelay $0x1  }
0x352: {  	v10 =	vor.u32 s23, v4;
	s23 =	sadd.s32 $0x10, s23  }
0x353: {  	_ = 	snop  }
0x354: {  	v12 =	vmul.u32 $0x199A, v10;
	_ =	sdelay $0x1  }
0x355: {  	v12 =	vshrl.u32 v12, $0x10  }
0x356: {  	v11 =	vld.idx.msk [tilespmem:v11+s0+$0x0], $0xffff;
	v13 =	vand.u32 $0x7FFF, v12  }
0x357: {  	v13 =	vadd.s32 $0x80, v13;
	_ =	sdelay $0x2  }
0x358: {  	s22 =	sadd.s32 $0x10, s22  }
0x359: {  	[tilespmem:s22+$0x0] =	vst v11  }
0x35a: {  	v11 =	vld.idx.msk [tilespmem:v13+s15+$0x0], $0xffff;
	_ =	sdelay $0x1  }
0x35b: {  	v63 =	vmul.u32 $0xFFFFFFF6, v12;
	_ =	sdelay $0x1  }
0x35c: {  	v10 =	vadd.s32 v10, v63  }
0x35d: {  	v10 =	vadd.s32 v11, v10  }
0x35e: {  	v12 =	vshll.u32 v12, $0x7;
	v11 =	vand.u32 $0xFFFFFF80, v10  }
0x35f: {  	v10 =	vand.u32 $0x7F, v10;
	v11 =	vadd.s32 v11, v12  }
0x360: {  	v10 =	vor.u32 v10, v11  }
0x361: {  	v10 =	vadd.s32 $0x2800, v10;
	_ =	sdelay $0x4  }
0x362: {  	v10 =	vld.idx.msk [tilespmem:v10+s0+$0x0], $0xffff;
	_ =	sdelay $0x3  }
0x363: {  	s22 =	sadd.s32 $0x10, s22  }
0x364: {  	s23 =	simm.s32 $0x200;
	[tilespmem:s22+$0x0] =	vst v10;
	s22 =	simm.s32 $0x0  }
.LBB2_43:
0x365: {  	p0 =	sne.s32 s23, $0x9E00;
	[tilespmem:s22+$0x8670] =	vst v9  }
0x366: {  	[tilespmem:s22+$0x8600] =	vst v9  }
0x367: {  	[tilespmem:s22+$0x8610] =	vst v9  }
.Ltmp33:
0x368: {  	[tilespmem:s22+$0x8620] =	vst v9;
	(pc) =	sbr.rel @p0 .LBB2_43-.Ltmp33, $4  }
0x369: {  	[tilespmem:s22+$0x8630] =	vst v9  }
0x36a: {  	[tilespmem:s22+$0x8640] =	vst v9  }
0x36b: {  	[tilespmem:s22+$0x8650] =	vst v9  }
0x36c: {  	[tilespmem:s22+$0x8660] =	vst v9;
	s22 =	sshra.s32 s23, $0x2;
	s23 =	sadd.s32 $0x200, s23  }
0x36d: {  	[tilespmem:s22+$0x8670] =	vst v9  }
0x36e: {  	[tilespmem:s22+$0x8600] =	vst v9  }
0x36f: {  	[tilespmem:s22+$0x8610] =	vst v9  }
0x370: {  	[tilespmem:s22+$0x8620] =	vst v9  }
0x371: {  	[tilespmem:s22+$0x8630] =	vst v9  }
0x372: {  	[tilespmem:s22+$0x8640] =	vst v9  }
0x373: {  	[tilespmem:s22+$0x8650] =	vst v9  }
0x374: {  	[tilespmem:s22+$0x8660] =	vst v9  }
0x375: {  	[spmem:s9] =	stream.linear.scatter [tilespmem:s30], [sflag:$0xB], $0x2800, $0x38;
	[tilespmem:$0x1F080] =	vst v63  }
0x376: {  	_ =	swait.ge [sflag:s28], $0x2800  }
0x377: {  	[sflag:s28] =	ssyncset.done $0x0  }
0x378: {  	s18 =	rddreg [dreg:$0x14];
	[sflag:s28] =	ssyncadd.s32 $0xFFFFD800  }
0x379: {  	[spmem:s18] =	stream.linear.scatter [tilespmem:s30], [sflag:$0xB], $0x2800, $0x38;
	[tilespmem:$0x1F080] =	vst v63  }
0x37a: {  	_ =	swait.ge [sflag:s28], $0x2800  }
0x37b: {  	[sflag:s28] =	ssyncset.done $0x0  }
0x37c: {  	s26 =	rddreg [dreg:$0x15];
	[sflag:s28] =	ssyncadd.s32 $0xFFFFD800  }
0x37d: {  	[spmem:s26] =	stream.linear.scatter [tilespmem:s30], [sflag:$0xB], $0x2800, $0x38;
	[tilespmem:$0x1F080] =	vst v63  }
0x37e: {  	_ =	swait.ge [sflag:s28], $0x2800  }
0x37f: {  	[sflag:s28] =	ssyncset.done $0x0  }
0x380: {  	s22 =	rddreg [dreg:$0x16];
	[sflag:s28] =	ssyncadd.s32 $0xFFFFD800  }
0x381: {  	[spmem:s22] =	stream.linear.scatter [tilespmem:s30], [sflag:$0xB], $0x2800, $0x38;
	[tilespmem:$0x1F080] =	vst v63  }
0x382: {  	_ =	swait.ge [sflag:s28], $0x2800  }
0x383: {  	[sflag:s28] =	ssyncset.done $0x0  }
0x384: {  	s23 =	rddreg [dreg:$0x17];
	[sflag:s28] =	ssyncadd.s32 $0xFFFFD800  }
0x385: {  	[spmem:s23] =	stream.linear.scatter [tilespmem:s30], [sflag:$0xB], $0x2800, $0x38;
	[tilespmem:$0x1F080] =	vst v63  }
0x386: {  	_ =	swait.ge [sflag:s28], $0x2800  }
0x387: {  	[sflag:s28] =	ssyncset.done $0x0  }
0x388: {  	[sflag:s28] =	ssyncadd.s32 $0xFFFFD800  }
0x389: {  	v10 =	vld [tilespmem:$0x12800]  }
0x38a: {  	v11 =	vld [tilespmem:$0x12810]  }
0x38b: {  	v12 =	vld [tilespmem:$0x12820]  }
0x38c: {  	v13 =	vld [tilespmem:$0x12830]  }
0x38d: {  	v14 =	vld [tilespmem:$0x12840]  }
0x38e: {  	v10 =	vadd.s32 v3, v10  }
0x38f: {  	[tilespmem:$0x12600] =	vst v10;
	v10 =	vadd.s32 v3, v11  }
0x390: {  	[tilespmem:$0x12610] =	vst v10;
	v10 =	vadd.s32 v3, v12  }
0x391: {  	[tilespmem:$0x12620] =	vst v10;
	v10 =	vadd.s32 v3, v13  }
0x392: {  	[tilespmem:$0x12630] =	vst v10;
	v10 =	vadd.s32 v3, v14  }
0x393: {  	s24 =	simm.s32 $0x7620;
	[tilespmem:$0x12640] =	vst v10  }
0x394: {  	[tilespmem:s30], [sflag:$0x3] =	stream.indirect.gather [hbm4b:s1+s29], $0x80, s24, s29, $0xb8;
	[tilespmem:$0x1F080] =	vst v63  }
0x395: {  	v10 =	vld [tilespmem:$0x12800]  }
0x396: {  	v11 =	vld [tilespmem:$0x12810]  }
0x397: {  	v58 =	vld [tilespmem:$0x12820]  }
0x398: {  	v59 =	vld [tilespmem:$0x12830]  }
0x399: {  	v60 =	vld [tilespmem:$0x12840]  }
0x39a: {  	v10 =	vadd.s32 v0, v10  }
0x39b: {  	[tilespmem:$0x12680] =	vst v10;
	v10 =	vadd.s32 v0, v11  }
0x39c: {  	[tilespmem:$0x12690] =	vst v10;
	v10 =	vadd.s32 v0, v58  }
0x39d: {  	[tilespmem:$0x126A0] =	vst v10;
	v10 =	vadd.s32 v0, v59  }
0x39e: {  	[tilespmem:$0x126B0] =	vst v10;
	v10 =	vadd.s32 v0, v60  }
0x39f: {  	s25 =	simm.s32 $0x7670;
	[tilespmem:$0x126C0] =	vst v10  }
0x3a0: {  	[tilespmem:s8], [sflag:$0x4] =	stream.indirect.gather [hbm4b:s1+s29], $0x80, s25, s29, $0xb8;
	[tilespmem:$0x1F080] =	vst v63  }
0x3a1: {  	v10 =	vld [tilespmem:$0x12800]  }
0x3a2: {  	v11 =	vld [tilespmem:$0x12810]  }
0x3a3: {  	v61 =	vld [tilespmem:$0x12820]  }
0x3a4: {  	v62 =	vld [tilespmem:$0x12830]  }
0x3a5: {  	v63 =	vld [tilespmem:$0x12840]  }
0x3a6: {  	v10 =	vadd.s32 v1, v10  }
0x3a7: {  	[tilespmem:$0x12700] =	vst v10;
	v10 =	vadd.s32 v1, v11  }
.Ltmp34:
0x3a8: {  	[tilespmem:$0x12710] =	vst v10;
	v10 =	vadd.s32 v1, v61;
	(pc) =	sbr.rel .LBB2_45-.Ltmp34, $4  }
0x3a9: {  	[tilespmem:$0x12720] =	vst v10;
	v10 =	vadd.s32 v1, v62  }
0x3aa: {  	[tilespmem:$0x12730] =	vst v10;
	v10 =	vadd.s32 v1, v63  }
0x3ab: {  	s26 =	simm.s32 $0x76C0;
	s22 =	simm.s32 $0x0;
	[tilespmem:$0x12740] =	vst v10  }
0x3ac: {  	[tilespmem:s16], [sflag:$0x5] =	stream.indirect.gather [hbm4b:s1+s29], $0x80, s26, s29, $0xb8;
	[tilespmem:$0x1F080] =	vst v63  }
.LBB2_69:
0x3ad: {  	_ = 	snop  }
0x3ae: {  	v12 =	vmul.u32 $0x199A, v10;
	_ =	sdelay $0x1  }
0x3af: {  	v12 =	vshrl.u32 v12, $0x10  }
0x3b0: {  	v11 =	vld.idx.msk [tilespmem:v11+s0+$0x0], $0xffff;
	v13 =	vand.u32 $0x7FFF, v12  }
0x3b1: {  	v13 =	vadd.s32 $0x80, v13;
	_ =	sdelay $0x2  }
0x3b2: {  	s18 =	sadd.s32 $0x10, s23  }
0x3b3: {  	[tilespmem:s18+$0x0] =	vst v11  }
0x3b4: {  	v11 =	vld.idx.msk [tilespmem:v13+s15+$0x0], $0xffff;
	_ =	sdelay $0x1  }
0x3b5: {  	v63 =	vmul.u32 $0xFFFFFFF6, v12;
	_ =	sdelay $0x1  }
0x3b6: {  	v10 =	vadd.s32 v10, v63  }
0x3b7: {  	v10 =	vadd.s32 v11, v10  }
0x3b8: {  	v12 =	vshll.u32 v12, $0x7;
	v11 =	vand.u32 $0xFFFFFF80, v10  }
0x3b9: {  	v10 =	vand.u32 $0x7F, v10;
	v11 =	vadd.s32 v11, v12  }
0x3ba: {  	v10 =	vor.u32 v10, v11  }
0x3bb: {  	v10 =	vadd.s32 $0x2800, v10;
	_ =	sdelay $0x4  }
0x3bc: {  	v10 =	vld.idx.msk [tilespmem:v10+s0+$0x0], $0xffff;
	_ =	sdelay $0x3  }
0x3bd: {  	s18 =	sadd.s32 $0x10, s18  }
0x3be: {  	[tilespmem:s18+$0x0] =	vst v10  }
.LBB2_76:
0x3bf: {  	s22 =	sadd.s32 $0x1, s22  }
0x3c0: {  	p0 =	sne.s32 s22, $0x32  }
.Ltmp35:
0x3c1: {  	_ = 	snop;
	(pc) =	sbr.rel @!p0 .LBB2_77-.Ltmp35, $1  }
0x3c2: {  	_ =	sdelay $0x3  }
.LBB2_45:
0x3c3: {  	s23 =	sand.u32 $0x3, s22  }
0x3c4: {  	p0 =	sgt.s32 s23, $0x1  }
.Ltmp36:
0x3c5: {  	_ = 	snop;
	(pc) =	sbr.rel @p0 .LBB2_48-.Ltmp36, $1  }
0x3c6: {  	_ =	sdelay $0x3  }
0x3c7: {  	p0 =	seq.s32 s23, $0x0  }
.Ltmp37:
0x3c8: {  	_ = 	snop;
	(pc) =	sbr.rel @!p0 .LBB2_47-.Ltmp37, $1  }
0x3c9: {  	_ =	sdelay $0x3  }
0x3ca: {  	p3 =	seq.s32 s22, $0x0  }
.Ltmp38:
0x3cb: {  	_ = 	snop;
	(pc) =	sbr.rel @!p3 .LBB2_52-.Ltmp38, $4  }
.Ltmp39:
0x3cc: {  	s24 =	simm.s32 $0x3;
	(pc) =	sbr.rel @p3 .LBB2_58-.Ltmp39, $4  }
0x3cd: {  	_ =	swait.ge [sflag:s24], $0x2800  }
0x3ce: {  	p0 =	por $0x0, $0x0;
	[sflag:s24] =	ssyncset.done $0x0  }
0x3cf: {  	p2 =	por $0x0, $0x0;
	p1 =	por $0x0, $0x0;
	[sflag:s24] =	ssyncadd.s32 $0xFFFFD800  }
0x3d0: {  	_ = 	snop  }
.LBB2_48:
0x3d1: {  	p0 =	seq.s32 s23, $0x3  }
.Ltmp40:
0x3d2: {  	_ = 	snop;
	(pc) =	sbr.rel @!p0 .LBB2_49-.Ltmp40, $1  }
0x3d3: {  	_ =	sdelay $0x3  }
.Ltmp41:
0x3d4: {  	(pc) =	sbr.rel .LBB2_51-.Ltmp41, $3  }
0x3d5: {  	_ =	sdelay $0x1  }
0x3d6: {  	p1 =	por $0x1, $0x1  }
0x3d7: {  	p0 =	por $0x0, $0x0;
	s24 =	simm.s32 $0x6;
	p2 =	por $0x0, $0x0  }
.LBB2_47:
.Ltmp42:
0x3d8: {  	(pc) =	sbr.rel .LBB2_51-.Ltmp42, $3  }
0x3d9: {  	_ =	sdelay $0x1  }
0x3da: {  	p2 =	por $0x1, $0x1  }
0x3db: {  	p0 =	por $0x0, $0x0;
	s24 =	simm.s32 $0x4;
	p1 =	por $0x0, $0x0  }
.LBB2_49:
0x3dc: {  	p2 =	por $0x0, $0x0  }
0x3dd: {  	p0 =	por $0x1, $0x1;
	s24 =	simm.s32 $0x5;
	p1 =	por $0x0, $0x0  }
.LBB2_51:
0x3de: {  	_ =	swait.ge [sflag:s24], $0x2800  }
0x3df: {  	[sflag:s24] =	ssyncset.done $0x0  }
0x3e0: {  	[sflag:s24] =	ssyncadd.s32 $0xFFFFD800  }
.LBB2_52:
0x3e1: {  	s24 =	sadd.s32 $0x3, s22  }
0x3e2: {  	s25 =	sand.u32 $0x3, s24  }
0x3e3: {  	p3 =	sgt.s32 s25, $0x1  }
0x3e4: {  	p4 =	seq.s32 @p3 s25, $0x2  }
0x3e5: {  	p4 =	por !p4, !p3  }
0x3e6: {  	s18 =	simm.s32 $0x7;
	p5 =	seq.s32 @!p3 s25, $0x0;
	s26 =	simm.s32 @!p4 $0x9  }
0x3e7: {  	p5 =	por !p5, p3;
	s26 =	simm.s32 @p4 $0xA;
	p4 =	sgt.u32 s22, $0x2E  }
.Ltmp43:
0x3e8: {  	s18 =	simm.s32 @p5 $0x8;
	(pc) =	sbr.rel @p4 .LBB2_59-.Ltmp43, $4  }
0x3e9: {  	s18 =	smov.u32 @p3 s26  }
0x3ea: {  	_ =	swait.ge [sflag:s18], $0x2800  }
0x3eb: {  	[sflag:s18] =	ssyncset.done $0x0  }
0x3ec: {  	[sflag:s18] =	ssyncadd.s32 $0xFFFFD800  }
.Ltmp44:
0x3ed: {  	(pc) =	sbr.rel @p3 .LBB2_55-.Ltmp44, $1  }
0x3ee: {  	_ =	sdelay $0x3  }
0x3ef: {  	p3 =	seq.s32 s25, $0x0  }
0x3f0: {  	v10 =	vld @p3 [tilespmem:$0x12800]  }
0x3f1: {  	v11 =	vld @p3 [tilespmem:$0x12810]  }
0x3f2: {  	v12 =	vld @p3 [tilespmem:$0x12820]  }
0x3f3: {  	s18 =	sshll.u32 @p3 s24, $0x3;
	v13 =	vld @p3 [tilespmem:$0x12830]  }
0x3f4: {  	v14 =	vld @p3 [tilespmem:$0x12840];
	s18 =	sadd.s32 @p3 s6, s18  }
0x3f5: {  	v10 =	vadd.s32 @p3 s18, v10  }
0x3f6: {  	[tilespmem:$0x12600] =	vst @p3 v10;
	v10 =	vadd.s32 @p3 s18, v11  }
0x3f7: {  	s25 =	smul.u32 @p3 $0x140, s22;
	[tilespmem:$0x12610] =	vst @p3 v10;
	v10 =	vadd.s32 @p3 s18, v12  }
0x3f8: {  	[tilespmem:$0x12620] =	vst @p3 v10;
	v10 =	vadd.s32 @p3 s18, v13  }
0x3f9: {  	[tilespmem:$0x12630] =	vst @p3 v10;
	v10 =	vadd.s32 @p3 s18, v14;
	s18 =	sshra.s32 @p3 s25, $0x2  }
0x3fa: {  	s26 =	simm.s32 @p3 $0x8600;
	s25 =	simm.s32 @p3 $0x50;
	[tilespmem:$0x12640] =	vst @p3 v10;
	s18 =	sadd.s32 @p3 $0x7710, s18  }
0x3fb: {  	[tilespmem:s26], [sflag:$0x3] =	stream.indirect.gather @p3 [hbm4b:s1+s25], $0x80, s18, s25, $0xb8;
	[tilespmem:$0x1F080] =	vst v63  }
0x3fc: {  	v10 =	vld @!p3 [tilespmem:$0x12800]  }
0x3fd: {  	v11 =	vld @!p3 [tilespmem:$0x12810]  }
0x3fe: {  	v12 =	vld @!p3 [tilespmem:$0x12820]  }
0x3ff: {  	s18 =	sshll.u32 @!p3 s24, $0x3;
	v13 =	vld @!p3 [tilespmem:$0x12830]  }
0x400: {  	s18 =	sadd.s32 @!p3 s6, s18;
	v14 =	vld @!p3 [tilespmem:$0x12840]  }
0x401: {  	v10 =	vadd.s32 @!p3 s18, v10  }
0x402: {  	s24 =	smul.u32 @!p3 $0x140, s22;
	[tilespmem:$0x12680] =	vst @!p3 v10;
	v10 =	vadd.s32 @!p3 s18, v11  }
.Ltmp45:
0x403: {  	[tilespmem:$0x12690] =	vst @!p3 v10;
	v10 =	vadd.s32 @!p3 s18, v12;
	(pc) =	sbr.rel .LBB2_59-.Ltmp45, $4  }
0x404: {  	[tilespmem:$0x126A0] =	vst @!p3 v10;
	v10 =	vadd.s32 @!p3 s18, v13  }
0x405: {  	[tilespmem:$0x126B0] =	vst @!p3 v10;
	v10 =	vadd.s32 @!p3 s18, v14;
	s18 =	sshra.s32 @!p3 s24, $0x2  }
0x406: {  	s25 =	simm.s32 @!p3 $0xAE00;
	s24 =	simm.s32 @!p3 $0x50;
	[tilespmem:$0x126C0] =	vst @!p3 v10;
	s18 =	sadd.s32 @!p3 $0x7710, s18  }
0x407: {  	[tilespmem:s25], [sflag:$0x4] =	stream.indirect.gather @!p3 [hbm4b:s1+s24], $0x80, s18, s24, $0xb8;
	[tilespmem:$0x1F080] =	vst v63  }
.LBB2_55:
0x408: {  	p3 =	seq.s32 s25, $0x2  }
.Ltmp46:
0x409: {  	_ = 	snop;
	(pc) =	sbr.rel @!p3 .LBB2_58-.Ltmp46, $1  }
0x40a: {  	_ =	sdelay $0x3  }
0x40b: {  	v10 =	vld [tilespmem:$0x12800]  }
0x40c: {  	v11 =	vld [tilespmem:$0x12810]  }
0x40d: {  	v14 =	vld [tilespmem:$0x12840]  }
0x40e: {  	v12 =	vld [tilespmem:$0x12820];
	s18 =	sshll.u32 s24, $0x3  }
0x40f: {  	v13 =	vld [tilespmem:$0x12830];
	s18 =	sadd.s32 s6, s18  }
0x410: {  	v10 =	vadd.s32 s18, v10  }
0x411: {  	s25 =	smul.u32 $0x140, s22;
	[tilespmem:$0x12700] =	vst v10;
	v10 =	vadd.s32 s18, v11  }
.Ltmp47:
0x412: {  	v11 =	vadd.s32 s18, v14;
	[tilespmem:$0x12710] =	vst v10;
	(pc) =	sbr.rel .LBB2_59-.Ltmp47, $4  }
0x413: {  	v10 =	vadd.s32 s18, v12;
	[tilespmem:$0x12740] =	vst v11  }
0x414: {  	s26 =	sshra.s32 s25, $0x2;
	[tilespmem:$0x12720] =	vst v10;
	v10 =	vadd.s32 s18, v13  }
0x415: {  	s18 =	sadd.s32 $0x7710, s26;
	[tilespmem:$0x12730] =	vst v10  }
0x416: {  	[tilespmem:s16], [sflag:$0x5] =	stream.indirect.gather [hbm4b:s1+s29], $0x80, s18, s29, $0xb8;
	[tilespmem:$0x1F080] =	vst v63  }
.LBB2_58:
0x417: {  	v10 =	vld [tilespmem:$0x12800]  }
0x418: {  	v11 =	vld [tilespmem:$0x12810]  }
0x419: {  	v14 =	vld [tilespmem:$0x12840]  }
0x41a: {  	v12 =	vld [tilespmem:$0x12820];
	s18 =	sshll.u32 s24, $0x3  }
0x41b: {  	v13 =	vld [tilespmem:$0x12830];
	s18 =	sadd.s32 s6, s18  }
0x41c: {  	v10 =	vadd.s32 s18, v10  }
0x41d: {  	[tilespmem:$0x12780] =	vst v10;
	v10 =	vadd.s32 s18, v11  }
0x41e: {  	s25 =	smul.u32 $0x140, s22;
	v11 =	vadd.s32 s18, v14;
	[tilespmem:$0x12790] =	vst v10  }
0x41f: {  	v10 =	vadd.s32 s18, v12;
	[tilespmem:$0x127C0] =	vst v11  }
0x420: {  	s26 =	sshra.s32 s25, $0x2;
	[tilespmem:$0x127A0] =	vst v10;
	v10 =	vadd.s32 s18, v13  }
0x421: {  	s18 =	sadd.s32 $0x7710, s26;
	[tilespmem:$0x127B0] =	vst v10  }
0x422: {  	[tilespmem:s17], [sflag:$0x6] =	stream.indirect.gather [hbm4b:s1+s29], $0x80, s18, s29, $0xb8;
	[tilespmem:$0x1F080] =	vst v63  }
.LBB2_59:
0x423: {  	p3 =	sne.s32 s23, $0x0  }
0x424: {  	s18 =	simm.s32 @!p3 $0x50;
	s23 =	simm.s32 @!p3 $0x12600;
	s24 =	simm.s32 @!p3 $0x8600  }
0x425: {  	[spmem:s3] =	stream.indirect.scatter.add.f32 @!p3 [tilespmem:s24], [sflag:$0x7], $0x80, s23, s18, $0xb8;
	[tilespmem:$0x1F080] =	vst v63  }
0x426: {  	s18 =	simm.s32 @p2 $0x50;
	s23 =	simm.s32 @p2 $0x12680;
	s24 =	simm.s32 @p2 $0xAE00  }
0x427: {  	[spmem:s3] =	stream.indirect.scatter.add.f32 @p2 [tilespmem:s24], [sflag:$0x8], $0x80, s23, s18, $0xb8;
	[tilespmem:$0x1F080] =	vst v63  }
0x428: {  	s18 =	simm.s32 @p0 $0x50;
	s23 =	simm.s32 @p0 $0x12700;
	s24 =	simm.s32 @p0 $0xD600  }
0x429: {  	[spmem:s3] =	stream.indirect.scatter.add.f32 @p0 [tilespmem:s24], [sflag:$0x9], $0x80, s23, s18, $0xb8;
	[tilespmem:$0x1F080] =	vst v63  }
0x42a: {  	p0 =	sgt.s32 s22, $0x13  }
.Ltmp48:
0x42b: {  	_ = 	snop;
	(pc) =	sbr.rel @p0 .LBB2_65-.Ltmp48, $3  }
0x42c: {  	_ =	sdelay $0x1  }
0x42d: {  	s18 =	simm.s32 @p1 $0x50;
	s23 =	simm.s32 @p1 $0x12780;
	s24 =	simm.s32 @p1 $0xFE00  }
0x42e: {  	[spmem:s3] =	stream.indirect.scatter.add.f32 @p1 [tilespmem:s24], [sflag:$0xA], $0x80, s23, s18, $0xb8;
	[tilespmem:$0x1F080] =	vst v63  }
0x42f: {  	p0 =	seq.s32 s22, $0x0  }
.Ltmp49:
0x430: {  	_ = 	snop;
	(pc) =	sbr.rel @p0 .LBB2_70-.Ltmp49, $1  }
0x431: {  	_ =	sdelay $0x3  }
0x432: {  	p0 =	seq.s32 s22, $0xA  }
.Ltmp50:
0x433: {  	_ = 	snop;
	(pc) =	sbr.rel @!p0 .LBB2_76-.Ltmp50, $1  }
0x434: {  	_ =	sdelay $0x3  }
0x435: {  	_ =	swait.ge [sflag:s31], $0x2800  }
0x436: {  	[sflag:s31] =	ssyncset.done $0x0  }
0x437: {  	[sflag:s31] =	ssyncadd.s32 $0xFFFFD800  }
0x438: {  	v10 =	vld [tilespmem:$0x300];
	_ =	sdelay $0x1  }
0x439: {  	v11 =	vld [tilespmem:$0x310];
	_ =	sdelay $0x1  }
0x43a: {  	v12 =	vld [tilespmem:$0x320]  }
0x43b: {  	v13 =	vshra.s32 v10, $0x2;
	v10 =	vshll.u32 v10, $0x5  }
0x43c: {  	s18 =	simm.s32 $0x0;
	v58 =	vld [tilespmem:$0x330];
	[tilespmem:$0x1480] =	vst v13;
	v10 =	vand.u32 $0x60, v10  }
0x43d: {  	v14 =	vor.u32 s18, v4;
	[tilespmem:$0x1580] =	vst v10;
	v10 =	vshra.s32 v11, $0x2;
	v11 =	vshll.u32 v11, $0x5  }
0x43e: {  	v15 =	vmul.u32 $0x199A, v14;
	[tilespmem:$0x1490] =	vst v10;
	v10 =	vand.u32 $0x60, v11;
	v11 =	vld [tilespmem:$0x340]  }
0x43f: {  	[tilespmem:$0x1590] =	vst v10;
	v10 =	vshra.s32 v12, $0x2;
	v12 =	vshll.u32 v12, $0x5  }
0x440: {  	v59 =	vshrl.u32 v15, $0x10;
	[tilespmem:$0x14A0] =	vst v10;
	v10 =	vand.u32 $0x60, v12  }
0x441: {  	v15 =	vand.u32 $0x7FFF, v59;
	v13 =	vshll.u32 v58, $0x5;
	[tilespmem:$0x15A0] =	vst v10;
	v10 =	vshra.s32 v58, $0x2  }
0x442: {  	v60 =	vadd.s32 $0x80, v15;
	[tilespmem:$0x14B0] =	vst v10;
	v10 =	vand.u32 $0x60, v13  }
0x443: {  	[tilespmem:$0x15B0] =	vst v10;
	v10 =	vshra.s32 v11, $0x2;
	v11 =	vshll.u32 v11, $0x5  }
0x444: {  	[tilespmem:$0x14C0] =	vst v10;
	v10 =	vand.u32 $0x60, v11  }
0x445: {  	[tilespmem:$0x15C0] =	vst v10  }
0x446: {  	[tilespmem:s0], [sflag:$0x1] =	stream.indirect.gather [hbm4b:s5+s29], $0x80, s12, s29, $0xb8;
	[tilespmem:$0x1F080] =	vst v63  }
0x447: {  	v10 =	vld.idx.msk [tilespmem:v60+s15+$0x0], $0xffff;
	_ =	sdelay $0x1  }
0x448: {  	v11 =	vmul.u32 $0xFFFFFFF6, v59;
	_ =	sdelay $0x1  }
0x449: {  	v11 =	vadd.s32 v14, v11  }
0x44a: {  	v10 =	vadd.s32 v10, v11  }
0x44b: {  	v12 =	vshll.u32 v59, $0x7;
	v11 =	vand.u32 $0xFFFFFF80, v10  }
0x44c: {  	v10 =	vand.u32 $0x7F, v10;
	v11 =	vadd.s32 v11, v12  }
0x44d: {  	v10 =	vor.u32 v10, v11  }
0x44e: {  	s25 =	simm.s32 $0x10;
	v10 =	vadd.s32 $0x2800, v10  }
0x44f: {  	v11 =	vor.u32 s25, v4  }
0x450: {  	v61 =	vmul.u32 $0x199A, v11;
	_ =	sdelay $0x1  }
0x451: {  	v12 =	vshrl.u32 v61, $0x10  }
0x452: {  	v62 =	vand.u32 $0x7FFF, v12;
	v10 =	vld.idx.msk [tilespmem:v10+s0+$0x0], $0xffff  }
0x453: {  	v13 =	vadd.s32 $0x80, v62;
	_ =	sdelay $0x2  }
0x454: {  	s23 =	simm.s32 $0x7C60  }
0x455: {  	[tilespmem:s23+$0x0] =	vst v10  }
0x456: {  	v10 =	vld.idx.msk [tilespmem:v13+s15+$0x0], $0xffff;
	_ =	sdelay $0x1  }
0x457: {  	v63 =	vmul.u32 $0xFFFFFFF6, v12;
	_ =	sdelay $0x1  }
0x458: {  	v11 =	vadd.s32 v11, v63  }
0x459: {  	v10 =	vadd.s32 v10, v11  }
0x45a: {  	v12 =	vshll.u32 v12, $0x7;
	v11 =	vand.u32 $0xFFFFFF80, v10  }
0x45b: {  	v10 =	vand.u32 $0x7F, v10;
	v11 =	vadd.s32 v11, v12  }
0x45c: {  	v10 =	vor.u32 v10, v11  }
0x45d: {  	v11 =	vadd.s32 $0x2800, v10  }
0x45e: {  	s26 =	simm.s32 $0x20  }
0x45f: {  	s24 =	simm.s32 $0x30;
	v10 =	vor.u32 s26, v4  }
.LBB2_63:
0x460: {  	p0 =	seq.s32 s24, $0x310;
	v12 =	vmul.u32 $0x199A, v10;
	_ =	sdelay $0x1  }
0x461: {  	v12 =	vshrl.u32 v12, $0x10;
	v11 =	vld.idx.msk [tilespmem:v11+s0+$0x0], $0xffff  }
0x462: {  	v13 =	vand.u32 $0x7FFF, v12  }
0x463: {  	v13 =	vadd.s32 $0x80, v13;
	_ =	sdelay $0x2  }
0x464: {  	s23 =	sadd.s32 $0x10, s23  }
0x465: {  	[tilespmem:s23+$0x0] =	vst v11  }
0x466: {  	v11 =	vld.idx.msk [tilespmem:v13+s15+$0x0], $0xffff;
	_ =	sdelay $0x2  }
0x467: {  	v13 =	vmul.u32 $0xFFFFFFF6, v12;
	_ =	sdelay $0x1  }
0x468: {  	v10 =	vadd.s32 v10, v13  }
0x469: {  	v10 =	vadd.s32 v11, v10  }
0x46a: {  	v12 =	vshll.u32 v12, $0x7;
	v11 =	vand.u32 $0xFFFFFF80, v10  }
.Ltmp51:
0x46b: {  	v10 =	vand.u32 $0x7F, v10;
	v11 =	vadd.s32 v11, v12;
	(pc) =	sbr.rel @!p0 .LBB2_63-.Ltmp51, $3  }
0x46c: {  	v10 =	vor.u32 v10, v11  }
0x46d: {  	v11 =	vadd.s32 $0x2800, v10;
	_ =	sdelay $0x1  }
0x46e: {  	v10 =	vor.u32 s24, v4;
	s24 =	sadd.s32 $0x10, s24  }
0x46f: {  	_ = 	snop  }
0x470: {  	v12 =	vmul.u32 $0x199A, v10;
	_ =	sdelay $0x1  }
0x471: {  	v12 =	vshrl.u32 v12, $0x10  }
0x472: {  	v11 =	vld.idx.msk [tilespmem:v11+s0+$0x0], $0xffff;
	v13 =	vand.u32 $0x7FFF, v12  }
0x473: {  	v13 =	vadd.s32 $0x80, v13;
	_ =	sdelay $0x2  }
0x474: {  	s18 =	sadd.s32 $0x10, s23  }
0x475: {  	[tilespmem:s18+$0x0] =	vst v11  }
0x476: {  	v11 =	vld.idx.msk [tilespmem:v13+s15+$0x0], $0xffff;
	_ =	sdelay $0x1  }
0x477: {  	v63 =	vmul.u32 $0xFFFFFFF6, v12;
	_ =	sdelay $0x1  }
0x478: {  	v10 =	vadd.s32 v10, v63  }
0x479: {  	v10 =	vadd.s32 v11, v10  }
0x47a: {  	v12 =	vshll.u32 v12, $0x7;
	v11 =	vand.u32 $0xFFFFFF80, v10  }
0x47b: {  	v10 =	vand.u32 $0x7F, v10;
	v11 =	vadd.s32 v11, v12  }
0x47c: {  	v10 =	vor.u32 v10, v11  }
0x47d: {  	v10 =	vadd.s32 $0x2800, v10;
	_ =	sdelay $0x4  }
0x47e: {  	v10 =	vld.idx.msk [tilespmem:v10+s0+$0x0], $0xffff  }
.Ltmp52:
0x47f: {  	_ = 	snop;
	(pc) =	sbr.rel .LBB2_76-.Ltmp52, $3  }
0x480: {  	_ =	sdelay $0x1  }
0x481: {  	s18 =	sadd.s32 $0x10, s18  }
0x482: {  	[tilespmem:s18+$0x0] =	vst v10  }
.LBB2_65:
0x483: {  	p0 =	seq.s32 s22, $0x14  }
.Ltmp53:
0x484: {  	_ = 	snop;
	(pc) =	sbr.rel @p0 .LBB2_73-.Ltmp53, $1  }
0x485: {  	_ =	sdelay $0x3  }
0x486: {  	p0 =	seq.s32 s22, $0x1E  }
.Ltmp54:
0x487: {  	_ = 	snop;
	(pc) =	sbr.rel @!p0 .LBB2_76-.Ltmp54, $1  }
0x488: {  	_ =	sdelay $0x3  }
0x489: {  	s18 =	simm.s32 $0x0  }
0x48a: {  	v10 =	vor.u32 s18, v4  }
0x48b: {  	v11 =	vmul.u32 $0x199A, v10;
	_ =	sdelay $0x1  }
0x48c: {  	v11 =	vshrl.u32 v11, $0x10  }
0x48d: {  	v12 =	vand.u32 $0x7FFF, v11  }
0x48e: {  	v12 =	vadd.s32 $0x80, v12;
	_ =	sdelay $0x1  }
0x48f: {  	_ =	swait.ge [sflag:s31], $0x2800  }
0x490: {  	[sflag:s31] =	ssyncset.done $0x0  }
0x491: {  	[sflag:s31] =	ssyncadd.s32 $0xFFFFD800  }
0x492: {  	v12 =	vld.idx.msk [tilespmem:v12+s15+$0x0], $0xffff;
	_ =	sdelay $0x1  }
0x493: {  	v13 =	vmul.u32 $0xFFFFFFF6, v11;
	_ =	sdelay $0x1  }
0x494: {  	v10 =	vadd.s32 v10, v13  }
0x495: {  	v10 =	vadd.s32 v12, v10  }
0x496: {  	v11 =	vshll.u32 v11, $0x7;
	v12 =	vand.u32 $0xFFFFFF80, v10  }
0x497: {  	v10 =	vand.u32 $0x7F, v10;
	v11 =	vadd.s32 v12, v11  }
0x498: {  	v10 =	vor.u32 v10, v11  }
0x499: {  	s25 =	simm.s32 $0x10;
	v10 =	vadd.s32 $0x2800, v10  }
0x49a: {  	v11 =	vor.u32 s25, v4  }
0x49b: {  	v61 =	vmul.u32 $0x199A, v11;
	_ =	sdelay $0x1  }
0x49c: {  	v12 =	vshrl.u32 v61, $0x10  }
0x49d: {  	v62 =	vand.u32 $0x7FFF, v12;
	v10 =	vld.idx.msk [tilespmem:v10+s0+$0x0], $0xffff  }
0x49e: {  	v13 =	vadd.s32 $0x80, v62;
	_ =	sdelay $0x2  }
0x49f: {  	s23 =	simm.s32 $0x82A0  }
0x4a0: {  	[tilespmem:s23+$0x0] =	vst v10  }
0x4a1: {  	v10 =	vld.idx.msk [tilespmem:v13+s15+$0x0], $0xffff;
	_ =	sdelay $0x1  }
0x4a2: {  	v63 =	vmul.u32 $0xFFFFFFF6, v12;
	_ =	sdelay $0x1  }
0x4a3: {  	v11 =	vadd.s32 v11, v63  }
0x4a4: {  	v10 =	vadd.s32 v10, v11  }
0x4a5: {  	v12 =	vshll.u32 v12, $0x7;
	v11 =	vand.u32 $0xFFFFFF80, v10  }
0x4a6: {  	v10 =	vand.u32 $0x7F, v10;
	v11 =	vadd.s32 v11, v12  }
0x4a7: {  	v10 =	vor.u32 v10, v11  }
0x4a8: {  	v11 =	vadd.s32 $0x2800, v10  }
0x4a9: {  	s26 =	simm.s32 $0x20  }
0x4aa: {  	s24 =	simm.s32 $0x30;
	v10 =	vor.u32 s26, v4  }
.LBB2_68:
0x4ab: {  	p0 =	sne.s32 s24, $0x310;
	v12 =	vmul.u32 $0x199A, v10;
	_ =	sdelay $0x1  }
0x4ac: {  	v12 =	vshrl.u32 v12, $0x10;
	v11 =	vld.idx.msk [tilespmem:v11+s0+$0x0], $0xffff  }
0x4ad: {  	v13 =	vand.u32 $0x7FFF, v12  }
0x4ae: {  	v13 =	vadd.s32 $0x80, v13;
	_ =	sdelay $0x2  }
0x4af: {  	s23 =	sadd.s32 $0x10, s23  }
0x4b0: {  	[tilespmem:s23+$0x0] =	vst v11  }
0x4b1: {  	v11 =	vld.idx.msk [tilespmem:v13+s15+$0x0], $0xffff;
	_ =	sdelay $0x2  }
0x4b2: {  	v13 =	vmul.u32 $0xFFFFFFF6, v12;
	_ =	sdelay $0x1  }
0x4b3: {  	v10 =	vadd.s32 v10, v13  }
0x4b4: {  	v10 =	vadd.s32 v11, v10  }
0x4b5: {  	v12 =	vshll.u32 v12, $0x7;
	v11 =	vand.u32 $0xFFFFFF80, v10  }
.Ltmp55:
0x4b6: {  	v10 =	vand.u32 $0x7F, v10;
	v11 =	vadd.s32 v11, v12;
	(pc) =	sbr.rel @p0 .LBB2_68-.Ltmp55, $3  }
0x4b7: {  	v10 =	vor.u32 v10, v11  }
0x4b8: {  	v11 =	vadd.s32 $0x2800, v10;
	_ =	sdelay $0x1  }
0x4b9: {  	v10 =	vor.u32 s24, v4;
	s24 =	sadd.s32 $0x10, s24  }
.Ltmp56:
0x4ba: {  	_ = 	snop;
	(pc) =	sbr.rel .LBB2_69-.Ltmp56, $1  }
0x4bb: {  	_ =	sdelay $0x3  }
.LBB2_70:
0x4bc: {  	_ =	swait.ge [sflag:s2], $0x2800  }
0x4bd: {  	[sflag:s2] =	ssyncset.done $0x0  }
0x4be: {  	[sflag:s2] =	ssyncadd.s32 $0xFFFFD800  }
0x4bf: {  	v10 =	vld [tilespmem:$0x2B0];
	_ =	sdelay $0x1  }
0x4c0: {  	v11 =	vld [tilespmem:$0x2C0];
	_ =	sdelay $0x1  }
0x4c1: {  	v12 =	vld [tilespmem:$0x2D0]  }
0x4c2: {  	v13 =	vshra.s32 v10, $0x2;
	v10 =	vshll.u32 v10, $0x5  }
0x4c3: {  	v60 =	vld [tilespmem:$0x2E0];
	[tilespmem:$0x1500] =	vst v13;
	v10 =	vand.u32 $0x60, v10  }
0x4c4: {  	[tilespmem:$0x1600] =	vst v10;
	v10 =	vshra.s32 v11, $0x2;
	v11 =	vshll.u32 v11, $0x5  }
0x4c5: {  	s18 =	simm.s32 $0x0;
	[tilespmem:$0x1510] =	vst v10;
	v10 =	vand.u32 $0x60, v11;
	v11 =	vld [tilespmem:$0x2F0]  }
0x4c6: {  	v14 =	vor.u32 s18, v4;
	[tilespmem:$0x1610] =	vst v10;
	v10 =	vshra.s32 v12, $0x2;
	v12 =	vshll.u32 v12, $0x5  }
0x4c7: {  	v61 =	vmul.u32 $0x199A, v14;
	[tilespmem:$0x1520] =	vst v10;
	v10 =	vand.u32 $0x60, v12  }
0x4c8: {  	v13 =	vshll.u32 v60, $0x5;
	[tilespmem:$0x1620] =	vst v10;
	v10 =	vshra.s32 v60, $0x2  }
0x4c9: {  	v12 =	vshrl.u32 v61, $0x10;
	[tilespmem:$0x1530] =	vst v10;
	v10 =	vand.u32 $0x60, v13  }
0x4ca: {  	[tilespmem:$0x1630] =	vst v10;
	v10 =	vshra.s32 v11, $0x2;
	v11 =	vshll.u32 v11, $0x5  }
0x4cb: {  	[tilespmem:$0x1540] =	vst v10;
	v10 =	vand.u32 $0x60, v11  }
0x4cc: {  	[tilespmem:$0x1640] =	vst v10  }
0x4cd: {  	[tilespmem:s14], [sflag:$0x2] =	stream.indirect.gather [hbm4b:s5+s29], $0x80, s13, s29, $0xb8;
	[tilespmem:$0x1F080] =	vst v63  }
0x4ce: {  	v10 =	vld.idx.msk [tilespmem:v12+s15+$0x0], $0xffff;
	_ =	sdelay $0x1  }
0x4cf: {  	v11 =	vmul.u32 $0xFFFFFFF6, v12;
	_ =	sdelay $0x1  }
0x4d0: {  	v11 =	vadd.s32 v14, v11  }
0x4d1: {  	v10 =	vadd.s32 v10, v11  }
0x4d2: {  	v12 =	vshll.u32 v12, $0x7;
	v11 =	vand.u32 $0xFFFFFF80, v10  }
0x4d3: {  	v10 =	vand.u32 $0x7F, v10;
	v11 =	vadd.s32 v12, v11  }
0x4d4: {  	v10 =	vor.u32 v10, v11;
	_ =	sdelay $0x1  }
0x4d5: {  	s25 =	simm.s32 $0x10  }
0x4d6: {  	v11 =	vor.u32 s25, v4  }
0x4d7: {  	v62 =	vmul.u32 $0x199A, v11  }
0x4d8: {  	v10 =	vld.idx.msk [tilespmem:v10+s0+$0x0], $0xffff  }
0x4d9: {  	v12 =	vshrl.u32 v62, $0x10;
	_ =	sdelay $0x2  }
0x4da: {  	s23 =	simm.s32 $0x7940  }
0x4db: {  	[tilespmem:s23+$0x0] =	vst v10  }
0x4dc: {  	v10 =	vld.idx.msk [tilespmem:v12+s15+$0x0], $0xffff;
	_ =	sdelay $0x1  }
0x4dd: {  	v63 =	vmul.u32 $0xFFFFFFF6, v12;
	_ =	sdelay $0x1  }
0x4de: {  	v11 =	vadd.s32 v11, v63  }
0x4df: {  	v10 =	vadd.s32 v10, v11  }
0x4e0: {  	v12 =	vshll.u32 v12, $0x7;
	v11 =	vand.u32 $0xFFFFFF80, v10  }
0x4e1: {  	v10 =	vand.u32 $0x7F, v10;
	v11 =	vadd.s32 v12, v11  }
0x4e2: {  	v11 =	vor.u32 v10, v11;
	_ =	sdelay $0x2  }
0x4e3: {  	s26 =	simm.s32 $0x20  }
0x4e4: {  	s24 =	simm.s32 $0x30;
	v10 =	vor.u32 s26, v4  }
.LBB2_71:
0x4e5: {  	p0 =	seq.s32 s24, $0x310;
	v12 =	vmul.u32 $0x199A, v10;
	v11 =	vld.idx.msk [tilespmem:v11+s0+$0x0], $0xffff;
	_ =	sdelay $0x1  }
0x4e6: {  	v12 =	vshrl.u32 v12, $0x10;
	_ =	sdelay $0x2  }
0x4e7: {  	s23 =	sadd.s32 $0x10, s23  }
0x4e8: {  	[tilespmem:s23+$0x0] =	vst v11  }
0x4e9: {  	v11 =	vld.idx.msk [tilespmem:v12+s15+$0x0], $0xffff;
	_ =	sdelay $0x2  }
0x4ea: {  	v13 =	vmul.u32 $0xFFFFFFF6, v12;
	_ =	sdelay $0x1  }
0x4eb: {  	v10 =	vadd.s32 v10, v13  }
0x4ec: {  	v10 =	vadd.s32 v11, v10  }
0x4ed: {  	v12 =	vshll.u32 v12, $0x7;
	v11 =	vand.u32 $0xFFFFFF80, v10  }
0x4ee: {  	v10 =	vand.u32 $0x7F, v10;
	v11 =	vadd.s32 v12, v11  }
.Ltmp57:
0x4ef: {  	v11 =	vor.u32 v10, v11;
	(pc) =	sbr.rel @!p0 .LBB2_71-.Ltmp57, $2  }
0x4f0: {  	_ =	sdelay $0x2  }
0x4f1: {  	v10 =	vor.u32 s24, v4;
	s24 =	sadd.s32 $0x10, s24  }
0x4f2: {  	_ =	sdelay $0x2  }
0x4f3: {  	v12 =	vmul.u32 $0x199A, v10  }
0x4f4: {  	v11 =	vld.idx.msk [tilespmem:v11+s0+$0x0], $0xffff  }
0x4f5: {  	v12 =	vshrl.u32 v12, $0x10;
	_ =	sdelay $0x2  }
0x4f6: {  	s18 =	sadd.s32 $0x10, s23  }
0x4f7: {  	[tilespmem:s18+$0x0] =	vst v11  }
0x4f8: {  	v11 =	vld.idx.msk [tilespmem:v12+s15+$0x0], $0xffff;
	_ =	sdelay $0x1  }
0x4f9: {  	v13 =	vmul.u32 $0xFFFFFFF6, v12;
	_ =	sdelay $0x1  }
0x4fa: {  	v10 =	vadd.s32 v10, v13  }
0x4fb: {  	v10 =	vadd.s32 v11, v10  }
0x4fc: {  	v12 =	vshll.u32 v12, $0x7;
	v11 =	vand.u32 $0xFFFFFF80, v10  }
0x4fd: {  	v10 =	vand.u32 $0x7F, v10;
	v11 =	vadd.s32 v12, v11  }
0x4fe: {  	v10 =	vor.u32 v10, v11;
	_ =	sdelay $0x4  }
0x4ff: {  	v10 =	vld.idx.msk [tilespmem:v10+s0+$0x0], $0xffff  }
.Ltmp58:
0x500: {  	_ = 	snop;
	(pc) =	sbr.rel .LBB2_76-.Ltmp58, $3  }
0x501: {  	_ =	sdelay $0x1  }
0x502: {  	s18 =	sadd.s32 $0x10, s18  }
0x503: {  	[tilespmem:s18+$0x0] =	vst v10  }
.LBB2_73:
0x504: {  	_ =	swait.ge [sflag:s2], $0x2800  }
0x505: {  	[sflag:s2] =	ssyncset.done $0x0  }
0x506: {  	[sflag:s2] =	ssyncadd.s32 $0xFFFFD800  }
0x507: {  	v10 =	vld [tilespmem:$0x350];
	_ =	sdelay $0x1  }
0x508: {  	v11 =	vld [tilespmem:$0x360];
	_ =	sdelay $0x1  }
0x509: {  	v12 =	vld [tilespmem:$0x370]  }
0x50a: {  	v13 =	vshra.s32 v10, $0x2;
	v10 =	vshll.u32 v10, $0x5  }
0x50b: {  	v62 =	vld [tilespmem:$0x380];
	[tilespmem:$0x1500] =	vst v13;
	v10 =	vand.u32 $0x60, v10  }
0x50c: {  	[tilespmem:$0x1600] =	vst v10;
	v10 =	vshra.s32 v11, $0x2;
	v11 =	vshll.u32 v11, $0x5  }
0x50d: {  	s23 =	simm.s32 $0x0;
	[tilespmem:$0x1510] =	vst v10;
	v10 =	vand.u32 $0x60, v11;
	v11 =	vld [tilespmem:$0x390]  }
0x50e: {  	v14 =	vor.u32 s23, v4;
	[tilespmem:$0x1610] =	vst v10;
	v10 =	vshra.s32 v12, $0x2;
	v12 =	vshll.u32 v12, $0x5  }
0x50f: {  	v63 =	vmul.u32 $0x199A, v14;
	[tilespmem:$0x1520] =	vst v10;
	v10 =	vand.u32 $0x60, v12  }
0x510: {  	v13 =	vshll.u32 v62, $0x5;
	[tilespmem:$0x1620] =	vst v10;
	v10 =	vshra.s32 v62, $0x2  }
0x511: {  	v12 =	vshrl.u32 v63, $0x10;
	[tilespmem:$0x1530] =	vst v10;
	v10 =	vand.u32 $0x60, v13  }
0x512: {  	[tilespmem:$0x1630] =	vst v10;
	v10 =	vshra.s32 v11, $0x2;
	v11 =	vshll.u32 v11, $0x5  }
0x513: {  	[tilespmem:$0x1540] =	vst v10;
	v10 =	vand.u32 $0x60, v11  }
0x514: {  	[tilespmem:$0x1640] =	vst v10  }
0x515: {  	[tilespmem:s14], [sflag:$0x2] =	stream.indirect.gather [hbm4b:s5+s29], $0x80, s13, s29, $0xb8;
	[tilespmem:$0x1F080] =	vst v63  }
0x516: {  	v10 =	vld.idx.msk [tilespmem:v12+s15+$0x0], $0xffff;
	_ =	sdelay $0x1  }
0x517: {  	v11 =	vmul.u32 $0xFFFFFFF6, v12;
	_ =	sdelay $0x1  }
0x518: {  	v11 =	vadd.s32 v14, v11  }
0x519: {  	v10 =	vadd.s32 v10, v11  }
0x51a: {  	v12 =	vshll.u32 v12, $0x7;
	v11 =	vand.u32 $0xFFFFFF80, v10  }
0x51b: {  	v10 =	vand.u32 $0x7F, v10;
	v11 =	vadd.s32 v12, v11  }
0x51c: {  	v11 =	vor.u32 v10, v11;
	_ =	sdelay $0x2  }
0x51d: {  	s24 =	simm.s32 $0x10  }
0x51e: {  	s25 =	simm.s32 $0x20;
	v10 =	vor.u32 s24, v4  }
.LBB2_74:
0x51f: {  	p0 =	seq.s32 s25, $0x310;
	v12 =	vmul.u32 $0x199A, v10;
	v11 =	vld.idx.msk [tilespmem:v11+s0+$0x0], $0xffff;
	_ =	sdelay $0x1  }
0x520: {  	v12 =	vshrl.u32 v12, $0x10;
	_ =	sdelay $0x2  }
0x521: {  	s18 =	sand.u32 $0x3F0, s23;
	s23 =	smov.u32 s24;
	s24 =	smov.u32 s25  }
0x522: {  	[tilespmem:s18+$0x7F80] =	vst v11  }
0x523: {  	v11 =	vld.idx.msk [tilespmem:v12+s15+$0x0], $0xffff;
	_ =	sdelay $0x2  }
0x524: {  	v13 =	vmul.u32 $0xFFFFFFF6, v12;
	_ =	sdelay $0x1  }
0x525: {  	v10 =	vadd.s32 v10, v13  }
0x526: {  	v10 =	vadd.s32 v11, v10  }
0x527: {  	v12 =	vshll.u32 v12, $0x7;
	v11 =	vand.u32 $0xFFFFFF80, v10  }
0x528: {  	v10 =	vand.u32 $0x7F, v10;
	v11 =	vadd.s32 v12, v11  }
.Ltmp59:
0x529: {  	v11 =	vor.u32 v10, v11;
	(pc) =	sbr.rel @!p0 .LBB2_74-.Ltmp59, $2  }
0x52a: {  	_ =	sdelay $0x2  }
0x52b: {  	s25 =	sadd.s32 $0x10, s25;
	v10 =	vor.u32 s24, v4  }
0x52c: {  	_ =	sdelay $0x2  }
0x52d: {  	v12 =	vmul.u32 $0x199A, v10  }
0x52e: {  	v11 =	vld.idx.msk [tilespmem:v11+s0+$0x0], $0xffff  }
0x52f: {  	v12 =	vshrl.u32 v12, $0x10;
	_ =	sdelay $0x2  }
0x530: {  	s18 =	sand.u32 $0x3F0, s23  }
0x531: {  	[tilespmem:s18+$0x7F80] =	vst v11  }
0x532: {  	v11 =	vld.idx.msk [tilespmem:v12+s15+$0x0], $0xffff;
	_ =	sdelay $0x1  }
0x533: {  	v13 =	vmul.u32 $0xFFFFFFF6, v12;
	_ =	sdelay $0x1  }
0x534: {  	v10 =	vadd.s32 v10, v13  }
0x535: {  	v10 =	vadd.s32 v11, v10  }
0x536: {  	v12 =	vshll.u32 v12, $0x7;
	v11 =	vand.u32 $0xFFFFFF80, v10  }
0x537: {  	v10 =	vand.u32 $0x7F, v10;
	v11 =	vadd.s32 v12, v11  }
0x538: {  	v10 =	vor.u32 v10, v11;
	_ =	sdelay $0x4  }
0x539: {  	v10 =	vld.idx.msk [tilespmem:v10+s0+$0x0], $0xffff  }
.Ltmp60:
0x53a: {  	_ = 	snop;
	(pc) =	sbr.rel .LBB2_76-.Ltmp60, $3  }
0x53b: {  	_ =	sdelay $0x1  }
0x53c: {  	s26 =	sand.u32 $0x3F0, s24  }
0x53d: {  	[tilespmem:s26+$0x7F80] =	vst v10  }
.LBB2_78:
0x53e: {  	_ =	sfence.sel $0x180000  }
0x53f: {  	[bflag:$0x0] =	sbarrier.arrive $0xFFFF  }
0x540: {  	_ =	strace $0x90000047  }
0x541: {  	s0 =	stileid.u32;
	[bflag:$0x2] =	sbarrier.arrive $0xFFFF  }
0x542: {  	p0 =	sne.s32 s0, $0x0;
	s0 =	rddreg [dreg:$0x4]  }
0x543: {  	s0 =	sadd.s32 @!p0 $0x100000, s0  }
0x544: {  	[sflag:s0] =	ssyncadd.tile.s32 @!p0 $0x1;
	_ =	shalt  }
.Lfunc_end2:
_tile_overlayer_lowered:
.L_overlay_start_2:
0x545: {  	(tag) =	ssettag $0x2  }
0x546: {  	s0 =	rddreg [dreg:$0x0];
	s2 =	stileid.u32  }
0x547: {  	s1 =	rddreg [dreg:$0x1];
	p0 =	sne.s32 s2, $0x0  }
0x548: {  	s3 =	rddreg [dreg:$0x2];
	[bflag:$0x3] =	sbarrier.arrive $0xFFFF;
	s2 =	simm.s32 @!p0 $0x1C0B  }
0x549: {  	[timem:s3], [sflag:s2] =	dma.local @!p0 [hbm:s0], s1  }
0x54a: {  	s0 =	simm.s32 @!p0 $0xB  }
0x54b: {  	_ =	swait.ge @!p0 [sflag:s0], s1  }
0x54c: {  	s1 =	ssub.s32 @!p0 $0x0, s1;
	[sflag:s0] =	ssyncset.done @!p0 $0x0  }
0x54d: {  	[sflag:s0] =	ssyncadd.s32 @!p0 s1  }
0x54e: {  	[bflag:$0x3] =	sbarrier.arrive $0xFFFF  }
0x54f: {  	_ =	shalt  }

</sc_bundles>
